<compile_context>
chip_gen: v7x
topology: tpu7x:2x2x1
jax: 0.10.2.dev20260603
libtpu: 0.0.44.dev20260713+nightly
codegen_flags: <defaults>
</compile_context>

<pallas_src>
import functools

import jax
import jax.numpy as jnp
from jax import lax
from jax.experimental import pallas as pl
from jax.experimental.pallas import tpu as pltpu
from jax.experimental.pallas import tpu_sc as plsc

N = 10000
E = 160000
IN = 256
H = 256
OUT = 128
NUM_RELS = 8
NUM_BASES = 4

NC = 2
NS = 16
BATCH = 128
NPAD = N + 16
ROWS_PER_TILE_Z = NPAD // NS
ROWS_PER_TILE_O = 624


SB = 8


def _make_sc_agg(nb, edge_split):
  mesh = plsc.VectorSubcoreMesh(core_axis_name="c", subcore_axis_name="s")

  @functools.partial(
      pl.kernel,
      mesh=mesh,
      out_type=jax.ShapeDtypeStruct((NC, N, 128), jnp.float32),
      scratch_types=[
          pltpu.VMEM((BATCH,), jnp.int32),
          pltpu.VMEM((BATCH,), jnp.int32),
          pltpu.VMEM((BATCH,), jnp.int32),
          pltpu.VMEM((BATCH,), jnp.int32),
          pltpu.VMEM((BATCH,), jnp.int32),
          pltpu.VMEM((BATCH,), jnp.int32),
          pltpu.VMEM((BATCH, 128), jnp.float32),
          pltpu.VMEM((BATCH, 128), jnp.float32),
          pltpu.VMEM_SHARED((NPAD, 128), jnp.float32),
          pltpu.SemaphoreType.DMA,
          pltpu.SemaphoreType.DMA,
      ],
  )
  def k(src_hbm, dst_hbm, rel_hbm, hr_hbm, out_hbm,
        src_v, rel_v, dst_a, dst_b, gix_a, gix_b, rows_a, rows_b,
        acc_sh, sem_a, sem_b):
    c = lax.axis_index("c")
    s = lax.axis_index("s")
    grp = c * NS + s if edge_split else s
    goff = jnp.int32(0) if edge_split else c * jnp.int32(NUM_RELS * N)

    def zrow(i, _):
      for j in range(128 // 16):
        rows_a[i, pl.ds(j * 16, 16)] = jnp.zeros((16,), jnp.float32)
      return _
    lax.fori_loop(0, BATCH, zrow, None)
    zbase = s * ROWS_PER_TILE_Z
    for kk in range(4):
      pltpu.sync_copy(rows_a, acc_sh.at[pl.ds(zbase + kk * BATCH, BATCH)])
    rem = ROWS_PER_TILE_Z - 4 * BATCH
    pltpu.sync_copy(rows_a.at[pl.ds(0, rem)],
                    acc_sh.at[pl.ds(zbase + 4 * BATCH, rem)])

    plsc.subcore_barrier()

    def stage(bb, gix_v, dst_v, rows_v, sem):
      pltpu.sync_copy(src_hbm.at[grp, bb], src_v)
      pltpu.sync_copy(rel_hbm.at[grp, bb], rel_v)

      def gix(j, __):
        r = rel_v[pl.ds(j * 16, 16)]
        sv = src_v[pl.ds(j * 16, 16)]
        gix_v[pl.ds(j * 16, 16)] = (r & 7) * jnp.int32(N) + sv + goff
        return __
      lax.fori_loop(0, BATCH // 16, gix, None, unroll=True)
      pltpu.sync_copy(dst_hbm.at[grp, bb], dst_v)
      pltpu.async_copy(hr_hbm.at[gix_v], rows_v, sem)

    def drain(gix_v, dst_v, rows_v, sem):
      pltpu.make_async_copy(hr_hbm.at[gix_v], rows_v, sem).wait()
      pltpu.sync_copy(rows_v, acc_sh.at[dst_v], add=True)

    stage(0, gix_a, dst_a, rows_a, sem_a)

    def body(g, _):
      b0 = 2 * g

      @pl.when(b0 + 1 < nb)
      def _sb():
        stage(b0 + 1, gix_b, dst_b, rows_b, sem_b)
      drain(gix_a, dst_a, rows_a, sem_a)

      @pl.when(b0 + 2 < nb)
      def _sa():
        stage(b0 + 2, gix_a, dst_a, rows_a, sem_a)

      @pl.when(b0 + 1 < nb)
      def _db():
        drain(gix_b, dst_b, rows_b, sem_b)
      return _
    lax.fori_loop(0, (nb + 1) // 2, body, None)

    plsc.subcore_barrier()

    obase = s * ROWS_PER_TILE_O
    pltpu.sync_copy(acc_sh.at[pl.ds(obase, ROWS_PER_TILE_O)],
                    out_hbm.at[c, pl.ds(obase, ROWS_PER_TILE_O)])

    @pl.when(s == NS - 1)
    def _tail():
      tb = NS * ROWS_PER_TILE_O
      pltpu.sync_copy(acc_sh.at[pl.ds(tb, N - tb)],
                      out_hbm.at[c, pl.ds(tb, N - tb)])

  return k


def _round_up(a, b):
  return (a + b - 1) // b * b


NB12 = (E + NS * BATCH - 1) // (NS * BATCH)
NB3 = (E + NC * NS * BATCH - 1) // (NC * NS * BATCH)
_sc_agg_feat = _make_sc_agg(nb=NB12, edge_split=False)
_sc_agg_edge = _make_sc_agg(nb=NB3, edge_split=True)

BN = 400


def _mm_body(x, v_ref, c_ref, r_ref, hr_ref, hs_ref, out_dim):
  halves = out_dim // 128
  hb = jnp.dot(x, v_ref[...], preferred_element_type=jnp.float32)
  for c in range(halves):
    for r in range(NUM_RELS):
      acc = None
      for b in range(NUM_BASES):
        piece = hb[:, b * out_dim + c * 128: b * out_dim + c * 128 + 128]
        term = c_ref[r, b] * piece
        acc = term if acc is None else acc + term
      hr_ref[c * NUM_RELS + r] = acc
  for c in range(halves):
    hs_ref[c] = jnp.dot(x, r_ref[:, c * 128:(c + 1) * 128],
                        preferred_element_type=jnp.float32)


def _mm_kernel(x_ref, v_ref, c_ref, r_ref, hr_ref, hs_ref, *, out_dim):
  _mm_body(x_ref[...], v_ref, c_ref, r_ref, hr_ref, hs_ref, out_dim)


def _actmm_kernel(agg_ref, hsp_ref, v_ref, c_ref, r_ref, hr_ref, hs_ref, *,
                  out_dim):
  a = agg_ref[...]
  sp = hsp_ref[...]
  x = jnp.maximum(jnp.concatenate([a[0] + sp[0], a[1] + sp[1]], axis=-1), 0.0)
  _mm_body(x, v_ref, c_ref, r_ref, hr_ref, hs_ref, out_dim)


def _actmm(agg, hsp, vflat, cpad, r, out_dim):
  halves = out_dim // 128
  return pl.pallas_call(
      functools.partial(_actmm_kernel, out_dim=out_dim),
      grid=(N // BN,),
      in_specs=[
          pl.BlockSpec((2, BN, 128), lambda i: (0, i, 0)),
          pl.BlockSpec((2, BN, 128), lambda i: (0, i, 0)),
          pl.BlockSpec((IN, NUM_BASES * out_dim), lambda i: (0, 0)),
          pl.BlockSpec((NUM_RELS, 128), lambda i: (0, 0)),
          pl.BlockSpec((IN, out_dim), lambda i: (0, 0)),
      ],
      out_specs=[
          pl.BlockSpec((halves * NUM_RELS, BN, 128), lambda i: (0, i, 0)),
          pl.BlockSpec((halves, BN, 128), lambda i: (0, i, 0)),
      ],
      out_shape=[
          jax.ShapeDtypeStruct((halves * NUM_RELS, N, 128), jnp.float32),
          jax.ShapeDtypeStruct((halves, N, 128), jnp.float32),
      ],
  )(agg, hsp, vflat, cpad, r)


def _mm(h, vflat, cpad, r, out_dim):
  halves = out_dim // 128
  return pl.pallas_call(
      functools.partial(_mm_kernel, out_dim=out_dim),
      grid=(N // BN,),
      in_specs=[
          pl.BlockSpec((BN, IN), lambda i: (i, 0)),
          pl.BlockSpec((IN, NUM_BASES * out_dim), lambda i: (0, 0)),
          pl.BlockSpec((NUM_RELS, 128), lambda i: (0, 0)),
          pl.BlockSpec((IN, out_dim), lambda i: (0, 0)),
      ],
      out_specs=[
          pl.BlockSpec((halves * NUM_RELS, BN, 128), lambda i: (0, i, 0)),
          pl.BlockSpec((halves, BN, 128), lambda i: (0, i, 0)),
      ],
      out_shape=[
          jax.ShapeDtypeStruct((halves * NUM_RELS, N, 128), jnp.float32),
          jax.ShapeDtypeStruct((halves, N, 128), jnp.float32),
      ],
  )(h, vflat, cpad, r)


def _act_relu_kernel(agg_ref, hs_ref, out_ref):
  a = agg_ref[...]
  s = hs_ref[...]
  out_ref[...] = jnp.maximum(
      jnp.concatenate([a[0] + s[0], a[1] + s[1]], axis=-1), 0.0)


def _act_relu(agg, hs):
  return pl.pallas_call(
      _act_relu_kernel,
      grid=(N // BN,),
      in_specs=[
          pl.BlockSpec((2, BN, 128), lambda i: (0, i, 0)),
          pl.BlockSpec((2, BN, 128), lambda i: (0, i, 0)),
      ],
      out_specs=pl.BlockSpec((BN, 256), lambda i: (i, 0)),
      out_shape=jax.ShapeDtypeStruct((N, 256), jnp.float32),
  )(agg, hs)


def _act_softmax_kernel(agg_ref, hs_ref, out_ref):
  a = agg_ref[...]
  t = a[0] + a[1] + hs_ref[...]
  m = jnp.max(t, axis=-1, keepdims=True)
  e = jnp.exp(t - m)
  out_ref[...] = e / jnp.sum(e, axis=-1, keepdims=True)


def _act_softmax(agg, hs):
  return pl.pallas_call(
      _act_softmax_kernel,
      grid=(N // BN,),
      in_specs=[
          pl.BlockSpec((2, BN, 128), lambda i: (0, i, 0)),
          pl.BlockSpec((BN, 128), lambda i: (i, 0)),
      ],
      out_specs=pl.BlockSpec((BN, 128), lambda i: (i, 0)),
      out_shape=jax.ShapeDtypeStruct((N, OUT), jnp.float32),
  )(agg, hs)


def _pad_edges(a, epad, fill):
  return jnp.pad(a, (0, epad - E), constant_values=fill)


def kernel(x, adj_t, V1, C1, R1, V2, C2, R2, V3, C3, R3):
  src = adj_t[0]
  dst = adj_t[1]
  rel = adj_t[2]

  ep12 = NS * NB12 * BATCH
  src12 = _pad_edges(src, ep12, 0).reshape(NS, NB12, BATCH)
  dst12 = _pad_edges(dst, ep12, N).reshape(NS, NB12, BATCH)
  rel12 = _pad_edges(rel, ep12, 0).reshape(NS, NB12, BATCH)
  ep3 = NC * NS * NB3 * BATCH
  src3 = _pad_edges(src, ep3, 0).reshape(NC * NS, NB3, BATCH)
  dst3 = _pad_edges(dst, ep3, N).reshape(NC * NS, NB3, BATCH)
  rel3 = _pad_edges(rel, ep3, 0).reshape(NC * NS, NB3, BATCH)

  def prep(V, C):
    vflat = V.transpose(1, 0, 2).reshape(IN, NUM_BASES * V.shape[2])
    cpad = jnp.pad(C, ((0, 0), (0, 128 - NUM_BASES)))
    return vflat, cpad

  v1f, c1p = prep(V1, C1)
  v2f, c2p = prep(V2, C2)
  v3f, c3p = prep(V3, C3)

  hr1, hs1 = _mm(x, v1f, c1p, R1, 256)
  agg1 = _sc_agg_feat(src12, dst12, rel12, hr1.reshape(2 * NUM_RELS * N, 128))
  hr2, hs2 = _actmm(agg1, hs1, v2f, c2p, R2, 256)
  agg2 = _sc_agg_feat(src12, dst12, rel12, hr2.reshape(2 * NUM_RELS * N, 128))
  hr3, hs3 = _actmm(agg2, hs2, v3f, c3p, R3, 128)
  agg3 = _sc_agg_edge(src3, dst3, rel3, hr3.reshape(NUM_RELS * N, 128))
  return _act_softmax(agg3, hs3.reshape(N, 128))

# --- scband reference (transcript-rebuilt; emitter-appended) ---
"""Pipeline reference for scband-rgcn-23038204576474 (READ-ONLY COPY).

The authoritative reference and input builder live on the scoring server;
editing this copy changes nothing except your own understanding.
"""

import jax, jax.numpy as jnp
import numpy as np

N = 10000
E = 160000
IN = 256
H = 256
OUT = 128
NUM_RELS = 8
NUM_BASES = 4


def setup_inputs(seed: int = 0) -> dict:
    key = jax.random.key(seed)
    ks = jax.random.split(key, 16)
    x = jax.random.normal(ks[0], (N, IN), dtype=jnp.float32)
    src = jax.random.randint(ks[1], (E,), 0, N, dtype=jnp.int32)
    dst = jax.random.randint(ks[2], (E,), 0, N, dtype=jnp.int32)
    rel = jax.random.randint(ks[3], (E,), 0, N, dtype=jnp.int32)  # taken mod NUM_RELS in reference
    adj_t = jnp.stack([src, dst, rel], axis=0)
    def w(k, shape, fan_in):
        return (jax.random.normal(k, shape, dtype=jnp.float32) / np.sqrt(fan_in)).astype(jnp.float32)
    inp = {
        'x': x,
        'adj_t': adj_t,
        'V1': w(ks[4], (NUM_BASES, IN, H), IN),
        'C1': w(ks[5], (NUM_RELS, NUM_BASES), NUM_BASES),
        'R1': w(ks[6], (IN, H), IN),
        'V2': w(ks[7], (NUM_BASES, H, H), H),
        'C2': w(ks[8], (NUM_RELS, NUM_BASES), NUM_BASES),
        'R2': w(ks[9], (H, H), H),
        'V3': w(ks[10], (NUM_BASES, H, OUT), H),
        'C3': w(ks[11], (NUM_RELS, NUM_BASES), NUM_BASES),
        'R3': w(ks[12], (H, OUT), H),
    }
    return inp


def _rgcn_layer(h, src, dst, rel, V, C, Rw, act):
    # basis decomposition: W_r = sum_b C[r,b] * V[b]
    # efficient form: precompute per-basis transformed features, mix per-edge by C[rel]
    hb = jnp.einsum('ni,bio->nbo', h, V)  # [N, B, out]
    coef = jnp.take(C, rel, axis=0)       # [E, B]
    nb = V.shape[0]
    out_dim = V.shape[2]
    msg = jnp.zeros((src.shape[0], out_dim), dtype=h.dtype)
    for b in range(nb):
        msg = msg + coef[:, b][:, None] * jnp.take(hb[:, b, :], src, axis=0)
    agg = jax.ops.segment_sum(msg, dst, num_segments=h.shape[0])
    return act(agg + h @ Rw)  # self-loop/root weight, bias=False, dropout=0.0 (eval)


def reference(x, adj_t, V1, C1, R1, V2, C2, R2, V3, C3, R3):
    src = adj_t[0]
    dst = adj_t[1]
    rel = adj_t[2] % NUM_RELS
    h = _rgcn_layer(x, src, dst, rel, V1, C1, R1, jax.nn.relu)
    h = _rgcn_layer(h, src, dst, rel, V2, C2, R2, jax.nn.relu)
    out = _rgcn_layer(h, src, dst, rel, V3, C3, R3, lambda t: jax.nn.softmax(t, axis=-1))
    return out

if __name__ == "__main__":
    import jax
    _d = setup_inputs()
    print(jax.jit(kernel)(*tuple(_d.values())))

</pallas_src>

<mosaic_0001>
#map = affine_map<(d0, d1) -> (0, 0, 0)>
#map1 = affine_map<(d0, d1) -> (0, 0)>
module attributes {stable_mosaic.version = 14 : i64} {
  func.func @k(%arg0: i32, %arg1: i32, %arg2: memref<16x79x128xi32, #tpu.memory_space<hbm>>, %arg3: memref<16x79x128xi32, #tpu.memory_space<hbm>>, %arg4: memref<16x79x128xi32, #tpu.memory_space<hbm>>, %arg5: memref<160000x128xf32, #tpu.memory_space<hbm>>, %arg6: memref<2x10000x128xf32, #tpu.memory_space<hbm>>, %arg7: memref<128xi32, #tpu.memory_space<vmem>>, %arg8: memref<128xi32, #tpu.memory_space<vmem>>, %arg9: memref<128xi32, #tpu.memory_space<vmem>>, %arg10: memref<128xi32, #tpu.memory_space<vmem>>, %arg11: memref<128xi32, #tpu.memory_space<vmem>>, %arg12: memref<128xi32, #tpu.memory_space<vmem>>, %arg13: memref<128x128xf32, #tpu.memory_space<vmem>>, %arg14: memref<128x128xf32, #tpu.memory_space<vmem>>, %arg15: memref<10016x128xf32, #tpu.memory_space<vmem_shared>>, %arg16: memref<!tpu.dma_semaphore, #tpu.memory_space<semaphore_mem>>, %arg17: memref<!tpu.dma_semaphore, #tpu.memory_space<semaphore_mem>>) attributes {dimension_semantics = [#tpu.dimension_semantics<core_parallel>, #tpu.dimension_semantics<subcore_parallel>], iteration_bounds = array<i64: 2, 16>, scalar_prefetch = 0 : i64, scratch_operands = 11 : i64, tpu.core_type = #tpu.core_type<sc_vector_subcore>, window_params = [{transform_indices = #map}, {transform_indices = #map}, {transform_indices = #map}, {transform_indices = #map1}, {transform_indices = #map}]} {
    %mul3A = arith.constant 80000 : i32
    %mul3A_0 = arith.muli %arg0, %mul3A : i32
    %scan3A = arith.constant 0 : i32
    %scan3A_1 = arith.constant 128 : i32
    %scan3A_2 = arith.addi %scan3A, %scan3A_1 : i32
    %scan3A_3 = arith.constant 1 : i32
    scf.for %scan3A_236 = %scan3A to %scan3A_2 step %scan3A_3  : i32 {
      %broadcast_in_dim3A = arith.constant 0.000000e+00 : f32
      %broadcast_in_dim3A_237 = vector.broadcast %broadcast_in_dim3A : f32 to vector<16xf32>
      %swap3A_238 = arith.index_cast %scan3A_236 : i32 to index
      %swap3A_239 = arith.constant 0 : index
      %swap3A_240 = tpu.vector_load %arg13[%swap3A_238, %swap3A_239] {strides = array<i32>} : memref<128x128xf32, #tpu.memory_space<vmem>>, vector<1x16xf32>,
      %swap3A_241 = vector.shape_cast %swap3A_240 : vector<1x16xf32> to vector<16xf32>
      %swap3A_242 = vector.shape_cast %broadcast_in_dim3A_237 : vector<16xf32> to vector<1x16xf32>
      tpu.vector_store %arg13[%swap3A_238, %swap3A_239], %swap3A_242 {strides = array<i32>} : memref<128x128xf32, #tpu.memory_space<vmem>>, vector<1x16xf32>,
      %broadcast_in_dim3A_243 = arith.constant 0.000000e+00 : f32
      %broadcast_in_dim3A_244 = vector.broadcast %broadcast_in_dim3A_243 : f32 to vector<16xf32>
      %swap3A_245 = arith.index_cast %scan3A_236 : i32 to index
      %swap3A_246 = arith.constant 16 : index
      %swap3A_247 = tpu.vector_load %arg13[%swap3A_245, %swap3A_246] {strides = array<i32>} : memref<128x128xf32, #tpu.memory_space<vmem>>, vector<1x16xf32>,
      %swap3A_248 = vector.shape_cast %swap3A_247 : vector<1x16xf32> to vector<16xf32>
      %swap3A_249 = vector.shape_cast %broadcast_in_dim3A_244 : vector<16xf32> to vector<1x16xf32>
      tpu.vector_store %arg13[%swap3A_245, %swap3A_246], %swap3A_249 {strides = array<i32>} : memref<128x128xf32, #tpu.memory_space<vmem>>, vector<1x16xf32>,
      %broadcast_in_dim3A_250 = arith.constant 0.000000e+00 : f32
      %broadcast_in_dim3A_251 = vector.broadcast %broadcast_in_dim3A_250 : f32 to vector<16xf32>
      %swap3A_252 = arith.index_cast %scan3A_236 : i32 to index
      %swap3A_253 = arith.constant 32 : index
      %swap3A_254 = tpu.vector_load %arg13[%swap3A_252, %swap3A_253] {strides = array<i32>} : memref<128x128xf32, #tpu.memory_space<vmem>>, vector<1x16xf32>,
      %swap3A_255 = vector.shape_cast %swap3A_254 : vector<1x16xf32> to vector<16xf32>
      %swap3A_256 = vector.shape_cast %broadcast_in_dim3A_251 : vector<16xf32> to vector<1x16xf32>
      tpu.vector_store %arg13[%swap3A_252, %swap3A_253], %swap3A_256 {strides = array<i32>} : memref<128x128xf32, #tpu.memory_space<vmem>>, vector<1x16xf32>,
      %broadcast_in_dim3A_257 = arith.constant 0.000000e+00 : f32
      %broadcast_in_dim3A_258 = vector.broadcast %broadcast_in_dim3A_257 : f32 to vector<16xf32>
      %swap3A_259 = arith.index_cast %scan3A_236 : i32 to index
      %swap3A_260 = arith.constant 48 : index
      %swap3A_261 = tpu.vector_load %arg13[%swap3A_259, %swap3A_260] {strides = array<i32>} : memref<128x128xf32, #tpu.memory_space<vmem>>, vector<1x16xf32>,
      %swap3A_262 = vector.shape_cast %swap3A_261 : vector<1x16xf32> to vector<16xf32>
      %swap3A_263 = vector.shape_cast %broadcast_in_dim3A_258 : vector<16xf32> to vector<1x16xf32>
      tpu.vector_store %arg13[%swap3A_259, %swap3A_260], %swap3A_263 {strides = array<i32>} : memref<128x128xf32, #tpu.memory_space<vmem>>, vector<1x16xf32>,
      %broadcast_in_dim3A_264 = arith.constant 0.000000e+00 : f32
      %broadcast_in_dim3A_265 = vector.broadcast %broadcast_in_dim3A_264 : f32 to vector<16xf32>
      %swap3A_266 = arith.index_cast %scan3A_236 : i32 to index
      %swap3A_267 = arith.constant 64 : index
      %swap3A_268 = tpu.vector_load %arg13[%swap3A_266, %swap3A_267] {strides = array<i32>} : memref<128x128xf32, #tpu.memory_space<vmem>>, vector<1x16xf32>,
      %swap3A_269 = vector.shape_cast %swap3A_268 : vector<1x16xf32> to vector<16xf32>
      %swap3A_270 = vector.shape_cast %broadcast_in_dim3A_265 : vector<16xf32> to vector<1x16xf32>
      tpu.vector_store %arg13[%swap3A_266, %swap3A_267], %swap3A_270 {strides = array<i32>} : memref<128x128xf32, #tpu.memory_space<vmem>>, vector<1x16xf32>,
      %broadcast_in_dim3A_271 = arith.constant 0.000000e+00 : f32
      %broadcast_in_dim3A_272 = vector.broadcast %broadcast_in_dim3A_271 : f32 to vector<16xf32>
      %swap3A_273 = arith.index_cast %scan3A_236 : i32 to index
      %swap3A_274 = arith.constant 80 : index
      %swap3A_275 = tpu.vector_load %arg13[%swap3A_273, %swap3A_274] {strides = array<i32>} : memref<128x128xf32, #tpu.memory_space<vmem>>, vector<1x16xf32>,
      %swap3A_276 = vector.shape_cast %swap3A_275 : vector<1x16xf32> to vector<16xf32>
      %swap3A_277 = vector.shape_cast %broadcast_in_dim3A_272 : vector<16xf32> to vector<1x16xf32>
      tpu.vector_store %arg13[%swap3A_273, %swap3A_274], %swap3A_277 {strides = array<i32>} : memref<128x128xf32, #tpu.memory_space<vmem>>, vector<1x16xf32>,
      %broadcast_in_dim3A_278 = arith.constant 0.000000e+00 : f32
      %broadcast_in_dim3A_279 = vector.broadcast %broadcast_in_dim3A_278 : f32 to vector<16xf32>
      %swap3A_280 = arith.index_cast %scan3A_236 : i32 to index
      %swap3A_281 = arith.constant 96 : index
      %swap3A_282 = tpu.vector_load %arg13[%swap3A_280, %swap3A_281] {strides = array<i32>} : memref<128x128xf32, #tpu.memory_space<vmem>>, vector<1x16xf32>,
      %swap3A_283 = vector.shape_cast %swap3A_282 : vector<1x16xf32> to vector<16xf32>
      %swap3A_284 = vector.shape_cast %broadcast_in_dim3A_279 : vector<16xf32> to vector<1x16xf32>
      tpu.vector_store %arg13[%swap3A_280, %swap3A_281], %swap3A_284 {strides = array<i32>} : memref<128x128xf32, #tpu.memory_space<vmem>>, vector<1x16xf32>,
      %broadcast_in_dim3A_285 = arith.constant 0.000000e+00 : f32
      %broadcast_in_dim3A_286 = vector.broadcast %broadcast_in_dim3A_285 : f32 to vector<16xf32>
      %swap3A_287 = arith.index_cast %scan3A_236 : i32 to index
      %swap3A_288 = arith.constant 112 : index
      %swap3A_289 = tpu.vector_load %arg13[%swap3A_287, %swap3A_288] {strides = array<i32>} : memref<128x128xf32, #tpu.memory_space<vmem>>, vector<1x16xf32>,
      %swap3A_290 = vector.shape_cast %swap3A_289 : vector<1x16xf32> to vector<16xf32>
      %swap3A_291 = vector.shape_cast %broadcast_in_dim3A_286 : vector<16xf32> to vector<1x16xf32>
      tpu.vector_store %arg13[%swap3A_287, %swap3A_288], %swap3A_291 {strides = array<i32>} : memref<128x128xf32, #tpu.memory_space<vmem>>, vector<1x16xf32>,
    }
    %scan3A_4 = arith.constant 128 : i32
    %mul3A_5 = arith.constant 626 : i32
    %mul3A_6 = arith.muli %arg1, %mul3A_5 : i32
    %add3A = arith.constant 0 : i32
    %add3A_7 = arith.addi %mul3A_6, %add3A : i32
    "tpu.region"() ({
      %run_scoped3A_236 = tpu.sem_alloc : memref<!tpu.dma_semaphore, #tpu.memory_space<semaphore_mem>>
      %dma_start3A_237 = arith.constant 0 : i32
      %dma_start3A_238 = tpu.memref_slice %arg15[%add3A_7, %dma_start3A_237] : memref<10016x128xf32, #tpu.memory_space<vmem_shared>> -> memref<128x128xf32, #tpu.memory_space<vmem_shared>>
      %dma_start3A_239 = arith.constant 0 : i32
      %dma_start3A_240 = tpu.memref_slice %arg15[%add3A_7, %dma_start3A_239] : memref<10016x128xf32, #tpu.memory_space<vmem_shared>> -> memref<128x128xf32, #tpu.memory_space<vmem_shared>>
      tpu.enqueue_dma source(%arg13 : memref<128x128xf32, #tpu.memory_space<vmem>>) target(%dma_start3A_240 : memref<128x128xf32, #tpu.memory_space<vmem_shared>>) target_semaphore(%run_scoped3A_236 : memref<!tpu.dma_semaphore, #tpu.memory_space<semaphore_mem>>)
      %dma_wait3A = arith.constant 0 : i32
      %dma_wait3A_241 = tpu.memref_slice %arg15[%add3A_7, %dma_wait3A] : memref<10016x128xf32, #tpu.memory_space<vmem_shared>> -> memref<128x128xf32, #tpu.memory_space<vmem_shared>>
      %dma_wait3A_242 = arith.constant 0 : i32
      %dma_wait3A_243 = tpu.memref_slice %arg15[%add3A_7, %dma_wait3A_242] : memref<10016x128xf32, #tpu.memory_space<vmem_shared>> -> memref<128x128xf32, #tpu.memory_space<vmem_shared>>
      tpu.wait_dma2 semaphore(%run_scoped3A_236 : memref<!tpu.dma_semaphore, #tpu.memory_space<semaphore_mem>>) src(%arg13 : memref<128x128xf32, #tpu.memory_space<vmem>>) dst(%dma_wait3A_243 : memref<128x128xf32, #tpu.memory_space<vmem_shared>>)
      tpu.yield
    }) : () -> ()
    %add3A_8 = arith.constant 128 : i32
    %add3A_9 = arith.addi %mul3A_6, %add3A_8 : i32
    "tpu.region"() ({
      %run_scoped3A_236 = tpu.sem_alloc : memref<!tpu.dma_semaphore, #tpu.memory_space<semaphore_mem>>
      %dma_start3A_237 = arith.constant 0 : i32
      %dma_start3A_238 = tpu.memref_slice %arg15[%add3A_9, %dma_start3A_237] : memref<10016x128xf32, #tpu.memory_space<vmem_shared>> -> memref<128x128xf32, #tpu.memory_space<vmem_shared>>
      %dma_start3A_239 = arith.constant 0 : i32
      %dma_start3A_240 = tpu.memref_slice %arg15[%add3A_9, %dma_start3A_239] : memref<10016x128xf32, #tpu.memory_space<vmem_shared>> -> memref<128x128xf32, #tpu.memory_space<vmem_shared>>
      tpu.enqueue_dma source(%arg13 : memref<128x128xf32, #tpu.memory_space<vmem>>) target(%dma_start3A_240 : memref<128x128xf32, #tpu.memory_space<vmem_shared>>) target_semaphore(%run_scoped3A_236 : memref<!tpu.dma_semaphore, #tpu.memory_space<semaphore_mem>>)
      %dma_wait3A = arith.constant 0 : i32
      %dma_wait3A_241 = tpu.memref_slice %arg15[%add3A_9, %dma_wait3A] : memref<10016x128xf32, #tpu.memory_space<vmem_shared>> -> memref<128x128xf32, #tpu.memory_space<vmem_shared>>
      %dma_wait3A_242 = arith.constant 0 : i32
      %dma_wait3A_243 = tpu.memref_slice %arg15[%add3A_9, %dma_wait3A_242] : memref<10016x128xf32, #tpu.memory_space<vmem_shared>> -> memref<128x128xf32, #tpu.memory_space<vmem_shared>>
      tpu.wait_dma2 semaphore(%run_scoped3A_236 : memref<!tpu.dma_semaphore, #tpu.memory_space<semaphore_mem>>) src(%arg13 : memref<128x128xf32, #tpu.memory_space<vmem>>) dst(%dma_wait3A_243 : memref<128x128xf32, #tpu.memory_space<vmem_shared>>)
      tpu.yield
    }) : () -> ()
    %add3A_10 = arith.constant 256 : i32
    %add3A_11 = arith.addi %mul3A_6, %add3A_10 : i32
    "tpu.region"() ({
      %run_scoped3A_236 = tpu.sem_alloc : memref<!tpu.dma_semaphore, #tpu.memory_space<semaphore_mem>>
      %dma_start3A_237 = arith.constant 0 : i32
      %dma_start3A_238 = tpu.memref_slice %arg15[%add3A_11, %dma_start3A_237] : memref<10016x128xf32, #tpu.memory_space<vmem_shared>> -> memref<128x128xf32, #tpu.memory_space<vmem_shared>>
      %dma_start3A_239 = arith.constant 0 : i32
      %dma_start3A_240 = tpu.memref_slice %arg15[%add3A_11, %dma_start3A_239] : memref<10016x128xf32, #tpu.memory_space<vmem_shared>> -> memref<128x128xf32, #tpu.memory_space<vmem_shared>>
      tpu.enqueue_dma source(%arg13 : memref<128x128xf32, #tpu.memory_space<vmem>>) target(%dma_start3A_240 : memref<128x128xf32, #tpu.memory_space<vmem_shared>>) target_semaphore(%run_scoped3A_236 : memref<!tpu.dma_semaphore, #tpu.memory_space<semaphore_mem>>)
      %dma_wait3A = arith.constant 0 : i32
      %dma_wait3A_241 = tpu.memref_slice %arg15[%add3A_11, %dma_wait3A] : memref<10016x128xf32, #tpu.memory_space<vmem_shared>> -> memref<128x128xf32, #tpu.memory_space<vmem_shared>>
      %dma_wait3A_242 = arith.constant 0 : i32
      %dma_wait3A_243 = tpu.memref_slice %arg15[%add3A_11, %dma_wait3A_242] : memref<10016x128xf32, #tpu.memory_space<vmem_shared>> -> memref<128x128xf32, #tpu.memory_space<vmem_shared>>
      tpu.wait_dma2 semaphore(%run_scoped3A_236 : memref<!tpu.dma_semaphore, #tpu.memory_space<semaphore_mem>>) src(%arg13 : memref<128x128xf32, #tpu.memory_space<vmem>>) dst(%dma_wait3A_243 : memref<128x128xf32, #tpu.memory_space<vmem_shared>>)
      tpu.yield
    }) : () -> ()
    %add3A_12 = arith.constant 384 : i32
    %add3A_13 = arith.addi %mul3A_6, %add3A_12 : i32
    "tpu.region"() ({
      %run_scoped3A_236 = tpu.sem_alloc : memref<!tpu.dma_semaphore, #tpu.memory_space<semaphore_mem>>
      %dma_start3A_237 = arith.constant 0 : i32
      %dma_start3A_238 = tpu.memref_slice %arg15[%add3A_13, %dma_start3A_237] : memref<10016x128xf32, #tpu.memory_space<vmem_shared>> -> memref<128x128xf32, #tpu.memory_space<vmem_shared>>
      %dma_start3A_239 = arith.constant 0 : i32
      %dma_start3A_240 = tpu.memref_slice %arg15[%add3A_13, %dma_start3A_239] : memref<10016x128xf32, #tpu.memory_space<vmem_shared>> -> memref<128x128xf32, #tpu.memory_space<vmem_shared>>
      tpu.enqueue_dma source(%arg13 : memref<128x128xf32, #tpu.memory_space<vmem>>) target(%dma_start3A_240 : memref<128x128xf32, #tpu.memory_space<vmem_shared>>) target_semaphore(%run_scoped3A_236 : memref<!tpu.dma_semaphore, #tpu.memory_space<semaphore_mem>>)
      %dma_wait3A = arith.constant 0 : i32
      %dma_wait3A_241 = tpu.memref_slice %arg15[%add3A_13, %dma_wait3A] : memref<10016x128xf32, #tpu.memory_space<vmem_shared>> -> memref<128x128xf32, #tpu.memory_space<vmem_shared>>
      %dma_wait3A_242 = arith.constant 0 : i32
      %dma_wait3A_243 = tpu.memref_slice %arg15[%add3A_13, %dma_wait3A_242] : memref<10016x128xf32, #tpu.memory_space<vmem_shared>> -> memref<128x128xf32, #tpu.memory_space<vmem_shared>>
      tpu.wait_dma2 semaphore(%run_scoped3A_236 : memref<!tpu.dma_semaphore, #tpu.memory_space<semaphore_mem>>) src(%arg13 : memref<128x128xf32, #tpu.memory_space<vmem>>) dst(%dma_wait3A_243 : memref<128x128xf32, #tpu.memory_space<vmem_shared>>)
      tpu.yield
    }) : () -> ()
    %add3A_14 = arith.constant 512 : i32
    %add3A_15 = arith.addi %mul3A_6, %add3A_14 : i32
    "tpu.region"() ({
      %run_scoped3A_236 = tpu.sem_alloc : memref<!tpu.dma_semaphore, #tpu.memory_space<semaphore_mem>>
      %dma_start3A_237 = arith.constant 0 : i32
      %dma_start3A_238 = arith.constant 0 : i32
      %dma_start3A_239 = tpu.memref_slice %arg13[%dma_start3A_237, %dma_start3A_238] : memref<128x128xf32, #tpu.memory_space<vmem>> -> memref<114x128xf32, #tpu.memory_space<vmem>>
      %dma_start3A_240 = arith.constant 0 : i32
      %dma_start3A_241 = tpu.memref_slice %arg15[%add3A_15, %dma_start3A_240] : memref<10016x128xf32, #tpu.memory_space<vmem_shared>> -> memref<114x128xf32, #tpu.memory_space<vmem_shared>>
      %dma_start3A_242 = arith.constant 0 : i32
      %dma_start3A_243 = tpu.memref_slice %arg15[%add3A_15, %dma_start3A_242] : memref<10016x128xf32, #tpu.memory_space<vmem_shared>> -> memref<114x128xf32, #tpu.memory_space<vmem_shared>>
      %dma_start3A_244 = arith.constant 0 : i32
      %dma_start3A_245 = arith.constant 0 : i32
      %dma_start3A_246 = tpu.memref_slice %arg13[%dma_start3A_244, %dma_start3A_245] : memref<128x128xf32, #tpu.memory_space<vmem>> -> memref<114x128xf32, #tpu.memory_space<vmem>>
      tpu.enqueue_dma source(%dma_start3A_246 : memref<114x128xf32, #tpu.memory_space<vmem>>) target(%dma_start3A_243 : memref<114x128xf32, #tpu.memory_space<vmem_shared>>) target_semaphore(%run_scoped3A_236 : memref<!tpu.dma_semaphore, #tpu.memory_space<semaphore_mem>>)
      %dma_wait3A = arith.constant 0 : i32
      %dma_wait3A_247 = arith.constant 0 : i32
      %dma_wait3A_248 = tpu.memref_slice %arg13[%dma_wait3A, %dma_wait3A_247] : memref<128x128xf32, #tpu.memory_space<vmem>> -> memref<114x128xf32, #tpu.memory_space<vmem>>
      %dma_wait3A_249 = arith.constant 0 : i32
      %dma_wait3A_250 = tpu.memref_slice %arg15[%add3A_15, %dma_wait3A_249] : memref<10016x128xf32, #tpu.memory_space<vmem_shared>> -> memref<114x128xf32, #tpu.memory_space<vmem_shared>>
      %dma_wait3A_251 = arith.constant 0 : i32
      %dma_wait3A_252 = tpu.memref_slice %arg15[%add3A_15, %dma_wait3A_251] : memref<10016x128xf32, #tpu.memory_space<vmem_shared>> -> memref<114x128xf32, #tpu.memory_space<vmem_shared>>
      %dma_wait3A_253 = arith.constant 0 : i32
      %dma_wait3A_254 = arith.constant 0 : i32
      %dma_wait3A_255 = tpu.memref_slice %arg13[%dma_wait3A_253, %dma_wait3A_254] : memref<128x128xf32, #tpu.memory_space<vmem>> -> memref<114x128xf32, #tpu.memory_space<vmem>>
      tpu.wait_dma2 semaphore(%run_scoped3A_236 : memref<!tpu.dma_semaphore, #tpu.memory_space<semaphore_mem>>) src(%dma_wait3A_255 : memref<114x128xf32, #tpu.memory_space<vmem>>) dst(%dma_wait3A_252 : memref<114x128xf32, #tpu.memory_space<vmem_shared>>)
      tpu.yield
    }) : () -> ()
    %barrier3A = arith.constant 0 : index
    tpu.barrier barrier_id(%barrier3A)
    %run_scoped3A = arith.constant 0 : i32
    "tpu.region"() ({
      %run_scoped3A_236 = tpu.sem_alloc : memref<!tpu.dma_semaphore, #tpu.memory_space<semaphore_mem>>
      %dma_start3A_237 = arith.constant 0 : i32
      %dma_start3A_238 = tpu.memref_slice %arg2[%arg1, %run_scoped3A, %dma_start3A_237] : memref<16x79x128xi32, #tpu.memory_space<hbm>> -> memref<1x1x128xi32, #tpu.memory_space<hbm>>
      %dma_start3A_239 = tpu.memref_squeeze %dma_start3A_238 : memref<1x1x128xi32, #tpu.memory_space<hbm>> -> memref<128xi32, #tpu.memory_space<hbm>>
      %dma_start3A_240 = arith.constant 0 : i32
      %dma_start3A_241 = tpu.memref_slice %arg2[%arg1, %run_scoped3A, %dma_start3A_240] : memref<16x79x128xi32, #tpu.memory_space<hbm>> -> memref<1x1x128xi32, #tpu.memory_space<hbm>>
      %dma_start3A_242 = tpu.memref_squeeze %dma_start3A_241 : memref<1x1x128xi32, #tpu.memory_space<hbm>> -> memref<128xi32, #tpu.memory_space<hbm>>
      tpu.enqueue_dma source(%dma_start3A_242 : memref<128xi32, #tpu.memory_space<hbm>>) target(%arg7 : memref<128xi32, #tpu.memory_space<vmem>>) target_semaphore(%run_scoped3A_236 : memref<!tpu.dma_semaphore, #tpu.memory_space<semaphore_mem>>)
      %dma_wait3A = arith.constant 0 : i32
      %dma_wait3A_243 = tpu.memref_slice %arg2[%arg1, %run_scoped3A, %dma_wait3A] : memref<16x79x128xi32, #tpu.memory_space<hbm>> -> memref<1x1x128xi32, #tpu.memory_space<hbm>>
      %dma_wait3A_244 = tpu.memref_squeeze %dma_wait3A_243 : memref<1x1x128xi32, #tpu.memory_space<hbm>> -> memref<128xi32, #tpu.memory_space<hbm>>
      %dma_wait3A_245 = arith.constant 0 : i32
      %dma_wait3A_246 = tpu.memref_slice %arg2[%arg1, %run_scoped3A, %dma_wait3A_245] : memref<16x79x128xi32, #tpu.memory_space<hbm>> -> memref<1x1x128xi32, #tpu.memory_space<hbm>>
      %dma_wait3A_247 = tpu.memref_squeeze %dma_wait3A_246 : memref<1x1x128xi32, #tpu.memory_space<hbm>> -> memref<128xi32, #tpu.memory_space<hbm>>
      tpu.wait_dma2 semaphore(%run_scoped3A_236 : memref<!tpu.dma_semaphore, #tpu.memory_space<semaphore_mem>>) src(%dma_wait3A_247 : memref<128xi32, #tpu.memory_space<hbm>>) dst(%arg7 : memref<128xi32, #tpu.memory_space<vmem>>)
      tpu.yield
    }) : () -> ()
    %run_scoped3A_16 = arith.constant 0 : i32
    "tpu.region"() ({
      %run_scoped3A_236 = tpu.sem_alloc : memref<!tpu.dma_semaphore, #tpu.memory_space<semaphore_mem>>
      %dma_start3A_237 = arith.constant 0 : i32
      %dma_start3A_238 = tpu.memref_slice %arg4[%arg1, %run_scoped3A_16, %dma_start3A_237] : memref<16x79x128xi32, #tpu.memory_space<hbm>> -> memref<1x1x128xi32, #tpu.memory_space<hbm>>
      %dma_start3A_239 = tpu.memref_squeeze %dma_start3A_238 : memref<1x1x128xi32, #tpu.memory_space<hbm>> -> memref<128xi32, #tpu.memory_space<hbm>>
      %dma_start3A_240 = arith.constant 0 : i32
      %dma_start3A_241 = tpu.memref_slice %arg4[%arg1, %run_scoped3A_16, %dma_start3A_240] : memref<16x79x128xi32, #tpu.memory_space<hbm>> -> memref<1x1x128xi32, #tpu.memory_space<hbm>>
      %dma_start3A_242 = tpu.memref_squeeze %dma_start3A_241 : memref<1x1x128xi32, #tpu.memory_space<hbm>> -> memref<128xi32, #tpu.memory_space<hbm>>
      tpu.enqueue_dma source(%dma_start3A_242 : memref<128xi32, #tpu.memory_space<hbm>>) target(%arg8 : memref<128xi32, #tpu.memory_space<vmem>>) target_semaphore(%run_scoped3A_236 : memref<!tpu.dma_semaphore, #tpu.memory_space<semaphore_mem>>)
      %dma_wait3A = arith.constant 0 : i32
      %dma_wait3A_243 = tpu.memref_slice %arg4[%arg1, %run_scoped3A_16, %dma_wait3A] : memref<16x79x128xi32, #tpu.memory_space<hbm>> -> memref<1x1x128xi32, #tpu.memory_space<hbm>>
      %dma_wait3A_244 = tpu.memref_squeeze %dma_wait3A_243 : memref<1x1x128xi32, #tpu.memory_space<hbm>> -> memref<128xi32, #tpu.memory_space<hbm>>
      %dma_wait3A_245 = arith.constant 0 : i32
      %dma_wait3A_246 = tpu.memref_slice %arg4[%arg1, %run_scoped3A_16, %dma_wait3A_245] : memref<16x79x128xi32, #tpu.memory_space<hbm>> -> memref<1x1x128xi32, #tpu.memory_space<hbm>>
      %dma_wait3A_247 = tpu.memref_squeeze %dma_wait3A_246 : memref<1x1x128xi32, #tpu.memory_space<hbm>> -> memref<128xi32, #tpu.memory_space<hbm>>
      tpu.wait_dma2 semaphore(%run_scoped3A_236 : memref<!tpu.dma_semaphore, #tpu.memory_space<semaphore_mem>>) src(%dma_wait3A_247 : memref<128xi32, #tpu.memory_space<hbm>>) dst(%arg8 : memref<128xi32, #tpu.memory_space<vmem>>)
      tpu.yield
    }) : () -> ()
    %scan3A_17 = arith.constant 0 : i32
    %mul3A_18 = arith.constant 16 : i32
    %mul3A_19 = arith.muli %scan3A_17, %mul3A_18 : i32
    %get3A = arith.index_cast %mul3A_19 : i32 to index
    %get3A_20 = tpu.vector_load %arg8[%get3A] {strides = array<i32>} : memref<128xi32, #tpu.memory_space<vmem>>, vector<16xi32>,
    %get3A_21 = vector.shape_cast %get3A_20 : vector<16xi32> to vector<16xi32>
    %mul3A_22 = arith.constant 16 : i32
    %mul3A_23 = arith.muli %scan3A_17, %mul3A_22 : i32
    %get3A_24 = arith.index_cast %mul3A_23 : i32 to index
    %get3A_25 = tpu.vector_load %arg7[%get3A_24] {strides = array<i32>} : memref<128xi32, #tpu.memory_space<vmem>>, vector<16xi32>,
    %get3A_26 = vector.shape_cast %get3A_25 : vector<16xi32> to vector<16xi32>
    %and3A = arith.constant 7 : i32
    %and3A_27 = vector.broadcast %and3A : i32 to vector<16xi32>
    %and3A_28 = arith.andi %get3A_21, %and3A_27 : vector<16xi32>
    %mul3A_29 = arith.constant 10000 : i32
    %mul3A_30 = vector.broadcast %mul3A_29 : i32 to vector<16xi32>
    %mul3A_31 = arith.muli %and3A_28, %mul3A_30 : vector<16xi32>
    %add3A_32 = arith.addi %mul3A_31, %get3A_26 : vector<16xi32>
    %add3A_33 = vector.broadcast %mul3A_0 : i32 to vector<16xi32>
    %add3A_34 = arith.addi %add3A_32, %add3A_33 : vector<16xi32>
    %mul3A_35 = arith.constant 16 : i32
    %mul3A_36 = arith.muli %scan3A_17, %mul3A_35 : i32
    %swap3A = arith.index_cast %mul3A_36 : i32 to index
    %swap3A_37 = tpu.vector_load %arg11[%swap3A] {strides = array<i32>} : memref<128xi32, #tpu.memory_space<vmem>>, vector<16xi32>,
    %swap3A_38 = vector.shape_cast %swap3A_37 : vector<16xi32> to vector<16xi32>
    %swap3A_39 = vector.shape_cast %add3A_34 : vector<16xi32> to vector<16xi32>
    tpu.vector_store %arg11[%swap3A], %swap3A_39 {strides = array<i32>} : memref<128xi32, #tpu.memory_space<vmem>>, vector<16xi32>,
    %scan3A_40 = arith.constant 1 : i32
    %mul3A_41 = arith.constant 16 : i32
    %mul3A_42 = arith.muli %scan3A_40, %mul3A_41 : i32
    %get3A_43 = arith.index_cast %mul3A_42 : i32 to index
    %get3A_44 = tpu.vector_load %arg8[%get3A_43] {strides = array<i32>} : memref<128xi32, #tpu.memory_space<vmem>>, vector<16xi32>,
    %get3A_45 = vector.shape_cast %get3A_44 : vector<16xi32> to vector<16xi32>
    %mul3A_46 = arith.constant 16 : i32
    %mul3A_47 = arith.muli %scan3A_40, %mul3A_46 : i32
    %get3A_48 = arith.index_cast %mul3A_47 : i32 to index
    %get3A_49 = tpu.vector_load %arg7[%get3A_48] {strides = array<i32>} : memref<128xi32, #tpu.memory_space<vmem>>, vector<16xi32>,
    %get3A_50 = vector.shape_cast %get3A_49 : vector<16xi32> to vector<16xi32>
    %and3A_51 = arith.constant 7 : i32
    %and3A_52 = vector.broadcast %and3A_51 : i32 to vector<16xi32>
    %and3A_53 = arith.andi %get3A_45, %and3A_52 : vector<16xi32>
    %mul3A_54 = arith.constant 10000 : i32
    %mul3A_55 = vector.broadcast %mul3A_54 : i32 to vector<16xi32>
    %mul3A_56 = arith.muli %and3A_53, %mul3A_55 : vector<16xi32>
    %add3A_57 = arith.addi %mul3A_56, %get3A_50 : vector<16xi32>
    %add3A_58 = vector.broadcast %mul3A_0 : i32 to vector<16xi32>
    %add3A_59 = arith.addi %add3A_57, %add3A_58 : vector<16xi32>
    %mul3A_60 = arith.constant 16 : i32
    %mul3A_61 = arith.muli %scan3A_40, %mul3A_60 : i32
    %swap3A_62 = arith.index_cast %mul3A_61 : i32 to index
    %swap3A_63 = tpu.vector_load %arg11[%swap3A_62] {strides = array<i32>} : memref<128xi32, #tpu.memory_space<vmem>>, vector<16xi32>,
    %swap3A_64 = vector.shape_cast %swap3A_63 : vector<16xi32> to vector<16xi32>
    %swap3A_65 = vector.shape_cast %add3A_59 : vector<16xi32> to vector<16xi32>
    tpu.vector_store %arg11[%swap3A_62], %swap3A_65 {strides = array<i32>} : memref<128xi32, #tpu.memory_space<vmem>>, vector<16xi32>,
    %scan3A_66 = arith.constant 2 : i32
    %mul3A_67 = arith.constant 16 : i32
    %mul3A_68 = arith.muli %scan3A_66, %mul3A_67 : i32
    %get3A_69 = arith.index_cast %mul3A_68 : i32 to index
    %get3A_70 = tpu.vector_load %arg8[%get3A_69] {strides = array<i32>} : memref<128xi32, #tpu.memory_space<vmem>>, vector<16xi32>,
    %get3A_71 = vector.shape_cast %get3A_70 : vector<16xi32> to vector<16xi32>
    %mul3A_72 = arith.constant 16 : i32
    %mul3A_73 = arith.muli %scan3A_66, %mul3A_72 : i32
    %get3A_74 = arith.index_cast %mul3A_73 : i32 to index
    %get3A_75 = tpu.vector_load %arg7[%get3A_74] {strides = array<i32>} : memref<128xi32, #tpu.memory_space<vmem>>, vector<16xi32>,
    %get3A_76 = vector.shape_cast %get3A_75 : vector<16xi32> to vector<16xi32>
    %and3A_77 = arith.constant 7 : i32
    %and3A_78 = vector.broadcast %and3A_77 : i32 to vector<16xi32>
    %and3A_79 = arith.andi %get3A_71, %and3A_78 : vector<16xi32>
    %mul3A_80 = arith.constant 10000 : i32
    %mul3A_81 = vector.broadcast %mul3A_80 : i32 to vector<16xi32>
    %mul3A_82 = arith.muli %and3A_79, %mul3A_81 : vector<16xi32>
    %add3A_83 = arith.addi %mul3A_82, %get3A_76 : vector<16xi32>
    %add3A_84 = vector.broadcast %mul3A_0 : i32 to vector<16xi32>
    %add3A_85 = arith.addi %add3A_83, %add3A_84 : vector<16xi32>
    %mul3A_86 = arith.constant 16 : i32
    %mul3A_87 = arith.muli %scan3A_66, %mul3A_86 : i32
    %swap3A_88 = arith.index_cast %mul3A_87 : i32 to index
    %swap3A_89 = tpu.vector_load %arg11[%swap3A_88] {strides = array<i32>} : memref<128xi32, #tpu.memory_space<vmem>>, vector<16xi32>,
    %swap3A_90 = vector.shape_cast %swap3A_89 : vector<16xi32> to vector<16xi32>
    %swap3A_91 = vector.shape_cast %add3A_85 : vector<16xi32> to vector<16xi32>
    tpu.vector_store %arg11[%swap3A_88], %swap3A_91 {strides = array<i32>} : memref<128xi32, #tpu.memory_space<vmem>>, vector<16xi32>,
    %scan3A_92 = arith.constant 3 : i32
    %mul3A_93 = arith.constant 16 : i32
    %mul3A_94 = arith.muli %scan3A_92, %mul3A_93 : i32
    %get3A_95 = arith.index_cast %mul3A_94 : i32 to index
    %get3A_96 = tpu.vector_load %arg8[%get3A_95] {strides = array<i32>} : memref<128xi32, #tpu.memory_space<vmem>>, vector<16xi32>,
    %get3A_97 = vector.shape_cast %get3A_96 : vector<16xi32> to vector<16xi32>
    %mul3A_98 = arith.constant 16 : i32
    %mul3A_99 = arith.muli %scan3A_92, %mul3A_98 : i32
    %get3A_100 = arith.index_cast %mul3A_99 : i32 to index
    %get3A_101 = tpu.vector_load %arg7[%get3A_100] {strides = array<i32>} : memref<128xi32, #tpu.memory_space<vmem>>, vector<16xi32>,
    %get3A_102 = vector.shape_cast %get3A_101 : vector<16xi32> to vector<16xi32>
    %and3A_103 = arith.constant 7 : i32
    %and3A_104 = vector.broadcast %and3A_103 : i32 to vector<16xi32>
    %and3A_105 = arith.andi %get3A_97, %and3A_104 : vector<16xi32>
    %mul3A_106 = arith.constant 10000 : i32
    %mul3A_107 = vector.broadcast %mul3A_106 : i32 to vector<16xi32>
    %mul3A_108 = arith.muli %and3A_105, %mul3A_107 : vector<16xi32>
    %add3A_109 = arith.addi %mul3A_108, %get3A_102 : vector<16xi32>
    %add3A_110 = vector.broadcast %mul3A_0 : i32 to vector<16xi32>
    %add3A_111 = arith.addi %add3A_109, %add3A_110 : vector<16xi32>
    %mul3A_112 = arith.constant 16 : i32
    %mul3A_113 = arith.muli %scan3A_92, %mul3A_112 : i32
    %swap3A_114 = arith.index_cast %mul3A_113 : i32 to index
    %swap3A_115 = tpu.vector_load %arg11[%swap3A_114] {strides = array<i32>} : memref<128xi32, #tpu.memory_space<vmem>>, vector<16xi32>,
    %swap3A_116 = vector.shape_cast %swap3A_115 : vector<16xi32> to vector<16xi32>
    %swap3A_117 = vector.shape_cast %add3A_111 : vector<16xi32> to vector<16xi32>
    tpu.vector_store %arg11[%swap3A_114], %swap3A_117 {strides = array<i32>} : memref<128xi32, #tpu.memory_space<vmem>>, vector<16xi32>,
    %scan3A_118 = arith.constant 4 : i32
    %mul3A_119 = arith.constant 16 : i32
    %mul3A_120 = arith.muli %scan3A_118, %mul3A_119 : i32
    %get3A_121 = arith.index_cast %mul3A_120 : i32 to index
    %get3A_122 = tpu.vector_load %arg8[%get3A_121] {strides = array<i32>} : memref<128xi32, #tpu.memory_space<vmem>>, vector<16xi32>,
    %get3A_123 = vector.shape_cast %get3A_122 : vector<16xi32> to vector<16xi32>
    %mul3A_124 = arith.constant 16 : i32
    %mul3A_125 = arith.muli %scan3A_118, %mul3A_124 : i32
    %get3A_126 = arith.index_cast %mul3A_125 : i32 to index
    %get3A_127 = tpu.vector_load %arg7[%get3A_126] {strides = array<i32>} : memref<128xi32, #tpu.memory_space<vmem>>, vector<16xi32>,
    %get3A_128 = vector.shape_cast %get3A_127 : vector<16xi32> to vector<16xi32>
    %and3A_129 = arith.constant 7 : i32
    %and3A_130 = vector.broadcast %and3A_129 : i32 to vector<16xi32>
    %and3A_131 = arith.andi %get3A_123, %and3A_130 : vector<16xi32>
    %mul3A_132 = arith.constant 10000 : i32
    %mul3A_133 = vector.broadcast %mul3A_132 : i32 to vector<16xi32>
    %mul3A_134 = arith.muli %and3A_131, %mul3A_133 : vector<16xi32>
    %add3A_135 = arith.addi %mul3A_134, %get3A_128 : vector<16xi32>
    %add3A_136 = vector.broadcast %mul3A_0 : i32 to vector<16xi32>
    %add3A_137 = arith.addi %add3A_135, %add3A_136 : vector<16xi32>
    %mul3A_138 = arith.constant 16 : i32
    %mul3A_139 = arith.muli %scan3A_118, %mul3A_138 : i32
    %swap3A_140 = arith.index_cast %mul3A_139 : i32 to index
    %swap3A_141 = tpu.vector_load %arg11[%swap3A_140] {strides = array<i32>} : memref<128xi32, #tpu.memory_space<vmem>>, vector<16xi32>,
    %swap3A_142 = vector.shape_cast %swap3A_141 : vector<16xi32> to vector<16xi32>
    %swap3A_143 = vector.shape_cast %add3A_137 : vector<16xi32> to vector<16xi32>
    tpu.vector_store %arg11[%swap3A_140], %swap3A_143 {strides = array<i32>} : memref<128xi32, #tpu.memory_space<vmem>>, vector<16xi32>,
    %scan3A_144 = arith.constant 5 : i32
    %mul3A_145 = arith.constant 16 : i32
    %mul3A_146 = arith.muli %scan3A_144, %mul3A_145 : i32
    %get3A_147 = arith.index_cast %mul3A_146 : i32 to index
    %get3A_148 = tpu.vector_load %arg8[%get3A_147] {strides = array<i32>} : memref<128xi32, #tpu.memory_space<vmem>>, vector<16xi32>,
    %get3A_149 = vector.shape_cast %get3A_148 : vector<16xi32> to vector<16xi32>
    %mul3A_150 = arith.constant 16 : i32
    %mul3A_151 = arith.muli %scan3A_144, %mul3A_150 : i32
    %get3A_152 = arith.index_cast %mul3A_151 : i32 to index
    %get3A_153 = tpu.vector_load %arg7[%get3A_152] {strides = array<i32>} : memref<128xi32, #tpu.memory_space<vmem>>, vector<16xi32>,
    %get3A_154 = vector.shape_cast %get3A_153 : vector<16xi32> to vector<16xi32>
    %and3A_155 = arith.constant 7 : i32
    %and3A_156 = vector.broadcast %and3A_155 : i32 to vector<16xi32>
    %and3A_157 = arith.andi %get3A_149, %and3A_156 : vector<16xi32>
    %mul3A_158 = arith.constant 10000 : i32
    %mul3A_159 = vector.broadcast %mul3A_158 : i32 to vector<16xi32>
    %mul3A_160 = arith.muli %and3A_157, %mul3A_159 : vector<16xi32>
    %add3A_161 = arith.addi %mul3A_160, %get3A_154 : vector<16xi32>
    %add3A_162 = vector.broadcast %mul3A_0 : i32 to vector<16xi32>
    %add3A_163 = arith.addi %add3A_161, %add3A_162 : vector<16xi32>
    %mul3A_164 = arith.constant 16 : i32
    %mul3A_165 = arith.muli %scan3A_144, %mul3A_164 : i32
    %swap3A_166 = arith.index_cast %mul3A_165 : i32 to index
    %swap3A_167 = tpu.vector_load %arg11[%swap3A_166] {strides = array<i32>} : memref<128xi32, #tpu.memory_space<vmem>>, vector<16xi32>,
    %swap3A_168 = vector.shape_cast %swap3A_167 : vector<16xi32> to vector<16xi32>
    %swap3A_169 = vector.shape_cast %add3A_163 : vector<16xi32> to vector<16xi32>
    tpu.vector_store %arg11[%swap3A_166], %swap3A_169 {strides = array<i32>} : memref<128xi32, #tpu.memory_space<vmem>>, vector<16xi32>,
    %scan3A_170 = arith.constant 6 : i32
    %mul3A_171 = arith.constant 16 : i32
    %mul3A_172 = arith.muli %scan3A_170, %mul3A_171 : i32
    %get3A_173 = arith.index_cast %mul3A_172 : i32 to index
    %get3A_174 = tpu.vector_load %arg8[%get3A_173] {strides = array<i32>} : memref<128xi32, #tpu.memory_space<vmem>>, vector<16xi32>,
    %get3A_175 = vector.shape_cast %get3A_174 : vector<16xi32> to vector<16xi32>
    %mul3A_176 = arith.constant 16 : i32
    %mul3A_177 = arith.muli %scan3A_170, %mul3A_176 : i32
    %get3A_178 = arith.index_cast %mul3A_177 : i32 to index
    %get3A_179 = tpu.vector_load %arg7[%get3A_178] {strides = array<i32>} : memref<128xi32, #tpu.memory_space<vmem>>, vector<16xi32>,
    %get3A_180 = vector.shape_cast %get3A_179 : vector<16xi32> to vector<16xi32>
    %and3A_181 = arith.constant 7 : i32
    %and3A_182 = vector.broadcast %and3A_181 : i32 to vector<16xi32>
    %and3A_183 = arith.andi %get3A_175, %and3A_182 : vector<16xi32>
    %mul3A_184 = arith.constant 10000 : i32
    %mul3A_185 = vector.broadcast %mul3A_184 : i32 to vector<16xi32>
    %mul3A_186 = arith.muli %and3A_183, %mul3A_185 : vector<16xi32>
    %add3A_187 = arith.addi %mul3A_186, %get3A_180 : vector<16xi32>
    %add3A_188 = vector.broadcast %mul3A_0 : i32 to vector<16xi32>
    %add3A_189 = arith.addi %add3A_187, %add3A_188 : vector<16xi32>
    %mul3A_190 = arith.constant 16 : i32
    %mul3A_191 = arith.muli %scan3A_170, %mul3A_190 : i32
    %swap3A_192 = arith.index_cast %mul3A_191 : i32 to index
    %swap3A_193 = tpu.vector_load %arg11[%swap3A_192] {strides = array<i32>} : memref<128xi32, #tpu.memory_space<vmem>>, vector<16xi32>,
    %swap3A_194 = vector.shape_cast %swap3A_193 : vector<16xi32> to vector<16xi32>
    %swap3A_195 = vector.shape_cast %add3A_189 : vector<16xi32> to vector<16xi32>
    tpu.vector_store %arg11[%swap3A_192], %swap3A_195 {strides = array<i32>} : memref<128xi32, #tpu.memory_space<vmem>>, vector<16xi32>,
    %scan3A_196 = arith.constant 7 : i32
    %mul3A_197 = arith.constant 16 : i32
    %mul3A_198 = arith.muli %scan3A_196, %mul3A_197 : i32
    %get3A_199 = arith.index_cast %mul3A_198 : i32 to index
    %get3A_200 = tpu.vector_load %arg8[%get3A_199] {strides = array<i32>} : memref<128xi32, #tpu.memory_space<vmem>>, vector<16xi32>,
    %get3A_201 = vector.shape_cast %get3A_200 : vector<16xi32> to vector<16xi32>
    %mul3A_202 = arith.constant 16 : i32
    %mul3A_203 = arith.muli %scan3A_196, %mul3A_202 : i32
    %get3A_204 = arith.index_cast %mul3A_203 : i32 to index
    %get3A_205 = tpu.vector_load %arg7[%get3A_204] {strides = array<i32>} : memref<128xi32, #tpu.memory_space<vmem>>, vector<16xi32>,
    %get3A_206 = vector.shape_cast %get3A_205 : vector<16xi32> to vector<16xi32>
    %and3A_207 = arith.constant 7 : i32
    %and3A_208 = vector.broadcast %and3A_207 : i32 to vector<16xi32>
    %and3A_209 = arith.andi %get3A_201, %and3A_208 : vector<16xi32>
    %mul3A_210 = arith.constant 10000 : i32
    %mul3A_211 = vector.broadcast %mul3A_210 : i32 to vector<16xi32>
    %mul3A_212 = arith.muli %and3A_209, %mul3A_211 : vector<16xi32>
    %add3A_213 = arith.addi %mul3A_212, %get3A_206 : vector<16xi32>
    %add3A_214 = vector.broadcast %mul3A_0 : i32 to vector<16xi32>
    %add3A_215 = arith.addi %add3A_213, %add3A_214 : vector<16xi32>
    %mul3A_216 = arith.constant 16 : i32
    %mul3A_217 = arith.muli %scan3A_196, %mul3A_216 : i32
    %swap3A_218 = arith.index_cast %mul3A_217 : i32 to index
    %swap3A_219 = tpu.vector_load %arg11[%swap3A_218] {strides = array<i32>} : memref<128xi32, #tpu.memory_space<vmem>>, vector<16xi32>,
    %swap3A_220 = vector.shape_cast %swap3A_219 : vector<16xi32> to vector<16xi32>
    %swap3A_221 = vector.shape_cast %add3A_215 : vector<16xi32> to vector<16xi32>
    tpu.vector_store %arg11[%swap3A_218], %swap3A_221 {strides = array<i32>} : memref<128xi32, #tpu.memory_space<vmem>>, vector<16xi32>,
    %scan3A_222 = arith.constant 8 : i32
    %run_scoped3A_223 = arith.constant 0 : i32
    "tpu.region"() ({
      %run_scoped3A_236 = tpu.sem_alloc : memref<!tpu.dma_semaphore, #tpu.memory_space<semaphore_mem>>
      %dma_start3A_237 = arith.constant 0 : i32
      %dma_start3A_238 = tpu.memref_slice %arg3[%arg1, %run_scoped3A_223, %dma_start3A_237] : memref<16x79x128xi32, #tpu.memory_space<hbm>> -> memref<1x1x128xi32, #tpu.memory_space<hbm>>
      %dma_start3A_239 = tpu.memref_squeeze %dma_start3A_238 : memref<1x1x128xi32, #tpu.memory_space<hbm>> -> memref<128xi32, #tpu.memory_space<hbm>>
      %dma_start3A_240 = arith.constant 0 : i32
      %dma_start3A_241 = tpu.memref_slice %arg3[%arg1, %run_scoped3A_223, %dma_start3A_240] : memref<16x79x128xi32, #tpu.memory_space<hbm>> -> memref<1x1x128xi32, #tpu.memory_space<hbm>>
      %dma_start3A_242 = tpu.memref_squeeze %dma_start3A_241 : memref<1x1x128xi32, #tpu.memory_space<hbm>> -> memref<128xi32, #tpu.memory_space<hbm>>
      tpu.enqueue_dma source(%dma_start3A_242 : memref<128xi32, #tpu.memory_space<hbm>>) target(%arg9 : memref<128xi32, #tpu.memory_space<vmem>>) target_semaphore(%run_scoped3A_236 : memref<!tpu.dma_semaphore, #tpu.memory_space<semaphore_mem>>)
      %dma_wait3A = arith.constant 0 : i32
      %dma_wait3A_243 = tpu.memref_slice %arg3[%arg1, %run_scoped3A_223, %dma_wait3A] : memref<16x79x128xi32, #tpu.memory_space<hbm>> -> memref<1x1x128xi32, #tpu.memory_space<hbm>>
      %dma_wait3A_244 = tpu.memref_squeeze %dma_wait3A_243 : memref<1x1x128xi32, #tpu.memory_space<hbm>> -> memref<128xi32, #tpu.memory_space<hbm>>
      %dma_wait3A_245 = arith.constant 0 : i32
      %dma_wait3A_246 = tpu.memref_slice %arg3[%arg1, %run_scoped3A_223, %dma_wait3A_245] : memref<16x79x128xi32, #tpu.memory_space<hbm>> -> memref<1x1x128xi32, #tpu.memory_space<hbm>>
      %dma_wait3A_247 = tpu.memref_squeeze %dma_wait3A_246 : memref<1x1x128xi32, #tpu.memory_space<hbm>> -> memref<128xi32, #tpu.memory_space<hbm>>
      tpu.wait_dma2 semaphore(%run_scoped3A_236 : memref<!tpu.dma_semaphore, #tpu.memory_space<semaphore_mem>>) src(%dma_wait3A_247 : memref<128xi32, #tpu.memory_space<hbm>>) dst(%arg9 : memref<128xi32, #tpu.memory_space<vmem>>)
      tpu.yield
    }) : () -> ()
    %dma_start3A = arith.constant 0 : i32
    %dma_start3A_224 = arith.constant 0 : i32
    %dma_start3A_225 = tpu.memref_slice %arg5[%dma_start3A, %dma_start3A_224] : memref<160000x128xf32, #tpu.memory_space<hbm>> -> memref<160000x128xf32, #tpu.memory_space<hbm>>
    tpu.enqueue_indirect_dma source(%dma_start3A_225 : memref<160000x128xf32, #tpu.memory_space<hbm>>) target(%arg13 : memref<128x128xf32, #tpu.memory_space<vmem>>) offsets(%arg11 : memref<128xi32, #tpu.memory_space<vmem>>) semaphore(%arg16 : memref<!tpu.dma_semaphore, #tpu.memory_space<semaphore_mem>>)
    %scan3A_226 = arith.constant 0 : i32
    %scan3A_227 = arith.constant 40 : i32
    %scan3A_228 = arith.addi %scan3A_226, %scan3A_227 : i32
    %scan3A_229 = arith.constant 1 : i32
    scf.for %scan3A_236 = %scan3A_226 to %scan3A_228 step %scan3A_229  : i32 {
      %mul3A_237 = arith.constant 2 : i32
      %mul3A_238 = arith.muli %mul3A_237, %scan3A_236 : i32
      %add3A_239 = arith.constant 1 : i32
      %add3A_240 = arith.addi %mul3A_238, %add3A_239 : i32
      %lt3A = arith.constant 79 : i32
      %lt3A_241 = arith.cmpi slt, %add3A_240, %lt3A : i32
      %convert_element_type3A_242 = arith.extui %lt3A_241 : i1 to i32
      %cond3A_243 = arith.constant 0 : i32
      %cond3A_244 = arith.cmpi ne, %convert_element_type3A_242, %cond3A_243 : i32
      scf.if %cond3A_244 {
        %add3A_261 = arith.constant 1 : i32
        %add3A_262 = arith.addi %mul3A_238, %add3A_261 : i32
        "tpu.region"() ({
          %run_scoped3A_475 = tpu.sem_alloc : memref<!tpu.dma_semaphore, #tpu.memory_space<semaphore_mem>>
          %dma_start3A_476 = arith.constant 0 : i32
          %dma_start3A_477 = tpu.memref_slice %arg2[%arg1, %add3A_262, %dma_start3A_476] : memref<16x79x128xi32, #tpu.memory_space<hbm>> -> memref<1x1x128xi32, #tpu.memory_space<hbm>>
          %dma_start3A_478 = tpu.memref_squeeze %dma_start3A_477 : memref<1x1x128xi32, #tpu.memory_space<hbm>> -> memref<128xi32, #tpu.memory_space<hbm>>
          %dma_start3A_479 = arith.constant 0 : i32
          %dma_start3A_480 = tpu.memref_slice %arg2[%arg1, %add3A_262, %dma_start3A_479] : memref<16x79x128xi32, #tpu.memory_space<hbm>> -> memref<1x1x128xi32, #tpu.memory_space<hbm>>
          %dma_start3A_481 = tpu.memref_squeeze %dma_start3A_480 : memref<1x1x128xi32, #tpu.memory_space<hbm>> -> memref<128xi32, #tpu.memory_space<hbm>>
          tpu.enqueue_dma source(%dma_start3A_481 : memref<128xi32, #tpu.memory_space<hbm>>) target(%arg7 : memref<128xi32, #tpu.memory_space<vmem>>) target_semaphore(%run_scoped3A_475 : memref<!tpu.dma_semaphore, #tpu.memory_space<semaphore_mem>>)
          %dma_wait3A_482 = arith.constant 0 : i32
          %dma_wait3A_483 = tpu.memref_slice %arg2[%arg1, %add3A_262, %dma_wait3A_482] : memref<16x79x128xi32, #tpu.memory_space<hbm>> -> memref<1x1x128xi32, #tpu.memory_space<hbm>>
          %dma_wait3A_484 = tpu.memref_squeeze %dma_wait3A_483 : memref<1x1x128xi32, #tpu.memory_space<hbm>> -> memref<128xi32, #tpu.memory_space<hbm>>
          %dma_wait3A_485 = arith.constant 0 : i32
          %dma_wait3A_486 = tpu.memref_slice %arg2[%arg1, %add3A_262, %dma_wait3A_485] : memref<16x79x128xi32, #tpu.memory_space<hbm>> -> memref<1x1x128xi32, #tpu.memory_space<hbm>>
          %dma_wait3A_487 = tpu.memref_squeeze %dma_wait3A_486 : memref<1x1x128xi32, #tpu.memory_space<hbm>> -> memref<128xi32, #tpu.memory_space<hbm>>
          tpu.wait_dma2 semaphore(%run_scoped3A_475 : memref<!tpu.dma_semaphore, #tpu.memory_space<semaphore_mem>>) src(%dma_wait3A_487 : memref<128xi32, #tpu.memory_space<hbm>>) dst(%arg7 : memref<128xi32, #tpu.memory_space<vmem>>)
          tpu.yield
        }) : () -> ()
        "tpu.region"() ({
          %run_scoped3A_475 = tpu.sem_alloc : memref<!tpu.dma_semaphore, #tpu.memory_space<semaphore_mem>>
          %dma_start3A_476 = arith.constant 0 : i32
          %dma_start3A_477 = tpu.memref_slice %arg4[%arg1, %add3A_262, %dma_start3A_476] : memref<16x79x128xi32, #tpu.memory_space<hbm>> -> memref<1x1x128xi32, #tpu.memory_space<hbm>>
          %dma_start3A_478 = tpu.memref_squeeze %dma_start3A_477 : memref<1x1x128xi32, #tpu.memory_space<hbm>> -> memref<128xi32, #tpu.memory_space<hbm>>
          %dma_start3A_479 = arith.constant 0 : i32
          %dma_start3A_480 = tpu.memref_slice %arg4[%arg1, %add3A_262, %dma_start3A_479] : memref<16x79x128xi32, #tpu.memory_space<hbm>> -> memref<1x1x128xi32, #tpu.memory_space<hbm>>
          %dma_start3A_481 = tpu.memref_squeeze %dma_start3A_480 : memref<1x1x128xi32, #tpu.memory_space<hbm>> -> memref<128xi32, #tpu.memory_space<hbm>>
          tpu.enqueue_dma source(%dma_start3A_481 : memref<128xi32, #tpu.memory_space<hbm>>) target(%arg8 : memref<128xi32, #tpu.memory_space<vmem>>) target_semaphore(%run_scoped3A_475 : memref<!tpu.dma_semaphore, #tpu.memory_space<semaphore_mem>>)
          %dma_wait3A_482 = arith.constant 0 : i32
          %dma_wait3A_483 = tpu.memref_slice %arg4[%arg1, %add3A_262, %dma_wait3A_482] : memref<16x79x128xi32, #tpu.memory_space<hbm>> -> memref<1x1x128xi32, #tpu.memory_space<hbm>>
          %dma_wait3A_484 = tpu.memref_squeeze %dma_wait3A_483 : memref<1x1x128xi32, #tpu.memory_space<hbm>> -> memref<128xi32, #tpu.memory_space<hbm>>
          %dma_wait3A_485 = arith.constant 0 : i32
          %dma_wait3A_486 = tpu.memref_slice %arg4[%arg1, %add3A_262, %dma_wait3A_485] : memref<16x79x128xi32, #tpu.memory_space<hbm>> -> memref<1x1x128xi32, #tpu.memory_space<hbm>>
          %dma_wait3A_487 = tpu.memref_squeeze %dma_wait3A_486 : memref<1x1x128xi32, #tpu.memory_space<hbm>> -> memref<128xi32, #tpu.memory_space<hbm>>
          tpu.wait_dma2 semaphore(%run_scoped3A_475 : memref<!tpu.dma_semaphore, #tpu.memory_space<semaphore_mem>>) src(%dma_wait3A_487 : memref<128xi32, #tpu.memory_space<hbm>>) dst(%arg8 : memref<128xi32, #tpu.memory_space<vmem>>)
          tpu.yield
        }) : () -> ()
        %scan3A_263 = arith.constant 0 : i32
        %mul3A_264 = arith.constant 16 : i32
        %mul3A_265 = arith.muli %scan3A_263, %mul3A_264 : i32
        %get3A_266 = arith.index_cast %mul3A_265 : i32 to index
        %get3A_267 = tpu.vector_load %arg8[%get3A_266] {strides = array<i32>} : memref<128xi32, #tpu.memory_space<vmem>>, vector<16xi32>,
        %get3A_268 = vector.shape_cast %get3A_267 : vector<16xi32> to vector<16xi32>
        %mul3A_269 = arith.constant 16 : i32
        %mul3A_270 = arith.muli %scan3A_263, %mul3A_269 : i32
        %get3A_271 = arith.index_cast %mul3A_270 : i32 to index
        %get3A_272 = tpu.vector_load %arg7[%get3A_271] {strides = array<i32>} : memref<128xi32, #tpu.memory_space<vmem>>, vector<16xi32>,
        %get3A_273 = vector.shape_cast %get3A_272 : vector<16xi32> to vector<16xi32>
        %and3A_274 = arith.constant 7 : i32
        %and3A_275 = vector.broadcast %and3A_274 : i32 to vector<16xi32>
        %and3A_276 = arith.andi %get3A_268, %and3A_275 : vector<16xi32>
        %mul3A_277 = arith.constant 10000 : i32
        %mul3A_278 = vector.broadcast %mul3A_277 : i32 to vector<16xi32>
        %mul3A_279 = arith.muli %and3A_276, %mul3A_278 : vector<16xi32>
        %add3A_280 = arith.addi %mul3A_279, %get3A_273 : vector<16xi32>
        %add3A_281 = vector.broadcast %mul3A_0 : i32 to vector<16xi32>
        %add3A_282 = arith.addi %add3A_280, %add3A_281 : vector<16xi32>
        %mul3A_283 = arith.constant 16 : i32
        %mul3A_284 = arith.muli %scan3A_263, %mul3A_283 : i32
        %swap3A_285 = arith.index_cast %mul3A_284 : i32 to index
        %swap3A_286 = tpu.vector_load %arg12[%swap3A_285] {strides = array<i32>} : memref<128xi32, #tpu.memory_space<vmem>>, vector<16xi32>,
        %swap3A_287 = vector.shape_cast %swap3A_286 : vector<16xi32> to vector<16xi32>
        %swap3A_288 = vector.shape_cast %add3A_282 : vector<16xi32> to vector<16xi32>
        tpu.vector_store %arg12[%swap3A_285], %swap3A_288 {strides = array<i32>} : memref<128xi32, #tpu.memory_space<vmem>>, vector<16xi32>,
        %scan3A_289 = arith.constant 1 : i32
        %mul3A_290 = arith.constant 16 : i32
        %mul3A_291 = arith.muli %scan3A_289, %mul3A_290 : i32
        %get3A_292 = arith.index_cast %mul3A_291 : i32 to index
        %get3A_293 = tpu.vector_load %arg8[%get3A_292] {strides = array<i32>} : memref<128xi32, #tpu.memory_space<vmem>>, vector<16xi32>,
        %get3A_294 = vector.shape_cast %get3A_293 : vector<16xi32> to vector<16xi32>
        %mul3A_295 = arith.constant 16 : i32
        %mul3A_296 = arith.muli %scan3A_289, %mul3A_295 : i32
        %get3A_297 = arith.index_cast %mul3A_296 : i32 to index
        %get3A_298 = tpu.vector_load %arg7[%get3A_297] {strides = array<i32>} : memref<128xi32, #tpu.memory_space<vmem>>, vector<16xi32>,
        %get3A_299 = vector.shape_cast %get3A_298 : vector<16xi32> to vector<16xi32>
        %and3A_300 = arith.constant 7 : i32
        %and3A_301 = vector.broadcast %and3A_300 : i32 to vector<16xi32>
        %and3A_302 = arith.andi %get3A_294, %and3A_301 : vector<16xi32>
        %mul3A_303 = arith.constant 10000 : i32
        %mul3A_304 = vector.broadcast %mul3A_303 : i32 to vector<16xi32>
        %mul3A_305 = arith.muli %and3A_302, %mul3A_304 : vector<16xi32>
        %add3A_306 = arith.addi %mul3A_305, %get3A_299 : vector<16xi32>
        %add3A_307 = vector.broadcast %mul3A_0 : i32 to vector<16xi32>
        %add3A_308 = arith.addi %add3A_306, %add3A_307 : vector<16xi32>
        %mul3A_309 = arith.constant 16 : i32
        %mul3A_310 = arith.muli %scan3A_289, %mul3A_309 : i32
        %swap3A_311 = arith.index_cast %mul3A_310 : i32 to index
        %swap3A_312 = tpu.vector_load %arg12[%swap3A_311] {strides = array<i32>} : memref<128xi32, #tpu.memory_space<vmem>>, vector<16xi32>,
        %swap3A_313 = vector.shape_cast %swap3A_312 : vector<16xi32> to vector<16xi32>
        %swap3A_314 = vector.shape_cast %add3A_308 : vector<16xi32> to vector<16xi32>
        tpu.vector_store %arg12[%swap3A_311], %swap3A_314 {strides = array<i32>} : memref<128xi32, #tpu.memory_space<vmem>>, vector<16xi32>,
        %scan3A_315 = arith.constant 2 : i32
        %mul3A_316 = arith.constant 16 : i32
        %mul3A_317 = arith.muli %scan3A_315, %mul3A_316 : i32
        %get3A_318 = arith.index_cast %mul3A_317 : i32 to index
        %get3A_319 = tpu.vector_load %arg8[%get3A_318] {strides = array<i32>} : memref<128xi32, #tpu.memory_space<vmem>>, vector<16xi32>,
        %get3A_320 = vector.shape_cast %get3A_319 : vector<16xi32> to vector<16xi32>
        %mul3A_321 = arith.constant 16 : i32
        %mul3A_322 = arith.muli %scan3A_315, %mul3A_321 : i32
        %get3A_323 = arith.index_cast %mul3A_322 : i32 to index
        %get3A_324 = tpu.vector_load %arg7[%get3A_323] {strides = array<i32>} : memref<128xi32, #tpu.memory_space<vmem>>, vector<16xi32>,
        %get3A_325 = vector.shape_cast %get3A_324 : vector<16xi32> to vector<16xi32>
        %and3A_326 = arith.constant 7 : i32
        %and3A_327 = vector.broadcast %and3A_326 : i32 to vector<16xi32>
        %and3A_328 = arith.andi %get3A_320, %and3A_327 : vector<16xi32>
        %mul3A_329 = arith.constant 10000 : i32
        %mul3A_330 = vector.broadcast %mul3A_329 : i32 to vector<16xi32>
        %mul3A_331 = arith.muli %and3A_328, %mul3A_330 : vector<16xi32>
        %add3A_332 = arith.addi %mul3A_331, %get3A_325 : vector<16xi32>
        %add3A_333 = vector.broadcast %mul3A_0 : i32 to vector<16xi32>
        %add3A_334 = arith.addi %add3A_332, %add3A_333 : vector<16xi32>
        %mul3A_335 = arith.constant 16 : i32
        %mul3A_336 = arith.muli %scan3A_315, %mul3A_335 : i32
        %swap3A_337 = arith.index_cast %mul3A_336 : i32 to index
        %swap3A_338 = tpu.vector_load %arg12[%swap3A_337] {strides = array<i32>} : memref<128xi32, #tpu.memory_space<vmem>>, vector<16xi32>,
        %swap3A_339 = vector.shape_cast %swap3A_338 : vector<16xi32> to vector<16xi32>
        %swap3A_340 = vector.shape_cast %add3A_334 : vector<16xi32> to vector<16xi32>
        tpu.vector_store %arg12[%swap3A_337], %swap3A_340 {strides = array<i32>} : memref<128xi32, #tpu.memory_space<vmem>>, vector<16xi32>,
        %scan3A_341 = arith.constant 3 : i32
        %mul3A_342 = arith.constant 16 : i32
        %mul3A_343 = arith.muli %scan3A_341, %mul3A_342 : i32
        %get3A_344 = arith.index_cast %mul3A_343 : i32 to index
        %get3A_345 = tpu.vector_load %arg8[%get3A_344] {strides = array<i32>} : memref<128xi32, #tpu.memory_space<vmem>>, vector<16xi32>,
        %get3A_346 = vector.shape_cast %get3A_345 : vector<16xi32> to vector<16xi32>
        %mul3A_347 = arith.constant 16 : i32
        %mul3A_348 = arith.muli %scan3A_341, %mul3A_347 : i32
        %get3A_349 = arith.index_cast %mul3A_348 : i32 to index
        %get3A_350 = tpu.vector_load %arg7[%get3A_349] {strides = array<i32>} : memref<128xi32, #tpu.memory_space<vmem>>, vector<16xi32>,
        %get3A_351 = vector.shape_cast %get3A_350 : vector<16xi32> to vector<16xi32>
        %and3A_352 = arith.constant 7 : i32
        %and3A_353 = vector.broadcast %and3A_352 : i32 to vector<16xi32>
        %and3A_354 = arith.andi %get3A_346, %and3A_353 : vector<16xi32>
        %mul3A_355 = arith.constant 10000 : i32
        %mul3A_356 = vector.broadcast %mul3A_355 : i32 to vector<16xi32>
        %mul3A_357 = arith.muli %and3A_354, %mul3A_356 : vector<16xi32>
        %add3A_358 = arith.addi %mul3A_357, %get3A_351 : vector<16xi32>
        %add3A_359 = vector.broadcast %mul3A_0 : i32 to vector<16xi32>
        %add3A_360 = arith.addi %add3A_358, %add3A_359 : vector<16xi32>
        %mul3A_361 = arith.constant 16 : i32
        %mul3A_362 = arith.muli %scan3A_341, %mul3A_361 : i32
        %swap3A_363 = arith.index_cast %mul3A_362 : i32 to index
        %swap3A_364 = tpu.vector_load %arg12[%swap3A_363] {strides = array<i32>} : memref<128xi32, #tpu.memory_space<vmem>>, vector<16xi32>,
        %swap3A_365 = vector.shape_cast %swap3A_364 : vector<16xi32> to vector<16xi32>
        %swap3A_366 = vector.shape_cast %add3A_360 : vector<16xi32> to vector<16xi32>
        tpu.vector_store %arg12[%swap3A_363], %swap3A_366 {strides = array<i32>} : memref<128xi32, #tpu.memory_space<vmem>>, vector<16xi32>,
        %scan3A_367 = arith.constant 4 : i32
        %mul3A_368 = arith.constant 16 : i32
        %mul3A_369 = arith.muli %scan3A_367, %mul3A_368 : i32
        %get3A_370 = arith.index_cast %mul3A_369 : i32 to index
        %get3A_371 = tpu.vector_load %arg8[%get3A_370] {strides = array<i32>} : memref<128xi32, #tpu.memory_space<vmem>>, vector<16xi32>,
        %get3A_372 = vector.shape_cast %get3A_371 : vector<16xi32> to vector<16xi32>
        %mul3A_373 = arith.constant 16 : i32
        %mul3A_374 = arith.muli %scan3A_367, %mul3A_373 : i32
        %get3A_375 = arith.index_cast %mul3A_374 : i32 to index
        %get3A_376 = tpu.vector_load %arg7[%get3A_375] {strides = array<i32>} : memref<128xi32, #tpu.memory_space<vmem>>, vector<16xi32>,
        %get3A_377 = vector.shape_cast %get3A_376 : vector<16xi32> to vector<16xi32>
        %and3A_378 = arith.constant 7 : i32
        %and3A_379 = vector.broadcast %and3A_378 : i32 to vector<16xi32>
        %and3A_380 = arith.andi %get3A_372, %and3A_379 : vector<16xi32>
        %mul3A_381 = arith.constant 10000 : i32
        %mul3A_382 = vector.broadcast %mul3A_381 : i32 to vector<16xi32>
        %mul3A_383 = arith.muli %and3A_380, %mul3A_382 : vector<16xi32>
        %add3A_384 = arith.addi %mul3A_383, %get3A_377 : vector<16xi32>
        %add3A_385 = vector.broadcast %mul3A_0 : i32 to vector<16xi32>
        %add3A_386 = arith.addi %add3A_384, %add3A_385 : vector<16xi32>
        %mul3A_387 = arith.constant 16 : i32
        %mul3A_388 = arith.muli %scan3A_367, %mul3A_387 : i32
        %swap3A_389 = arith.index_cast %mul3A_388 : i32 to index
        %swap3A_390 = tpu.vector_load %arg12[%swap3A_389] {strides = array<i32>} : memref<128xi32, #tpu.memory_space<vmem>>, vector<16xi32>,
        %swap3A_391 = vector.shape_cast %swap3A_390 : vector<16xi32> to vector<16xi32>
        %swap3A_392 = vector.shape_cast %add3A_386 : vector<16xi32> to vector<16xi32>
        tpu.vector_store %arg12[%swap3A_389], %swap3A_392 {strides = array<i32>} : memref<128xi32, #tpu.memory_space<vmem>>, vector<16xi32>,
        %scan3A_393 = arith.constant 5 : i32
        %mul3A_394 = arith.constant 16 : i32
        %mul3A_395 = arith.muli %scan3A_393, %mul3A_394 : i32
        %get3A_396 = arith.index_cast %mul3A_395 : i32 to index
        %get3A_397 = tpu.vector_load %arg8[%get3A_396] {strides = array<i32>} : memref<128xi32, #tpu.memory_space<vmem>>, vector<16xi32>,
        %get3A_398 = vector.shape_cast %get3A_397 : vector<16xi32> to vector<16xi32>
        %mul3A_399 = arith.constant 16 : i32
        %mul3A_400 = arith.muli %scan3A_393, %mul3A_399 : i32
        %get3A_401 = arith.index_cast %mul3A_400 : i32 to index
        %get3A_402 = tpu.vector_load %arg7[%get3A_401] {strides = array<i32>} : memref<128xi32, #tpu.memory_space<vmem>>, vector<16xi32>,
        %get3A_403 = vector.shape_cast %get3A_402 : vector<16xi32> to vector<16xi32>
        %and3A_404 = arith.constant 7 : i32
        %and3A_405 = vector.broadcast %and3A_404 : i32 to vector<16xi32>
        %and3A_406 = arith.andi %get3A_398, %and3A_405 : vector<16xi32>
        %mul3A_407 = arith.constant 10000 : i32
        %mul3A_408 = vector.broadcast %mul3A_407 : i32 to vector<16xi32>
        %mul3A_409 = arith.muli %and3A_406, %mul3A_408 : vector<16xi32>
        %add3A_410 = arith.addi %mul3A_409, %get3A_403 : vector<16xi32>
        %add3A_411 = vector.broadcast %mul3A_0 : i32 to vector<16xi32>
        %add3A_412 = arith.addi %add3A_410, %add3A_411 : vector<16xi32>
        %mul3A_413 = arith.constant 16 : i32
        %mul3A_414 = arith.muli %scan3A_393, %mul3A_413 : i32
        %swap3A_415 = arith.index_cast %mul3A_414 : i32 to index
        %swap3A_416 = tpu.vector_load %arg12[%swap3A_415] {strides = array<i32>} : memref<128xi32, #tpu.memory_space<vmem>>, vector<16xi32>,
        %swap3A_417 = vector.shape_cast %swap3A_416 : vector<16xi32> to vector<16xi32>
        %swap3A_418 = vector.shape_cast %add3A_412 : vector<16xi32> to vector<16xi32>
        tpu.vector_store %arg12[%swap3A_415], %swap3A_418 {strides = array<i32>} : memref<128xi32, #tpu.memory_space<vmem>>, vector<16xi32>,
        %scan3A_419 = arith.constant 6 : i32
        %mul3A_420 = arith.constant 16 : i32
        %mul3A_421 = arith.muli %scan3A_419, %mul3A_420 : i32
        %get3A_422 = arith.index_cast %mul3A_421 : i32 to index
        %get3A_423 = tpu.vector_load %arg8[%get3A_422] {strides = array<i32>} : memref<128xi32, #tpu.memory_space<vmem>>, vector<16xi32>,
        %get3A_424 = vector.shape_cast %get3A_423 : vector<16xi32> to vector<16xi32>
        %mul3A_425 = arith.constant 16 : i32
        %mul3A_426 = arith.muli %scan3A_419, %mul3A_425 : i32
        %get3A_427 = arith.index_cast %mul3A_426 : i32 to index
        %get3A_428 = tpu.vector_load %arg7[%get3A_427] {strides = array<i32>} : memref<128xi32, #tpu.memory_space<vmem>>, vector<16xi32>,
        %get3A_429 = vector.shape_cast %get3A_428 : vector<16xi32> to vector<16xi32>
        %and3A_430 = arith.constant 7 : i32
        %and3A_431 = vector.broadcast %and3A_430 : i32 to vector<16xi32>
        %and3A_432 = arith.andi %get3A_424, %and3A_431 : vector<16xi32>
        %mul3A_433 = arith.constant 10000 : i32
        %mul3A_434 = vector.broadcast %mul3A_433 : i32 to vector<16xi32>
        %mul3A_435 = arith.muli %and3A_432, %mul3A_434 : vector<16xi32>
        %add3A_436 = arith.addi %mul3A_435, %get3A_429 : vector<16xi32>
        %add3A_437 = vector.broadcast %mul3A_0 : i32 to vector<16xi32>
        %add3A_438 = arith.addi %add3A_436, %add3A_437 : vector<16xi32>
        %mul3A_439 = arith.constant 16 : i32
        %mul3A_440 = arith.muli %scan3A_419, %mul3A_439 : i32
        %swap3A_441 = arith.index_cast %mul3A_440 : i32 to index
        %swap3A_442 = tpu.vector_load %arg12[%swap3A_441] {strides = array<i32>} : memref<128xi32, #tpu.memory_space<vmem>>, vector<16xi32>,
        %swap3A_443 = vector.shape_cast %swap3A_442 : vector<16xi32> to vector<16xi32>
        %swap3A_444 = vector.shape_cast %add3A_438 : vector<16xi32> to vector<16xi32>
        tpu.vector_store %arg12[%swap3A_441], %swap3A_444 {strides = array<i32>} : memref<128xi32, #tpu.memory_space<vmem>>, vector<16xi32>,
        %scan3A_445 = arith.constant 7 : i32
        %mul3A_446 = arith.constant 16 : i32
        %mul3A_447 = arith.muli %scan3A_445, %mul3A_446 : i32
        %get3A_448 = arith.index_cast %mul3A_447 : i32 to index
        %get3A_449 = tpu.vector_load %arg8[%get3A_448] {strides = array<i32>} : memref<128xi32, #tpu.memory_space<vmem>>, vector<16xi32>,
        %get3A_450 = vector.shape_cast %get3A_449 : vector<16xi32> to vector<16xi32>
        %mul3A_451 = arith.constant 16 : i32
        %mul3A_452 = arith.muli %scan3A_445, %mul3A_451 : i32
        %get3A_453 = arith.index_cast %mul3A_452 : i32 to index
        %get3A_454 = tpu.vector_load %arg7[%get3A_453] {strides = array<i32>} : memref<128xi32, #tpu.memory_space<vmem>>, vector<16xi32>,
        %get3A_455 = vector.shape_cast %get3A_454 : vector<16xi32> to vector<16xi32>
        %and3A_456 = arith.constant 7 : i32
        %and3A_457 = vector.broadcast %and3A_456 : i32 to vector<16xi32>
        %and3A_458 = arith.andi %get3A_450, %and3A_457 : vector<16xi32>
        %mul3A_459 = arith.constant 10000 : i32
        %mul3A_460 = vector.broadcast %mul3A_459 : i32 to vector<16xi32>
        %mul3A_461 = arith.muli %and3A_458, %mul3A_460 : vector<16xi32>
        %add3A_462 = arith.addi %mul3A_461, %get3A_455 : vector<16xi32>
        %add3A_463 = vector.broadcast %mul3A_0 : i32 to vector<16xi32>
        %add3A_464 = arith.addi %add3A_462, %add3A_463 : vector<16xi32>
        %mul3A_465 = arith.constant 16 : i32
        %mul3A_466 = arith.muli %scan3A_445, %mul3A_465 : i32
        %swap3A_467 = arith.index_cast %mul3A_466 : i32 to index
        %swap3A_468 = tpu.vector_load %arg12[%swap3A_467] {strides = array<i32>} : memref<128xi32, #tpu.memory_space<vmem>>, vector<16xi32>,
        %swap3A_469 = vector.shape_cast %swap3A_468 : vector<16xi32> to vector<16xi32>
        %swap3A_470 = vector.shape_cast %add3A_464 : vector<16xi32> to vector<16xi32>
        tpu.vector_store %arg12[%swap3A_467], %swap3A_470 {strides = array<i32>} : memref<128xi32, #tpu.memory_space<vmem>>, vector<16xi32>,
        %scan3A_471 = arith.constant 8 : i32
        "tpu.region"() ({
          %run_scoped3A_475 = tpu.sem_alloc : memref<!tpu.dma_semaphore, #tpu.memory_space<semaphore_mem>>
          %dma_start3A_476 = arith.constant 0 : i32
          %dma_start3A_477 = tpu.memref_slice %arg3[%arg1, %add3A_262, %dma_start3A_476] : memref<16x79x128xi32, #tpu.memory_space<hbm>> -> memref<1x1x128xi32, #tpu.memory_space<hbm>>
          %dma_start3A_478 = tpu.memref_squeeze %dma_start3A_477 : memref<1x1x128xi32, #tpu.memory_space<hbm>> -> memref<128xi32, #tpu.memory_space<hbm>>
          %dma_start3A_479 = arith.constant 0 : i32
          %dma_start3A_480 = tpu.memref_slice %arg3[%arg1, %add3A_262, %dma_start3A_479] : memref<16x79x128xi32, #tpu.memory_space<hbm>> -> memref<1x1x128xi32, #tpu.memory_space<hbm>>
          %dma_start3A_481 = tpu.memref_squeeze %dma_start3A_480 : memref<1x1x128xi32, #tpu.memory_space<hbm>> -> memref<128xi32, #tpu.memory_space<hbm>>
          tpu.enqueue_dma source(%dma_start3A_481 : memref<128xi32, #tpu.memory_space<hbm>>) target(%arg10 : memref<128xi32, #tpu.memory_space<vmem>>) target_semaphore(%run_scoped3A_475 : memref<!tpu.dma_semaphore, #tpu.memory_space<semaphore_mem>>)
          %dma_wait3A_482 = arith.constant 0 : i32
          %dma_wait3A_483 = tpu.memref_slice %arg3[%arg1, %add3A_262, %dma_wait3A_482] : memref<16x79x128xi32, #tpu.memory_space<hbm>> -> memref<1x1x128xi32, #tpu.memory_space<hbm>>
          %dma_wait3A_484 = tpu.memref_squeeze %dma_wait3A_483 : memref<1x1x128xi32, #tpu.memory_space<hbm>> -> memref<128xi32, #tpu.memory_space<hbm>>
          %dma_wait3A_485 = arith.constant 0 : i32
          %dma_wait3A_486 = tpu.memref_slice %arg3[%arg1, %add3A_262, %dma_wait3A_485] : memref<16x79x128xi32, #tpu.memory_space<hbm>> -> memref<1x1x128xi32, #tpu.memory_space<hbm>>
          %dma_wait3A_487 = tpu.memref_squeeze %dma_wait3A_486 : memref<1x1x128xi32, #tpu.memory_space<hbm>> -> memref<128xi32, #tpu.memory_space<hbm>>
          tpu.wait_dma2 semaphore(%run_scoped3A_475 : memref<!tpu.dma_semaphore, #tpu.memory_space<semaphore_mem>>) src(%dma_wait3A_487 : memref<128xi32, #tpu.memory_space<hbm>>) dst(%arg10 : memref<128xi32, #tpu.memory_space<vmem>>)
          tpu.yield
        }) : () -> ()
        %dma_start3A_472 = arith.constant 0 : i32
        %dma_start3A_473 = arith.constant 0 : i32
        %dma_start3A_474 = tpu.memref_slice %arg5[%dma_start3A_472, %dma_start3A_473] : memref<160000x128xf32, #tpu.memory_space<hbm>> -> memref<160000x128xf32, #tpu.memory_space<hbm>>
        tpu.enqueue_indirect_dma source(%dma_start3A_474 : memref<160000x128xf32, #tpu.memory_space<hbm>>) target(%arg14 : memref<128x128xf32, #tpu.memory_space<vmem>>) offsets(%arg12 : memref<128xi32, #tpu.memory_space<vmem>>) semaphore(%arg17 : memref<!tpu.dma_semaphore, #tpu.memory_space<semaphore_mem>>)
      } else {
      }
      %dma_wait3A = arith.constant 0 : i32
      %dma_wait3A_245 = arith.constant 0 : i32
      %dma_wait3A_246 = tpu.memref_slice %arg5[%dma_wait3A, %dma_wait3A_245] : memref<160000x128xf32, #tpu.memory_space<hbm>> -> memref<160000x128xf32, #tpu.memory_space<hbm>>
      tpu.wait_indirect_dma semaphore(%arg16 : memref<!tpu.dma_semaphore, #tpu.memory_space<semaphore_mem>>) src(%dma_wait3A_246 : memref<160000x128xf32, #tpu.memory_space<hbm>>) dst(%arg13 : memref<128x128xf32, #tpu.memory_space<vmem>>)
      "tpu.region"() ({
        %run_scoped3A_261 = tpu.sem_alloc : memref<!tpu.dma_semaphore, #tpu.memory_space<semaphore_mem>>
        %dma_start3A_262 = arith.constant 0 : i32
        %dma_start3A_263 = arith.constant 0 : i32
        %dma_start3A_264 = tpu.memref_slice %arg15[%dma_start3A_262, %dma_start3A_263] : memref<10016x128xf32, #tpu.memory_space<vmem_shared>> -> memref<10016x128xf32, #tpu.memory_space<vmem_shared>>
        tpu.enqueue_indirect_dma source(%arg13 : memref<128x128xf32, #tpu.memory_space<vmem>>) target(%dma_start3A_264 : memref<10016x128xf32, #tpu.memory_space<vmem_shared>>) offsets(%arg9 : memref<128xi32, #tpu.memory_space<vmem>>) semaphore(%run_scoped3A_261 : memref<!tpu.dma_semaphore, #tpu.memory_space<semaphore_mem>>) {add = true}
        %dma_wait3A_265 = arith.constant 0 : i32
        %dma_wait3A_266 = arith.constant 0 : i32
        %dma_wait3A_267 = tpu.memref_slice %arg15[%dma_wait3A_265, %dma_wait3A_266] : memref<10016x128xf32, #tpu.memory_space<vmem_shared>> -> memref<10016x128xf32, #tpu.memory_space<vmem_shared>>
        tpu.wait_indirect_dma semaphore(%run_scoped3A_261 : memref<!tpu.dma_semaphore, #tpu.memory_space<semaphore_mem>>) src(%arg13 : memref<128x128xf32, #tpu.memory_space<vmem>>) dst(%dma_wait3A_267 : memref<10016x128xf32, #tpu.memory_space<vmem_shared>>)
        tpu.yield
      }) : () -> ()
      %add3A_247 = arith.constant 2 : i32
      %add3A_248 = arith.addi %mul3A_238, %add3A_247 : i32
      %lt3A_249 = arith.constant 79 : i32
      %lt3A_250 = arith.cmpi slt, %add3A_248, %lt3A_249 : i32
      %convert_element_type3A_251 = arith.extui %lt3A_250 : i1 to i32
      %cond3A_252 = arith.constant 0 : i32
      %cond3A_253 = arith.cmpi ne, %convert_element_type3A_251, %cond3A_252 : i32
      scf.if %cond3A_253 {
        %add3A_261 = arith.constant 2 : i32
        %add3A_262 = arith.addi %mul3A_238, %add3A_261 : i32
        "tpu.region"() ({
          %run_scoped3A_475 = tpu.sem_alloc : memref<!tpu.dma_semaphore, #tpu.memory_space<semaphore_mem>>
          %dma_start3A_476 = arith.constant 0 : i32
          %dma_start3A_477 = tpu.memref_slice %arg2[%arg1, %add3A_262, %dma_start3A_476] : memref<16x79x128xi32, #tpu.memory_space<hbm>> -> memref<1x1x128xi32, #tpu.memory_space<hbm>>
          %dma_start3A_478 = tpu.memref_squeeze %dma_start3A_477 : memref<1x1x128xi32, #tpu.memory_space<hbm>> -> memref<128xi32, #tpu.memory_space<hbm>>
          %dma_start3A_479 = arith.constant 0 : i32
          %dma_start3A_480 = tpu.memref_slice %arg2[%arg1, %add3A_262, %dma_start3A_479] : memref<16x79x128xi32, #tpu.memory_space<hbm>> -> memref<1x1x128xi32, #tpu.memory_space<hbm>>
          %dma_start3A_481 = tpu.memref_squeeze %dma_start3A_480 : memref<1x1x128xi32, #tpu.memory_space<hbm>> -> memref<128xi32, #tpu.memory_space<hbm>>
          tpu.enqueue_dma source(%dma_start3A_481 : memref<128xi32, #tpu.memory_space<hbm>>) target(%arg7 : memref<128xi32, #tpu.memory_space<vmem>>) target_semaphore(%run_scoped3A_475 : memref<!tpu.dma_semaphore, #tpu.memory_space<semaphore_mem>>)
          %dma_wait3A_482 = arith.constant 0 : i32
          %dma_wait3A_483 = tpu.memref_slice %arg2[%arg1, %add3A_262, %dma_wait3A_482] : memref<16x79x128xi32, #tpu.memory_space<hbm>> -> memref<1x1x128xi32, #tpu.memory_space<hbm>>
          %dma_wait3A_484 = tpu.memref_squeeze %dma_wait3A_483 : memref<1x1x128xi32, #tpu.memory_space<hbm>> -> memref<128xi32, #tpu.memory_space<hbm>>
          %dma_wait3A_485 = arith.constant 0 : i32
          %dma_wait3A_486 = tpu.memref_slice %arg2[%arg1, %add3A_262, %dma_wait3A_485] : memref<16x79x128xi32, #tpu.memory_space<hbm>> -> memref<1x1x128xi32, #tpu.memory_space<hbm>>
          %dma_wait3A_487 = tpu.memref_squeeze %dma_wait3A_486 : memref<1x1x128xi32, #tpu.memory_space<hbm>> -> memref<128xi32, #tpu.memory_space<hbm>>
          tpu.wait_dma2 semaphore(%run_scoped3A_475 : memref<!tpu.dma_semaphore, #tpu.memory_space<semaphore_mem>>) src(%dma_wait3A_487 : memref<128xi32, #tpu.memory_space<hbm>>) dst(%arg7 : memref<128xi32, #tpu.memory_space<vmem>>)
          tpu.yield
        }) : () -> ()
        "tpu.region"() ({
          %run_scoped3A_475 = tpu.sem_alloc : memref<!tpu.dma_semaphore, #tpu.memory_space<semaphore_mem>>
          %dma_start3A_476 = arith.constant 0 : i32
          %dma_start3A_477 = tpu.memref_slice %arg4[%arg1, %add3A_262, %dma_start3A_476] : memref<16x79x128xi32, #tpu.memory_space<hbm>> -> memref<1x1x128xi32, #tpu.memory_space<hbm>>
          %dma_start3A_478 = tpu.memref_squeeze %dma_start3A_477 : memref<1x1x128xi32, #tpu.memory_space<hbm>> -> memref<128xi32, #tpu.memory_space<hbm>>
          %dma_start3A_479 = arith.constant 0 : i32
          %dma_start3A_480 = tpu.memref_slice %arg4[%arg1, %add3A_262, %dma_start3A_479] : memref<16x79x128xi32, #tpu.memory_space<hbm>> -> memref<1x1x128xi32, #tpu.memory_space<hbm>>
          %dma_start3A_481 = tpu.memref_squeeze %dma_start3A_480 : memref<1x1x128xi32, #tpu.memory_space<hbm>> -> memref<128xi32, #tpu.memory_space<hbm>>
          tpu.enqueue_dma source(%dma_start3A_481 : memref<128xi32, #tpu.memory_space<hbm>>) target(%arg8 : memref<128xi32, #tpu.memory_space<vmem>>) target_semaphore(%run_scoped3A_475 : memref<!tpu.dma_semaphore, #tpu.memory_space<semaphore_mem>>)
          %dma_wait3A_482 = arith.constant 0 : i32
          %dma_wait3A_483 = tpu.memref_slice %arg4[%arg1, %add3A_262, %dma_wait3A_482] : memref<16x79x128xi32, #tpu.memory_space<hbm>> -> memref<1x1x128xi32, #tpu.memory_space<hbm>>
          %dma_wait3A_484 = tpu.memref_squeeze %dma_wait3A_483 : memref<1x1x128xi32, #tpu.memory_space<hbm>> -> memref<128xi32, #tpu.memory_space<hbm>>
          %dma_wait3A_485 = arith.constant 0 : i32
          %dma_wait3A_486 = tpu.memref_slice %arg4[%arg1, %add3A_262, %dma_wait3A_485] : memref<16x79x128xi32, #tpu.memory_space<hbm>> -> memref<1x1x128xi32, #tpu.memory_space<hbm>>
          %dma_wait3A_487 = tpu.memref_squeeze %dma_wait3A_486 : memref<1x1x128xi32, #tpu.memory_space<hbm>> -> memref<128xi32, #tpu.memory_space<hbm>>
          tpu.wait_dma2 semaphore(%run_scoped3A_475 : memref<!tpu.dma_semaphore, #tpu.memory_space<semaphore_mem>>) src(%dma_wait3A_487 : memref<128xi32, #tpu.memory_space<hbm>>) dst(%arg8 : memref<128xi32, #tpu.memory_space<vmem>>)
          tpu.yield
        }) : () -> ()
        %scan3A_263 = arith.constant 0 : i32
        %mul3A_264 = arith.constant 16 : i32
        %mul3A_265 = arith.muli %scan3A_263, %mul3A_264 : i32
        %get3A_266 = arith.index_cast %mul3A_265 : i32 to index
        %get3A_267 = tpu.vector_load %arg8[%get3A_266] {strides = array<i32>} : memref<128xi32, #tpu.memory_space<vmem>>, vector<16xi32>,
        %get3A_268 = vector.shape_cast %get3A_267 : vector<16xi32> to vector<16xi32>
        %mul3A_269 = arith.constant 16 : i32
        %mul3A_270 = arith.muli %scan3A_263, %mul3A_269 : i32
        %get3A_271 = arith.index_cast %mul3A_270 : i32 to index
        %get3A_272 = tpu.vector_load %arg7[%get3A_271] {strides = array<i32>} : memref<128xi32, #tpu.memory_space<vmem>>, vector<16xi32>,
        %get3A_273 = vector.shape_cast %get3A_272 : vector<16xi32> to vector<16xi32>
        %and3A_274 = arith.constant 7 : i32
        %and3A_275 = vector.broadcast %and3A_274 : i32 to vector<16xi32>
        %and3A_276 = arith.andi %get3A_268, %and3A_275 : vector<16xi32>
        %mul3A_277 = arith.constant 10000 : i32
        %mul3A_278 = vector.broadcast %mul3A_277 : i32 to vector<16xi32>
        %mul3A_279 = arith.muli %and3A_276, %mul3A_278 : vector<16xi32>
        %add3A_280 = arith.addi %mul3A_279, %get3A_273 : vector<16xi32>
        %add3A_281 = vector.broadcast %mul3A_0 : i32 to vector<16xi32>
        %add3A_282 = arith.addi %add3A_280, %add3A_281 : vector<16xi32>
        %mul3A_283 = arith.constant 16 : i32
        %mul3A_284 = arith.muli %scan3A_263, %mul3A_283 : i32
        %swap3A_285 = arith.index_cast %mul3A_284 : i32 to index
        %swap3A_286 = tpu.vector_load %arg11[%swap3A_285] {strides = array<i32>} : memref<128xi32, #tpu.memory_space<vmem>>, vector<16xi32>,
        %swap3A_287 = vector.shape_cast %swap3A_286 : vector<16xi32> to vector<16xi32>
        %swap3A_288 = vector.shape_cast %add3A_282 : vector<16xi32> to vector<16xi32>
        tpu.vector_store %arg11[%swap3A_285], %swap3A_288 {strides = array<i32>} : memref<128xi32, #tpu.memory_space<vmem>>, vector<16xi32>,
        %scan3A_289 = arith.constant 1 : i32
        %mul3A_290 = arith.constant 16 : i32
        %mul3A_291 = arith.muli %scan3A_289, %mul3A_290 : i32
        %get3A_292 = arith.index_cast %mul3A_291 : i32 to index
        %get3A_293 = tpu.vector_load %arg8[%get3A_292] {strides = array<i32>} : memref<128xi32, #tpu.memory_space<vmem>>, vector<16xi32>,
        %get3A_294 = vector.shape_cast %get3A_293 : vector<16xi32> to vector<16xi32>
        %mul3A_295 = arith.constant 16 : i32
        %mul3A_296 = arith.muli %scan3A_289, %mul3A_295 : i32
        %get3A_297 = arith.index_cast %mul3A_296 : i32 to index
        %get3A_298 = tpu.vector_load %arg7[%get3A_297] {strides = array<i32>} : memref<128xi32, #tpu.memory_space<vmem>>, vector<16xi32>,
        %get3A_299 = vector.shape_cast %get3A_298 : vector<16xi32> to vector<16xi32>
        %and3A_300 = arith.constant 7 : i32
        %and3A_301 = vector.broadcast %and3A_300 : i32 to vector<16xi32>
        %and3A_302 = arith.andi %get3A_294, %and3A_301 : vector<16xi32>
        %mul3A_303 = arith.constant 10000 : i32
        %mul3A_304 = vector.broadcast %mul3A_303 : i32 to vector<16xi32>
        %mul3A_305 = arith.muli %and3A_302, %mul3A_304 : vector<16xi32>
        %add3A_306 = arith.addi %mul3A_305, %get3A_299 : vector<16xi32>
        %add3A_307 = vector.broadcast %mul3A_0 : i32 to vector<16xi32>
        %add3A_308 = arith.addi %add3A_306, %add3A_307 : vector<16xi32>
        %mul3A_309 = arith.constant 16 : i32
        %mul3A_310 = arith.muli %scan3A_289, %mul3A_309 : i32
        %swap3A_311 = arith.index_cast %mul3A_310 : i32 to index
        %swap3A_312 = tpu.vector_load %arg11[%swap3A_311] {strides = array<i32>} : memref<128xi32, #tpu.memory_space<vmem>>, vector<16xi32>,
        %swap3A_313 = vector.shape_cast %swap3A_312 : vector<16xi32> to vector<16xi32>
        %swap3A_314 = vector.shape_cast %add3A_308 : vector<16xi32> to vector<16xi32>
        tpu.vector_store %arg11[%swap3A_311], %swap3A_314 {strides = array<i32>} : memref<128xi32, #tpu.memory_space<vmem>>, vector<16xi32>,
        %scan3A_315 = arith.constant 2 : i32
        %mul3A_316 = arith.constant 16 : i32
        %mul3A_317 = arith.muli %scan3A_315, %mul3A_316 : i32
        %get3A_318 = arith.index_cast %mul3A_317 : i32 to index
        %get3A_319 = tpu.vector_load %arg8[%get3A_318] {strides = array<i32>} : memref<128xi32, #tpu.memory_space<vmem>>, vector<16xi32>,
        %get3A_320 = vector.shape_cast %get3A_319 : vector<16xi32> to vector<16xi32>
        %mul3A_321 = arith.constant 16 : i32
        %mul3A_322 = arith.muli %scan3A_315, %mul3A_321 : i32
        %get3A_323 = arith.index_cast %mul3A_322 : i32 to index
        %get3A_324 = tpu.vector_load %arg7[%get3A_323] {strides = array<i32>} : memref<128xi32, #tpu.memory_space<vmem>>, vector<16xi32>,
        %get3A_325 = vector.shape_cast %get3A_324 : vector<16xi32> to vector<16xi32>
        %and3A_326 = arith.constant 7 : i32
        %and3A_327 = vector.broadcast %and3A_326 : i32 to vector<16xi32>
        %and3A_328 = arith.andi %get3A_320, %and3A_327 : vector<16xi32>
        %mul3A_329 = arith.constant 10000 : i32
        %mul3A_330 = vector.broadcast %mul3A_329 : i32 to vector<16xi32>
        %mul3A_331 = arith.muli %and3A_328, %mul3A_330 : vector<16xi32>
        %add3A_332 = arith.addi %mul3A_331, %get3A_325 : vector<16xi32>
        %add3A_333 = vector.broadcast %mul3A_0 : i32 to vector<16xi32>
        %add3A_334 = arith.addi %add3A_332, %add3A_333 : vector<16xi32>
        %mul3A_335 = arith.constant 16 : i32
        %mul3A_336 = arith.muli %scan3A_315, %mul3A_335 : i32
        %swap3A_337 = arith.index_cast %mul3A_336 : i32 to index
        %swap3A_338 = tpu.vector_load %arg11[%swap3A_337] {strides = array<i32>} : memref<128xi32, #tpu.memory_space<vmem>>, vector<16xi32>,
        %swap3A_339 = vector.shape_cast %swap3A_338 : vector<16xi32> to vector<16xi32>
        %swap3A_340 = vector.shape_cast %add3A_334 : vector<16xi32> to vector<16xi32>
        tpu.vector_store %arg11[%swap3A_337], %swap3A_340 {strides = array<i32>} : memref<128xi32, #tpu.memory_space<vmem>>, vector<16xi32>,
        %scan3A_341 = arith.constant 3 : i32
        %mul3A_342 = arith.constant 16 : i32
        %mul3A_343 = arith.muli %scan3A_341, %mul3A_342 : i32
        %get3A_344 = arith.index_cast %mul3A_343 : i32 to index
        %get3A_345 = tpu.vector_load %arg8[%get3A_344] {strides = array<i32>} : memref<128xi32, #tpu.memory_space<vmem>>, vector<16xi32>,
        %get3A_346 = vector.shape_cast %get3A_345 : vector<16xi32> to vector<16xi32>
        %mul3A_347 = arith.constant 16 : i32
        %mul3A_348 = arith.muli %scan3A_341, %mul3A_347 : i32
        %get3A_349 = arith.index_cast %mul3A_348 : i32 to index
        %get3A_350 = tpu.vector_load %arg7[%get3A_349] {strides = array<i32>} : memref<128xi32, #tpu.memory_space<vmem>>, vector<16xi32>,
        %get3A_351 = vector.shape_cast %get3A_350 : vector<16xi32> to vector<16xi32>
        %and3A_352 = arith.constant 7 : i32
        %and3A_353 = vector.broadcast %and3A_352 : i32 to vector<16xi32>
        %and3A_354 = arith.andi %get3A_346, %and3A_353 : vector<16xi32>
        %mul3A_355 = arith.constant 10000 : i32
        %mul3A_356 = vector.broadcast %mul3A_355 : i32 to vector<16xi32>
        %mul3A_357 = arith.muli %and3A_354, %mul3A_356 : vector<16xi32>
        %add3A_358 = arith.addi %mul3A_357, %get3A_351 : vector<16xi32>
        %add3A_359 = vector.broadcast %mul3A_0 : i32 to vector<16xi32>
        %add3A_360 = arith.addi %add3A_358, %add3A_359 : vector<16xi32>
        %mul3A_361 = arith.constant 16 : i32
        %mul3A_362 = arith.muli %scan3A_341, %mul3A_361 : i32
        %swap3A_363 = arith.index_cast %mul3A_362 : i32 to index
        %swap3A_364 = tpu.vector_load %arg11[%swap3A_363] {strides = array<i32>} : memref<128xi32, #tpu.memory_space<vmem>>, vector<16xi32>,
        %swap3A_365 = vector.shape_cast %swap3A_364 : vector<16xi32> to vector<16xi32>
        %swap3A_366 = vector.shape_cast %add3A_360 : vector<16xi32> to vector<16xi32>
        tpu.vector_store %arg11[%swap3A_363], %swap3A_366 {strides = array<i32>} : memref<128xi32, #tpu.memory_space<vmem>>, vector<16xi32>,
        %scan3A_367 = arith.constant 4 : i32
        %mul3A_368 = arith.constant 16 : i32
        %mul3A_369 = arith.muli %scan3A_367, %mul3A_368 : i32
        %get3A_370 = arith.index_cast %mul3A_369 : i32 to index
        %get3A_371 = tpu.vector_load %arg8[%get3A_370] {strides = array<i32>} : memref<128xi32, #tpu.memory_space<vmem>>, vector<16xi32>,
        %get3A_372 = vector.shape_cast %get3A_371 : vector<16xi32> to vector<16xi32>
        %mul3A_373 = arith.constant 16 : i32
        %mul3A_374 = arith.muli %scan3A_367, %mul3A_373 : i32
        %get3A_375 = arith.index_cast %mul3A_374 : i32 to index
        %get3A_376 = tpu.vector_load %arg7[%get3A_375] {strides = array<i32>} : memref<128xi32, #tpu.memory_space<vmem>>, vector<16xi32>,
        %get3A_377 = vector.shape_cast %get3A_376 : vector<16xi32> to vector<16xi32>
        %and3A_378 = arith.constant 7 : i32
        %and3A_379 = vector.broadcast %and3A_378 : i32 to vector<16xi32>
        %and3A_380 = arith.andi %get3A_372, %and3A_379 : vector<16xi32>
        %mul3A_381 = arith.constant 10000 : i32
        %mul3A_382 = vector.broadcast %mul3A_381 : i32 to vector<16xi32>
        %mul3A_383 = arith.muli %and3A_380, %mul3A_382 : vector<16xi32>
        %add3A_384 = arith.addi %mul3A_383, %get3A_377 : vector<16xi32>
        %add3A_385 = vector.broadcast %mul3A_0 : i32 to vector<16xi32>
        %add3A_386 = arith.addi %add3A_384, %add3A_385 : vector<16xi32>
        %mul3A_387 = arith.constant 16 : i32
        %mul3A_388 = arith.muli %scan3A_367, %mul3A_387 : i32
        %swap3A_389 = arith.index_cast %mul3A_388 : i32 to index
        %swap3A_390 = tpu.vector_load %arg11[%swap3A_389] {strides = array<i32>} : memref<128xi32, #tpu.memory_space<vmem>>, vector<16xi32>,
        %swap3A_391 = vector.shape_cast %swap3A_390 : vector<16xi32> to vector<16xi32>
        %swap3A_392 = vector.shape_cast %add3A_386 : vector<16xi32> to vector<16xi32>
        tpu.vector_store %arg11[%swap3A_389], %swap3A_392 {strides = array<i32>} : memref<128xi32, #tpu.memory_space<vmem>>, vector<16xi32>,
        %scan3A_393 = arith.constant 5 : i32
        %mul3A_394 = arith.constant 16 : i32
        %mul3A_395 = arith.muli %scan3A_393, %mul3A_394 : i32
        %get3A_396 = arith.index_cast %mul3A_395 : i32 to index
        %get3A_397 = tpu.vector_load %arg8[%get3A_396] {strides = array<i32>} : memref<128xi32, #tpu.memory_space<vmem>>, vector<16xi32>,
        %get3A_398 = vector.shape_cast %get3A_397 : vector<16xi32> to vector<16xi32>
        %mul3A_399 = arith.constant 16 : i32
        %mul3A_400 = arith.muli %scan3A_393, %mul3A_399 : i32
        %get3A_401 = arith.index_cast %mul3A_400 : i32 to index
        %get3A_402 = tpu.vector_load %arg7[%get3A_401] {strides = array<i32>} : memref<128xi32, #tpu.memory_space<vmem>>, vector<16xi32>,
        %get3A_403 = vector.shape_cast %get3A_402 : vector<16xi32> to vector<16xi32>
        %and3A_404 = arith.constant 7 : i32
        %and3A_405 = vector.broadcast %and3A_404 : i32 to vector<16xi32>
        %and3A_406 = arith.andi %get3A_398, %and3A_405 : vector<16xi32>
        %mul3A_407 = arith.constant 10000 : i32
        %mul3A_408 = vector.broadcast %mul3A_407 : i32 to vector<16xi32>
        %mul3A_409 = arith.muli %and3A_406, %mul3A_408 : vector<16xi32>
        %add3A_410 = arith.addi %mul3A_409, %get3A_403 : vector<16xi32>
        %add3A_411 = vector.broadcast %mul3A_0 : i32 to vector<16xi32>
        %add3A_412 = arith.addi %add3A_410, %add3A_411 : vector<16xi32>
        %mul3A_413 = arith.constant 16 : i32
        %mul3A_414 = arith.muli %scan3A_393, %mul3A_413 : i32
        %swap3A_415 = arith.index_cast %mul3A_414 : i32 to index
        %swap3A_416 = tpu.vector_load %arg11[%swap3A_415] {strides = array<i32>} : memref<128xi32, #tpu.memory_space<vmem>>, vector<16xi32>,
        %swap3A_417 = vector.shape_cast %swap3A_416 : vector<16xi32> to vector<16xi32>
        %swap3A_418 = vector.shape_cast %add3A_412 : vector<16xi32> to vector<16xi32>
        tpu.vector_store %arg11[%swap3A_415], %swap3A_418 {strides = array<i32>} : memref<128xi32, #tpu.memory_space<vmem>>, vector<16xi32>,
        %scan3A_419 = arith.constant 6 : i32
        %mul3A_420 = arith.constant 16 : i32
        %mul3A_421 = arith.muli %scan3A_419, %mul3A_420 : i32
        %get3A_422 = arith.index_cast %mul3A_421 : i32 to index
        %get3A_423 = tpu.vector_load %arg8[%get3A_422] {strides = array<i32>} : memref<128xi32, #tpu.memory_space<vmem>>, vector<16xi32>,
        %get3A_424 = vector.shape_cast %get3A_423 : vector<16xi32> to vector<16xi32>
        %mul3A_425 = arith.constant 16 : i32
        %mul3A_426 = arith.muli %scan3A_419, %mul3A_425 : i32
        %get3A_427 = arith.index_cast %mul3A_426 : i32 to index
        %get3A_428 = tpu.vector_load %arg7[%get3A_427] {strides = array<i32>} : memref<128xi32, #tpu.memory_space<vmem>>, vector<16xi32>,
        %get3A_429 = vector.shape_cast %get3A_428 : vector<16xi32> to vector<16xi32>
        %and3A_430 = arith.constant 7 : i32
        %and3A_431 = vector.broadcast %and3A_430 : i32 to vector<16xi32>
        %and3A_432 = arith.andi %get3A_424, %and3A_431 : vector<16xi32>
        %mul3A_433 = arith.constant 10000 : i32
        %mul3A_434 = vector.broadcast %mul3A_433 : i32 to vector<16xi32>
        %mul3A_435 = arith.muli %and3A_432, %mul3A_434 : vector<16xi32>
        %add3A_436 = arith.addi %mul3A_435, %get3A_429 : vector<16xi32>
        %add3A_437 = vector.broadcast %mul3A_0 : i32 to vector<16xi32>
        %add3A_438 = arith.addi %add3A_436, %add3A_437 : vector<16xi32>
        %mul3A_439 = arith.constant 16 : i32
        %mul3A_440 = arith.muli %scan3A_419, %mul3A_439 : i32
        %swap3A_441 = arith.index_cast %mul3A_440 : i32 to index
        %swap3A_442 = tpu.vector_load %arg11[%swap3A_441] {strides = array<i32>} : memref<128xi32, #tpu.memory_space<vmem>>, vector<16xi32>,
        %swap3A_443 = vector.shape_cast %swap3A_442 : vector<16xi32> to vector<16xi32>
        %swap3A_444 = vector.shape_cast %add3A_438 : vector<16xi32> to vector<16xi32>
        tpu.vector_store %arg11[%swap3A_441], %swap3A_444 {strides = array<i32>} : memref<128xi32, #tpu.memory_space<vmem>>, vector<16xi32>,
        %scan3A_445 = arith.constant 7 : i32
        %mul3A_446 = arith.constant 16 : i32
        %mul3A_447 = arith.muli %scan3A_445, %mul3A_446 : i32
        %get3A_448 = arith.index_cast %mul3A_447 : i32 to index
        %get3A_449 = tpu.vector_load %arg8[%get3A_448] {strides = array<i32>} : memref<128xi32, #tpu.memory_space<vmem>>, vector<16xi32>,
        %get3A_450 = vector.shape_cast %get3A_449 : vector<16xi32> to vector<16xi32>
        %mul3A_451 = arith.constant 16 : i32
        %mul3A_452 = arith.muli %scan3A_445, %mul3A_451 : i32
        %get3A_453 = arith.index_cast %mul3A_452 : i32 to index
        %get3A_454 = tpu.vector_load %arg7[%get3A_453] {strides = array<i32>} : memref<128xi32, #tpu.memory_space<vmem>>, vector<16xi32>,
        %get3A_455 = vector.shape_cast %get3A_454 : vector<16xi32> to vector<16xi32>
        %and3A_456 = arith.constant 7 : i32
        %and3A_457 = vector.broadcast %and3A_456 : i32 to vector<16xi32>
        %and3A_458 = arith.andi %get3A_450, %and3A_457 : vector<16xi32>
        %mul3A_459 = arith.constant 10000 : i32
        %mul3A_460 = vector.broadcast %mul3A_459 : i32 to vector<16xi32>
        %mul3A_461 = arith.muli %and3A_458, %mul3A_460 : vector<16xi32>
        %add3A_462 = arith.addi %mul3A_461, %get3A_455 : vector<16xi32>
        %add3A_463 = vector.broadcast %mul3A_0 : i32 to vector<16xi32>
        %add3A_464 = arith.addi %add3A_462, %add3A_463 : vector<16xi32>
        %mul3A_465 = arith.constant 16 : i32
        %mul3A_466 = arith.muli %scan3A_445, %mul3A_465 : i32
        %swap3A_467 = arith.index_cast %mul3A_466 : i32 to index
        %swap3A_468 = tpu.vector_load %arg11[%swap3A_467] {strides = array<i32>} : memref<128xi32, #tpu.memory_space<vmem>>, vector<16xi32>,
        %swap3A_469 = vector.shape_cast %swap3A_468 : vector<16xi32> to vector<16xi32>
        %swap3A_470 = vector.shape_cast %add3A_464 : vector<16xi32> to vector<16xi32>
        tpu.vector_store %arg11[%swap3A_467], %swap3A_470 {strides = array<i32>} : memref<128xi32, #tpu.memory_space<vmem>>, vector<16xi32>,
        %scan3A_471 = arith.constant 8 : i32
        "tpu.region"() ({
          %run_scoped3A_475 = tpu.sem_alloc : memref<!tpu.dma_semaphore, #tpu.memory_space<semaphore_mem>>
          %dma_start3A_476 = arith.constant 0 : i32
          %dma_start3A_477 = tpu.memref_slice %arg3[%arg1, %add3A_262, %dma_start3A_476] : memref<16x79x128xi32, #tpu.memory_space<hbm>> -> memref<1x1x128xi32, #tpu.memory_space<hbm>>
          %dma_start3A_478 = tpu.memref_squeeze %dma_start3A_477 : memref<1x1x128xi32, #tpu.memory_space<hbm>> -> memref<128xi32, #tpu.memory_space<hbm>>
          %dma_start3A_479 = arith.constant 0 : i32
          %dma_start3A_480 = tpu.memref_slice %arg3[%arg1, %add3A_262, %dma_start3A_479] : memref<16x79x128xi32, #tpu.memory_space<hbm>> -> memref<1x1x128xi32, #tpu.memory_space<hbm>>
          %dma_start3A_481 = tpu.memref_squeeze %dma_start3A_480 : memref<1x1x128xi32, #tpu.memory_space<hbm>> -> memref<128xi32, #tpu.memory_space<hbm>>
          tpu.enqueue_dma source(%dma_start3A_481 : memref<128xi32, #tpu.memory_space<hbm>>) target(%arg9 : memref<128xi32, #tpu.memory_space<vmem>>) target_semaphore(%run_scoped3A_475 : memref<!tpu.dma_semaphore, #tpu.memory_space<semaphore_mem>>)
          %dma_wait3A_482 = arith.constant 0 : i32
          %dma_wait3A_483 = tpu.memref_slice %arg3[%arg1, %add3A_262, %dma_wait3A_482] : memref<16x79x128xi32, #tpu.memory_space<hbm>> -> memref<1x1x128xi32, #tpu.memory_space<hbm>>
          %dma_wait3A_484 = tpu.memref_squeeze %dma_wait3A_483 : memref<1x1x128xi32, #tpu.memory_space<hbm>> -> memref<128xi32, #tpu.memory_space<hbm>>
          %dma_wait3A_485 = arith.constant 0 : i32
          %dma_wait3A_486 = tpu.memref_slice %arg3[%arg1, %add3A_262, %dma_wait3A_485] : memref<16x79x128xi32, #tpu.memory_space<hbm>> -> memref<1x1x128xi32, #tpu.memory_space<hbm>>
          %dma_wait3A_487 = tpu.memref_squeeze %dma_wait3A_486 : memref<1x1x128xi32, #tpu.memory_space<hbm>> -> memref<128xi32, #tpu.memory_space<hbm>>
          tpu.wait_dma2 semaphore(%run_scoped3A_475 : memref<!tpu.dma_semaphore, #tpu.memory_space<semaphore_mem>>) src(%dma_wait3A_487 : memref<128xi32, #tpu.memory_space<hbm>>) dst(%arg9 : memref<128xi32, #tpu.memory_space<vmem>>)
          tpu.yield
        }) : () -> ()
        %dma_start3A_472 = arith.constant 0 : i32
        %dma_start3A_473 = arith.constant 0 : i32
        %dma_start3A_474 = tpu.memref_slice %arg5[%dma_start3A_472, %dma_start3A_473] : memref<160000x128xf32, #tpu.memory_space<hbm>> -> memref<160000x128xf32, #tpu.memory_space<hbm>>
        tpu.enqueue_indirect_dma source(%dma_start3A_474 : memref<160000x128xf32, #tpu.memory_space<hbm>>) target(%arg13 : memref<128x128xf32, #tpu.memory_space<vmem>>) offsets(%arg11 : memref<128xi32, #tpu.memory_space<vmem>>) semaphore(%arg16 : memref<!tpu.dma_semaphore, #tpu.memory_space<semaphore_mem>>)
      } else {
      }
      %add3A_254 = arith.constant 1 : i32
      %add3A_255 = arith.addi %mul3A_238, %add3A_254 : i32
      %lt3A_256 = arith.constant 79 : i32
      %lt3A_257 = arith.cmpi slt, %add3A_255, %lt3A_256 : i32
      %convert_element_type3A_258 = arith.extui %lt3A_257 : i1 to i32
      %cond3A_259 = arith.constant 0 : i32
      %cond3A_260 = arith.cmpi ne, %convert_element_type3A_258, %cond3A_259 : i32
      scf.if %cond3A_260 {
        %dma_wait3A_261 = arith.constant 0 : i32
        %dma_wait3A_262 = arith.constant 0 : i32
        %dma_wait3A_263 = tpu.memref_slice %arg5[%dma_wait3A_261, %dma_wait3A_262] : memref<160000x128xf32, #tpu.memory_space<hbm>> -> memref<160000x128xf32, #tpu.memory_space<hbm>>
        tpu.wait_indirect_dma semaphore(%arg17 : memref<!tpu.dma_semaphore, #tpu.memory_space<semaphore_mem>>) src(%dma_wait3A_263 : memref<160000x128xf32, #tpu.memory_space<hbm>>) dst(%arg14 : memref<128x128xf32, #tpu.memory_space<vmem>>)
        "tpu.region"() ({
          %run_scoped3A_264 = tpu.sem_alloc : memref<!tpu.dma_semaphore, #tpu.memory_space<semaphore_mem>>
          %dma_start3A_265 = arith.constant 0 : i32
          %dma_start3A_266 = arith.constant 0 : i32
          %dma_start3A_267 = tpu.memref_slice %arg15[%dma_start3A_265, %dma_start3A_266] : memref<10016x128xf32, #tpu.memory_space<vmem_shared>> -> memref<10016x128xf32, #tpu.memory_space<vmem_shared>>
          tpu.enqueue_indirect_dma source(%arg14 : memref<128x128xf32, #tpu.memory_space<vmem>>) target(%dma_start3A_267 : memref<10016x128xf32, #tpu.memory_space<vmem_shared>>) offsets(%arg10 : memref<128xi32, #tpu.memory_space<vmem>>) semaphore(%run_scoped3A_264 : memref<!tpu.dma_semaphore, #tpu.memory_space<semaphore_mem>>) {add = true}
          %dma_wait3A_268 = arith.constant 0 : i32
          %dma_wait3A_269 = arith.constant 0 : i32
          %dma_wait3A_270 = tpu.memref_slice %arg15[%dma_wait3A_268, %dma_wait3A_269] : memref<10016x128xf32, #tpu.memory_space<vmem_shared>> -> memref<10016x128xf32, #tpu.memory_space<vmem_shared>>
          tpu.wait_indirect_dma semaphore(%run_scoped3A_264 : memref<!tpu.dma_semaphore, #tpu.memory_space<semaphore_mem>>) src(%arg14 : memref<128x128xf32, #tpu.memory_space<vmem>>) dst(%dma_wait3A_270 : memref<10016x128xf32, #tpu.memory_space<vmem_shared>>)
          tpu.yield
        }) : () -> ()
      } else {
      }
    }
    %scan3A_230 = arith.constant 40 : i32
    %barrier3A_231 = arith.constant 0 : index
    tpu.barrier barrier_id(%barrier3A_231)
    %mul3A_232 = arith.constant 624 : i32
    %mul3A_233 = arith.muli %arg1, %mul3A_232 : i32
    "tpu.region"() ({
      %run_scoped3A_236 = tpu.sem_alloc : memref<!tpu.dma_semaphore, #tpu.memory_space<semaphore_mem>>
      %dma_start3A_237 = arith.constant 0 : i32
      %dma_start3A_238 = tpu.memref_slice %arg6[%arg0, %mul3A_233, %dma_start3A_237] : memref<2x10000x128xf32, #tpu.memory_space<hbm>> -> memref<1x624x128xf32, #tpu.memory_space<hbm>>
      %dma_start3A_239 = tpu.memref_squeeze %dma_start3A_238 : memref<1x624x128xf32, #tpu.memory_space<hbm>> -> memref<624x128xf32, #tpu.memory_space<hbm>>
      %dma_start3A_240 = arith.constant 0 : i32
      %dma_start3A_241 = tpu.memref_slice %arg15[%mul3A_233, %dma_start3A_240] : memref<10016x128xf32, #tpu.memory_space<vmem_shared>> -> memref<624x128xf32, #tpu.memory_space<vmem_shared>>
      tpu.enqueue_dma source(%dma_start3A_241 : memref<624x128xf32, #tpu.memory_space<vmem_shared>>) target(%dma_start3A_239 : memref<624x128xf32, #tpu.memory_space<hbm>>) target_semaphore(%run_scoped3A_236 : memref<!tpu.dma_semaphore, #tpu.memory_space<semaphore_mem>>)
      %dma_wait3A = arith.constant 0 : i32
      %dma_wait3A_242 = tpu.memref_slice %arg6[%arg0, %mul3A_233, %dma_wait3A] : memref<2x10000x128xf32, #tpu.memory_space<hbm>> -> memref<1x624x128xf32, #tpu.memory_space<hbm>>
      %dma_wait3A_243 = tpu.memref_squeeze %dma_wait3A_242 : memref<1x624x128xf32, #tpu.memory_space<hbm>> -> memref<624x128xf32, #tpu.memory_space<hbm>>
      %dma_wait3A_244 = arith.constant 0 : i32
      %dma_wait3A_245 = tpu.memref_slice %arg15[%mul3A_233, %dma_wait3A_244] : memref<10016x128xf32, #tpu.memory_space<vmem_shared>> -> memref<624x128xf32, #tpu.memory_space<vmem_shared>>
      tpu.wait_dma2 semaphore(%run_scoped3A_236 : memref<!tpu.dma_semaphore, #tpu.memory_space<semaphore_mem>>) src(%dma_wait3A_245 : memref<624x128xf32, #tpu.memory_space<vmem_shared>>) dst(%dma_wait3A_243 : memref<624x128xf32, #tpu.memory_space<hbm>>)
      tpu.yield
    }) : () -> ()
    %eq3A = arith.constant 15 : i32
    %eq3A_234 = arith.cmpi eq, %arg1, %eq3A : i32
    %convert_element_type3A = arith.extui %eq3A_234 : i1 to i32
    %cond3A = arith.constant 0 : i32
    %cond3A_235 = arith.cmpi ne, %convert_element_type3A, %cond3A : i32
    scf.if %cond3A_235 {
      "tpu.region"() ({
        %run_scoped3A_236 = tpu.sem_alloc : memref<!tpu.dma_semaphore, #tpu.memory_space<semaphore_mem>>
        %dma_start3A_237 = arith.constant 9984 : i32
        %dma_start3A_238 = arith.constant 0 : i32
        %dma_start3A_239 = tpu.memref_slice %arg6[%arg0, %dma_start3A_237, %dma_start3A_238] : memref<2x10000x128xf32, #tpu.memory_space<hbm>> -> memref<1x16x128xf32, #tpu.memory_space<hbm>>
        %dma_start3A_240 = tpu.memref_squeeze %dma_start3A_239 : memref<1x16x128xf32, #tpu.memory_space<hbm>> -> memref<16x128xf32, #tpu.memory_space<hbm>>
        %dma_start3A_241 = arith.constant 9984 : i32
        %dma_start3A_242 = arith.constant 0 : i32
        %dma_start3A_243 = tpu.memref_slice %arg15[%dma_start3A_241, %dma_start3A_242] : memref<10016x128xf32, #tpu.memory_space<vmem_shared>> -> memref<16x128xf32, #tpu.memory_space<vmem_shared>>
        tpu.enqueue_dma source(%dma_start3A_243 : memref<16x128xf32, #tpu.memory_space<vmem_shared>>) target(%dma_start3A_240 : memref<16x128xf32, #tpu.memory_space<hbm>>) target_semaphore(%run_scoped3A_236 : memref<!tpu.dma_semaphore, #tpu.memory_space<semaphore_mem>>)
        %dma_wait3A = arith.constant 9984 : i32
        %dma_wait3A_244 = arith.constant 0 : i32
        %dma_wait3A_245 = tpu.memref_slice %arg6[%arg0, %dma_wait3A, %dma_wait3A_244] : memref<2x10000x128xf32, #tpu.memory_space<hbm>> -> memref<1x16x128xf32, #tpu.memory_space<hbm>>
        %dma_wait3A_246 = tpu.memref_squeeze %dma_wait3A_245 : memref<1x16x128xf32, #tpu.memory_space<hbm>> -> memref<16x128xf32, #tpu.memory_space<hbm>>
        %dma_wait3A_247 = arith.constant 9984 : i32
        %dma_wait3A_248 = arith.constant 0 : i32
        %dma_wait3A_249 = tpu.memref_slice %arg15[%dma_wait3A_247, %dma_wait3A_248] : memref<10016x128xf32, #tpu.memory_space<vmem_shared>> -> memref<16x128xf32, #tpu.memory_space<vmem_shared>>
        tpu.wait_dma2 semaphore(%run_scoped3A_236 : memref<!tpu.dma_semaphore, #tpu.memory_space<semaphore_mem>>) src(%dma_wait3A_249 : memref<16x128xf32, #tpu.memory_space<vmem_shared>>) dst(%dma_wait3A_246 : memref<16x128xf32, #tpu.memory_space<hbm>>)
        tpu.yield
      }) : () -> ()
    } else {
    }
    return
  }
}

#map = affine_map<(d0, d1) -> (0, 0, 0)>
#map1 = affine_map<(d0, d1) -> (0, 0)>
module attributes {stable_mosaic.version = 14 : i64} {
  func.func @k(%arg0: i32, %arg1: i32, %arg2: memref<16x79x128xi32, #tpu.memory_space<hbm>>, %arg3: memref<16x79x128xi32, #tpu.memory_space<hbm>>, %arg4: memref<16x79x128xi32, #tpu.memory_space<hbm>>, %arg5: memref<160000x128xf32, #tpu.memory_space<hbm>>, %arg6: memref<2x10000x128xf32, #tpu.memory_space<hbm>>, %arg7: memref<128xi32, #tpu.memory_space<vmem>>, %arg8: memref<128xi32, #tpu.memory_space<vmem>>, %arg9: memref<128xi32, #tpu.memory_space<vmem>>, %arg10: memref<128xi32, #tpu.memory_space<vmem>>, %arg11: memref<128xi32, #tpu.memory_space<vmem>>, %arg12: memref<128xi32, #tpu.memory_space<vmem>>, %arg13: memref<128x128xf32, #tpu.memory_space<vmem>>, %arg14: memref<128x128xf32, #tpu.memory_space<vmem>>, %arg15: memref<10016x128xf32, #tpu.memory_space<vmem_shared>>, %arg16: memref<!tpu.dma_semaphore, #tpu.memory_space<semaphore_mem>>, %arg17: memref<!tpu.dma_semaphore, #tpu.memory_space<semaphore_mem>>) attributes {dimension_semantics = [#tpu.dimension_semantics<core_parallel>, #tpu.dimension_semantics<subcore_parallel>], iteration_bounds = array<i64: 2, 16>, scalar_prefetch = 0 : i64, scratch_operands = 11 : i64, tpu.core_type = #tpu.core_type<sc_vector_subcore>, window_params = [{transform_indices = #map}, {transform_indices = #map}, {transform_indices = #map}, {transform_indices = #map1}, {transform_indices = #map}]} {
    %mul3A = arith.constant 80000 : i32
    %mul3A_0 = arith.muli %arg0, %mul3A : i32
    %scan3A = arith.constant 0 : i32
    %scan3A_1 = arith.constant 128 : i32
    %scan3A_2 = arith.addi %scan3A, %scan3A_1 : i32
    %scan3A_3 = arith.constant 1 : i32
    scf.for %scan3A_236 = %scan3A to %scan3A_2 step %scan3A_3  : i32 {
      %broadcast_in_dim3A = arith.constant 0.000000e+00 : f32
      %broadcast_in_dim3A_237 = vector.broadcast %broadcast_in_dim3A : f32 to vector<16xf32>
      %swap3A_238 = arith.index_cast %scan3A_236 : i32 to index
      %swap3A_239 = arith.constant 0 : index
      %swap3A_240 = tpu.vector_load %arg13[%swap3A_238, %swap3A_239] {strides = array<i32>} : memref<128x128xf32, #tpu.memory_space<vmem>>, vector<1x16xf32>,
      %swap3A_241 = vector.shape_cast %swap3A_240 : vector<1x16xf32> to vector<16xf32>
      %swap3A_242 = vector.shape_cast %broadcast_in_dim3A_237 : vector<16xf32> to vector<1x16xf32>
      tpu.vector_store %arg13[%swap3A_238, %swap3A_239], %swap3A_242 {strides = array<i32>} : memref<128x128xf32, #tpu.memory_space<vmem>>, vector<1x16xf32>,
      %broadcast_in_dim3A_243 = arith.constant 0.000000e+00 : f32
      %broadcast_in_dim3A_244 = vector.broadcast %broadcast_in_dim3A_243 : f32 to vector<16xf32>
      %swap3A_245 = arith.index_cast %scan3A_236 : i32 to index
      %swap3A_246 = arith.constant 16 : index
      %swap3A_247 = tpu.vector_load %arg13[%swap3A_245, %swap3A_246] {strides = array<i32>} : memref<128x128xf32, #tpu.memory_space<vmem>>, vector<1x16xf32>,
      %swap3A_248 = vector.shape_cast %swap3A_247 : vector<1x16xf32> to vector<16xf32>
      %swap3A_249 = vector.shape_cast %broadcast_in_dim3A_244 : vector<16xf32> to vector<1x16xf32>
      tpu.vector_store %arg13[%swap3A_245, %swap3A_246], %swap3A_249 {strides = array<i32>} : memref<128x128xf32, #tpu.memory_space<vmem>>, vector<1x16xf32>,
      %broadcast_in_dim3A_250 = arith.constant 0.000000e+00 : f32
      %broadcast_in_dim3A_251 = vector.broadcast %broadcast_in_dim3A_250 : f32 to vector<16xf32>
      %swap3A_252 = arith.index_cast %scan3A_236 : i32 to index
      %swap3A_253 = arith.constant 32 : index
      %swap3A_254 = tpu.vector_load %arg13[%swap3A_252, %swap3A_253] {strides = array<i32>} : memref<128x128xf32, #tpu.memory_space<vmem>>, vector<1x16xf32>,
      %swap3A_255 = vector.shape_cast %swap3A_254 : vector<1x16xf32> to vector<16xf32>
      %swap3A_256 = vector.shape_cast %broadcast_in_dim3A_251 : vector<16xf32> to vector<1x16xf32>
      tpu.vector_store %arg13[%swap3A_252, %swap3A_253], %swap3A_256 {strides = array<i32>} : memref<128x128xf32, #tpu.memory_space<vmem>>, vector<1x16xf32>,
      %broadcast_in_dim3A_257 = arith.constant 0.000000e+00 : f32
      %broadcast_in_dim3A_258 = vector.broadcast %broadcast_in_dim3A_257 : f32 to vector<16xf32>
      %swap3A_259 = arith.index_cast %scan3A_236 : i32 to index
      %swap3A_260 = arith.constant 48 : index
      %swap3A_261 = tpu.vector_load %arg13[%swap3A_259, %swap3A_260] {strides = array<i32>} : memref<128x128xf32, #tpu.memory_space<vmem>>, vector<1x16xf32>,
      %swap3A_262 = vector.shape_cast %swap3A_261 : vector<1x16xf32> to vector<16xf32>
      %swap3A_263 = vector.shape_cast %broadcast_in_dim3A_258 : vector<16xf32> to vector<1x16xf32>
      tpu.vector_store %arg13[%swap3A_259, %swap3A_260], %swap3A_263 {strides = array<i32>} : memref<128x128xf32, #tpu.memory_space<vmem>>, vector<1x16xf32>,
      %broadcast_in_dim3A_264 = arith.constant 0.000000e+00 : f32
      %broadcast_in_dim3A_265 = vector.broadcast %broadcast_in_dim3A_264 : f32 to vector<16xf32>
      %swap3A_266 = arith.index_cast %scan3A_236 : i32 to index
      %swap3A_267 = arith.constant 64 : index
      %swap3A_268 = tpu.vector_load %arg13[%swap3A_266, %swap3A_267] {strides = array<i32>} : memref<128x128xf32, #tpu.memory_space<vmem>>, vector<1x16xf32>,
      %swap3A_269 = vector.shape_cast %swap3A_268 : vector<1x16xf32> to vector<16xf32>
      %swap3A_270 = vector.shape_cast %broadcast_in_dim3A_265 : vector<16xf32> to vector<1x16xf32>
      tpu.vector_store %arg13[%swap3A_266, %swap3A_267], %swap3A_270 {strides = array<i32>} : memref<128x128xf32, #tpu.memory_space<vmem>>, vector<1x16xf32>,
      %broadcast_in_dim3A_271 = arith.constant 0.000000e+00 : f32
      %broadcast_in_dim3A_272 = vector.broadcast %broadcast_in_dim3A_271 : f32 to vector<16xf32>
      %swap3A_273 = arith.index_cast %scan3A_236 : i32 to index
      %swap3A_274 = arith.constant 80 : index
      %swap3A_275 = tpu.vector_load %arg13[%swap3A_273, %swap3A_274] {strides = array<i32>} : memref<128x128xf32, #tpu.memory_space<vmem>>, vector<1x16xf32>,
      %swap3A_276 = vector.shape_cast %swap3A_275 : vector<1x16xf32> to vector<16xf32>
      %swap3A_277 = vector.shape_cast %broadcast_in_dim3A_272 : vector<16xf32> to vector<1x16xf32>
      tpu.vector_store %arg13[%swap3A_273, %swap3A_274], %swap3A_277 {strides = array<i32>} : memref<128x128xf32, #tpu.memory_space<vmem>>, vector<1x16xf32>,
      %broadcast_in_dim3A_278 = arith.constant 0.000000e+00 : f32
      %broadcast_in_dim3A_279 = vector.broadcast %broadcast_in_dim3A_278 : f32 to vector<16xf32>
      %swap3A_280 = arith.index_cast %scan3A_236 : i32 to index
      %swap3A_281 = arith.constant 96 : index
      %swap3A_282 = tpu.vector_load %arg13[%swap3A_280, %swap3A_281] {strides = array<i32>} : memref<128x128xf32, #tpu.memory_space<vmem>>, vector<1x16xf32>,
      %swap3A_283 = vector.shape_cast %swap3A_282 : vector<1x16xf32> to vector<16xf32>
      %swap3A_284 = vector.shape_cast %broadcast_in_dim3A_279 : vector<16xf32> to vector<1x16xf32>
      tpu.vector_store %arg13[%swap3A_280, %swap3A_281], %swap3A_284 {strides = array<i32>} : memref<128x128xf32, #tpu.memory_space<vmem>>, vector<1x16xf32>,
      %broadcast_in_dim3A_285 = arith.constant 0.000000e+00 : f32
      %broadcast_in_dim3A_286 = vector.broadcast %broadcast_in_dim3A_285 : f32 to vector<16xf32>
      %swap3A_287 = arith.index_cast %scan3A_236 : i32 to index
      %swap3A_288 = arith.constant 112 : index
      %swap3A_289 = tpu.vector_load %arg13[%swap3A_287, %swap3A_288] {strides = array<i32>} : memref<128x128xf32, #tpu.memory_space<vmem>>, vector<1x16xf32>,
      %swap3A_290 = vector.shape_cast %swap3A_289 : vector<1x16xf32> to vector<16xf32>
      %swap3A_291 = vector.shape_cast %broadcast_in_dim3A_286 : vector<16xf32> to vector<1x16xf32>
      tpu.vector_store %arg13[%swap3A_287, %swap3A_288], %swap3A_291 {strides = array<i32>} : memref<128x128xf32, #tpu.memory_space<vmem>>, vector<1x16xf32>,
    }
    %scan3A_4 = arith.constant 128 : i32
    %mul3A_5 = arith.constant 626 : i32
    %mul3A_6 = arith.muli %arg1, %mul3A_5 : i32
    %add3A = arith.constant 0 : i32
    %add3A_7 = arith.addi %mul3A_6, %add3A : i32
    "tpu.region"() ({
      %run_scoped3A_236 = tpu.sem_alloc : memref<!tpu.dma_semaphore, #tpu.memory_space<semaphore_mem>>
      %dma_start3A_237 = arith.constant 0 : i32
      %dma_start3A_238 = tpu.memref_slice %arg15[%add3A_7, %dma_start3A_237] : memref<10016x128xf32, #tpu.memory_space<vmem_shared>> -> memref<128x128xf32, #tpu.memory_space<vmem_shared>>
      %dma_start3A_239 = arith.constant 0 : i32
      %dma_start3A_240 = tpu.memref_slice %arg15[%add3A_7, %dma_start3A_239] : memref<10016x128xf32, #tpu.memory_space<vmem_shared>> -> memref<128x128xf32, #tpu.memory_space<vmem_shared>>
      tpu.enqueue_dma source(%arg13 : memref<128x128xf32, #tpu.memory_space<vmem>>) target(%dma_start3A_240 : memref<128x128xf32, #tpu.memory_space<vmem_shared>>) target_semaphore(%run_scoped3A_236 : memref<!tpu.dma_semaphore, #tpu.memory_space<semaphore_mem>>)
      %dma_wait3A = arith.constant 0 : i32
      %dma_wait3A_241 = tpu.memref_slice %arg15[%add3A_7, %dma_wait3A] : memref<10016x128xf32, #tpu.memory_space<vmem_shared>> -> memref<128x128xf32, #tpu.memory_space<vmem_shared>>
      %dma_wait3A_242 = arith.constant 0 : i32
      %dma_wait3A_243 = tpu.memref_slice %arg15[%add3A_7, %dma_wait3A_242] : memref<10016x128xf32, #tpu.memory_space<vmem_shared>> -> memref<128x128xf32, #tpu.memory_space<vmem_shared>>
      tpu.wait_dma2 semaphore(%run_scoped3A_236 : memref<!tpu.dma_semaphore, #tpu.memory_space<semaphore_mem>>) src(%arg13 : memref<128x128xf32, #tpu.memory_space<vmem>>) dst(%dma_wait3A_243 : memref<128x128xf32, #tpu.memory_space<vmem_shared>>)
      tpu.yield
    }) : () -> ()
    %add3A_8 = arith.constant 128 : i32
    %add3A_9 = arith.addi %mul3A_6, %add3A_8 : i32
    "tpu.region"() ({
      %run_scoped3A_236 = tpu.sem_alloc : memref<!tpu.dma_semaphore, #tpu.memory_space<semaphore_mem>>
      %dma_start3A_237 = arith.constant 0 : i32
      %dma_start3A_238 = tpu.memref_slice %arg15[%add3A_9, %dma_start3A_237] : memref<10016x128xf32, #tpu.memory_space<vmem_shared>> -> memref<128x128xf32, #tpu.memory_space<vmem_shared>>
      %dma_start3A_239 = arith.constant 0 : i32
      %dma_start3A_240 = tpu.memref_slice %arg15[%add3A_9, %dma_start3A_239] : memref<10016x128xf32, #tpu.memory_space<vmem_shared>> -> memref<128x128xf32, #tpu.memory_space<vmem_shared>>
      tpu.enqueue_dma source(%arg13 : memref<128x128xf32, #tpu.memory_space<vmem>>) target(%dma_start3A_240 : memref<128x128xf32, #tpu.memory_space<vmem_shared>>) target_semaphore(%run_scoped3A_236 : memref<!tpu.dma_semaphore, #tpu.memory_space<semaphore_mem>>)
      %dma_wait3A = arith.constant 0 : i32
      %dma_wait3A_241 = tpu.memref_slice %arg15[%add3A_9, %dma_wait3A] : memref<10016x128xf32, #tpu.memory_space<vmem_shared>> -> memref<128x128xf32, #tpu.memory_space<vmem_shared>>
      %dma_wait3A_242 = arith.constant 0 : i32
      %dma_wait3A_243 = tpu.memref_slice %arg15[%add3A_9, %dma_wait3A_242] : memref<10016x128xf32, #tpu.memory_space<vmem_shared>> -> memref<128x128xf32, #tpu.memory_space<vmem_shared>>
      tpu.wait_dma2 semaphore(%run_scoped3A_236 : memref<!tpu.dma_semaphore, #tpu.memory_space<semaphore_mem>>) src(%arg13 : memref<128x128xf32, #tpu.memory_space<vmem>>) dst(%dma_wait3A_243 : memref<128x128xf32, #tpu.memory_space<vmem_shared>>)
      tpu.yield
    }) : () -> ()
    %add3A_10 = arith.constant 256 : i32
    %add3A_11 = arith.addi %mul3A_6, %add3A_10 : i32
    "tpu.region"() ({
      %run_scoped3A_236 = tpu.sem_alloc : memref<!tpu.dma_semaphore, #tpu.memory_space<semaphore_mem>>
      %dma_start3A_237 = arith.constant 0 : i32
      %dma_start3A_238 = tpu.memref_slice %arg15[%add3A_11, %dma_start3A_237] : memref<10016x128xf32, #tpu.memory_space<vmem_shared>> -> memref<128x128xf32, #tpu.memory_space<vmem_shared>>
      %dma_start3A_239 = arith.constant 0 : i32
      %dma_start3A_240 = tpu.memref_slice %arg15[%add3A_11, %dma_start3A_239] : memref<10016x128xf32, #tpu.memory_space<vmem_shared>> -> memref<128x128xf32, #tpu.memory_space<vmem_shared>>
      tpu.enqueue_dma source(%arg13 : memref<128x128xf32, #tpu.memory_space<vmem>>) target(%dma_start3A_240 : memref<128x128xf32, #tpu.memory_space<vmem_shared>>) target_semaphore(%run_scoped3A_236 : memref<!tpu.dma_semaphore, #tpu.memory_space<semaphore_mem>>)
      %dma_wait3A = arith.constant 0 : i32
      %dma_wait3A_241 = tpu.memref_slice %arg15[%add3A_11, %dma_wait3A] : memref<10016x128xf32, #tpu.memory_space<vmem_shared>> -> memref<128x128xf32, #tpu.memory_space<vmem_shared>>
      %dma_wait3A_242 = arith.constant 0 : i32
      %dma_wait3A_243 = tpu.memref_slice %arg15[%add3A_11, %dma_wait3A_242] : memref<10016x128xf32, #tpu.memory_space<vmem_shared>> -> memref<128x128xf32, #tpu.memory_space<vmem_shared>>
      tpu.wait_dma2 semaphore(%run_scoped3A_236 : memref<!tpu.dma_semaphore, #tpu.memory_space<semaphore_mem>>) src(%arg13 : memref<128x128xf32, #tpu.memory_space<vmem>>) dst(%dma_wait3A_243 : memref<128x128xf32, #tpu.memory_space<vmem_shared>>)
      tpu.yield
    }) : () -> ()
    %add3A_12 = arith.constant 384 : i32
    %add3A_13 = arith.addi %mul3A_6, %add3A_12 : i32
    "tpu.region"() ({
      %run_scoped3A_236 = tpu.sem_alloc : memref<!tpu.dma_semaphore, #tpu.memory_space<semaphore_mem>>
      %dma_start3A_237 = arith.constant 0 : i32
      %dma_start3A_238 = tpu.memref_slice %arg15[%add3A_13, %dma_start3A_237] : memref<10016x128xf32, #tpu.memory_space<vmem_shared>> -> memref<128x128xf32, #tpu.memory_space<vmem_shared>>
      %dma_start3A_239 = arith.constant 0 : i32
      %dma_start3A_240 = tpu.memref_slice %arg15[%add3A_13, %dma_start3A_239] : memref<10016x128xf32, #tpu.memory_space<vmem_shared>> -> memref<128x128xf32, #tpu.memory_space<vmem_shared>>
      tpu.enqueue_dma source(%arg13 : memref<128x128xf32, #tpu.memory_space<vmem>>) target(%dma_start3A_240 : memref<128x128xf32, #tpu.memory_space<vmem_shared>>) target_semaphore(%run_scoped3A_236 : memref<!tpu.dma_semaphore, #tpu.memory_space<semaphore_mem>>)
      %dma_wait3A = arith.constant 0 : i32
      %dma_wait3A_241 = tpu.memref_slice %arg15[%add3A_13, %dma_wait3A] : memref<10016x128xf32, #tpu.memory_space<vmem_shared>> -> memref<128x128xf32, #tpu.memory_space<vmem_shared>>
      %dma_wait3A_242 = arith.constant 0 : i32
      %dma_wait3A_243 = tpu.memref_slice %arg15[%add3A_13, %dma_wait3A_242] : memref<10016x128xf32, #tpu.memory_space<vmem_shared>> -> memref<128x128xf32, #tpu.memory_space<vmem_shared>>
      tpu.wait_dma2 semaphore(%run_scoped3A_236 : memref<!tpu.dma_semaphore, #tpu.memory_space<semaphore_mem>>) src(%arg13 : memref<128x128xf32, #tpu.memory_space<vmem>>) dst(%dma_wait3A_243 : memref<128x128xf32, #tpu.memory_space<vmem_shared>>)
      tpu.yield
    }) : () -> ()
    %add3A_14 = arith.constant 512 : i32
    %add3A_15 = arith.addi %mul3A_6, %add3A_14 : i32
    "tpu.region"() ({
      %run_scoped3A_236 = tpu.sem_alloc : memref<!tpu.dma_semaphore, #tpu.memory_space<semaphore_mem>>
      %dma_start3A_237 = arith.constant 0 : i32
      %dma_start3A_238 = arith.constant 0 : i32
      %dma_start3A_239 = tpu.memref_slice %arg13[%dma_start3A_237, %dma_start3A_238] : memref<128x128xf32, #tpu.memory_space<vmem>> -> memref<114x128xf32, #tpu.memory_space<vmem>>
      %dma_start3A_240 = arith.constant 0 : i32
      %dma_start3A_241 = tpu.memref_slice %arg15[%add3A_15, %dma_start3A_240] : memref<10016x128xf32, #tpu.memory_space<vmem_shared>> -> memref<114x128xf32, #tpu.memory_space<vmem_shared>>
      %dma_start3A_242 = arith.constant 0 : i32
      %dma_start3A_243 = tpu.memref_slice %arg15[%add3A_15, %dma_start3A_242] : memref<10016x128xf32, #tpu.memory_space<vmem_shared>> -> memref<114x128xf32, #tpu.memory_space<vmem_shared>>
      %dma_start3A_244 = arith.constant 0 : i32
      %dma_start3A_245 = arith.constant 0 : i32
      %dma_start3A_246 = tpu.memref_slice %arg13[%dma_start3A_244, %dma_start3A_245] : memref<128x128xf32, #tpu.memory_space<vmem>> -> memref<114x128xf32, #tpu.memory_space<vmem>>
      tpu.enqueue_dma source(%dma_start3A_246 : memref<114x128xf32, #tpu.memory_space<vmem>>) target(%dma_start3A_243 : memref<114x128xf32, #tpu.memory_space<vmem_shared>>) target_semaphore(%run_scoped3A_236 : memref<!tpu.dma_semaphore, #tpu.memory_space<semaphore_mem>>)
      %dma_wait3A = arith.constant 0 : i32
      %dma_wait3A_247 = arith.constant 0 : i32
      %dma_wait3A_248 = tpu.memref_slice %arg13[%dma_wait3A, %dma_wait3A_247] : memref<128x128xf32, #tpu.memory_space<vmem>> -> memref<114x128xf32, #tpu.memory_space<vmem>>
      %dma_wait3A_249 = arith.constant 0 : i32
      %dma_wait3A_250 = tpu.memref_slice %arg15[%add3A_15, %dma_wait3A_249] : memref<10016x128xf32, #tpu.memory_space<vmem_shared>> -> memref<114x128xf32, #tpu.memory_space<vmem_shared>>
      %dma_wait3A_251 = arith.constant 0 : i32
      %dma_wait3A_252 = tpu.memref_slice %arg15[%add3A_15, %dma_wait3A_251] : memref<10016x128xf32, #tpu.memory_space<vmem_shared>> -> memref<114x128xf32, #tpu.memory_space<vmem_shared>>
      %dma_wait3A_253 = arith.constant 0 : i32
      %dma_wait3A_254 = arith.constant 0 : i32
      %dma_wait3A_255 = tpu.memref_slice %arg13[%dma_wait3A_253, %dma_wait3A_254] : memref<128x128xf32, #tpu.memory_space<vmem>> -> memref<114x128xf32, #tpu.memory_space<vmem>>
      tpu.wait_dma2 semaphore(%run_scoped3A_236 : memref<!tpu.dma_semaphore, #tpu.memory_space<semaphore_mem>>) src(%dma_wait3A_255 : memref<114x128xf32, #tpu.memory_space<vmem>>) dst(%dma_wait3A_252 : memref<114x128xf32, #tpu.memory_space<vmem_shared>>)
      tpu.yield
    }) : () -> ()
    %barrier3A = arith.constant 0 : index
    tpu.barrier barrier_id(%barrier3A)
    %run_scoped3A = arith.constant 0 : i32
    "tpu.region"() ({
      %run_scoped3A_236 = tpu.sem_alloc : memref<!tpu.dma_semaphore, #tpu.memory_space<semaphore_mem>>
      %dma_start3A_237 = arith.constant 0 : i32
      %dma_start3A_238 = tpu.memref_slice %arg2[%arg1, %run_scoped3A, %dma_start3A_237] : memref<16x79x128xi32, #tpu.memory_space<hbm>> -> memref<1x1x128xi32, #tpu.memory_space<hbm>>
      %dma_start3A_239 = tpu.memref_squeeze %dma_start3A_238 : memref<1x1x128xi32, #tpu.memory_space<hbm>> -> memref<128xi32, #tpu.memory_space<hbm>>
      %dma_start3A_240 = arith.constant 0 : i32
      %dma_start3A_241 = tpu.memref_slice %arg2[%arg1, %run_scoped3A, %dma_start3A_240] : memref<16x79x128xi32, #tpu.memory_space<hbm>> -> memref<1x1x128xi32, #tpu.memory_space<hbm>>
      %dma_start3A_242 = tpu.memref_squeeze %dma_start3A_241 : memref<1x1x128xi32, #tpu.memory_space<hbm>> -> memref<128xi32, #tpu.memory_space<hbm>>
      tpu.enqueue_dma source(%dma_start3A_242 : memref<128xi32, #tpu.memory_space<hbm>>) target(%arg7 : memref<128xi32, #tpu.memory_space<vmem>>) target_semaphore(%run_scoped3A_236 : memref<!tpu.dma_semaphore, #tpu.memory_space<semaphore_mem>>)
      %dma_wait3A = arith.constant 0 : i32
      %dma_wait3A_243 = tpu.memref_slice %arg2[%arg1, %run_scoped3A, %dma_wait3A] : memref<16x79x128xi32, #tpu.memory_space<hbm>> -> memref<1x1x128xi32, #tpu.memory_space<hbm>>
      %dma_wait3A_244 = tpu.memref_squeeze %dma_wait3A_243 : memref<1x1x128xi32, #tpu.memory_space<hbm>> -> memref<128xi32, #tpu.memory_space<hbm>>
      %dma_wait3A_245 = arith.constant 0 : i32
      %dma_wait3A_246 = tpu.memref_slice %arg2[%arg1, %run_scoped3A, %dma_wait3A_245] : memref<16x79x128xi32, #tpu.memory_space<hbm>> -> memref<1x1x128xi32, #tpu.memory_space<hbm>>
      %dma_wait3A_247 = tpu.memref_squeeze %dma_wait3A_246 : memref<1x1x128xi32, #tpu.memory_space<hbm>> -> memref<128xi32, #tpu.memory_space<hbm>>
      tpu.wait_dma2 semaphore(%run_scoped3A_236 : memref<!tpu.dma_semaphore, #tpu.memory_space<semaphore_mem>>) src(%dma_wait3A_247 : memref<128xi32, #tpu.memory_space<hbm>>) dst(%arg7 : memref<128xi32, #tpu.memory_space<vmem>>)
      tpu.yield
    }) : () -> ()
    %run_scoped3A_16 = arith.constant 0 : i32
    "tpu.region"() ({
      %run_scoped3A_236 = tpu.sem_alloc : memref<!tpu.dma_semaphore, #tpu.memory_space<semaphore_mem>>
      %dma_start3A_237 = arith.constant 0 : i32
      %dma_start3A_238 = tpu.memref_slice %arg4[%arg1, %run_scoped3A_16, %dma_start3A_237] : memref<16x79x128xi32, #tpu.memory_space<hbm>> -> memref<1x1x128xi32, #tpu.memory_space<hbm>>
      %dma_start3A_239 = tpu.memref_squeeze %dma_start3A_238 : memref<1x1x128xi32, #tpu.memory_space<hbm>> -> memref<128xi32, #tpu.memory_space<hbm>>
      %dma_start3A_240 = arith.constant 0 : i32
      %dma_start3A_241 = tpu.memref_slice %arg4[%arg1, %run_scoped3A_16, %dma_start3A_240] : memref<16x79x128xi32, #tpu.memory_space<hbm>> -> memref<1x1x128xi32, #tpu.memory_space<hbm>>
      %dma_start3A_242 = tpu.memref_squeeze %dma_start3A_241 : memref<1x1x128xi32, #tpu.memory_space<hbm>> -> memref<128xi32, #tpu.memory_space<hbm>>
      tpu.enqueue_dma source(%dma_start3A_242 : memref<128xi32, #tpu.memory_space<hbm>>) target(%arg8 : memref<128xi32, #tpu.memory_space<vmem>>) target_semaphore(%run_scoped3A_236 : memref<!tpu.dma_semaphore, #tpu.memory_space<semaphore_mem>>)
      %dma_wait3A = arith.constant 0 : i32
      %dma_wait3A_243 = tpu.memref_slice %arg4[%arg1, %run_scoped3A_16, %dma_wait3A] : memref<16x79x128xi32, #tpu.memory_space<hbm>> -> memref<1x1x128xi32, #tpu.memory_space<hbm>>
      %dma_wait3A_244 = tpu.memref_squeeze %dma_wait3A_243 : memref<1x1x128xi32, #tpu.memory_space<hbm>> -> memref<128xi32, #tpu.memory_space<hbm>>
      %dma_wait3A_245 = arith.constant 0 : i32
      %dma_wait3A_246 = tpu.memref_slice %arg4[%arg1, %run_scoped3A_16, %dma_wait3A_245] : memref<16x79x128xi32, #tpu.memory_space<hbm>> -> memref<1x1x128xi32, #tpu.memory_space<hbm>>
      %dma_wait3A_247 = tpu.memref_squeeze %dma_wait3A_246 : memref<1x1x128xi32, #tpu.memory_space<hbm>> -> memref<128xi32, #tpu.memory_space<hbm>>
      tpu.wait_dma2 semaphore(%run_scoped3A_236 : memref<!tpu.dma_semaphore, #tpu.memory_space<semaphore_mem>>) src(%dma_wait3A_247 : memref<128xi32, #tpu.memory_space<hbm>>) dst(%arg8 : memref<128xi32, #tpu.memory_space<vmem>>)
      tpu.yield
    }) : () -> ()
    %scan3A_17 = arith.constant 0 : i32
    %mul3A_18 = arith.constant 16 : i32
    %mul3A_19 = arith.muli %scan3A_17, %mul3A_18 : i32
    %get3A = arith.index_cast %mul3A_19 : i32 to index
    %get3A_20 = tpu.vector_load %arg8[%get3A] {strides = array<i32>} : memref<128xi32, #tpu.memory_space<vmem>>, vector<16xi32>,
    %get3A_21 = vector.shape_cast %get3A_20 : vector<16xi32> to vector<16xi32>
    %mul3A_22 = arith.constant 16 : i32
    %mul3A_23 = arith.muli %scan3A_17, %mul3A_22 : i32
    %get3A_24 = arith.index_cast %mul3A_23 : i32 to index
    %get3A_25 = tpu.vector_load %arg7[%get3A_24] {strides = array<i32>} : memref<128xi32, #tpu.memory_space<vmem>>, vector<16xi32>,
    %get3A_26 = vector.shape_cast %get3A_25 : vector<16xi32> to vector<16xi32>
    %and3A = arith.constant 7 : i32
    %and3A_27 = vector.broadcast %and3A : i32 to vector<16xi32>
    %and3A_28 = arith.andi %get3A_21, %and3A_27 : vector<16xi32>
    %mul3A_29 = arith.constant 10000 : i32
    %mul3A_30 = vector.broadcast %mul3A_29 : i32 to vector<16xi32>
    %mul3A_31 = arith.muli %and3A_28, %mul3A_30 : vector<16xi32>
    %add3A_32 = arith.addi %mul3A_31, %get3A_26 : vector<16xi32>
    %add3A_33 = vector.broadcast %mul3A_0 : i32 to vector<16xi32>
    %add3A_34 = arith.addi %add3A_32, %add3A_33 : vector<16xi32>
    %mul3A_35 = arith.constant 16 : i32
    %mul3A_36 = arith.muli %scan3A_17, %mul3A_35 : i32
    %swap3A = arith.index_cast %mul3A_36 : i32 to index
    %swap3A_37 = tpu.vector_load %arg11[%swap3A] {strides = array<i32>} : memref<128xi32, #tpu.memory_space<vmem>>, vector<16xi32>,
    %swap3A_38 = vector.shape_cast %swap3A_37 : vector<16xi32> to vector<16xi32>
    %swap3A_39 = vector.shape_cast %add3A_34 : vector<16xi32> to vector<16xi32>
    tpu.vector_store %arg11[%swap3A], %swap3A_39 {strides = array<i32>} : memref<128xi32, #tpu.memory_space<vmem>>, vector<16xi32>,
    %scan3A_40 = arith.constant 1 : i32
    %mul3A_41 = arith.constant 16 : i32
    %mul3A_42 = arith.muli %scan3A_40, %mul3A_41 : i32
    %get3A_43 = arith.index_cast %mul3A_42 : i32 to index
    %get3A_44 = tpu.vector_load %arg8[%get3A_43] {strides = array<i32>} : memref<128xi32, #tpu.memory_space<vmem>>, vector<16xi32>,
    %get3A_45 = vector.shape_cast %get3A_44 : vector<16xi32> to vector<16xi32>
    %mul3A_46 = arith.constant 16 : i32
    %mul3A_47 = arith.muli %scan3A_40, %mul3A_46 : i32
    %get3A_48 = arith.index_cast %mul3A_47 : i32 to index
    %get3A_49 = tpu.vector_load %arg7[%get3A_48] {strides = array<i32>} : memref<128xi32, #tpu.memory_space<vmem>>, vector<16xi32>,
    %get3A_50 = vector.shape_cast %get3A_49 : vector<16xi32> to vector<16xi32>
    %and3A_51 = arith.constant 7 : i32
    %and3A_52 = vector.broadcast %and3A_51 : i32 to vector<16xi32>
    %and3A_53 = arith.andi %get3A_45, %and3A_52 : vector<16xi32>
    %mul3A_54 = arith.constant 10000 : i32
    %mul3A_55 = vector.broadcast %mul3A_54 : i32 to vector<16xi32>
    %mul3A_56 = arith.muli %and3A_53, %mul3A_55 : vector<16xi32>
    %add3A_57 = arith.addi %mul3A_56, %get3A_50 : vector<16xi32>
    %add3A_58 = vector.broadcast %mul3A_0 : i32 to vector<16xi32>
    %add3A_59 = arith.addi %add3A_57, %add3A_58 : vector<16xi32>
    %mul3A_60 = arith.constant 16 : i32
    %mul3A_61 = arith.muli %scan3A_40, %mul3A_60 : i32
    %swap3A_62 = arith.index_cast %mul3A_61 : i32 to index
    %swap3A_63 = tpu.vector_load %arg11[%swap3A_62] {strides = array<i32>} : memref<128xi32, #tpu.memory_space<vmem>>, vector<16xi32>,
    %swap3A_64 = vector.shape_cast %swap3A_63 : vector<16xi32> to vector<16xi32>
    %swap3A_65 = vector.shape_cast %add3A_59 : vector<16xi32> to vector<16xi32>
    tpu.vector_store %arg11[%swap3A_62], %swap3A_65 {strides = array<i32>} : memref<128xi32, #tpu.memory_space<vmem>>, vector<16xi32>,
    %scan3A_66 = arith.constant 2 : i32
    %mul3A_67 = arith.constant 16 : i32
    %mul3A_68 = arith.muli %scan3A_66, %mul3A_67 : i32
    %get3A_69 = arith.index_cast %mul3A_68 : i32 to index
    %get3A_70 = tpu.vector_load %arg8[%get3A_69] {strides = array<i32>} : memref<128xi32, #tpu.memory_space<vmem>>, vector<16xi32>,
    %get3A_71 = vector.shape_cast %get3A_70 : vector<16xi32> to vector<16xi32>
    %mul3A_72 = arith.constant 16 : i32
    %mul3A_73 = arith.muli %scan3A_66, %mul3A_72 : i32
    %get3A_74 = arith.index_cast %mul3A_73 : i32 to index
    %get3A_75 = tpu.vector_load %arg7[%get3A_74] {strides = array<i32>} : memref<128xi32, #tpu.memory_space<vmem>>, vector<16xi32>,
    %get3A_76 = vector.shape_cast %get3A_75 : vector<16xi32> to vector<16xi32>
    %and3A_77 = arith.constant 7 : i32
    %and3A_78 = vector.broadcast %and3A_77 : i32 to vector<16xi32>
    %and3A_79 = arith.andi %get3A_71, %and3A_78 : vector<16xi32>
    %mul3A_80 = arith.constant 10000 : i32
    %mul3A_81 = vector.broadcast %mul3A_80 : i32 to vector<16xi32>
    %mul3A_82 = arith.muli %and3A_79, %mul3A_81 : vector<16xi32>
    %add3A_83 = arith.addi %mul3A_82, %get3A_76 : vector<16xi32>
    %add3A_84 = vector.broadcast %mul3A_0 : i32 to vector<16xi32>
    %add3A_85 = arith.addi %add3A_83, %add3A_84 : vector<16xi32>
    %mul3A_86 = arith.constant 16 : i32
    %mul3A_87 = arith.muli %scan3A_66, %mul3A_86 : i32
    %swap3A_88 = arith.index_cast %mul3A_87 : i32 to index
    %swap3A_89 = tpu.vector_load %arg11[%swap3A_88] {strides = array<i32>} : memref<128xi32, #tpu.memory_space<vmem>>, vector<16xi32>,
    %swap3A_90 = vector.shape_cast %swap3A_89 : vector<16xi32> to vector<16xi32>
    %swap3A_91 = vector.shape_cast %add3A_85 : vector<16xi32> to vector<16xi32>
    tpu.vector_store %arg11[%swap3A_88], %swap3A_91 {strides = array<i32>} : memref<128xi32, #tpu.memory_space<vmem>>, vector<16xi32>,
    %scan3A_92 = arith.constant 3 : i32
    %mul3A_93 = arith.constant 16 : i32
    %mul3A_94 = arith.muli %scan3A_92, %mul3A_93 : i32
    %get3A_95 = arith.index_cast %mul3A_94 : i32 to index
    %get3A_96 = tpu.vector_load %arg8[%get3A_95] {strides = array<i32>} : memref<128xi32, #tpu.memory_space<vmem>>, vector<16xi32>,
    %get3A_97 = vector.shape_cast %get3A_96 : vector<16xi32> to vector<16xi32>
    %mul3A_98 = arith.constant 16 : i32
    %mul3A_99 = arith.muli %scan3A_92, %mul3A_98 : i32
    %get3A_100 = arith.index_cast %mul3A_99 : i32 to index
    %get3A_101 = tpu.vector_load %arg7[%get3A_100] {strides = array<i32>} : memref<128xi32, #tpu.memory_space<vmem>>, vector<16xi32>,
    %get3A_102 = vector.shape_cast %get3A_101 : vector<16xi32> to vector<16xi32>
    %and3A_103 = arith.constant 7 : i32
    %and3A_104 = vector.broadcast %and3A_103 : i32 to vector<16xi32>
    %and3A_105 = arith.andi %get3A_97, %and3A_104 : vector<16xi32>
    %mul3A_106 = arith.constant 10000 : i32
    %mul3A_107 = vector.broadcast %mul3A_106 : i32 to vector<16xi32>
    %mul3A_108 = arith.muli %and3A_105, %mul3A_107 : vector<16xi32>
    %add3A_109 = arith.addi %mul3A_108, %get3A_102 : vector<16xi32>
    %add3A_110 = vector.broadcast %mul3A_0 : i32 to vector<16xi32>
    %add3A_111 = arith.addi %add3A_109, %add3A_110 : vector<16xi32>
    %mul3A_112 = arith.constant 16 : i32
    %mul3A_113 = arith.muli %scan3A_92, %mul3A_112 : i32
    %swap3A_114 = arith.index_cast %mul3A_113 : i32 to index
    %swap3A_115 = tpu.vector_load %arg11[%swap3A_114] {strides = array<i32>} : memref<128xi32, #tpu.memory_space<vmem>>, vector<16xi32>,
    %swap3A_116 = vector.shape_cast %swap3A_115 : vector<16xi32> to vector<16xi32>
    %swap3A_117 = vector.shape_cast %add3A_111 : vector<16xi32> to vector<16xi32>
    tpu.vector_store %arg11[%swap3A_114], %swap3A_117 {strides = array<i32>} : memref<128xi32, #tpu.memory_space<vmem>>, vector<16xi32>,
    %scan3A_118 = arith.constant 4 : i32
    %mul3A_119 = arith.constant 16 : i32
    %mul3A_120 = arith.muli %scan3A_118, %mul3A_119 : i32
    %get3A_121 = arith.index_cast %mul3A_120 : i32 to index
    %get3A_122 = tpu.vector_load %arg8[%get3A_121] {strides = array<i32>} : memref<128xi32, #tpu.memory_space<vmem>>, vector<16xi32>,
    %get3A_123 = vector.shape_cast %get3A_122 : vector<16xi32> to vector<16xi32>
    %mul3A_124 = arith.constant 16 : i32
    %mul3A_125 = arith.muli %scan3A_118, %mul3A_124 : i32
    %get3A_126 = arith.index_cast %mul3A_125 : i32 to index
    %get3A_127 = tpu.vector_load %arg7[%get3A_126] {strides = array<i32>} : memref<128xi32, #tpu.memory_space<vmem>>, vector<16xi32>,
    %get3A_128 = vector.shape_cast %get3A_127 : vector<16xi32> to vector<16xi32>
    %and3A_129 = arith.constant 7 : i32
    %and3A_130 = vector.broadcast %and3A_129 : i32 to vector<16xi32>
    %and3A_131 = arith.andi %get3A_123, %and3A_130 : vector<16xi32>
    %mul3A_132 = arith.constant 10000 : i32
    %mul3A_133 = vector.broadcast %mul3A_132 : i32 to vector<16xi32>
    %mul3A_134 = arith.muli %and3A_131, %mul3A_133 : vector<16xi32>
    %add3A_135 = arith.addi %mul3A_134, %get3A_128 : vector<16xi32>
    %add3A_136 = vector.broadcast %mul3A_0 : i32 to vector<16xi32>
    %add3A_137 = arith.addi %add3A_135, %add3A_136 : vector<16xi32>
    %mul3A_138 = arith.constant 16 : i32
    %mul3A_139 = arith.muli %scan3A_118, %mul3A_138 : i32
    %swap3A_140 = arith.index_cast %mul3A_139 : i32 to index
    %swap3A_141 = tpu.vector_load %arg11[%swap3A_140] {strides = array<i32>} : memref<128xi32, #tpu.memory_space<vmem>>, vector<16xi32>,
    %swap3A_142 = vector.shape_cast %swap3A_141 : vector<16xi32> to vector<16xi32>
    %swap3A_143 = vector.shape_cast %add3A_137 : vector<16xi32> to vector<16xi32>
    tpu.vector_store %arg11[%swap3A_140], %swap3A_143 {strides = array<i32>} : memref<128xi32, #tpu.memory_space<vmem>>, vector<16xi32>,
    %scan3A_144 = arith.constant 5 : i32
    %mul3A_145 = arith.constant 16 : i32
    %mul3A_146 = arith.muli %scan3A_144, %mul3A_145 : i32
    %get3A_147 = arith.index_cast %mul3A_146 : i32 to index
    %get3A_148 = tpu.vector_load %arg8[%get3A_147] {strides = array<i32>} : memref<128xi32, #tpu.memory_space<vmem>>, vector<16xi32>,
    %get3A_149 = vector.shape_cast %get3A_148 : vector<16xi32> to vector<16xi32>
    %mul3A_150 = arith.constant 16 : i32
    %mul3A_151 = arith.muli %scan3A_144, %mul3A_150 : i32
    %get3A_152 = arith.index_cast %mul3A_151 : i32 to index
    %get3A_153 = tpu.vector_load %arg7[%get3A_152] {strides = array<i32>} : memref<128xi32, #tpu.memory_space<vmem>>, vector<16xi32>,
    %get3A_154 = vector.shape_cast %get3A_153 : vector<16xi32> to vector<16xi32>
    %and3A_155 = arith.constant 7 : i32
    %and3A_156 = vector.broadcast %and3A_155 : i32 to vector<16xi32>
    %and3A_157 = arith.andi %get3A_149, %and3A_156 : vector<16xi32>
    %mul3A_158 = arith.constant 10000 : i32
    %mul3A_159 = vector.broadcast %mul3A_158 : i32 to vector<16xi32>
    %mul3A_160 = arith.muli %and3A_157, %mul3A_159 : vector<16xi32>
    %add3A_161 = arith.addi %mul3A_160, %get3A_154 : vector<16xi32>
    %add3A_162 = vector.broadcast %mul3A_0 : i32 to vector<16xi32>
    %add3A_163 = arith.addi %add3A_161, %add3A_162 : vector<16xi32>
    %mul3A_164 = arith.constant 16 : i32
    %mul3A_165 = arith.muli %scan3A_144, %mul3A_164 : i32
    %swap3A_166 = arith.index_cast %mul3A_165 : i32 to index
    %swap3A_167 = tpu.vector_load %arg11[%swap3A_166] {strides = array<i32>} : memref<128xi32, #tpu.memory_space<vmem>>, vector<16xi32>,
    %swap3A_168 = vector.shape_cast %swap3A_167 : vector<16xi32> to vector<16xi32>
    %swap3A_169 = vector.shape_cast %add3A_163 : vector<16xi32> to vector<16xi32>
    tpu.vector_store %arg11[%swap3A_166], %swap3A_169 {strides = array<i32>} : memref<128xi32, #tpu.memory_space<vmem>>, vector<16xi32>,
    %scan3A_170 = arith.constant 6 : i32
    %mul3A_171 = arith.constant 16 : i32
    %mul3A_172 = arith.muli %scan3A_170, %mul3A_171 : i32
    %get3A_173 = arith.index_cast %mul3A_172 : i32 to index
    %get3A_174 = tpu.vector_load %arg8[%get3A_173] {strides = array<i32>} : memref<128xi32, #tpu.memory_space<vmem>>, vector<16xi32>,
    %get3A_175 = vector.shape_cast %get3A_174 : vector<16xi32> to vector<16xi32>
    %mul3A_176 = arith.constant 16 : i32
    %mul3A_177 = arith.muli %scan3A_170, %mul3A_176 : i32
    %get3A_178 = arith.index_cast %mul3A_177 : i32 to index
    %get3A_179 = tpu.vector_load %arg7[%get3A_178] {strides = array<i32>} : memref<128xi32, #tpu.memory_space<vmem>>, vector<16xi32>,
    %get3A_180 = vector.shape_cast %get3A_179 : vector<16xi32> to vector<16xi32>
    %and3A_181 = arith.constant 7 : i32
    %and3A_182 = vector.broadcast %and3A_181 : i32 to vector<16xi32>
    %and3A_183 = arith.andi %get3A_175, %and3A_182 : vector<16xi32>
    %mul3A_184 = arith.constant 10000 : i32
    %mul3A_185 = vector.broadcast %mul3A_184 : i32 to vector<16xi32>
    %mul3A_186 = arith.muli %and3A_183, %mul3A_185 : vector<16xi32>
    %add3A_187 = arith.addi %mul3A_186, %get3A_180 : vector<16xi32>
    %add3A_188 = vector.broadcast %mul3A_0 : i32 to vector<16xi32>
    %add3A_189 = arith.addi %add3A_187, %add3A_188 : vector<16xi32>
    %mul3A_190 = arith.constant 16 : i32
    %mul3A_191 = arith.muli %scan3A_170, %mul3A_190 : i32
    %swap3A_192 = arith.index_cast %mul3A_191 : i32 to index
    %swap3A_193 = tpu.vector_load %arg11[%swap3A_192] {strides = array<i32>} : memref<128xi32, #tpu.memory_space<vmem>>, vector<16xi32>,
    %swap3A_194 = vector.shape_cast %swap3A_193 : vector<16xi32> to vector<16xi32>
    %swap3A_195 = vector.shape_cast %add3A_189 : vector<16xi32> to vector<16xi32>
    tpu.vector_store %arg11[%swap3A_192], %swap3A_195 {strides = array<i32>} : memref<128xi32, #tpu.memory_space<vmem>>, vector<16xi32>,
    %scan3A_196 = arith.constant 7 : i32
    %mul3A_197 = arith.constant 16 : i32
    %mul3A_198 = arith.muli %scan3A_196, %mul3A_197 : i32
    %get3A_199 = arith.index_cast %mul3A_198 : i32 to index
    %get3A_200 = tpu.vector_load %arg8[%get3A_199] {strides = array<i32>} : memref<128xi32, #tpu.memory_space<vmem>>, vector<16xi32>,
    %get3A_201 = vector.shape_cast %get3A_200 : vector<16xi32> to vector<16xi32>
    %mul3A_202 = arith.constant 16 : i32
    %mul3A_203 = arith.muli %scan3A_196, %mul3A_202 : i32
    %get3A_204 = arith.index_cast %mul3A_203 : i32 to index
    %get3A_205 = tpu.vector_load %arg7[%get3A_204] {strides = array<i32>} : memref<128xi32, #tpu.memory_space<vmem>>, vector<16xi32>,
    %get3A_206 = vector.shape_cast %get3A_205 : vector<16xi32> to vector<16xi32>
    %and3A_207 = arith.constant 7 : i32
    %and3A_208 = vector.broadcast %and3A_207 : i32 to vector<16xi32>
    %and3A_209 = arith.andi %get3A_201, %and3A_208 : vector<16xi32>
    %mul3A_210 = arith.constant 10000 : i32
    %mul3A_211 = vector.broadcast %mul3A_210 : i32 to vector<16xi32>
    %mul3A_212 = arith.muli %and3A_209, %mul3A_211 : vector<16xi32>
    %add3A_213 = arith.addi %mul3A_212, %get3A_206 : vector<16xi32>
    %add3A_214 = vector.broadcast %mul3A_0 : i32 to vector<16xi32>
    %add3A_215 = arith.addi %add3A_213, %add3A_214 : vector<16xi32>
    %mul3A_216 = arith.constant 16 : i32
    %mul3A_217 = arith.muli %scan3A_196, %mul3A_216 : i32
    %swap3A_218 = arith.index_cast %mul3A_217 : i32 to index
    %swap3A_219 = tpu.vector_load %arg11[%swap3A_218] {strides = array<i32>} : memref<128xi32, #tpu.memory_space<vmem>>, vector<16xi32>,
    %swap3A_220 = vector.shape_cast %swap3A_219 : vector<16xi32> to vector<16xi32>
    %swap3A_221 = vector.shape_cast %add3A_215 : vector<16xi32> to vector<16xi32>
    tpu.vector_store %arg11[%swap3A_218], %swap3A_221 {strides = array<i32>} : memref<128xi32, #tpu.memory_space<vmem>>, vector<16xi32>,
    %scan3A_222 = arith.constant 8 : i32
    %run_scoped3A_223 = arith.constant 0 : i32
    "tpu.region"() ({
      %run_scoped3A_236 = tpu.sem_alloc : memref<!tpu.dma_semaphore, #tpu.memory_space<semaphore_mem>>
      %dma_start3A_237 = arith.constant 0 : i32
      %dma_start3A_238 = tpu.memref_slice %arg3[%arg1, %run_scoped3A_223, %dma_start3A_237] : memref<16x79x128xi32, #tpu.memory_space<hbm>> -> memref<1x1x128xi32, #tpu.memory_space<hbm>>
      %dma_start3A_239 = tpu.memref_squeeze %dma_start3A_238 : memref<1x1x128xi32, #tpu.memory_space<hbm>> -> memref<128xi32, #tpu.memory_space<hbm>>
      %dma_start3A_240 = arith.constant 0 : i32
      %dma_start3A_241 = tpu.memref_slice %arg3[%arg1, %run_scoped3A_223, %dma_start3A_240] : memref<16x79x128xi32, #tpu.memory_space<hbm>> -> memref<1x1x128xi32, #tpu.memory_space<hbm>>
      %dma_start3A_242 = tpu.memref_squeeze %dma_start3A_241 : memref<1x1x128xi32, #tpu.memory_space<hbm>> -> memref<128xi32, #tpu.memory_space<hbm>>
      tpu.enqueue_dma source(%dma_start3A_242 : memref<128xi32, #tpu.memory_space<hbm>>) target(%arg9 : memref<128xi32, #tpu.memory_space<vmem>>) target_semaphore(%run_scoped3A_236 : memref<!tpu.dma_semaphore, #tpu.memory_space<semaphore_mem>>)
      %dma_wait3A = arith.constant 0 : i32
      %dma_wait3A_243 = tpu.memref_slice %arg3[%arg1, %run_scoped3A_223, %dma_wait3A] : memref<16x79x128xi32, #tpu.memory_space<hbm>> -> memref<1x1x128xi32, #tpu.memory_space<hbm>>
      %dma_wait3A_244 = tpu.memref_squeeze %dma_wait3A_243 : memref<1x1x128xi32, #tpu.memory_space<hbm>> -> memref<128xi32, #tpu.memory_space<hbm>>
      %dma_wait3A_245 = arith.constant 0 : i32
      %dma_wait3A_246 = tpu.memref_slice %arg3[%arg1, %run_scoped3A_223, %dma_wait3A_245] : memref<16x79x128xi32, #tpu.memory_space<hbm>> -> memref<1x1x128xi32, #tpu.memory_space<hbm>>
      %dma_wait3A_247 = tpu.memref_squeeze %dma_wait3A_246 : memref<1x1x128xi32, #tpu.memory_space<hbm>> -> memref<128xi32, #tpu.memory_space<hbm>>
      tpu.wait_dma2 semaphore(%run_scoped3A_236 : memref<!tpu.dma_semaphore, #tpu.memory_space<semaphore_mem>>) src(%dma_wait3A_247 : memref<128xi32, #tpu.memory_space<hbm>>) dst(%arg9 : memref<128xi32, #tpu.memory_space<vmem>>)
      tpu.yield
    }) : () -> ()
    %dma_start3A = arith.constant 0 : i32
    %dma_start3A_224 = arith.constant 0 : i32
    %dma_start3A_225 = tpu.memref_slice %arg5[%dma_start3A, %dma_start3A_224] : memref<160000x128xf32, #tpu.memory_space<hbm>> -> memref<160000x128xf32, #tpu.memory_space<hbm>>
    tpu.enqueue_indirect_dma source(%dma_start3A_225 : memref<160000x128xf32, #tpu.memory_space<hbm>>) target(%arg13 : memref<128x128xf32, #tpu.memory_space<vmem>>) offsets(%arg11 : memref<128xi32, #tpu.memory_space<vmem>>) semaphore(%arg16 : memref<!tpu.dma_semaphore, #tpu.memory_space<semaphore_mem>>)
    %scan3A_226 = arith.constant 0 : i32
    %scan3A_227 = arith.constant 40 : i32
    %scan3A_228 = arith.addi %scan3A_226, %scan3A_227 : i32
    %scan3A_229 = arith.constant 1 : i32
    scf.for %scan3A_236 = %scan3A_226 to %scan3A_228 step %scan3A_229  : i32 {
      %mul3A_237 = arith.constant 2 : i32
      %mul3A_238 = arith.muli %mul3A_237, %scan3A_236 : i32
      %add3A_239 = arith.constant 1 : i32
      %add3A_240 = arith.addi %mul3A_238, %add3A_239 : i32
      %lt3A = arith.constant 79 : i32
      %lt3A_241 = arith.cmpi slt, %add3A_240, %lt3A : i32
      %convert_element_type3A_242 = arith.extui %lt3A_241 : i1 to i32
      %cond3A_243 = arith.constant 0 : i32
      %cond3A_244 = arith.cmpi ne, %convert_element_type3A_242, %cond3A_243 : i32
      scf.if %cond3A_244 {
        %add3A_261 = arith.constant 1 : i32
        %add3A_262 = arith.addi %mul3A_238, %add3A_261 : i32
        "tpu.region"() ({
          %run_scoped3A_475 = tpu.sem_alloc : memref<!tpu.dma_semaphore, #tpu.memory_space<semaphore_mem>>
          %dma_start3A_476 = arith.constant 0 : i32
          %dma_start3A_477 = tpu.memref_slice %arg2[%arg1, %add3A_262, %dma_start3A_476] : memref<16x79x128xi32, #tpu.memory_space<hbm>> -> memref<1x1x128xi32, #tpu.memory_space<hbm>>
          %dma_start3A_478 = tpu.memref_squeeze %dma_start3A_477 : memref<1x1x128xi32, #tpu.memory_space<hbm>> -> memref<128xi32, #tpu.memory_space<hbm>>
          %dma_start3A_479 = arith.constant 0 : i32
          %dma_start3A_480 = tpu.memref_slice %arg2[%arg1, %add3A_262, %dma_start3A_479] : memref<16x79x128xi32, #tpu.memory_space<hbm>> -> memref<1x1x128xi32, #tpu.memory_space<hbm>>
          %dma_start3A_481 = tpu.memref_squeeze %dma_start3A_480 : memref<1x1x128xi32, #tpu.memory_space<hbm>> -> memref<128xi32, #tpu.memory_space<hbm>>
          tpu.enqueue_dma source(%dma_start3A_481 : memref<128xi32, #tpu.memory_space<hbm>>) target(%arg7 : memref<128xi32, #tpu.memory_space<vmem>>) target_semaphore(%run_scoped3A_475 : memref<!tpu.dma_semaphore, #tpu.memory_space<semaphore_mem>>)
          %dma_wait3A_482 = arith.constant 0 : i32
          %dma_wait3A_483 = tpu.memref_slice %arg2[%arg1, %add3A_262, %dma_wait3A_482] : memref<16x79x128xi32, #tpu.memory_space<hbm>> -> memref<1x1x128xi32, #tpu.memory_space<hbm>>
          %dma_wait3A_484 = tpu.memref_squeeze %dma_wait3A_483 : memref<1x1x128xi32, #tpu.memory_space<hbm>> -> memref<128xi32, #tpu.memory_space<hbm>>
          %dma_wait3A_485 = arith.constant 0 : i32
          %dma_wait3A_486 = tpu.memref_slice %arg2[%arg1, %add3A_262, %dma_wait3A_485] : memref<16x79x128xi32, #tpu.memory_space<hbm>> -> memref<1x1x128xi32, #tpu.memory_space<hbm>>
          %dma_wait3A_487 = tpu.memref_squeeze %dma_wait3A_486 : memref<1x1x128xi32, #tpu.memory_space<hbm>> -> memref<128xi32, #tpu.memory_space<hbm>>
          tpu.wait_dma2 semaphore(%run_scoped3A_475 : memref<!tpu.dma_semaphore, #tpu.memory_space<semaphore_mem>>) src(%dma_wait3A_487 : memref<128xi32, #tpu.memory_space<hbm>>) dst(%arg7 : memref<128xi32, #tpu.memory_space<vmem>>)
          tpu.yield
        }) : () -> ()
        "tpu.region"() ({
          %run_scoped3A_475 = tpu.sem_alloc : memref<!tpu.dma_semaphore, #tpu.memory_space<semaphore_mem>>
          %dma_start3A_476 = arith.constant 0 : i32
          %dma_start3A_477 = tpu.memref_slice %arg4[%arg1, %add3A_262, %dma_start3A_476] : memref<16x79x128xi32, #tpu.memory_space<hbm>> -> memref<1x1x128xi32, #tpu.memory_space<hbm>>
          %dma_start3A_478 = tpu.memref_squeeze %dma_start3A_477 : memref<1x1x128xi32, #tpu.memory_space<hbm>> -> memref<128xi32, #tpu.memory_space<hbm>>
          %dma_start3A_479 = arith.constant 0 : i32
          %dma_start3A_480 = tpu.memref_slice %arg4[%arg1, %add3A_262, %dma_start3A_479] : memref<16x79x128xi32, #tpu.memory_space<hbm>> -> memref<1x1x128xi32, #tpu.memory_space<hbm>>
          %dma_start3A_481 = tpu.memref_squeeze %dma_start3A_480 : memref<1x1x128xi32, #tpu.memory_space<hbm>> -> memref<128xi32, #tpu.memory_space<hbm>>
          tpu.enqueue_dma source(%dma_start3A_481 : memref<128xi32, #tpu.memory_space<hbm>>) target(%arg8 : memref<128xi32, #tpu.memory_space<vmem>>) target_semaphore(%run_scoped3A_475 : memref<!tpu.dma_semaphore, #tpu.memory_space<semaphore_mem>>)
          %dma_wait3A_482 = arith.constant 0 : i32
          %dma_wait3A_483 = tpu.memref_slice %arg4[%arg1, %add3A_262, %dma_wait3A_482] : memref<16x79x128xi32, #tpu.memory_space<hbm>> -> memref<1x1x128xi32, #tpu.memory_space<hbm>>
          %dma_wait3A_484 = tpu.memref_squeeze %dma_wait3A_483 : memref<1x1x128xi32, #tpu.memory_space<hbm>> -> memref<128xi32, #tpu.memory_space<hbm>>
          %dma_wait3A_485 = arith.constant 0 : i32
          %dma_wait3A_486 = tpu.memref_slice %arg4[%arg1, %add3A_262, %dma_wait3A_485] : memref<16x79x128xi32, #tpu.memory_space<hbm>> -> memref<1x1x128xi32, #tpu.memory_space<hbm>>
          %dma_wait3A_487 = tpu.memref_squeeze %dma_wait3A_486 : memref<1x1x128xi32, #tpu.memory_space<hbm>> -> memref<128xi32, #tpu.memory_space<hbm>>
          tpu.wait_dma2 semaphore(%run_scoped3A_475 : memref<!tpu.dma_semaphore, #tpu.memory_space<semaphore_mem>>) src(%dma_wait3A_487 : memref<128xi32, #tpu.memory_space<hbm>>) dst(%arg8 : memref<128xi32, #tpu.memory_space<vmem>>)
          tpu.yield
        }) : () -> ()
        %scan3A_263 = arith.constant 0 : i32
        %mul3A_264 = arith.constant 16 : i32
        %mul3A_265 = arith.muli %scan3A_263, %mul3A_264 : i32
        %get3A_266 = arith.index_cast %mul3A_265 : i32 to index
        %get3A_267 = tpu.vector_load %arg8[%get3A_266] {strides = array<i32>} : memref<128xi32, #tpu.memory_space<vmem>>, vector<16xi32>,
        %get3A_268 = vector.shape_cast %get3A_267 : vector<16xi32> to vector<16xi32>
        %mul3A_269 = arith.constant 16 : i32
        %mul3A_270 = arith.muli %scan3A_263, %mul3A_269 : i32
        %get3A_271 = arith.index_cast %mul3A_270 : i32 to index
        %get3A_272 = tpu.vector_load %arg7[%get3A_271] {strides = array<i32>} : memref<128xi32, #tpu.memory_space<vmem>>, vector<16xi32>,
        %get3A_273 = vector.shape_cast %get3A_272 : vector<16xi32> to vector<16xi32>
        %and3A_274 = arith.constant 7 : i32
        %and3A_275 = vector.broadcast %and3A_274 : i32 to vector<16xi32>
        %and3A_276 = arith.andi %get3A_268, %and3A_275 : vector<16xi32>
        %mul3A_277 = arith.constant 10000 : i32
        %mul3A_278 = vector.broadcast %mul3A_277 : i32 to vector<16xi32>
        %mul3A_279 = arith.muli %and3A_276, %mul3A_278 : vector<16xi32>
        %add3A_280 = arith.addi %mul3A_279, %get3A_273 : vector<16xi32>
        %add3A_281 = vector.broadcast %mul3A_0 : i32 to vector<16xi32>
        %add3A_282 = arith.addi %add3A_280, %add3A_281 : vector<16xi32>
        %mul3A_283 = arith.constant 16 : i32
        %mul3A_284 = arith.muli %scan3A_263, %mul3A_283 : i32
        %swap3A_285 = arith.index_cast %mul3A_284 : i32 to index
        %swap3A_286 = tpu.vector_load %arg12[%swap3A_285] {strides = array<i32>} : memref<128xi32, #tpu.memory_space<vmem>>, vector<16xi32>,
        %swap3A_287 = vector.shape_cast %swap3A_286 : vector<16xi32> to vector<16xi32>
        %swap3A_288 = vector.shape_cast %add3A_282 : vector<16xi32> to vector<16xi32>
        tpu.vector_store %arg12[%swap3A_285], %swap3A_288 {strides = array<i32>} : memref<128xi32, #tpu.memory_space<vmem>>, vector<16xi32>,
        %scan3A_289 = arith.constant 1 : i32
        %mul3A_290 = arith.constant 16 : i32
        %mul3A_291 = arith.muli %scan3A_289, %mul3A_290 : i32
        %get3A_292 = arith.index_cast %mul3A_291 : i32 to index
        %get3A_293 = tpu.vector_load %arg8[%get3A_292] {strides = array<i32>} : memref<128xi32, #tpu.memory_space<vmem>>, vector<16xi32>,
        %get3A_294 = vector.shape_cast %get3A_293 : vector<16xi32> to vector<16xi32>
        %mul3A_295 = arith.constant 16 : i32
        %mul3A_296 = arith.muli %scan3A_289, %mul3A_295 : i32
        %get3A_297 = arith.index_cast %mul3A_296 : i32 to index
        %get3A_298 = tpu.vector_load %arg7[%get3A_297] {strides = array<i32>} : memref<128xi32, #tpu.memory_space<vmem>>, vector<16xi32>,
        %get3A_299 = vector.shape_cast %get3A_298 : vector<16xi32> to vector<16xi32>
        %and3A_300 = arith.constant 7 : i32
        %and3A_301 = vector.broadcast %and3A_300 : i32 to vector<16xi32>
        %and3A_302 = arith.andi %get3A_294, %and3A_301 : vector<16xi32>
        %mul3A_303 = arith.constant 10000 : i32
        %mul3A_304 = vector.broadcast %mul3A_303 : i32 to vector<16xi32>
        %mul3A_305 = arith.muli %and3A_302, %mul3A_304 : vector<16xi32>
        %add3A_306 = arith.addi %mul3A_305, %get3A_299 : vector<16xi32>
        %add3A_307 = vector.broadcast %mul3A_0 : i32 to vector<16xi32>
        %add3A_308 = arith.addi %add3A_306, %add3A_307 : vector<16xi32>
        %mul3A_309 = arith.constant 16 : i32
        %mul3A_310 = arith.muli %scan3A_289, %mul3A_309 : i32
        %swap3A_311 = arith.index_cast %mul3A_310 : i32 to index
        %swap3A_312 = tpu.vector_load %arg12[%swap3A_311] {strides = array<i32>} : memref<128xi32, #tpu.memory_space<vmem>>, vector<16xi32>,
        %swap3A_313 = vector.shape_cast %swap3A_312 : vector<16xi32> to vector<16xi32>
        %swap3A_314 = vector.shape_cast %add3A_308 : vector<16xi32> to vector<16xi32>
        tpu.vector_store %arg12[%swap3A_311], %swap3A_314 {strides = array<i32>} : memref<128xi32, #tpu.memory_space<vmem>>, vector<16xi32>,
        %scan3A_315 = arith.constant 2 : i32
        %mul3A_316 = arith.constant 16 : i32
        %mul3A_317 = arith.muli %scan3A_315, %mul3A_316 : i32
        %get3A_318 = arith.index_cast %mul3A_317 : i32 to index
        %get3A_319 = tpu.vector_load %arg8[%get3A_318] {strides = array<i32>} : memref<128xi32, #tpu.memory_space<vmem>>, vector<16xi32>,
        %get3A_320 = vector.shape_cast %get3A_319 : vector<16xi32> to vector<16xi32>
        %mul3A_321 = arith.constant 16 : i32
        %mul3A_322 = arith.muli %scan3A_315, %mul3A_321 : i32
        %get3A_323 = arith.index_cast %mul3A_322 : i32 to index
        %get3A_324 = tpu.vector_load %arg7[%get3A_323] {strides = array<i32>} : memref<128xi32, #tpu.memory_space<vmem>>, vector<16xi32>,
        %get3A_325 = vector.shape_cast %get3A_324 : vector<16xi32> to vector<16xi32>
        %and3A_326 = arith.constant 7 : i32
        %and3A_327 = vector.broadcast %and3A_326 : i32 to vector<16xi32>
        %and3A_328 = arith.andi %get3A_320, %and3A_327 : vector<16xi32>
        %mul3A_329 = arith.constant 10000 : i32
        %mul3A_330 = vector.broadcast %mul3A_329 : i32 to vector<16xi32>
        %mul3A_331 = arith.muli %and3A_328, %mul3A_330 : vector<16xi32>
        %add3A_332 = arith.addi %mul3A_331, %get3A_325 : vector<16xi32>
        %add3A_333 = vector.broadcast %mul3A_0 : i32 to vector<16xi32>
        %add3A_334 = arith.addi %add3A_332, %add3A_333 : vector<16xi32>
        %mul3A_335 = arith.constant 16 : i32
        %mul3A_336 = arith.muli %scan3A_315, %mul3A_335 : i32
        %swap3A_337 = arith.index_cast %mul3A_336 : i32 to index
        %swap3A_338 = tpu.vector_load %arg12[%swap3A_337] {strides = array<i32>} : memref<128xi32, #tpu.memory_space<vmem>>, vector<16xi32>,
        %swap3A_339 = vector.shape_cast %swap3A_338 : vector<16xi32> to vector<16xi32>
        %swap3A_340 = vector.shape_cast %add3A_334 : vector<16xi32> to vector<16xi32>
        tpu.vector_store %arg12[%swap3A_337], %swap3A_340 {strides = array<i32>} : memref<128xi32, #tpu.memory_space<vmem>>, vector<16xi32>,
        %scan3A_341 = arith.constant 3 : i32
        %mul3A_342 = arith.constant 16 : i32
        %mul3A_343 = arith.muli %scan3A_341, %mul3A_342 : i32
        %get3A_344 = arith.index_cast %mul3A_343 : i32 to index
        %get3A_345 = tpu.vector_load %arg8[%get3A_344] {strides = array<i32>} : memref<128xi32, #tpu.memory_space<vmem>>, vector<16xi32>,
        %get3A_346 = vector.shape_cast %get3A_345 : vector<16xi32> to vector<16xi32>
        %mul3A_347 = arith.constant 16 : i32
        %mul3A_348 = arith.muli %scan3A_341, %mul3A_347 : i32
        %get3A_349 = arith.index_cast %mul3A_348 : i32 to index
        %get3A_350 = tpu.vector_load %arg7[%get3A_349] {strides = array<i32>} : memref<128xi32, #tpu.memory_space<vmem>>, vector<16xi32>,
        %get3A_351 = vector.shape_cast %get3A_350 : vector<16xi32> to vector<16xi32>
        %and3A_352 = arith.constant 7 : i32
        %and3A_353 = vector.broadcast %and3A_352 : i32 to vector<16xi32>
        %and3A_354 = arith.andi %get3A_346, %and3A_353 : vector<16xi32>
        %mul3A_355 = arith.constant 10000 : i32
        %mul3A_356 = vector.broadcast %mul3A_355 : i32 to vector<16xi32>
        %mul3A_357 = arith.muli %and3A_354, %mul3A_356 : vector<16xi32>
        %add3A_358 = arith.addi %mul3A_357, %get3A_351 : vector<16xi32>
        %add3A_359 = vector.broadcast %mul3A_0 : i32 to vector<16xi32>
        %add3A_360 = arith.addi %add3A_358, %add3A_359 : vector<16xi32>
        %mul3A_361 = arith.constant 16 : i32
        %mul3A_362 = arith.muli %scan3A_341, %mul3A_361 : i32
        %swap3A_363 = arith.index_cast %mul3A_362 : i32 to index
        %swap3A_364 = tpu.vector_load %arg12[%swap3A_363] {strides = array<i32>} : memref<128xi32, #tpu.memory_space<vmem>>, vector<16xi32>,
        %swap3A_365 = vector.shape_cast %swap3A_364 : vector<16xi32> to vector<16xi32>
        %swap3A_366 = vector.shape_cast %add3A_360 : vector<16xi32> to vector<16xi32>
        tpu.vector_store %arg12[%swap3A_363], %swap3A_366 {strides = array<i32>} : memref<128xi32, #tpu.memory_space<vmem>>, vector<16xi32>,
        %scan3A_367 = arith.constant 4 : i32
        %mul3A_368 = arith.constant 16 : i32
        %mul3A_369 = arith.muli %scan3A_367, %mul3A_368 : i32
        %get3A_370 = arith.index_cast %mul3A_369 : i32 to index
        %get3A_371 = tpu.vector_load %arg8[%get3A_370] {strides = array<i32>} : memref<128xi32, #tpu.memory_space<vmem>>, vector<16xi32>,
        %get3A_372 = vector.shape_cast %get3A_371 : vector<16xi32> to vector<16xi32>
        %mul3A_373 = arith.constant 16 : i32
        %mul3A_374 = arith.muli %scan3A_367, %mul3A_373 : i32
        %get3A_375 = arith.index_cast %mul3A_374 : i32 to index
        %get3A_376 = tpu.vector_load %arg7[%get3A_375] {strides = array<i32>} : memref<128xi32, #tpu.memory_space<vmem>>, vector<16xi32>,
        %get3A_377 = vector.shape_cast %get3A_376 : vector<16xi32> to vector<16xi32>
        %and3A_378 = arith.constant 7 : i32
        %and3A_379 = vector.broadcast %and3A_378 : i32 to vector<16xi32>
        %and3A_380 = arith.andi %get3A_372, %and3A_379 : vector<16xi32>
        %mul3A_381 = arith.constant 10000 : i32
        %mul3A_382 = vector.broadcast %mul3A_381 : i32 to vector<16xi32>
        %mul3A_383 = arith.muli %and3A_380, %mul3A_382 : vector<16xi32>
        %add3A_384 = arith.addi %mul3A_383, %get3A_377 : vector<16xi32>
        %add3A_385 = vector.broadcast %mul3A_0 : i32 to vector<16xi32>
        %add3A_386 = arith.addi %add3A_384, %add3A_385 : vector<16xi32>
        %mul3A_387 = arith.constant 16 : i32
        %mul3A_388 = arith.muli %scan3A_367, %mul3A_387 : i32
        %swap3A_389 = arith.index_cast %mul3A_388 : i32 to index
        %swap3A_390 = tpu.vector_load %arg12[%swap3A_389] {strides = array<i32>} : memref<128xi32, #tpu.memory_space<vmem>>, vector<16xi32>,
        %swap3A_391 = vector.shape_cast %swap3A_390 : vector<16xi32> to vector<16xi32>
        %swap3A_392 = vector.shape_cast %add3A_386 : vector<16xi32> to vector<16xi32>
        tpu.vector_store %arg12[%swap3A_389], %swap3A_392 {strides = array<i32>} : memref<128xi32, #tpu.memory_space<vmem>>, vector<16xi32>,
        %scan3A_393 = arith.constant 5 : i32
        %mul3A_394 = arith.constant 16 : i32
        %mul3A_395 = arith.muli %scan3A_393, %mul3A_394 : i32
        %get3A_396 = arith.index_cast %mul3A_395 : i32 to index
        %get3A_397 = tpu.vector_load %arg8[%get3A_396] {strides = array<i32>} : memref<128xi32, #tpu.memory_space<vmem>>, vector<16xi32>,
        %get3A_398 = vector.shape_cast %get3A_397 : vector<16xi32> to vector<16xi32>
        %mul3A_399 = arith.constant 16 : i32
        %mul3A_400 = arith.muli %scan3A_393, %mul3A_399 : i32
        %get3A_401 = arith.index_cast %mul3A_400 : i32 to index
        %get3A_402 = tpu.vector_load %arg7[%get3A_401] {strides = array<i32>} : memref<128xi32, #tpu.memory_space<vmem>>, vector<16xi32>,
        %get3A_403 = vector.shape_cast %get3A_402 : vector<16xi32> to vector<16xi32>
        %and3A_404 = arith.constant 7 : i32
        %and3A_405 = vector.broadcast %and3A_404 : i32 to vector<16xi32>
        %and3A_406 = arith.andi %get3A_398, %and3A_405 : vector<16xi32>
        %mul3A_407 = arith.constant 10000 : i32
        %mul3A_408 = vector.broadcast %mul3A_407 : i32 to vector<16xi32>
        %mul3A_409 = arith.muli %and3A_406, %mul3A_408 : vector<16xi32>
        %add3A_410 = arith.addi %mul3A_409, %get3A_403 : vector<16xi32>
        %add3A_411 = vector.broadcast %mul3A_0 : i32 to vector<16xi32>
        %add3A_412 = arith.addi %add3A_410, %add3A_411 : vector<16xi32>
        %mul3A_413 = arith.constant 16 : i32
        %mul3A_414 = arith.muli %scan3A_393, %mul3A_413 : i32
        %swap3A_415 = arith.index_cast %mul3A_414 : i32 to index
        %swap3A_416 = tpu.vector_load %arg12[%swap3A_415] {strides = array<i32>} : memref<128xi32, #tpu.memory_space<vmem>>, vector<16xi32>,
        %swap3A_417 = vector.shape_cast %swap3A_416 : vector<16xi32> to vector<16xi32>
        %swap3A_418 = vector.shape_cast %add3A_412 : vector<16xi32> to vector<16xi32>
        tpu.vector_store %arg12[%swap3A_415], %swap3A_418 {strides = array<i32>} : memref<128xi32, #tpu.memory_space<vmem>>, vector<16xi32>,
        %scan3A_419 = arith.constant 6 : i32
        %mul3A_420 = arith.constant 16 : i32
        %mul3A_421 = arith.muli %scan3A_419, %mul3A_420 : i32
        %get3A_422 = arith.index_cast %mul3A_421 : i32 to index
        %get3A_423 = tpu.vector_load %arg8[%get3A_422] {strides = array<i32>} : memref<128xi32, #tpu.memory_space<vmem>>, vector<16xi32>,
        %get3A_424 = vector.shape_cast %get3A_423 : vector<16xi32> to vector<16xi32>
        %mul3A_425 = arith.constant 16 : i32
        %mul3A_426 = arith.muli %scan3A_419, %mul3A_425 : i32
        %get3A_427 = arith.index_cast %mul3A_426 : i32 to index
        %get3A_428 = tpu.vector_load %arg7[%get3A_427] {strides = array<i32>} : memref<128xi32, #tpu.memory_space<vmem>>, vector<16xi32>,
        %get3A_429 = vector.shape_cast %get3A_428 : vector<16xi32> to vector<16xi32>
        %and3A_430 = arith.constant 7 : i32
        %and3A_431 = vector.broadcast %and3A_430 : i32 to vector<16xi32>
        %and3A_432 = arith.andi %get3A_424, %and3A_431 : vector<16xi32>
        %mul3A_433 = arith.constant 10000 : i32
        %mul3A_434 = vector.broadcast %mul3A_433 : i32 to vector<16xi32>
        %mul3A_435 = arith.muli %and3A_432, %mul3A_434 : vector<16xi32>
        %add3A_436 = arith.addi %mul3A_435, %get3A_429 : vector<16xi32>
        %add3A_437 = vector.broadcast %mul3A_0 : i32 to vector<16xi32>
        %add3A_438 = arith.addi %add3A_436, %add3A_437 : vector<16xi32>
        %mul3A_439 = arith.constant 16 : i32
        %mul3A_440 = arith.muli %scan3A_419, %mul3A_439 : i32
        %swap3A_441 = arith.index_cast %mul3A_440 : i32 to index
        %swap3A_442 = tpu.vector_load %arg12[%swap3A_441] {strides = array<i32>} : memref<128xi32, #tpu.memory_space<vmem>>, vector<16xi32>,
        %swap3A_443 = vector.shape_cast %swap3A_442 : vector<16xi32> to vector<16xi32>
        %swap3A_444 = vector.shape_cast %add3A_438 : vector<16xi32> to vector<16xi32>
        tpu.vector_store %arg12[%swap3A_441], %swap3A_444 {strides = array<i32>} : memref<128xi32, #tpu.memory_space<vmem>>, vector<16xi32>,
        %scan3A_445 = arith.constant 7 : i32
        %mul3A_446 = arith.constant 16 : i32
        %mul3A_447 = arith.muli %scan3A_445, %mul3A_446 : i32
        %get3A_448 = arith.index_cast %mul3A_447 : i32 to index
        %get3A_449 = tpu.vector_load %arg8[%get3A_448] {strides = array<i32>} : memref<128xi32, #tpu.memory_space<vmem>>, vector<16xi32>,
        %get3A_450 = vector.shape_cast %get3A_449 : vector<16xi32> to vector<16xi32>
        %mul3A_451 = arith.constant 16 : i32
        %mul3A_452 = arith.muli %scan3A_445, %mul3A_451 : i32
        %get3A_453 = arith.index_cast %mul3A_452 : i32 to index
        %get3A_454 = tpu.vector_load %arg7[%get3A_453] {strides = array<i32>} : memref<128xi32, #tpu.memory_space<vmem>>, vector<16xi32>,
        %get3A_455 = vector.shape_cast %get3A_454 : vector<16xi32> to vector<16xi32>
        %and3A_456 = arith.constant 7 : i32
        %and3A_457 = vector.broadcast %and3A_456 : i32 to vector<16xi32>
        %and3A_458 = arith.andi %get3A_450, %and3A_457 : vector<16xi32>
        %mul3A_459 = arith.constant 10000 : i32
        %mul3A_460 = vector.broadcast %mul3A_459 : i32 to vector<16xi32>
        %mul3A_461 = arith.muli %and3A_458, %mul3A_460 : vector<16xi32>
        %add3A_462 = arith.addi %mul3A_461, %get3A_455 : vector<16xi32>
        %add3A_463 = vector.broadcast %mul3A_0 : i32 to vector<16xi32>
        %add3A_464 = arith.addi %add3A_462, %add3A_463 : vector<16xi32>
        %mul3A_465 = arith.constant 16 : i32
        %mul3A_466 = arith.muli %scan3A_445, %mul3A_465 : i32
        %swap3A_467 = arith.index_cast %mul3A_466 : i32 to index
        %swap3A_468 = tpu.vector_load %arg12[%swap3A_467] {strides = array<i32>} : memref<128xi32, #tpu.memory_space<vmem>>, vector<16xi32>,
        %swap3A_469 = vector.shape_cast %swap3A_468 : vector<16xi32> to vector<16xi32>
        %swap3A_470 = vector.shape_cast %add3A_464 : vector<16xi32> to vector<16xi32>
        tpu.vector_store %arg12[%swap3A_467], %swap3A_470 {strides = array<i32>} : memref<128xi32, #tpu.memory_space<vmem>>, vector<16xi32>,
        %scan3A_471 = arith.constant 8 : i32
        "tpu.region"() ({
          %run_scoped3A_475 = tpu.sem_alloc : memref<!tpu.dma_semaphore, #tpu.memory_space<semaphore_mem>>
          %dma_start3A_476 = arith.constant 0 : i32
          %dma_start3A_477 = tpu.memref_slice %arg3[%arg1, %add3A_262, %dma_start3A_476] : memref<16x79x128xi32, #tpu.memory_space<hbm>> -> memref<1x1x128xi32, #tpu.memory_space<hbm>>
          %dma_start3A_478 = tpu.memref_squeeze %dma_start3A_477 : memref<1x1x128xi32, #tpu.memory_space<hbm>> -> memref<128xi32, #tpu.memory_space<hbm>>
          %dma_start3A_479 = arith.constant 0 : i32
          %dma_start3A_480 = tpu.memref_slice %arg3[%arg1, %add3A_262, %dma_start3A_479] : memref<16x79x128xi32, #tpu.memory_space<hbm>> -> memref<1x1x128xi32, #tpu.memory_space<hbm>>
          %dma_start3A_481 = tpu.memref_squeeze %dma_start3A_480 : memref<1x1x128xi32, #tpu.memory_space<hbm>> -> memref<128xi32, #tpu.memory_space<hbm>>
          tpu.enqueue_dma source(%dma_start3A_481 : memref<128xi32, #tpu.memory_space<hbm>>) target(%arg10 : memref<128xi32, #tpu.memory_space<vmem>>) target_semaphore(%run_scoped3A_475 : memref<!tpu.dma_semaphore, #tpu.memory_space<semaphore_mem>>)
          %dma_wait3A_482 = arith.constant 0 : i32
          %dma_wait3A_483 = tpu.memref_slice %arg3[%arg1, %add3A_262, %dma_wait3A_482] : memref<16x79x128xi32, #tpu.memory_space<hbm>> -> memref<1x1x128xi32, #tpu.memory_space<hbm>>
          %dma_wait3A_484 = tpu.memref_squeeze %dma_wait3A_483 : memref<1x1x128xi32, #tpu.memory_space<hbm>> -> memref<128xi32, #tpu.memory_space<hbm>>
          %dma_wait3A_485 = arith.constant 0 : i32
          %dma_wait3A_486 = tpu.memref_slice %arg3[%arg1, %add3A_262, %dma_wait3A_485] : memref<16x79x128xi32, #tpu.memory_space<hbm>> -> memref<1x1x128xi32, #tpu.memory_space<hbm>>
          %dma_wait3A_487 = tpu.memref_squeeze %dma_wait3A_486 : memref<1x1x128xi32, #tpu.memory_space<hbm>> -> memref<128xi32, #tpu.memory_space<hbm>>
          tpu.wait_dma2 semaphore(%run_scoped3A_475 : memref<!tpu.dma_semaphore, #tpu.memory_space<semaphore_mem>>) src(%dma_wait3A_487 : memref<128xi32, #tpu.memory_space<hbm>>) dst(%arg10 : memref<128xi32, #tpu.memory_space<vmem>>)
          tpu.yield
        }) : () -> ()
        %dma_start3A_472 = arith.constant 0 : i32
        %dma_start3A_473 = arith.constant 0 : i32
        %dma_start3A_474 = tpu.memref_slice %arg5[%dma_start3A_472, %dma_start3A_473] : memref<160000x128xf32, #tpu.memory_space<hbm>> -> memref<160000x128xf32, #tpu.memory_space<hbm>>
        tpu.enqueue_indirect_dma source(%dma_start3A_474 : memref<160000x128xf32, #tpu.memory_space<hbm>>) target(%arg14 : memref<128x128xf32, #tpu.memory_space<vmem>>) offsets(%arg12 : memref<128xi32, #tpu.memory_space<vmem>>) semaphore(%arg17 : memref<!tpu.dma_semaphore, #tpu.memory_space<semaphore_mem>>)
      } else {
      }
      %dma_wait3A = arith.constant 0 : i32
      %dma_wait3A_245 = arith.constant 0 : i32
      %dma_wait3A_246 = tpu.memref_slice %arg5[%dma_wait3A, %dma_wait3A_245] : memref<160000x128xf32, #tpu.memory_space<hbm>> -> memref<160000x128xf32, #tpu.memory_space<hbm>>
      tpu.wait_indirect_dma semaphore(%arg16 : memref<!tpu.dma_semaphore, #tpu.memory_space<semaphore_mem>>) src(%dma_wait3A_246 : memref<160000x128xf32, #tpu.memory_space<hbm>>) dst(%arg13 : memref<128x128xf32, #tpu.memory_space<vmem>>)
      "tpu.region"() ({
        %run_scoped3A_261 = tpu.sem_alloc : memref<!tpu.dma_semaphore, #tpu.memory_space<semaphore_mem>>
        %dma_start3A_262 = arith.constant 0 : i32
        %dma_start3A_263 = arith.constant 0 : i32
        %dma_start3A_264 = tpu.memref_slice %arg15[%dma_start3A_262, %dma_start3A_263] : memref<10016x128xf32, #tpu.memory_space<vmem_shared>> -> memref<10016x128xf32, #tpu.memory_space<vmem_shared>>
        tpu.enqueue_indirect_dma source(%arg13 : memref<128x128xf32, #tpu.memory_space<vmem>>) target(%dma_start3A_264 : memref<10016x128xf32, #tpu.memory_space<vmem_shared>>) offsets(%arg9 : memref<128xi32, #tpu.memory_space<vmem>>) semaphore(%run_scoped3A_261 : memref<!tpu.dma_semaphore, #tpu.memory_space<semaphore_mem>>) {add = true}
        %dma_wait3A_265 = arith.constant 0 : i32
        %dma_wait3A_266 = arith.constant 0 : i32
        %dma_wait3A_267 = tpu.memref_slice %arg15[%dma_wait3A_265, %dma_wait3A_266] : memref<10016x128xf32, #tpu.memory_space<vmem_shared>> -> memref<10016x128xf32, #tpu.memory_space<vmem_shared>>
        tpu.wait_indirect_dma semaphore(%run_scoped3A_261 : memref<!tpu.dma_semaphore, #tpu.memory_space<semaphore_mem>>) src(%arg13 : memref<128x128xf32, #tpu.memory_space<vmem>>) dst(%dma_wait3A_267 : memref<10016x128xf32, #tpu.memory_space<vmem_shared>>)
        tpu.yield
      }) : () -> ()
      %add3A_247 = arith.constant 2 : i32
      %add3A_248 = arith.addi %mul3A_238, %add3A_247 : i32
      %lt3A_249 = arith.constant 79 : i32
      %lt3A_250 = arith.cmpi slt, %add3A_248, %lt3A_249 : i32
      %convert_element_type3A_251 = arith.extui %lt3A_250 : i1 to i32
      %cond3A_252 = arith.constant 0 : i32
      %cond3A_253 = arith.cmpi ne, %convert_element_type3A_251, %cond3A_252 : i32
      scf.if %cond3A_253 {
        %add3A_261 = arith.constant 2 : i32
        %add3A_262 = arith.addi %mul3A_238, %add3A_261 : i32
        "tpu.region"() ({
          %run_scoped3A_475 = tpu.sem_alloc : memref<!tpu.dma_semaphore, #tpu.memory_space<semaphore_mem>>
          %dma_start3A_476 = arith.constant 0 : i32
          %dma_start3A_477 = tpu.memref_slice %arg2[%arg1, %add3A_262, %dma_start3A_476] : memref<16x79x128xi32, #tpu.memory_space<hbm>> -> memref<1x1x128xi32, #tpu.memory_space<hbm>>
          %dma_start3A_478 = tpu.memref_squeeze %dma_start3A_477 : memref<1x1x128xi32, #tpu.memory_space<hbm>> -> memref<128xi32, #tpu.memory_space<hbm>>
          %dma_start3A_479 = arith.constant 0 : i32
          %dma_start3A_480 = tpu.memref_slice %arg2[%arg1, %add3A_262, %dma_start3A_479] : memref<16x79x128xi32, #tpu.memory_space<hbm>> -> memref<1x1x128xi32, #tpu.memory_space<hbm>>
          %dma_start3A_481 = tpu.memref_squeeze %dma_start3A_480 : memref<1x1x128xi32, #tpu.memory_space<hbm>> -> memref<128xi32, #tpu.memory_space<hbm>>
          tpu.enqueue_dma source(%dma_start3A_481 : memref<128xi32, #tpu.memory_space<hbm>>) target(%arg7 : memref<128xi32, #tpu.memory_space<vmem>>) target_semaphore(%run_scoped3A_475 : memref<!tpu.dma_semaphore, #tpu.memory_space<semaphore_mem>>)
          %dma_wait3A_482 = arith.constant 0 : i32
          %dma_wait3A_483 = tpu.memref_slice %arg2[%arg1, %add3A_262, %dma_wait3A_482] : memref<16x79x128xi32, #tpu.memory_space<hbm>> -> memref<1x1x128xi32, #tpu.memory_space<hbm>>
          %dma_wait3A_484 = tpu.memref_squeeze %dma_wait3A_483 : memref<1x1x128xi32, #tpu.memory_space<hbm>> -> memref<128xi32, #tpu.memory_space<hbm>>
          %dma_wait3A_485 = arith.constant 0 : i32
          %dma_wait3A_486 = tpu.memref_slice %arg2[%arg1, %add3A_262, %dma_wait3A_485] : memref<16x79x128xi32, #tpu.memory_space<hbm>> -> memref<1x1x128xi32, #tpu.memory_space<hbm>>
          %dma_wait3A_487 = tpu.memref_squeeze %dma_wait3A_486 : memref<1x1x128xi32, #tpu.memory_space<hbm>> -> memref<128xi32, #tpu.memory_space<hbm>>
          tpu.wait_dma2 semaphore(%run_scoped3A_475 : memref<!tpu.dma_semaphore, #tpu.memory_space<semaphore_mem>>) src(%dma_wait3A_487 : memref<128xi32, #tpu.memory_space<hbm>>) dst(%arg7 : memref<128xi32, #tpu.memory_space<vmem>>)
          tpu.yield
        }) : () -> ()
        "tpu.region"() ({
          %run_scoped3A_475 = tpu.sem_alloc : memref<!tpu.dma_semaphore, #tpu.memory_space<semaphore_mem>>
          %dma_start3A_476 = arith.constant 0 : i32
          %dma_start3A_477 = tpu.memref_slice %arg4[%arg1, %add3A_262, %dma_start3A_476] : memref<16x79x128xi32, #tpu.memory_space<hbm>> -> memref<1x1x128xi32, #tpu.memory_space<hbm>>
          %dma_start3A_478 = tpu.memref_squeeze %dma_start3A_477 : memref<1x1x128xi32, #tpu.memory_space<hbm>> -> memref<128xi32, #tpu.memory_space<hbm>>
          %dma_start3A_479 = arith.constant 0 : i32
          %dma_start3A_480 = tpu.memref_slice %arg4[%arg1, %add3A_262, %dma_start3A_479] : memref<16x79x128xi32, #tpu.memory_space<hbm>> -> memref<1x1x128xi32, #tpu.memory_space<hbm>>
          %dma_start3A_481 = tpu.memref_squeeze %dma_start3A_480 : memref<1x1x128xi32, #tpu.memory_space<hbm>> -> memref<128xi32, #tpu.memory_space<hbm>>
          tpu.enqueue_dma source(%dma_start3A_481 : memref<128xi32, #tpu.memory_space<hbm>>) target(%arg8 : memref<128xi32, #tpu.memory_space<vmem>>) target_semaphore(%run_scoped3A_475 : memref<!tpu.dma_semaphore, #tpu.memory_space<semaphore_mem>>)
          %dma_wait3A_482 = arith.constant 0 : i32
          %dma_wait3A_483 = tpu.memref_slice %arg4[%arg1, %add3A_262, %dma_wait3A_482] : memref<16x79x128xi32, #tpu.memory_space<hbm>> -> memref<1x1x128xi32, #tpu.memory_space<hbm>>
          %dma_wait3A_484 = tpu.memref_squeeze %dma_wait3A_483 : memref<1x1x128xi32, #tpu.memory_space<hbm>> -> memref<128xi32, #tpu.memory_space<hbm>>
          %dma_wait3A_485 = arith.constant 0 : i32
          %dma_wait3A_486 = tpu.memref_slice %arg4[%arg1, %add3A_262, %dma_wait3A_485] : memref<16x79x128xi32, #tpu.memory_space<hbm>> -> memref<1x1x128xi32, #tpu.memory_space<hbm>>
          %dma_wait3A_487 = tpu.memref_squeeze %dma_wait3A_486 : memref<1x1x128xi32, #tpu.memory_space<hbm>> -> memref<128xi32, #tpu.memory_space<hbm>>
          tpu.wait_dma2 semaphore(%run_scoped3A_475 : memref<!tpu.dma_semaphore, #tpu.memory_space<semaphore_mem>>) src(%dma_wait3A_487 : memref<128xi32, #tpu.memory_space<hbm>>) dst(%arg8 : memref<128xi32, #tpu.memory_space<vmem>>)
          tpu.yield
        }) : () -> ()
        %scan3A_263 = arith.constant 0 : i32
        %mul3A_264 = arith.constant 16 : i32
        %mul3A_265 = arith.muli %scan3A_263, %mul3A_264 : i32
        %get3A_266 = arith.index_cast %mul3A_265 : i32 to index
        %get3A_267 = tpu.vector_load %arg8[%get3A_266] {strides = array<i32>} : memref<128xi32, #tpu.memory_space<vmem>>, vector<16xi32>,
        %get3A_268 = vector.shape_cast %get3A_267 : vector<16xi32> to vector<16xi32>
        %mul3A_269 = arith.constant 16 : i32
        %mul3A_270 = arith.muli %scan3A_263, %mul3A_269 : i32
        %get3A_271 = arith.index_cast %mul3A_270 : i32 to index
        %get3A_272 = tpu.vector_load %arg7[%get3A_271] {strides = array<i32>} : memref<128xi32, #tpu.memory_space<vmem>>, vector<16xi32>,
        %get3A_273 = vector.shape_cast %get3A_272 : vector<16xi32> to vector<16xi32>
        %and3A_274 = arith.constant 7 : i32
        %and3A_275 = vector.broadcast %and3A_274 : i32 to vector<16xi32>
        %and3A_276 = arith.andi %get3A_268, %and3A_275 : vector<16xi32>
        %mul3A_277 = arith.constant 10000 : i32
        %mul3A_278 = vector.broadcast %mul3A_277 : i32 to vector<16xi32>
        %mul3A_279 = arith.muli %and3A_276, %mul3A_278 : vector<16xi32>
        %add3A_280 = arith.addi %mul3A_279, %get3A_273 : vector<16xi32>
        %add3A_281 = vector.broadcast %mul3A_0 : i32 to vector<16xi32>
        %add3A_282 = arith.addi %add3A_280, %add3A_281 : vector<16xi32>
        %mul3A_283 = arith.constant 16 : i32
        %mul3A_284 = arith.muli %scan3A_263, %mul3A_283 : i32
        %swap3A_285 = arith.index_cast %mul3A_284 : i32 to index
        %swap3A_286 = tpu.vector_load %arg11[%swap3A_285] {strides = array<i32>} : memref<128xi32, #tpu.memory_space<vmem>>, vector<16xi32>,
        %swap3A_287 = vector.shape_cast %swap3A_286 : vector<16xi32> to vector<16xi32>
        %swap3A_288 = vector.shape_cast %add3A_282 : vector<16xi32> to vector<16xi32>
        tpu.vector_store %arg11[%swap3A_285], %swap3A_288 {strides = array<i32>} : memref<128xi32, #tpu.memory_space<vmem>>, vector<16xi32>,
        %scan3A_289 = arith.constant 1 : i32
        %mul3A_290 = arith.constant 16 : i32
        %mul3A_291 = arith.muli %scan3A_289, %mul3A_290 : i32
        %get3A_292 = arith.index_cast %mul3A_291 : i32 to index
        %get3A_293 = tpu.vector_load %arg8[%get3A_292] {strides = array<i32>} : memref<128xi32, #tpu.memory_space<vmem>>, vector<16xi32>,
        %get3A_294 = vector.shape_cast %get3A_293 : vector<16xi32> to vector<16xi32>
        %mul3A_295 = arith.constant 16 : i32
        %mul3A_296 = arith.muli %scan3A_289, %mul3A_295 : i32
        %get3A_297 = arith.index_cast %mul3A_296 : i32 to index
        %get3A_298 = tpu.vector_load %arg7[%get3A_297] {strides = array<i32>} : memref<128xi32, #tpu.memory_space<vmem>>, vector<16xi32>,
        %get3A_299 = vector.shape_cast %get3A_298 : vector<16xi32> to vector<16xi32>
        %and3A_300 = arith.constant 7 : i32
        %and3A_301 = vector.broadcast %and3A_300 : i32 to vector<16xi32>
        %and3A_302 = arith.andi %get3A_294, %and3A_301 : vector<16xi32>
        %mul3A_303 = arith.constant 10000 : i32
        %mul3A_304 = vector.broadcast %mul3A_303 : i32 to vector<16xi32>
        %mul3A_305 = arith.muli %and3A_302, %mul3A_304 : vector<16xi32>
        %add3A_306 = arith.addi %mul3A_305, %get3A_299 : vector<16xi32>
        %add3A_307 = vector.broadcast %mul3A_0 : i32 to vector<16xi32>
        %add3A_308 = arith.addi %add3A_306, %add3A_307 : vector<16xi32>
        %mul3A_309 = arith.constant 16 : i32
        %mul3A_310 = arith.muli %scan3A_289, %mul3A_309 : i32
        %swap3A_311 = arith.index_cast %mul3A_310 : i32 to index
        %swap3A_312 = tpu.vector_load %arg11[%swap3A_311] {strides = array<i32>} : memref<128xi32, #tpu.memory_space<vmem>>, vector<16xi32>,
        %swap3A_313 = vector.shape_cast %swap3A_312 : vector<16xi32> to vector<16xi32>
        %swap3A_314 = vector.shape_cast %add3A_308 : vector<16xi32> to vector<16xi32>
        tpu.vector_store %arg11[%swap3A_311], %swap3A_314 {strides = array<i32>} : memref<128xi32, #tpu.memory_space<vmem>>, vector<16xi32>,
        %scan3A_315 = arith.constant 2 : i32
        %mul3A_316 = arith.constant 16 : i32
        %mul3A_317 = arith.muli %scan3A_315, %mul3A_316 : i32
        %get3A_318 = arith.index_cast %mul3A_317 : i32 to index
        %get3A_319 = tpu.vector_load %arg8[%get3A_318] {strides = array<i32>} : memref<128xi32, #tpu.memory_space<vmem>>, vector<16xi32>,
        %get3A_320 = vector.shape_cast %get3A_319 : vector<16xi32> to vector<16xi32>
        %mul3A_321 = arith.constant 16 : i32
        %mul3A_322 = arith.muli %scan3A_315, %mul3A_321 : i32
        %get3A_323 = arith.index_cast %mul3A_322 : i32 to index
        %get3A_324 = tpu.vector_load %arg7[%get3A_323] {strides = array<i32>} : memref<128xi32, #tpu.memory_space<vmem>>, vector<16xi32>,
        %get3A_325 = vector.shape_cast %get3A_324 : vector<16xi32> to vector<16xi32>
        %and3A_326 = arith.constant 7 : i32
        %and3A_327 = vector.broadcast %and3A_326 : i32 to vector<16xi32>
        %and3A_328 = arith.andi %get3A_320, %and3A_327 : vector<16xi32>
        %mul3A_329 = arith.constant 10000 : i32
        %mul3A_330 = vector.broadcast %mul3A_329 : i32 to vector<16xi32>
        %mul3A_331 = arith.muli %and3A_328, %mul3A_330 : vector<16xi32>
        %add3A_332 = arith.addi %mul3A_331, %get3A_325 : vector<16xi32>
        %add3A_333 = vector.broadcast %mul3A_0 : i32 to vector<16xi32>
        %add3A_334 = arith.addi %add3A_332, %add3A_333 : vector<16xi32>
        %mul3A_335 = arith.constant 16 : i32
        %mul3A_336 = arith.muli %scan3A_315, %mul3A_335 : i32
        %swap3A_337 = arith.index_cast %mul3A_336 : i32 to index
        %swap3A_338 = tpu.vector_load %arg11[%swap3A_337] {strides = array<i32>} : memref<128xi32, #tpu.memory_space<vmem>>, vector<16xi32>,
        %swap3A_339 = vector.shape_cast %swap3A_338 : vector<16xi32> to vector<16xi32>
        %swap3A_340 = vector.shape_cast %add3A_334 : vector<16xi32> to vector<16xi32>
        tpu.vector_store %arg11[%swap3A_337], %swap3A_340 {strides = array<i32>} : memref<128xi32, #tpu.memory_space<vmem>>, vector<16xi32>,
        %scan3A_341 = arith.constant 3 : i32
        %mul3A_342 = arith.constant 16 : i32
        %mul3A_343 = arith.muli %scan3A_341, %mul3A_342 : i32
        %get3A_344 = arith.index_cast %mul3A_343 : i32 to index
        %get3A_345 = tpu.vector_load %arg8[%get3A_344] {strides = array<i32>} : memref<128xi32, #tpu.memory_space<vmem>>, vector<16xi32>,
        %get3A_346 = vector.shape_cast %get3A_345 : vector<16xi32> to vector<16xi32>
        %mul3A_347 = arith.constant 16 : i32
        %mul3A_348 = arith.muli %scan3A_341, %mul3A_347 : i32
        %get3A_349 = arith.index_cast %mul3A_348 : i32 to index
        %get3A_350 = tpu.vector_load %arg7[%get3A_349] {strides = array<i32>} : memref<128xi32, #tpu.memory_space<vmem>>, vector<16xi32>,
        %get3A_351 = vector.shape_cast %get3A_350 : vector<16xi32> to vector<16xi32>
        %and3A_352 = arith.constant 7 : i32
        %and3A_353 = vector.broadcast %and3A_352 : i32 to vector<16xi32>
        %and3A_354 = arith.andi %get3A_346, %and3A_353 : vector<16xi32>
        %mul3A_355 = arith.constant 10000 : i32
        %mul3A_356 = vector.broadcast %mul3A_355 : i32 to vector<16xi32>
        %mul3A_357 = arith.muli %and3A_354, %mul3A_356 : vector<16xi32>
        %add3A_358 = arith.addi %mul3A_357, %get3A_351 : vector<16xi32>
        %add3A_359 = vector.broadcast %mul3A_0 : i32 to vector<16xi32>
        %add3A_360 = arith.addi %add3A_358, %add3A_359 : vector<16xi32>
        %mul3A_361 = arith.constant 16 : i32
        %mul3A_362 = arith.muli %scan3A_341, %mul3A_361 : i32
        %swap3A_363 = arith.index_cast %mul3A_362 : i32 to index
        %swap3A_364 = tpu.vector_load %arg11[%swap3A_363] {strides = array<i32>} : memref<128xi32, #tpu.memory_space<vmem>>, vector<16xi32>,
        %swap3A_365 = vector.shape_cast %swap3A_364 : vector<16xi32> to vector<16xi32>
        %swap3A_366 = vector.shape_cast %add3A_360 : vector<16xi32> to vector<16xi32>
        tpu.vector_store %arg11[%swap3A_363], %swap3A_366 {strides = array<i32>} : memref<128xi32, #tpu.memory_space<vmem>>, vector<16xi32>,
        %scan3A_367 = arith.constant 4 : i32
        %mul3A_368 = arith.constant 16 : i32
        %mul3A_369 = arith.muli %scan3A_367, %mul3A_368 : i32
        %get3A_370 = arith.index_cast %mul3A_369 : i32 to index
        %get3A_371 = tpu.vector_load %arg8[%get3A_370] {strides = array<i32>} : memref<128xi32, #tpu.memory_space<vmem>>, vector<16xi32>,
        %get3A_372 = vector.shape_cast %get3A_371 : vector<16xi32> to vector<16xi32>
        %mul3A_373 = arith.constant 16 : i32
        %mul3A_374 = arith.muli %scan3A_367, %mul3A_373 : i32
        %get3A_375 = arith.index_cast %mul3A_374 : i32 to index
        %get3A_376 = tpu.vector_load %arg7[%get3A_375] {strides = array<i32>} : memref<128xi32, #tpu.memory_space<vmem>>, vector<16xi32>,
        %get3A_377 = vector.shape_cast %get3A_376 : vector<16xi32> to vector<16xi32>
        %and3A_378 = arith.constant 7 : i32
        %and3A_379 = vector.broadcast %and3A_378 : i32 to vector<16xi32>
        %and3A_380 = arith.andi %get3A_372, %and3A_379 : vector<16xi32>
        %mul3A_381 = arith.constant 10000 : i32
        %mul3A_382 = vector.broadcast %mul3A_381 : i32 to vector<16xi32>
        %mul3A_383 = arith.muli %and3A_380, %mul3A_382 : vector<16xi32>
        %add3A_384 = arith.addi %mul3A_383, %get3A_377 : vector<16xi32>
        %add3A_385 = vector.broadcast %mul3A_0 : i32 to vector<16xi32>
        %add3A_386 = arith.addi %add3A_384, %add3A_385 : vector<16xi32>
        %mul3A_387 = arith.constant 16 : i32
        %mul3A_388 = arith.muli %scan3A_367, %mul3A_387 : i32
        %swap3A_389 = arith.index_cast %mul3A_388 : i32 to index
        %swap3A_390 = tpu.vector_load %arg11[%swap3A_389] {strides = array<i32>} : memref<128xi32, #tpu.memory_space<vmem>>, vector<16xi32>,
        %swap3A_391 = vector.shape_cast %swap3A_390 : vector<16xi32> to vector<16xi32>
        %swap3A_392 = vector.shape_cast %add3A_386 : vector<16xi32> to vector<16xi32>
        tpu.vector_store %arg11[%swap3A_389], %swap3A_392 {strides = array<i32>} : memref<128xi32, #tpu.memory_space<vmem>>, vector<16xi32>,
        %scan3A_393 = arith.constant 5 : i32
        %mul3A_394 = arith.constant 16 : i32
        %mul3A_395 = arith.muli %scan3A_393, %mul3A_394 : i32
        %get3A_396 = arith.index_cast %mul3A_395 : i32 to index
        %get3A_397 = tpu.vector_load %arg8[%get3A_396] {strides = array<i32>} : memref<128xi32, #tpu.memory_space<vmem>>, vector<16xi32>,
        %get3A_398 = vector.shape_cast %get3A_397 : vector<16xi32> to vector<16xi32>
        %mul3A_399 = arith.constant 16 : i32
        %mul3A_400 = arith.muli %scan3A_393, %mul3A_399 : i32
        %get3A_401 = arith.index_cast %mul3A_400 : i32 to index
        %get3A_402 = tpu.vector_load %arg7[%get3A_401] {strides = array<i32>} : memref<128xi32, #tpu.memory_space<vmem>>, vector<16xi32>,
        %get3A_403 = vector.shape_cast %get3A_402 : vector<16xi32> to vector<16xi32>
        %and3A_404 = arith.constant 7 : i32
        %and3A_405 = vector.broadcast %and3A_404 : i32 to vector<16xi32>
        %and3A_406 = arith.andi %get3A_398, %and3A_405 : vector<16xi32>
        %mul3A_407 = arith.constant 10000 : i32
        %mul3A_408 = vector.broadcast %mul3A_407 : i32 to vector<16xi32>
        %mul3A_409 = arith.muli %and3A_406, %mul3A_408 : vector<16xi32>
        %add3A_410 = arith.addi %mul3A_409, %get3A_403 : vector<16xi32>
        %add3A_411 = vector.broadcast %mul3A_0 : i32 to vector<16xi32>
        %add3A_412 = arith.addi %add3A_410, %add3A_411 : vector<16xi32>
        %mul3A_413 = arith.constant 16 : i32
        %mul3A_414 = arith.muli %scan3A_393, %mul3A_413 : i32
        %swap3A_415 = arith.index_cast %mul3A_414 : i32 to index
        %swap3A_416 = tpu.vector_load %arg11[%swap3A_415] {strides = array<i32>} : memref<128xi32, #tpu.memory_space<vmem>>, vector<16xi32>,
        %swap3A_417 = vector.shape_cast %swap3A_416 : vector<16xi32> to vector<16xi32>
        %swap3A_418 = vector.shape_cast %add3A_412 : vector<16xi32> to vector<16xi32>
        tpu.vector_store %arg11[%swap3A_415], %swap3A_418 {strides = array<i32>} : memref<128xi32, #tpu.memory_space<vmem>>, vector<16xi32>,
        %scan3A_419 = arith.constant 6 : i32
        %mul3A_420 = arith.constant 16 : i32
        %mul3A_421 = arith.muli %scan3A_419, %mul3A_420 : i32
        %get3A_422 = arith.index_cast %mul3A_421 : i32 to index
        %get3A_423 = tpu.vector_load %arg8[%get3A_422] {strides = array<i32>} : memref<128xi32, #tpu.memory_space<vmem>>, vector<16xi32>,
        %get3A_424 = vector.shape_cast %get3A_423 : vector<16xi32> to vector<16xi32>
        %mul3A_425 = arith.constant 16 : i32
        %mul3A_426 = arith.muli %scan3A_419, %mul3A_425 : i32
        %get3A_427 = arith.index_cast %mul3A_426 : i32 to index
        %get3A_428 = tpu.vector_load %arg7[%get3A_427] {strides = array<i32>} : memref<128xi32, #tpu.memory_space<vmem>>, vector<16xi32>,
        %get3A_429 = vector.shape_cast %get3A_428 : vector<16xi32> to vector<16xi32>
        %and3A_430 = arith.constant 7 : i32
        %and3A_431 = vector.broadcast %and3A_430 : i32 to vector<16xi32>
        %and3A_432 = arith.andi %get3A_424, %and3A_431 : vector<16xi32>
        %mul3A_433 = arith.constant 10000 : i32
        %mul3A_434 = vector.broadcast %mul3A_433 : i32 to vector<16xi32>
        %mul3A_435 = arith.muli %and3A_432, %mul3A_434 : vector<16xi32>
        %add3A_436 = arith.addi %mul3A_435, %get3A_429 : vector<16xi32>
        %add3A_437 = vector.broadcast %mul3A_0 : i32 to vector<16xi32>
        %add3A_438 = arith.addi %add3A_436, %add3A_437 : vector<16xi32>
        %mul3A_439 = arith.constant 16 : i32
        %mul3A_440 = arith.muli %scan3A_419, %mul3A_439 : i32
        %swap3A_441 = arith.index_cast %mul3A_440 : i32 to index
        %swap3A_442 = tpu.vector_load %arg11[%swap3A_441] {strides = array<i32>} : memref<128xi32, #tpu.memory_space<vmem>>, vector<16xi32>,
        %swap3A_443 = vector.shape_cast %swap3A_442 : vector<16xi32> to vector<16xi32>
        %swap3A_444 = vector.shape_cast %add3A_438 : vector<16xi32> to vector<16xi32>
        tpu.vector_store %arg11[%swap3A_441], %swap3A_444 {strides = array<i32>} : memref<128xi32, #tpu.memory_space<vmem>>, vector<16xi32>,
        %scan3A_445 = arith.constant 7 : i32
        %mul3A_446 = arith.constant 16 : i32
        %mul3A_447 = arith.muli %scan3A_445, %mul3A_446 : i32
        %get3A_448 = arith.index_cast %mul3A_447 : i32 to index
        %get3A_449 = tpu.vector_load %arg8[%get3A_448] {strides = array<i32>} : memref<128xi32, #tpu.memory_space<vmem>>, vector<16xi32>,
        %get3A_450 = vector.shape_cast %get3A_449 : vector<16xi32> to vector<16xi32>
        %mul3A_451 = arith.constant 16 : i32
        %mul3A_452 = arith.muli %scan3A_445, %mul3A_451 : i32
        %get3A_453 = arith.index_cast %mul3A_452 : i32 to index
        %get3A_454 = tpu.vector_load %arg7[%get3A_453] {strides = array<i32>} : memref<128xi32, #tpu.memory_space<vmem>>, vector<16xi32>,
        %get3A_455 = vector.shape_cast %get3A_454 : vector<16xi32> to vector<16xi32>
        %and3A_456 = arith.constant 7 : i32
        %and3A_457 = vector.broadcast %and3A_456 : i32 to vector<16xi32>
        %and3A_458 = arith.andi %get3A_450, %and3A_457 : vector<16xi32>
        %mul3A_459 = arith.constant 10000 : i32
        %mul3A_460 = vector.broadcast %mul3A_459 : i32 to vector<16xi32>
        %mul3A_461 = arith.muli %and3A_458, %mul3A_460 : vector<16xi32>
        %add3A_462 = arith.addi %mul3A_461, %get3A_455 : vector<16xi32>
        %add3A_463 = vector.broadcast %mul3A_0 : i32 to vector<16xi32>
        %add3A_464 = arith.addi %add3A_462, %add3A_463 : vector<16xi32>
        %mul3A_465 = arith.constant 16 : i32
        %mul3A_466 = arith.muli %scan3A_445, %mul3A_465 : i32
        %swap3A_467 = arith.index_cast %mul3A_466 : i32 to index
        %swap3A_468 = tpu.vector_load %arg11[%swap3A_467] {strides = array<i32>} : memref<128xi32, #tpu.memory_space<vmem>>, vector<16xi32>,
        %swap3A_469 = vector.shape_cast %swap3A_468 : vector<16xi32> to vector<16xi32>
        %swap3A_470 = vector.shape_cast %add3A_464 : vector<16xi32> to vector<16xi32>
        tpu.vector_store %arg11[%swap3A_467], %swap3A_470 {strides = array<i32>} : memref<128xi32, #tpu.memory_space<vmem>>, vector<16xi32>,
        %scan3A_471 = arith.constant 8 : i32
        "tpu.region"() ({
          %run_scoped3A_475 = tpu.sem_alloc : memref<!tpu.dma_semaphore, #tpu.memory_space<semaphore_mem>>
          %dma_start3A_476 = arith.constant 0 : i32
          %dma_start3A_477 = tpu.memref_slice %arg3[%arg1, %add3A_262, %dma_start3A_476] : memref<16x79x128xi32, #tpu.memory_space<hbm>> -> memref<1x1x128xi32, #tpu.memory_space<hbm>>
          %dma_start3A_478 = tpu.memref_squeeze %dma_start3A_477 : memref<1x1x128xi32, #tpu.memory_space<hbm>> -> memref<128xi32, #tpu.memory_space<hbm>>
          %dma_start3A_479 = arith.constant 0 : i32
          %dma_start3A_480 = tpu.memref_slice %arg3[%arg1, %add3A_262, %dma_start3A_479] : memref<16x79x128xi32, #tpu.memory_space<hbm>> -> memref<1x1x128xi32, #tpu.memory_space<hbm>>
          %dma_start3A_481 = tpu.memref_squeeze %dma_start3A_480 : memref<1x1x128xi32, #tpu.memory_space<hbm>> -> memref<128xi32, #tpu.memory_space<hbm>>
          tpu.enqueue_dma source(%dma_start3A_481 : memref<128xi32, #tpu.memory_space<hbm>>) target(%arg9 : memref<128xi32, #tpu.memory_space<vmem>>) target_semaphore(%run_scoped3A_475 : memref<!tpu.dma_semaphore, #tpu.memory_space<semaphore_mem>>)
          %dma_wait3A_482 = arith.constant 0 : i32
          %dma_wait3A_483 = tpu.memref_slice %arg3[%arg1, %add3A_262, %dma_wait3A_482] : memref<16x79x128xi32, #tpu.memory_space<hbm>> -> memref<1x1x128xi32, #tpu.memory_space<hbm>>
          %dma_wait3A_484 = tpu.memref_squeeze %dma_wait3A_483 : memref<1x1x128xi32, #tpu.memory_space<hbm>> -> memref<128xi32, #tpu.memory_space<hbm>>
          %dma_wait3A_485 = arith.constant 0 : i32
          %dma_wait3A_486 = tpu.memref_slice %arg3[%arg1, %add3A_262, %dma_wait3A_485] : memref<16x79x128xi32, #tpu.memory_space<hbm>> -> memref<1x1x128xi32, #tpu.memory_space<hbm>>
          %dma_wait3A_487 = tpu.memref_squeeze %dma_wait3A_486 : memref<1x1x128xi32, #tpu.memory_space<hbm>> -> memref<128xi32, #tpu.memory_space<hbm>>
          tpu.wait_dma2 semaphore(%run_scoped3A_475 : memref<!tpu.dma_semaphore, #tpu.memory_space<semaphore_mem>>) src(%dma_wait3A_487 : memref<128xi32, #tpu.memory_space<hbm>>) dst(%arg9 : memref<128xi32, #tpu.memory_space<vmem>>)
          tpu.yield
        }) : () -> ()
        %dma_start3A_472 = arith.constant 0 : i32
        %dma_start3A_473 = arith.constant 0 : i32
        %dma_start3A_474 = tpu.memref_slice %arg5[%dma_start3A_472, %dma_start3A_473] : memref<160000x128xf32, #tpu.memory_space<hbm>> -> memref<160000x128xf32, #tpu.memory_space<hbm>>
        tpu.enqueue_indirect_dma source(%dma_start3A_474 : memref<160000x128xf32, #tpu.memory_space<hbm>>) target(%arg13 : memref<128x128xf32, #tpu.memory_space<vmem>>) offsets(%arg11 : memref<128xi32, #tpu.memory_space<vmem>>) semaphore(%arg16 : memref<!tpu.dma_semaphore, #tpu.memory_space<semaphore_mem>>)
      } else {
      }
      %add3A_254 = arith.constant 1 : i32
      %add3A_255 = arith.addi %mul3A_238, %add3A_254 : i32
      %lt3A_256 = arith.constant 79 : i32
      %lt3A_257 = arith.cmpi slt, %add3A_255, %lt3A_256 : i32
      %convert_element_type3A_258 = arith.extui %lt3A_257 : i1 to i32
      %cond3A_259 = arith.constant 0 : i32
      %cond3A_260 = arith.cmpi ne, %convert_element_type3A_258, %cond3A_259 : i32
      scf.if %cond3A_260 {
        %dma_wait3A_261 = arith.constant 0 : i32
        %dma_wait3A_262 = arith.constant 0 : i32
        %dma_wait3A_263 = tpu.memref_slice %arg5[%dma_wait3A_261, %dma_wait3A_262] : memref<160000x128xf32, #tpu.memory_space<hbm>> -> memref<160000x128xf32, #tpu.memory_space<hbm>>
        tpu.wait_indirect_dma semaphore(%arg17 : memref<!tpu.dma_semaphore, #tpu.memory_space<semaphore_mem>>) src(%dma_wait3A_263 : memref<160000x128xf32, #tpu.memory_space<hbm>>) dst(%arg14 : memref<128x128xf32, #tpu.memory_space<vmem>>)
        "tpu.region"() ({
          %run_scoped3A_264 = tpu.sem_alloc : memref<!tpu.dma_semaphore, #tpu.memory_space<semaphore_mem>>
          %dma_start3A_265 = arith.constant 0 : i32
          %dma_start3A_266 = arith.constant 0 : i32
          %dma_start3A_267 = tpu.memref_slice %arg15[%dma_start3A_265, %dma_start3A_266] : memref<10016x128xf32, #tpu.memory_space<vmem_shared>> -> memref<10016x128xf32, #tpu.memory_space<vmem_shared>>
          tpu.enqueue_indirect_dma source(%arg14 : memref<128x128xf32, #tpu.memory_space<vmem>>) target(%dma_start3A_267 : memref<10016x128xf32, #tpu.memory_space<vmem_shared>>) offsets(%arg10 : memref<128xi32, #tpu.memory_space<vmem>>) semaphore(%run_scoped3A_264 : memref<!tpu.dma_semaphore, #tpu.memory_space<semaphore_mem>>) {add = true}
          %dma_wait3A_268 = arith.constant 0 : i32
          %dma_wait3A_269 = arith.constant 0 : i32
          %dma_wait3A_270 = tpu.memref_slice %arg15[%dma_wait3A_268, %dma_wait3A_269] : memref<10016x128xf32, #tpu.memory_space<vmem_shared>> -> memref<10016x128xf32, #tpu.memory_space<vmem_shared>>
          tpu.wait_indirect_dma semaphore(%run_scoped3A_264 : memref<!tpu.dma_semaphore, #tpu.memory_space<semaphore_mem>>) src(%arg14 : memref<128x128xf32, #tpu.memory_space<vmem>>) dst(%dma_wait3A_270 : memref<10016x128xf32, #tpu.memory_space<vmem_shared>>)
          tpu.yield
        }) : () -> ()
      } else {
      }
    }
    %scan3A_230 = arith.constant 40 : i32
    %barrier3A_231 = arith.constant 0 : index
    tpu.barrier barrier_id(%barrier3A_231)
    %mul3A_232 = arith.constant 624 : i32
    %mul3A_233 = arith.muli %arg1, %mul3A_232 : i32
    "tpu.region"() ({
      %run_scoped3A_236 = tpu.sem_alloc : memref<!tpu.dma_semaphore, #tpu.memory_space<semaphore_mem>>
      %dma_start3A_237 = arith.constant 0 : i32
      %dma_start3A_238 = tpu.memref_slice %arg6[%arg0, %mul3A_233, %dma_start3A_237] : memref<2x10000x128xf32, #tpu.memory_space<hbm>> -> memref<1x624x128xf32, #tpu.memory_space<hbm>>
      %dma_start3A_239 = tpu.memref_squeeze %dma_start3A_238 : memref<1x624x128xf32, #tpu.memory_space<hbm>> -> memref<624x128xf32, #tpu.memory_space<hbm>>
      %dma_start3A_240 = arith.constant 0 : i32
      %dma_start3A_241 = tpu.memref_slice %arg15[%mul3A_233, %dma_start3A_240] : memref<10016x128xf32, #tpu.memory_space<vmem_shared>> -> memref<624x128xf32, #tpu.memory_space<vmem_shared>>
      tpu.enqueue_dma source(%dma_start3A_241 : memref<624x128xf32, #tpu.memory_space<vmem_shared>>) target(%dma_start3A_239 : memref<624x128xf32, #tpu.memory_space<hbm>>) target_semaphore(%run_scoped3A_236 : memref<!tpu.dma_semaphore, #tpu.memory_space<semaphore_mem>>)
      %dma_wait3A = arith.constant 0 : i32
      %dma_wait3A_242 = tpu.memref_slice %arg6[%arg0, %mul3A_233, %dma_wait3A] : memref<2x10000x128xf32, #tpu.memory_space<hbm>> -> memref<1x624x128xf32, #tpu.memory_space<hbm>>
      %dma_wait3A_243 = tpu.memref_squeeze %dma_wait3A_242 : memref<1x624x128xf32, #tpu.memory_space<hbm>> -> memref<624x128xf32, #tpu.memory_space<hbm>>
      %dma_wait3A_244 = arith.constant 0 : i32
      %dma_wait3A_245 = tpu.memref_slice %arg15[%mul3A_233, %dma_wait3A_244] : memref<10016x128xf32, #tpu.memory_space<vmem_shared>> -> memref<624x128xf32, #tpu.memory_space<vmem_shared>>
      tpu.wait_dma2 semaphore(%run_scoped3A_236 : memref<!tpu.dma_semaphore, #tpu.memory_space<semaphore_mem>>) src(%dma_wait3A_245 : memref<624x128xf32, #tpu.memory_space<vmem_shared>>) dst(%dma_wait3A_243 : memref<624x128xf32, #tpu.memory_space<hbm>>)
      tpu.yield
    }) : () -> ()
    %eq3A = arith.constant 15 : i32
    %eq3A_234 = arith.cmpi eq, %arg1, %eq3A : i32
    %convert_element_type3A = arith.extui %eq3A_234 : i1 to i32
    %cond3A = arith.constant 0 : i32
    %cond3A_235 = arith.cmpi ne, %convert_element_type3A, %cond3A : i32
    scf.if %cond3A_235 {
      "tpu.region"() ({
        %run_scoped3A_236 = tpu.sem_alloc : memref<!tpu.dma_semaphore, #tpu.memory_space<semaphore_mem>>
        %dma_start3A_237 = arith.constant 9984 : i32
        %dma_start3A_238 = arith.constant 0 : i32
        %dma_start3A_239 = tpu.memref_slice %arg6[%arg0, %dma_start3A_237, %dma_start3A_238] : memref<2x10000x128xf32, #tpu.memory_space<hbm>> -> memref<1x16x128xf32, #tpu.memory_space<hbm>>
        %dma_start3A_240 = tpu.memref_squeeze %dma_start3A_239 : memref<1x16x128xf32, #tpu.memory_space<hbm>> -> memref<16x128xf32, #tpu.memory_space<hbm>>
        %dma_start3A_241 = arith.constant 9984 : i32
        %dma_start3A_242 = arith.constant 0 : i32
        %dma_start3A_243 = tpu.memref_slice %arg15[%dma_start3A_241, %dma_start3A_242] : memref<10016x128xf32, #tpu.memory_space<vmem_shared>> -> memref<16x128xf32, #tpu.memory_space<vmem_shared>>
        tpu.enqueue_dma source(%dma_start3A_243 : memref<16x128xf32, #tpu.memory_space<vmem_shared>>) target(%dma_start3A_240 : memref<16x128xf32, #tpu.memory_space<hbm>>) target_semaphore(%run_scoped3A_236 : memref<!tpu.dma_semaphore, #tpu.memory_space<semaphore_mem>>)
        %dma_wait3A = arith.constant 9984 : i32
        %dma_wait3A_244 = arith.constant 0 : i32
        %dma_wait3A_245 = tpu.memref_slice %arg6[%arg0, %dma_wait3A, %dma_wait3A_244] : memref<2x10000x128xf32, #tpu.memory_space<hbm>> -> memref<1x16x128xf32, #tpu.memory_space<hbm>>
        %dma_wait3A_246 = tpu.memref_squeeze %dma_wait3A_245 : memref<1x16x128xf32, #tpu.memory_space<hbm>> -> memref<16x128xf32, #tpu.memory_space<hbm>>
        %dma_wait3A_247 = arith.constant 9984 : i32
        %dma_wait3A_248 = arith.constant 0 : i32
        %dma_wait3A_249 = tpu.memref_slice %arg15[%dma_wait3A_247, %dma_wait3A_248] : memref<10016x128xf32, #tpu.memory_space<vmem_shared>> -> memref<16x128xf32, #tpu.memory_space<vmem_shared>>
        tpu.wait_dma2 semaphore(%run_scoped3A_236 : memref<!tpu.dma_semaphore, #tpu.memory_space<semaphore_mem>>) src(%dma_wait3A_249 : memref<16x128xf32, #tpu.memory_space<vmem_shared>>) dst(%dma_wait3A_246 : memref<16x128xf32, #tpu.memory_space<hbm>>)
        tpu.yield
      }) : () -> ()
    } else {
    }
    return
  }
}

#map = affine_map<(d0, d1) -> (0, 0, 0)>
#map1 = affine_map<(d0, d1) -> (0, 0)>
module attributes {stable_mosaic.version = 14 : i64} {
  func.func @k(%arg0: i32, %arg1: i32, %arg2: memref<32x40x128xi32, #tpu.memory_space<hbm>>, %arg3: memref<32x40x128xi32, #tpu.memory_space<hbm>>, %arg4: memref<32x40x128xi32, #tpu.memory_space<hbm>>, %arg5: memref<80000x128xf32, #tpu.memory_space<hbm>>, %arg6: memref<2x10000x128xf32, #tpu.memory_space<hbm>>, %arg7: memref<128xi32, #tpu.memory_space<vmem>>, %arg8: memref<128xi32, #tpu.memory_space<vmem>>, %arg9: memref<128xi32, #tpu.memory_space<vmem>>, %arg10: memref<128xi32, #tpu.memory_space<vmem>>, %arg11: memref<128xi32, #tpu.memory_space<vmem>>, %arg12: memref<128xi32, #tpu.memory_space<vmem>>, %arg13: memref<128x128xf32, #tpu.memory_space<vmem>>, %arg14: memref<128x128xf32, #tpu.memory_space<vmem>>, %arg15: memref<10016x128xf32, #tpu.memory_space<vmem_shared>>, %arg16: memref<!tpu.dma_semaphore, #tpu.memory_space<semaphore_mem>>, %arg17: memref<!tpu.dma_semaphore, #tpu.memory_space<semaphore_mem>>) attributes {dimension_semantics = [#tpu.dimension_semantics<core_parallel>, #tpu.dimension_semantics<subcore_parallel>], iteration_bounds = array<i64: 2, 16>, scalar_prefetch = 0 : i64, scratch_operands = 11 : i64, tpu.core_type = #tpu.core_type<sc_vector_subcore>, window_params = [{transform_indices = #map}, {transform_indices = #map}, {transform_indices = #map}, {transform_indices = #map1}, {transform_indices = #map}]} {
    %mul3A = arith.constant 16 : i32
    %mul3A_0 = arith.muli %arg0, %mul3A : i32
    %add3A = arith.addi %mul3A_0, %arg1 : i32
    %scan3A = arith.constant 0 : i32
    %scan3A_1 = arith.constant 128 : i32
    %scan3A_2 = arith.addi %scan3A, %scan3A_1 : i32
    %scan3A_3 = arith.constant 1 : i32
    scf.for %scan3A_239 = %scan3A to %scan3A_2 step %scan3A_3  : i32 {
      %broadcast_in_dim3A = arith.constant 0.000000e+00 : f32
      %broadcast_in_dim3A_240 = vector.broadcast %broadcast_in_dim3A : f32 to vector<16xf32>
      %swap3A_241 = arith.index_cast %scan3A_239 : i32 to index
      %swap3A_242 = arith.constant 0 : index
      %swap3A_243 = tpu.vector_load %arg13[%swap3A_241, %swap3A_242] {strides = array<i32>} : memref<128x128xf32, #tpu.memory_space<vmem>>, vector<1x16xf32>,
      %swap3A_244 = vector.shape_cast %swap3A_243 : vector<1x16xf32> to vector<16xf32>
      %swap3A_245 = vector.shape_cast %broadcast_in_dim3A_240 : vector<16xf32> to vector<1x16xf32>
      tpu.vector_store %arg13[%swap3A_241, %swap3A_242], %swap3A_245 {strides = array<i32>} : memref<128x128xf32, #tpu.memory_space<vmem>>, vector<1x16xf32>,
      %broadcast_in_dim3A_246 = arith.constant 0.000000e+00 : f32
      %broadcast_in_dim3A_247 = vector.broadcast %broadcast_in_dim3A_246 : f32 to vector<16xf32>
      %swap3A_248 = arith.index_cast %scan3A_239 : i32 to index
      %swap3A_249 = arith.constant 16 : index
      %swap3A_250 = tpu.vector_load %arg13[%swap3A_248, %swap3A_249] {strides = array<i32>} : memref<128x128xf32, #tpu.memory_space<vmem>>, vector<1x16xf32>,
      %swap3A_251 = vector.shape_cast %swap3A_250 : vector<1x16xf32> to vector<16xf32>
      %swap3A_252 = vector.shape_cast %broadcast_in_dim3A_247 : vector<16xf32> to vector<1x16xf32>
      tpu.vector_store %arg13[%swap3A_248, %swap3A_249], %swap3A_252 {strides = array<i32>} : memref<128x128xf32, #tpu.memory_space<vmem>>, vector<1x16xf32>,
      %broadcast_in_dim3A_253 = arith.constant 0.000000e+00 : f32
      %broadcast_in_dim3A_254 = vector.broadcast %broadcast_in_dim3A_253 : f32 to vector<16xf32>
      %swap3A_255 = arith.index_cast %scan3A_239 : i32 to index
      %swap3A_256 = arith.constant 32 : index
      %swap3A_257 = tpu.vector_load %arg13[%swap3A_255, %swap3A_256] {strides = array<i32>} : memref<128x128xf32, #tpu.memory_space<vmem>>, vector<1x16xf32>,
      %swap3A_258 = vector.shape_cast %swap3A_257 : vector<1x16xf32> to vector<16xf32>
      %swap3A_259 = vector.shape_cast %broadcast_in_dim3A_254 : vector<16xf32> to vector<1x16xf32>
      tpu.vector_store %arg13[%swap3A_255, %swap3A_256], %swap3A_259 {strides = array<i32>} : memref<128x128xf32, #tpu.memory_space<vmem>>, vector<1x16xf32>,
      %broadcast_in_dim3A_260 = arith.constant 0.000000e+00 : f32
      %broadcast_in_dim3A_261 = vector.broadcast %broadcast_in_dim3A_260 : f32 to vector<16xf32>
      %swap3A_262 = arith.index_cast %scan3A_239 : i32 to index
      %swap3A_263 = arith.constant 48 : index
      %swap3A_264 = tpu.vector_load %arg13[%swap3A_262, %swap3A_263] {strides = array<i32>} : memref<128x128xf32, #tpu.memory_space<vmem>>, vector<1x16xf32>,
      %swap3A_265 = vector.shape_cast %swap3A_264 : vector<1x16xf32> to vector<16xf32>
      %swap3A_266 = vector.shape_cast %broadcast_in_dim3A_261 : vector<16xf32> to vector<1x16xf32>
      tpu.vector_store %arg13[%swap3A_262, %swap3A_263], %swap3A_266 {strides = array<i32>} : memref<128x128xf32, #tpu.memory_space<vmem>>, vector<1x16xf32>,
      %broadcast_in_dim3A_267 = arith.constant 0.000000e+00 : f32
      %broadcast_in_dim3A_268 = vector.broadcast %broadcast_in_dim3A_267 : f32 to vector<16xf32>
      %swap3A_269 = arith.index_cast %scan3A_239 : i32 to index
      %swap3A_270 = arith.constant 64 : index
      %swap3A_271 = tpu.vector_load %arg13[%swap3A_269, %swap3A_270] {strides = array<i32>} : memref<128x128xf32, #tpu.memory_space<vmem>>, vector<1x16xf32>,
      %swap3A_272 = vector.shape_cast %swap3A_271 : vector<1x16xf32> to vector<16xf32>
      %swap3A_273 = vector.shape_cast %broadcast_in_dim3A_268 : vector<16xf32> to vector<1x16xf32>
      tpu.vector_store %arg13[%swap3A_269, %swap3A_270], %swap3A_273 {strides = array<i32>} : memref<128x128xf32, #tpu.memory_space<vmem>>, vector<1x16xf32>,
      %broadcast_in_dim3A_274 = arith.constant 0.000000e+00 : f32
      %broadcast_in_dim3A_275 = vector.broadcast %broadcast_in_dim3A_274 : f32 to vector<16xf32>
      %swap3A_276 = arith.index_cast %scan3A_239 : i32 to index
      %swap3A_277 = arith.constant 80 : index
      %swap3A_278 = tpu.vector_load %arg13[%swap3A_276, %swap3A_277] {strides = array<i32>} : memref<128x128xf32, #tpu.memory_space<vmem>>, vector<1x16xf32>,
      %swap3A_279 = vector.shape_cast %swap3A_278 : vector<1x16xf32> to vector<16xf32>
      %swap3A_280 = vector.shape_cast %broadcast_in_dim3A_275 : vector<16xf32> to vector<1x16xf32>
      tpu.vector_store %arg13[%swap3A_276, %swap3A_277], %swap3A_280 {strides = array<i32>} : memref<128x128xf32, #tpu.memory_space<vmem>>, vector<1x16xf32>,
      %broadcast_in_dim3A_281 = arith.constant 0.000000e+00 : f32
      %broadcast_in_dim3A_282 = vector.broadcast %broadcast_in_dim3A_281 : f32 to vector<16xf32>
      %swap3A_283 = arith.index_cast %scan3A_239 : i32 to index
      %swap3A_284 = arith.constant 96 : index
      %swap3A_285 = tpu.vector_load %arg13[%swap3A_283, %swap3A_284] {strides = array<i32>} : memref<128x128xf32, #tpu.memory_space<vmem>>, vector<1x16xf32>,
      %swap3A_286 = vector.shape_cast %swap3A_285 : vector<1x16xf32> to vector<16xf32>
      %swap3A_287 = vector.shape_cast %broadcast_in_dim3A_282 : vector<16xf32> to vector<1x16xf32>
      tpu.vector_store %arg13[%swap3A_283, %swap3A_284], %swap3A_287 {strides = array<i32>} : memref<128x128xf32, #tpu.memory_space<vmem>>, vector<1x16xf32>,
      %broadcast_in_dim3A_288 = arith.constant 0.000000e+00 : f32
      %broadcast_in_dim3A_289 = vector.broadcast %broadcast_in_dim3A_288 : f32 to vector<16xf32>
      %swap3A_290 = arith.index_cast %scan3A_239 : i32 to index
      %swap3A_291 = arith.constant 112 : index
      %swap3A_292 = tpu.vector_load %arg13[%swap3A_290, %swap3A_291] {strides = array<i32>} : memref<128x128xf32, #tpu.memory_space<vmem>>, vector<1x16xf32>,
      %swap3A_293 = vector.shape_cast %swap3A_292 : vector<1x16xf32> to vector<16xf32>
      %swap3A_294 = vector.shape_cast %broadcast_in_dim3A_289 : vector<16xf32> to vector<1x16xf32>
      tpu.vector_store %arg13[%swap3A_290, %swap3A_291], %swap3A_294 {strides = array<i32>} : memref<128x128xf32, #tpu.memory_space<vmem>>, vector<1x16xf32>,
    }
    %scan3A_4 = arith.constant 128 : i32
    %mul3A_5 = arith.constant 626 : i32
    %mul3A_6 = arith.muli %arg1, %mul3A_5 : i32
    %add3A_7 = arith.constant 0 : i32
    %add3A_8 = arith.addi %mul3A_6, %add3A_7 : i32
    "tpu.region"() ({
      %run_scoped3A_239 = tpu.sem_alloc : memref<!tpu.dma_semaphore, #tpu.memory_space<semaphore_mem>>
      %dma_start3A_240 = arith.constant 0 : i32
      %dma_start3A_241 = tpu.memref_slice %arg15[%add3A_8, %dma_start3A_240] : memref<10016x128xf32, #tpu.memory_space<vmem_shared>> -> memref<128x128xf32, #tpu.memory_space<vmem_shared>>
      %dma_start3A_242 = arith.constant 0 : i32
      %dma_start3A_243 = tpu.memref_slice %arg15[%add3A_8, %dma_start3A_242] : memref<10016x128xf32, #tpu.memory_space<vmem_shared>> -> memref<128x128xf32, #tpu.memory_space<vmem_shared>>
      tpu.enqueue_dma source(%arg13 : memref<128x128xf32, #tpu.memory_space<vmem>>) target(%dma_start3A_243 : memref<128x128xf32, #tpu.memory_space<vmem_shared>>) target_semaphore(%run_scoped3A_239 : memref<!tpu.dma_semaphore, #tpu.memory_space<semaphore_mem>>)
      %dma_wait3A = arith.constant 0 : i32
      %dma_wait3A_244 = tpu.memref_slice %arg15[%add3A_8, %dma_wait3A] : memref<10016x128xf32, #tpu.memory_space<vmem_shared>> -> memref<128x128xf32, #tpu.memory_space<vmem_shared>>
      %dma_wait3A_245 = arith.constant 0 : i32
      %dma_wait3A_246 = tpu.memref_slice %arg15[%add3A_8, %dma_wait3A_245] : memref<10016x128xf32, #tpu.memory_space<vmem_shared>> -> memref<128x128xf32, #tpu.memory_space<vmem_shared>>
      tpu.wait_dma2 semaphore(%run_scoped3A_239 : memref<!tpu.dma_semaphore, #tpu.memory_space<semaphore_mem>>) src(%arg13 : memref<128x128xf32, #tpu.memory_space<vmem>>) dst(%dma_wait3A_246 : memref<128x128xf32, #tpu.memory_space<vmem_shared>>)
      tpu.yield
    }) : () -> ()
    %add3A_9 = arith.constant 128 : i32
    %add3A_10 = arith.addi %mul3A_6, %add3A_9 : i32
    "tpu.region"() ({
      %run_scoped3A_239 = tpu.sem_alloc : memref<!tpu.dma_semaphore, #tpu.memory_space<semaphore_mem>>
      %dma_start3A_240 = arith.constant 0 : i32
      %dma_start3A_241 = tpu.memref_slice %arg15[%add3A_10, %dma_start3A_240] : memref<10016x128xf32, #tpu.memory_space<vmem_shared>> -> memref<128x128xf32, #tpu.memory_space<vmem_shared>>
      %dma_start3A_242 = arith.constant 0 : i32
      %dma_start3A_243 = tpu.memref_slice %arg15[%add3A_10, %dma_start3A_242] : memref<10016x128xf32, #tpu.memory_space<vmem_shared>> -> memref<128x128xf32, #tpu.memory_space<vmem_shared>>
      tpu.enqueue_dma source(%arg13 : memref<128x128xf32, #tpu.memory_space<vmem>>) target(%dma_start3A_243 : memref<128x128xf32, #tpu.memory_space<vmem_shared>>) target_semaphore(%run_scoped3A_239 : memref<!tpu.dma_semaphore, #tpu.memory_space<semaphore_mem>>)
      %dma_wait3A = arith.constant 0 : i32
      %dma_wait3A_244 = tpu.memref_slice %arg15[%add3A_10, %dma_wait3A] : memref<10016x128xf32, #tpu.memory_space<vmem_shared>> -> memref<128x128xf32, #tpu.memory_space<vmem_shared>>
      %dma_wait3A_245 = arith.constant 0 : i32
      %dma_wait3A_246 = tpu.memref_slice %arg15[%add3A_10, %dma_wait3A_245] : memref<10016x128xf32, #tpu.memory_space<vmem_shared>> -> memref<128x128xf32, #tpu.memory_space<vmem_shared>>
      tpu.wait_dma2 semaphore(%run_scoped3A_239 : memref<!tpu.dma_semaphore, #tpu.memory_space<semaphore_mem>>) src(%arg13 : memref<128x128xf32, #tpu.memory_space<vmem>>) dst(%dma_wait3A_246 : memref<128x128xf32, #tpu.memory_space<vmem_shared>>)
      tpu.yield
    }) : () -> ()
    %add3A_11 = arith.constant 256 : i32
    %add3A_12 = arith.addi %mul3A_6, %add3A_11 : i32
    "tpu.region"() ({
      %run_scoped3A_239 = tpu.sem_alloc : memref<!tpu.dma_semaphore, #tpu.memory_space<semaphore_mem>>
      %dma_start3A_240 = arith.constant 0 : i32
      %dma_start3A_241 = tpu.memref_slice %arg15[%add3A_12, %dma_start3A_240] : memref<10016x128xf32, #tpu.memory_space<vmem_shared>> -> memref<128x128xf32, #tpu.memory_space<vmem_shared>>
      %dma_start3A_242 = arith.constant 0 : i32
      %dma_start3A_243 = tpu.memref_slice %arg15[%add3A_12, %dma_start3A_242] : memref<10016x128xf32, #tpu.memory_space<vmem_shared>> -> memref<128x128xf32, #tpu.memory_space<vmem_shared>>
      tpu.enqueue_dma source(%arg13 : memref<128x128xf32, #tpu.memory_space<vmem>>) target(%dma_start3A_243 : memref<128x128xf32, #tpu.memory_space<vmem_shared>>) target_semaphore(%run_scoped3A_239 : memref<!tpu.dma_semaphore, #tpu.memory_space<semaphore_mem>>)
      %dma_wait3A = arith.constant 0 : i32
      %dma_wait3A_244 = tpu.memref_slice %arg15[%add3A_12, %dma_wait3A] : memref<10016x128xf32, #tpu.memory_space<vmem_shared>> -> memref<128x128xf32, #tpu.memory_space<vmem_shared>>
      %dma_wait3A_245 = arith.constant 0 : i32
      %dma_wait3A_246 = tpu.memref_slice %arg15[%add3A_12, %dma_wait3A_245] : memref<10016x128xf32, #tpu.memory_space<vmem_shared>> -> memref<128x128xf32, #tpu.memory_space<vmem_shared>>
      tpu.wait_dma2 semaphore(%run_scoped3A_239 : memref<!tpu.dma_semaphore, #tpu.memory_space<semaphore_mem>>) src(%arg13 : memref<128x128xf32, #tpu.memory_space<vmem>>) dst(%dma_wait3A_246 : memref<128x128xf32, #tpu.memory_space<vmem_shared>>)
      tpu.yield
    }) : () -> ()
    %add3A_13 = arith.constant 384 : i32
    %add3A_14 = arith.addi %mul3A_6, %add3A_13 : i32
    "tpu.region"() ({
      %run_scoped3A_239 = tpu.sem_alloc : memref<!tpu.dma_semaphore, #tpu.memory_space<semaphore_mem>>
      %dma_start3A_240 = arith.constant 0 : i32
      %dma_start3A_241 = tpu.memref_slice %arg15[%add3A_14, %dma_start3A_240] : memref<10016x128xf32, #tpu.memory_space<vmem_shared>> -> memref<128x128xf32, #tpu.memory_space<vmem_shared>>
      %dma_start3A_242 = arith.constant 0 : i32
      %dma_start3A_243 = tpu.memref_slice %arg15[%add3A_14, %dma_start3A_242] : memref<10016x128xf32, #tpu.memory_space<vmem_shared>> -> memref<128x128xf32, #tpu.memory_space<vmem_shared>>
      tpu.enqueue_dma source(%arg13 : memref<128x128xf32, #tpu.memory_space<vmem>>) target(%dma_start3A_243 : memref<128x128xf32, #tpu.memory_space<vmem_shared>>) target_semaphore(%run_scoped3A_239 : memref<!tpu.dma_semaphore, #tpu.memory_space<semaphore_mem>>)
      %dma_wait3A = arith.constant 0 : i32
      %dma_wait3A_244 = tpu.memref_slice %arg15[%add3A_14, %dma_wait3A] : memref<10016x128xf32, #tpu.memory_space<vmem_shared>> -> memref<128x128xf32, #tpu.memory_space<vmem_shared>>
      %dma_wait3A_245 = arith.constant 0 : i32
      %dma_wait3A_246 = tpu.memref_slice %arg15[%add3A_14, %dma_wait3A_245] : memref<10016x128xf32, #tpu.memory_space<vmem_shared>> -> memref<128x128xf32, #tpu.memory_space<vmem_shared>>
      tpu.wait_dma2 semaphore(%run_scoped3A_239 : memref<!tpu.dma_semaphore, #tpu.memory_space<semaphore_mem>>) src(%arg13 : memref<128x128xf32, #tpu.memory_space<vmem>>) dst(%dma_wait3A_246 : memref<128x128xf32, #tpu.memory_space<vmem_shared>>)
      tpu.yield
    }) : () -> ()
    %add3A_15 = arith.constant 512 : i32
    %add3A_16 = arith.addi %mul3A_6, %add3A_15 : i32
    "tpu.region"() ({
      %run_scoped3A_239 = tpu.sem_alloc : memref<!tpu.dma_semaphore, #tpu.memory_space<semaphore_mem>>
      %dma_start3A_240 = arith.constant 0 : i32
      %dma_start3A_241 = arith.constant 0 : i32
      %dma_start3A_242 = tpu.memref_slice %arg13[%dma_start3A_240, %dma_start3A_241] : memref<128x128xf32, #tpu.memory_space<vmem>> -> memref<114x128xf32, #tpu.memory_space<vmem>>
      %dma_start3A_243 = arith.constant 0 : i32
      %dma_start3A_244 = tpu.memref_slice %arg15[%add3A_16, %dma_start3A_243] : memref<10016x128xf32, #tpu.memory_space<vmem_shared>> -> memref<114x128xf32, #tpu.memory_space<vmem_shared>>
      %dma_start3A_245 = arith.constant 0 : i32
      %dma_start3A_246 = tpu.memref_slice %arg15[%add3A_16, %dma_start3A_245] : memref<10016x128xf32, #tpu.memory_space<vmem_shared>> -> memref<114x128xf32, #tpu.memory_space<vmem_shared>>
      %dma_start3A_247 = arith.constant 0 : i32
      %dma_start3A_248 = arith.constant 0 : i32
      %dma_start3A_249 = tpu.memref_slice %arg13[%dma_start3A_247, %dma_start3A_248] : memref<128x128xf32, #tpu.memory_space<vmem>> -> memref<114x128xf32, #tpu.memory_space<vmem>>
      tpu.enqueue_dma source(%dma_start3A_249 : memref<114x128xf32, #tpu.memory_space<vmem>>) target(%dma_start3A_246 : memref<114x128xf32, #tpu.memory_space<vmem_shared>>) target_semaphore(%run_scoped3A_239 : memref<!tpu.dma_semaphore, #tpu.memory_space<semaphore_mem>>)
      %dma_wait3A = arith.constant 0 : i32
      %dma_wait3A_250 = arith.constant 0 : i32
      %dma_wait3A_251 = tpu.memref_slice %arg13[%dma_wait3A, %dma_wait3A_250] : memref<128x128xf32, #tpu.memory_space<vmem>> -> memref<114x128xf32, #tpu.memory_space<vmem>>
      %dma_wait3A_252 = arith.constant 0 : i32
      %dma_wait3A_253 = tpu.memref_slice %arg15[%add3A_16, %dma_wait3A_252] : memref<10016x128xf32, #tpu.memory_space<vmem_shared>> -> memref<114x128xf32, #tpu.memory_space<vmem_shared>>
      %dma_wait3A_254 = arith.constant 0 : i32
      %dma_wait3A_255 = tpu.memref_slice %arg15[%add3A_16, %dma_wait3A_254] : memref<10016x128xf32, #tpu.memory_space<vmem_shared>> -> memref<114x128xf32, #tpu.memory_space<vmem_shared>>
      %dma_wait3A_256 = arith.constant 0 : i32
      %dma_wait3A_257 = arith.constant 0 : i32
      %dma_wait3A_258 = tpu.memref_slice %arg13[%dma_wait3A_256, %dma_wait3A_257] : memref<128x128xf32, #tpu.memory_space<vmem>> -> memref<114x128xf32, #tpu.memory_space<vmem>>
      tpu.wait_dma2 semaphore(%run_scoped3A_239 : memref<!tpu.dma_semaphore, #tpu.memory_space<semaphore_mem>>) src(%dma_wait3A_258 : memref<114x128xf32, #tpu.memory_space<vmem>>) dst(%dma_wait3A_255 : memref<114x128xf32, #tpu.memory_space<vmem_shared>>)
      tpu.yield
    }) : () -> ()
    %barrier3A = arith.constant 0 : index
    tpu.barrier barrier_id(%barrier3A)
    %run_scoped3A = arith.constant 0 : i32
    "tpu.region"() ({
      %run_scoped3A_239 = tpu.sem_alloc : memref<!tpu.dma_semaphore, #tpu.memory_space<semaphore_mem>>
      %dma_start3A_240 = arith.constant 0 : i32
      %dma_start3A_241 = tpu.memref_slice %arg2[%add3A, %run_scoped3A, %dma_start3A_240] : memref<32x40x128xi32, #tpu.memory_space<hbm>> -> memref<1x1x128xi32, #tpu.memory_space<hbm>>
      %dma_start3A_242 = tpu.memref_squeeze %dma_start3A_241 : memref<1x1x128xi32, #tpu.memory_space<hbm>> -> memref<128xi32, #tpu.memory_space<hbm>>
      %dma_start3A_243 = arith.constant 0 : i32
      %dma_start3A_244 = tpu.memref_slice %arg2[%add3A, %run_scoped3A, %dma_start3A_243] : memref<32x40x128xi32, #tpu.memory_space<hbm>> -> memref<1x1x128xi32, #tpu.memory_space<hbm>>
      %dma_start3A_245 = tpu.memref_squeeze %dma_start3A_244 : memref<1x1x128xi32, #tpu.memory_space<hbm>> -> memref<128xi32, #tpu.memory_space<hbm>>
      tpu.enqueue_dma source(%dma_start3A_245 : memref<128xi32, #tpu.memory_space<hbm>>) target(%arg7 : memref<128xi32, #tpu.memory_space<vmem>>) target_semaphore(%run_scoped3A_239 : memref<!tpu.dma_semaphore, #tpu.memory_space<semaphore_mem>>)
      %dma_wait3A = arith.constant 0 : i32
      %dma_wait3A_246 = tpu.memref_slice %arg2[%add3A, %run_scoped3A, %dma_wait3A] : memref<32x40x128xi32, #tpu.memory_space<hbm>> -> memref<1x1x128xi32, #tpu.memory_space<hbm>>
      %dma_wait3A_247 = tpu.memref_squeeze %dma_wait3A_246 : memref<1x1x128xi32, #tpu.memory_space<hbm>> -> memref<128xi32, #tpu.memory_space<hbm>>
      %dma_wait3A_248 = arith.constant 0 : i32
      %dma_wait3A_249 = tpu.memref_slice %arg2[%add3A, %run_scoped3A, %dma_wait3A_248] : memref<32x40x128xi32, #tpu.memory_space<hbm>> -> memref<1x1x128xi32, #tpu.memory_space<hbm>>
      %dma_wait3A_250 = tpu.memref_squeeze %dma_wait3A_249 : memref<1x1x128xi32, #tpu.memory_space<hbm>> -> memref<128xi32, #tpu.memory_space<hbm>>
      tpu.wait_dma2 semaphore(%run_scoped3A_239 : memref<!tpu.dma_semaphore, #tpu.memory_space<semaphore_mem>>) src(%dma_wait3A_250 : memref<128xi32, #tpu.memory_space<hbm>>) dst(%arg7 : memref<128xi32, #tpu.memory_space<vmem>>)
      tpu.yield
    }) : () -> ()
    %run_scoped3A_17 = arith.constant 0 : i32
    "tpu.region"() ({
      %run_scoped3A_239 = tpu.sem_alloc : memref<!tpu.dma_semaphore, #tpu.memory_space<semaphore_mem>>
      %dma_start3A_240 = arith.constant 0 : i32
      %dma_start3A_241 = tpu.memref_slice %arg4[%add3A, %run_scoped3A_17, %dma_start3A_240] : memref<32x40x128xi32, #tpu.memory_space<hbm>> -> memref<1x1x128xi32, #tpu.memory_space<hbm>>
      %dma_start3A_242 = tpu.memref_squeeze %dma_start3A_241 : memref<1x1x128xi32, #tpu.memory_space<hbm>> -> memref<128xi32, #tpu.memory_space<hbm>>
      %dma_start3A_243 = arith.constant 0 : i32
      %dma_start3A_244 = tpu.memref_slice %arg4[%add3A, %run_scoped3A_17, %dma_start3A_243] : memref<32x40x128xi32, #tpu.memory_space<hbm>> -> memref<1x1x128xi32, #tpu.memory_space<hbm>>
      %dma_start3A_245 = tpu.memref_squeeze %dma_start3A_244 : memref<1x1x128xi32, #tpu.memory_space<hbm>> -> memref<128xi32, #tpu.memory_space<hbm>>
      tpu.enqueue_dma source(%dma_start3A_245 : memref<128xi32, #tpu.memory_space<hbm>>) target(%arg8 : memref<128xi32, #tpu.memory_space<vmem>>) target_semaphore(%run_scoped3A_239 : memref<!tpu.dma_semaphore, #tpu.memory_space<semaphore_mem>>)
      %dma_wait3A = arith.constant 0 : i32
      %dma_wait3A_246 = tpu.memref_slice %arg4[%add3A, %run_scoped3A_17, %dma_wait3A] : memref<32x40x128xi32, #tpu.memory_space<hbm>> -> memref<1x1x128xi32, #tpu.memory_space<hbm>>
      %dma_wait3A_247 = tpu.memref_squeeze %dma_wait3A_246 : memref<1x1x128xi32, #tpu.memory_space<hbm>> -> memref<128xi32, #tpu.memory_space<hbm>>
      %dma_wait3A_248 = arith.constant 0 : i32
      %dma_wait3A_249 = tpu.memref_slice %arg4[%add3A, %run_scoped3A_17, %dma_wait3A_248] : memref<32x40x128xi32, #tpu.memory_space<hbm>> -> memref<1x1x128xi32, #tpu.memory_space<hbm>>
      %dma_wait3A_250 = tpu.memref_squeeze %dma_wait3A_249 : memref<1x1x128xi32, #tpu.memory_space<hbm>> -> memref<128xi32, #tpu.memory_space<hbm>>
      tpu.wait_dma2 semaphore(%run_scoped3A_239 : memref<!tpu.dma_semaphore, #tpu.memory_space<semaphore_mem>>) src(%dma_wait3A_250 : memref<128xi32, #tpu.memory_space<hbm>>) dst(%arg8 : memref<128xi32, #tpu.memory_space<vmem>>)
      tpu.yield
    }) : () -> ()
    %scan3A_18 = arith.constant 0 : i32
    %scan3A_19 = arith.constant 0 : i32
    %mul3A_20 = arith.constant 16 : i32
    %mul3A_21 = arith.muli %scan3A_19, %mul3A_20 : i32
    %get3A = arith.index_cast %mul3A_21 : i32 to index
    %get3A_22 = tpu.vector_load %arg8[%get3A] {strides = array<i32>} : memref<128xi32, #tpu.memory_space<vmem>>, vector<16xi32>,
    %get3A_23 = vector.shape_cast %get3A_22 : vector<16xi32> to vector<16xi32>
    %mul3A_24 = arith.constant 16 : i32
    %mul3A_25 = arith.muli %scan3A_19, %mul3A_24 : i32
    %get3A_26 = arith.index_cast %mul3A_25 : i32 to index
    %get3A_27 = tpu.vector_load %arg7[%get3A_26] {strides = array<i32>} : memref<128xi32, #tpu.memory_space<vmem>>, vector<16xi32>,
    %get3A_28 = vector.shape_cast %get3A_27 : vector<16xi32> to vector<16xi32>
    %and3A = arith.constant 7 : i32
    %and3A_29 = vector.broadcast %and3A : i32 to vector<16xi32>
    %and3A_30 = arith.andi %get3A_23, %and3A_29 : vector<16xi32>
    %mul3A_31 = arith.constant 10000 : i32
    %mul3A_32 = vector.broadcast %mul3A_31 : i32 to vector<16xi32>
    %mul3A_33 = arith.muli %and3A_30, %mul3A_32 : vector<16xi32>
    %add3A_34 = arith.addi %mul3A_33, %get3A_28 : vector<16xi32>
    %add3A_35 = vector.broadcast %scan3A_18 : i32 to vector<16xi32>
    %add3A_36 = arith.addi %add3A_34, %add3A_35 : vector<16xi32>
    %mul3A_37 = arith.constant 16 : i32
    %mul3A_38 = arith.muli %scan3A_19, %mul3A_37 : i32
    %swap3A = arith.index_cast %mul3A_38 : i32 to index
    %swap3A_39 = tpu.vector_load %arg11[%swap3A] {strides = array<i32>} : memref<128xi32, #tpu.memory_space<vmem>>, vector<16xi32>,
    %swap3A_40 = vector.shape_cast %swap3A_39 : vector<16xi32> to vector<16xi32>
    %swap3A_41 = vector.shape_cast %add3A_36 : vector<16xi32> to vector<16xi32>
    tpu.vector_store %arg11[%swap3A], %swap3A_41 {strides = array<i32>} : memref<128xi32, #tpu.memory_space<vmem>>, vector<16xi32>,
    %scan3A_42 = arith.constant 1 : i32
    %mul3A_43 = arith.constant 16 : i32
    %mul3A_44 = arith.muli %scan3A_42, %mul3A_43 : i32
    %get3A_45 = arith.index_cast %mul3A_44 : i32 to index
    %get3A_46 = tpu.vector_load %arg8[%get3A_45] {strides = array<i32>} : memref<128xi32, #tpu.memory_space<vmem>>, vector<16xi32>,
    %get3A_47 = vector.shape_cast %get3A_46 : vector<16xi32> to vector<16xi32>
    %mul3A_48 = arith.constant 16 : i32
    %mul3A_49 = arith.muli %scan3A_42, %mul3A_48 : i32
    %get3A_50 = arith.index_cast %mul3A_49 : i32 to index
    %get3A_51 = tpu.vector_load %arg7[%get3A_50] {strides = array<i32>} : memref<128xi32, #tpu.memory_space<vmem>>, vector<16xi32>,
    %get3A_52 = vector.shape_cast %get3A_51 : vector<16xi32> to vector<16xi32>
    %and3A_53 = arith.constant 7 : i32
    %and3A_54 = vector.broadcast %and3A_53 : i32 to vector<16xi32>
    %and3A_55 = arith.andi %get3A_47, %and3A_54 : vector<16xi32>
    %mul3A_56 = arith.constant 10000 : i32
    %mul3A_57 = vector.broadcast %mul3A_56 : i32 to vector<16xi32>
    %mul3A_58 = arith.muli %and3A_55, %mul3A_57 : vector<16xi32>
    %add3A_59 = arith.addi %mul3A_58, %get3A_52 : vector<16xi32>
    %add3A_60 = vector.broadcast %scan3A_18 : i32 to vector<16xi32>
    %add3A_61 = arith.addi %add3A_59, %add3A_60 : vector<16xi32>
    %mul3A_62 = arith.constant 16 : i32
    %mul3A_63 = arith.muli %scan3A_42, %mul3A_62 : i32
    %swap3A_64 = arith.index_cast %mul3A_63 : i32 to index
    %swap3A_65 = tpu.vector_load %arg11[%swap3A_64] {strides = array<i32>} : memref<128xi32, #tpu.memory_space<vmem>>, vector<16xi32>,
    %swap3A_66 = vector.shape_cast %swap3A_65 : vector<16xi32> to vector<16xi32>
    %swap3A_67 = vector.shape_cast %add3A_61 : vector<16xi32> to vector<16xi32>
    tpu.vector_store %arg11[%swap3A_64], %swap3A_67 {strides = array<i32>} : memref<128xi32, #tpu.memory_space<vmem>>, vector<16xi32>,
    %scan3A_68 = arith.constant 2 : i32
    %mul3A_69 = arith.constant 16 : i32
    %mul3A_70 = arith.muli %scan3A_68, %mul3A_69 : i32
    %get3A_71 = arith.index_cast %mul3A_70 : i32 to index
    %get3A_72 = tpu.vector_load %arg8[%get3A_71] {strides = array<i32>} : memref<128xi32, #tpu.memory_space<vmem>>, vector<16xi32>,
    %get3A_73 = vector.shape_cast %get3A_72 : vector<16xi32> to vector<16xi32>
    %mul3A_74 = arith.constant 16 : i32
    %mul3A_75 = arith.muli %scan3A_68, %mul3A_74 : i32
    %get3A_76 = arith.index_cast %mul3A_75 : i32 to index
    %get3A_77 = tpu.vector_load %arg7[%get3A_76] {strides = array<i32>} : memref<128xi32, #tpu.memory_space<vmem>>, vector<16xi32>,
    %get3A_78 = vector.shape_cast %get3A_77 : vector<16xi32> to vector<16xi32>
    %and3A_79 = arith.constant 7 : i32
    %and3A_80 = vector.broadcast %and3A_79 : i32 to vector<16xi32>
    %and3A_81 = arith.andi %get3A_73, %and3A_80 : vector<16xi32>
    %mul3A_82 = arith.constant 10000 : i32
    %mul3A_83 = vector.broadcast %mul3A_82 : i32 to vector<16xi32>
    %mul3A_84 = arith.muli %and3A_81, %mul3A_83 : vector<16xi32>
    %add3A_85 = arith.addi %mul3A_84, %get3A_78 : vector<16xi32>
    %add3A_86 = vector.broadcast %scan3A_18 : i32 to vector<16xi32>
    %add3A_87 = arith.addi %add3A_85, %add3A_86 : vector<16xi32>
    %mul3A_88 = arith.constant 16 : i32
    %mul3A_89 = arith.muli %scan3A_68, %mul3A_88 : i32
    %swap3A_90 = arith.index_cast %mul3A_89 : i32 to index
    %swap3A_91 = tpu.vector_load %arg11[%swap3A_90] {strides = array<i32>} : memref<128xi32, #tpu.memory_space<vmem>>, vector<16xi32>,
    %swap3A_92 = vector.shape_cast %swap3A_91 : vector<16xi32> to vector<16xi32>
    %swap3A_93 = vector.shape_cast %add3A_87 : vector<16xi32> to vector<16xi32>
    tpu.vector_store %arg11[%swap3A_90], %swap3A_93 {strides = array<i32>} : memref<128xi32, #tpu.memory_space<vmem>>, vector<16xi32>,
    %scan3A_94 = arith.constant 3 : i32
    %mul3A_95 = arith.constant 16 : i32
    %mul3A_96 = arith.muli %scan3A_94, %mul3A_95 : i32
    %get3A_97 = arith.index_cast %mul3A_96 : i32 to index
    %get3A_98 = tpu.vector_load %arg8[%get3A_97] {strides = array<i32>} : memref<128xi32, #tpu.memory_space<vmem>>, vector<16xi32>,
    %get3A_99 = vector.shape_cast %get3A_98 : vector<16xi32> to vector<16xi32>
    %mul3A_100 = arith.constant 16 : i32
    %mul3A_101 = arith.muli %scan3A_94, %mul3A_100 : i32
    %get3A_102 = arith.index_cast %mul3A_101 : i32 to index
    %get3A_103 = tpu.vector_load %arg7[%get3A_102] {strides = array<i32>} : memref<128xi32, #tpu.memory_space<vmem>>, vector<16xi32>,
    %get3A_104 = vector.shape_cast %get3A_103 : vector<16xi32> to vector<16xi32>
    %and3A_105 = arith.constant 7 : i32
    %and3A_106 = vector.broadcast %and3A_105 : i32 to vector<16xi32>
    %and3A_107 = arith.andi %get3A_99, %and3A_106 : vector<16xi32>
    %mul3A_108 = arith.constant 10000 : i32
    %mul3A_109 = vector.broadcast %mul3A_108 : i32 to vector<16xi32>
    %mul3A_110 = arith.muli %and3A_107, %mul3A_109 : vector<16xi32>
    %add3A_111 = arith.addi %mul3A_110, %get3A_104 : vector<16xi32>
    %add3A_112 = vector.broadcast %scan3A_18 : i32 to vector<16xi32>
    %add3A_113 = arith.addi %add3A_111, %add3A_112 : vector<16xi32>
    %mul3A_114 = arith.constant 16 : i32
    %mul3A_115 = arith.muli %scan3A_94, %mul3A_114 : i32
    %swap3A_116 = arith.index_cast %mul3A_115 : i32 to index
    %swap3A_117 = tpu.vector_load %arg11[%swap3A_116] {strides = array<i32>} : memref<128xi32, #tpu.memory_space<vmem>>, vector<16xi32>,
    %swap3A_118 = vector.shape_cast %swap3A_117 : vector<16xi32> to vector<16xi32>
    %swap3A_119 = vector.shape_cast %add3A_113 : vector<16xi32> to vector<16xi32>
    tpu.vector_store %arg11[%swap3A_116], %swap3A_119 {strides = array<i32>} : memref<128xi32, #tpu.memory_space<vmem>>, vector<16xi32>,
    %scan3A_120 = arith.constant 4 : i32
    %mul3A_121 = arith.constant 16 : i32
    %mul3A_122 = arith.muli %scan3A_120, %mul3A_121 : i32
    %get3A_123 = arith.index_cast %mul3A_122 : i32 to index
    %get3A_124 = tpu.vector_load %arg8[%get3A_123] {strides = array<i32>} : memref<128xi32, #tpu.memory_space<vmem>>, vector<16xi32>,
    %get3A_125 = vector.shape_cast %get3A_124 : vector<16xi32> to vector<16xi32>
    %mul3A_126 = arith.constant 16 : i32
    %mul3A_127 = arith.muli %scan3A_120, %mul3A_126 : i32
    %get3A_128 = arith.index_cast %mul3A_127 : i32 to index
    %get3A_129 = tpu.vector_load %arg7[%get3A_128] {strides = array<i32>} : memref<128xi32, #tpu.memory_space<vmem>>, vector<16xi32>,
    %get3A_130 = vector.shape_cast %get3A_129 : vector<16xi32> to vector<16xi32>
    %and3A_131 = arith.constant 7 : i32
    %and3A_132 = vector.broadcast %and3A_131 : i32 to vector<16xi32>
    %and3A_133 = arith.andi %get3A_125, %and3A_132 : vector<16xi32>
    %mul3A_134 = arith.constant 10000 : i32
    %mul3A_135 = vector.broadcast %mul3A_134 : i32 to vector<16xi32>
    %mul3A_136 = arith.muli %and3A_133, %mul3A_135 : vector<16xi32>
    %add3A_137 = arith.addi %mul3A_136, %get3A_130 : vector<16xi32>
    %add3A_138 = vector.broadcast %scan3A_18 : i32 to vector<16xi32>
    %add3A_139 = arith.addi %add3A_137, %add3A_138 : vector<16xi32>
    %mul3A_140 = arith.constant 16 : i32
    %mul3A_141 = arith.muli %scan3A_120, %mul3A_140 : i32
    %swap3A_142 = arith.index_cast %mul3A_141 : i32 to index
    %swap3A_143 = tpu.vector_load %arg11[%swap3A_142] {strides = array<i32>} : memref<128xi32, #tpu.memory_space<vmem>>, vector<16xi32>,
    %swap3A_144 = vector.shape_cast %swap3A_143 : vector<16xi32> to vector<16xi32>
    %swap3A_145 = vector.shape_cast %add3A_139 : vector<16xi32> to vector<16xi32>
    tpu.vector_store %arg11[%swap3A_142], %swap3A_145 {strides = array<i32>} : memref<128xi32, #tpu.memory_space<vmem>>, vector<16xi32>,
    %scan3A_146 = arith.constant 5 : i32
    %mul3A_147 = arith.constant 16 : i32
    %mul3A_148 = arith.muli %scan3A_146, %mul3A_147 : i32
    %get3A_149 = arith.index_cast %mul3A_148 : i32 to index
    %get3A_150 = tpu.vector_load %arg8[%get3A_149] {strides = array<i32>} : memref<128xi32, #tpu.memory_space<vmem>>, vector<16xi32>,
    %get3A_151 = vector.shape_cast %get3A_150 : vector<16xi32> to vector<16xi32>
    %mul3A_152 = arith.constant 16 : i32
    %mul3A_153 = arith.muli %scan3A_146, %mul3A_152 : i32
    %get3A_154 = arith.index_cast %mul3A_153 : i32 to index
    %get3A_155 = tpu.vector_load %arg7[%get3A_154] {strides = array<i32>} : memref<128xi32, #tpu.memory_space<vmem>>, vector<16xi32>,
    %get3A_156 = vector.shape_cast %get3A_155 : vector<16xi32> to vector<16xi32>
    %and3A_157 = arith.constant 7 : i32
    %and3A_158 = vector.broadcast %and3A_157 : i32 to vector<16xi32>
    %and3A_159 = arith.andi %get3A_151, %and3A_158 : vector<16xi32>
    %mul3A_160 = arith.constant 10000 : i32
    %mul3A_161 = vector.broadcast %mul3A_160 : i32 to vector<16xi32>
    %mul3A_162 = arith.muli %and3A_159, %mul3A_161 : vector<16xi32>
    %add3A_163 = arith.addi %mul3A_162, %get3A_156 : vector<16xi32>
    %add3A_164 = vector.broadcast %scan3A_18 : i32 to vector<16xi32>
    %add3A_165 = arith.addi %add3A_163, %add3A_164 : vector<16xi32>
    %mul3A_166 = arith.constant 16 : i32
    %mul3A_167 = arith.muli %scan3A_146, %mul3A_166 : i32
    %swap3A_168 = arith.index_cast %mul3A_167 : i32 to index
    %swap3A_169 = tpu.vector_load %arg11[%swap3A_168] {strides = array<i32>} : memref<128xi32, #tpu.memory_space<vmem>>, vector<16xi32>,
    %swap3A_170 = vector.shape_cast %swap3A_169 : vector<16xi32> to vector<16xi32>
    %swap3A_171 = vector.shape_cast %add3A_165 : vector<16xi32> to vector<16xi32>
    tpu.vector_store %arg11[%swap3A_168], %swap3A_171 {strides = array<i32>} : memref<128xi32, #tpu.memory_space<vmem>>, vector<16xi32>,
    %scan3A_172 = arith.constant 6 : i32
    %mul3A_173 = arith.constant 16 : i32
    %mul3A_174 = arith.muli %scan3A_172, %mul3A_173 : i32
    %get3A_175 = arith.index_cast %mul3A_174 : i32 to index
    %get3A_176 = tpu.vector_load %arg8[%get3A_175] {strides = array<i32>} : memref<128xi32, #tpu.memory_space<vmem>>, vector<16xi32>,
    %get3A_177 = vector.shape_cast %get3A_176 : vector<16xi32> to vector<16xi32>
    %mul3A_178 = arith.constant 16 : i32
    %mul3A_179 = arith.muli %scan3A_172, %mul3A_178 : i32
    %get3A_180 = arith.index_cast %mul3A_179 : i32 to index
    %get3A_181 = tpu.vector_load %arg7[%get3A_180] {strides = array<i32>} : memref<128xi32, #tpu.memory_space<vmem>>, vector<16xi32>,
    %get3A_182 = vector.shape_cast %get3A_181 : vector<16xi32> to vector<16xi32>
    %and3A_183 = arith.constant 7 : i32
    %and3A_184 = vector.broadcast %and3A_183 : i32 to vector<16xi32>
    %and3A_185 = arith.andi %get3A_177, %and3A_184 : vector<16xi32>
    %mul3A_186 = arith.constant 10000 : i32
    %mul3A_187 = vector.broadcast %mul3A_186 : i32 to vector<16xi32>
    %mul3A_188 = arith.muli %and3A_185, %mul3A_187 : vector<16xi32>
    %add3A_189 = arith.addi %mul3A_188, %get3A_182 : vector<16xi32>
    %add3A_190 = vector.broadcast %scan3A_18 : i32 to vector<16xi32>
    %add3A_191 = arith.addi %add3A_189, %add3A_190 : vector<16xi32>
    %mul3A_192 = arith.constant 16 : i32
    %mul3A_193 = arith.muli %scan3A_172, %mul3A_192 : i32
    %swap3A_194 = arith.index_cast %mul3A_193 : i32 to index
    %swap3A_195 = tpu.vector_load %arg11[%swap3A_194] {strides = array<i32>} : memref<128xi32, #tpu.memory_space<vmem>>, vector<16xi32>,
    %swap3A_196 = vector.shape_cast %swap3A_195 : vector<16xi32> to vector<16xi32>
    %swap3A_197 = vector.shape_cast %add3A_191 : vector<16xi32> to vector<16xi32>
    tpu.vector_store %arg11[%swap3A_194], %swap3A_197 {strides = array<i32>} : memref<128xi32, #tpu.memory_space<vmem>>, vector<16xi32>,
    %scan3A_198 = arith.constant 7 : i32
    %mul3A_199 = arith.constant 16 : i32
    %mul3A_200 = arith.muli %scan3A_198, %mul3A_199 : i32
    %get3A_201 = arith.index_cast %mul3A_200 : i32 to index
    %get3A_202 = tpu.vector_load %arg8[%get3A_201] {strides = array<i32>} : memref<128xi32, #tpu.memory_space<vmem>>, vector<16xi32>,
    %get3A_203 = vector.shape_cast %get3A_202 : vector<16xi32> to vector<16xi32>
    %mul3A_204 = arith.constant 16 : i32
    %mul3A_205 = arith.muli %scan3A_198, %mul3A_204 : i32
    %get3A_206 = arith.index_cast %mul3A_205 : i32 to index
    %get3A_207 = tpu.vector_load %arg7[%get3A_206] {strides = array<i32>} : memref<128xi32, #tpu.memory_space<vmem>>, vector<16xi32>,
    %get3A_208 = vector.shape_cast %get3A_207 : vector<16xi32> to vector<16xi32>
    %and3A_209 = arith.constant 7 : i32
    %and3A_210 = vector.broadcast %and3A_209 : i32 to vector<16xi32>
    %and3A_211 = arith.andi %get3A_203, %and3A_210 : vector<16xi32>
    %mul3A_212 = arith.constant 10000 : i32
    %mul3A_213 = vector.broadcast %mul3A_212 : i32 to vector<16xi32>
    %mul3A_214 = arith.muli %and3A_211, %mul3A_213 : vector<16xi32>
    %add3A_215 = arith.addi %mul3A_214, %get3A_208 : vector<16xi32>
    %add3A_216 = vector.broadcast %scan3A_18 : i32 to vector<16xi32>
    %add3A_217 = arith.addi %add3A_215, %add3A_216 : vector<16xi32>
    %mul3A_218 = arith.constant 16 : i32
    %mul3A_219 = arith.muli %scan3A_198, %mul3A_218 : i32
    %swap3A_220 = arith.index_cast %mul3A_219 : i32 to index
    %swap3A_221 = tpu.vector_load %arg11[%swap3A_220] {strides = array<i32>} : memref<128xi32, #tpu.memory_space<vmem>>, vector<16xi32>,
    %swap3A_222 = vector.shape_cast %swap3A_221 : vector<16xi32> to vector<16xi32>
    %swap3A_223 = vector.shape_cast %add3A_217 : vector<16xi32> to vector<16xi32>
    tpu.vector_store %arg11[%swap3A_220], %swap3A_223 {strides = array<i32>} : memref<128xi32, #tpu.memory_space<vmem>>, vector<16xi32>,
    %scan3A_224 = arith.constant 8 : i32
    %run_scoped3A_225 = arith.constant 0 : i32
    "tpu.region"() ({
      %run_scoped3A_239 = tpu.sem_alloc : memref<!tpu.dma_semaphore, #tpu.memory_space<semaphore_mem>>
      %dma_start3A_240 = arith.constant 0 : i32
      %dma_start3A_241 = tpu.memref_slice %arg3[%add3A, %run_scoped3A_225, %dma_start3A_240] : memref<32x40x128xi32, #tpu.memory_space<hbm>> -> memref<1x1x128xi32, #tpu.memory_space<hbm>>
      %dma_start3A_242 = tpu.memref_squeeze %dma_start3A_241 : memref<1x1x128xi32, #tpu.memory_space<hbm>> -> memref<128xi32, #tpu.memory_space<hbm>>
      %dma_start3A_243 = arith.constant 0 : i32
      %dma_start3A_244 = tpu.memref_slice %arg3[%add3A, %run_scoped3A_225, %dma_start3A_243] : memref<32x40x128xi32, #tpu.memory_space<hbm>> -> memref<1x1x128xi32, #tpu.memory_space<hbm>>
      %dma_start3A_245 = tpu.memref_squeeze %dma_start3A_244 : memref<1x1x128xi32, #tpu.memory_space<hbm>> -> memref<128xi32, #tpu.memory_space<hbm>>
      tpu.enqueue_dma source(%dma_start3A_245 : memref<128xi32, #tpu.memory_space<hbm>>) target(%arg9 : memref<128xi32, #tpu.memory_space<vmem>>) target_semaphore(%run_scoped3A_239 : memref<!tpu.dma_semaphore, #tpu.memory_space<semaphore_mem>>)
      %dma_wait3A = arith.constant 0 : i32
      %dma_wait3A_246 = tpu.memref_slice %arg3[%add3A, %run_scoped3A_225, %dma_wait3A] : memref<32x40x128xi32, #tpu.memory_space<hbm>> -> memref<1x1x128xi32, #tpu.memory_space<hbm>>
      %dma_wait3A_247 = tpu.memref_squeeze %dma_wait3A_246 : memref<1x1x128xi32, #tpu.memory_space<hbm>> -> memref<128xi32, #tpu.memory_space<hbm>>
      %dma_wait3A_248 = arith.constant 0 : i32
      %dma_wait3A_249 = tpu.memref_slice %arg3[%add3A, %run_scoped3A_225, %dma_wait3A_248] : memref<32x40x128xi32, #tpu.memory_space<hbm>> -> memref<1x1x128xi32, #tpu.memory_space<hbm>>
      %dma_wait3A_250 = tpu.memref_squeeze %dma_wait3A_249 : memref<1x1x128xi32, #tpu.memory_space<hbm>> -> memref<128xi32, #tpu.memory_space<hbm>>
      tpu.wait_dma2 semaphore(%run_scoped3A_239 : memref<!tpu.dma_semaphore, #tpu.memory_space<semaphore_mem>>) src(%dma_wait3A_250 : memref<128xi32, #tpu.memory_space<hbm>>) dst(%arg9 : memref<128xi32, #tpu.memory_space<vmem>>)
      tpu.yield
    }) : () -> ()
    %dma_start3A = arith.constant 0 : i32
    %dma_start3A_226 = arith.constant 0 : i32
    %dma_start3A_227 = tpu.memref_slice %arg5[%dma_start3A, %dma_start3A_226] : memref<80000x128xf32, #tpu.memory_space<hbm>> -> memref<80000x128xf32, #tpu.memory_space<hbm>>
    tpu.enqueue_indirect_dma source(%dma_start3A_227 : memref<80000x128xf32, #tpu.memory_space<hbm>>) target(%arg13 : memref<128x128xf32, #tpu.memory_space<vmem>>) offsets(%arg11 : memref<128xi32, #tpu.memory_space<vmem>>) semaphore(%arg16 : memref<!tpu.dma_semaphore, #tpu.memory_space<semaphore_mem>>)
    %scan3A_228 = arith.constant 0 : i32
    %scan3A_229 = arith.constant 0 : i32
    %scan3A_230 = arith.constant 20 : i32
    %scan3A_231 = arith.addi %scan3A_229, %scan3A_230 : i32
    %scan3A_232 = arith.constant 1 : i32
    scf.for %scan3A_239 = %scan3A_229 to %scan3A_231 step %scan3A_232  : i32 {
      %mul3A_240 = arith.constant 2 : i32
      %mul3A_241 = arith.muli %mul3A_240, %scan3A_239 : i32
      %add3A_242 = arith.constant 1 : i32
      %add3A_243 = arith.addi %mul3A_241, %add3A_242 : i32
      %lt3A = arith.constant 40 : i32
      %lt3A_244 = arith.cmpi slt, %add3A_243, %lt3A : i32
      %convert_element_type3A_245 = arith.extui %lt3A_244 : i1 to i32
      %cond3A_246 = arith.constant 0 : i32
      %cond3A_247 = arith.cmpi ne, %convert_element_type3A_245, %cond3A_246 : i32
      scf.if %cond3A_247 {
        %add3A_264 = arith.constant 1 : i32
        %add3A_265 = arith.addi %mul3A_241, %add3A_264 : i32
        "tpu.region"() ({
          %run_scoped3A_478 = tpu.sem_alloc : memref<!tpu.dma_semaphore, #tpu.memory_space<semaphore_mem>>
          %dma_start3A_479 = arith.constant 0 : i32
          %dma_start3A_480 = tpu.memref_slice %arg2[%add3A, %add3A_265, %dma_start3A_479] : memref<32x40x128xi32, #tpu.memory_space<hbm>> -> memref<1x1x128xi32, #tpu.memory_space<hbm>>
          %dma_start3A_481 = tpu.memref_squeeze %dma_start3A_480 : memref<1x1x128xi32, #tpu.memory_space<hbm>> -> memref<128xi32, #tpu.memory_space<hbm>>
          %dma_start3A_482 = arith.constant 0 : i32
          %dma_start3A_483 = tpu.memref_slice %arg2[%add3A, %add3A_265, %dma_start3A_482] : memref<32x40x128xi32, #tpu.memory_space<hbm>> -> memref<1x1x128xi32, #tpu.memory_space<hbm>>
          %dma_start3A_484 = tpu.memref_squeeze %dma_start3A_483 : memref<1x1x128xi32, #tpu.memory_space<hbm>> -> memref<128xi32, #tpu.memory_space<hbm>>
          tpu.enqueue_dma source(%dma_start3A_484 : memref<128xi32, #tpu.memory_space<hbm>>) target(%arg7 : memref<128xi32, #tpu.memory_space<vmem>>) target_semaphore(%run_scoped3A_478 : memref<!tpu.dma_semaphore, #tpu.memory_space<semaphore_mem>>)
          %dma_wait3A_485 = arith.constant 0 : i32
          %dma_wait3A_486 = tpu.memref_slice %arg2[%add3A, %add3A_265, %dma_wait3A_485] : memref<32x40x128xi32, #tpu.memory_space<hbm>> -> memref<1x1x128xi32, #tpu.memory_space<hbm>>
          %dma_wait3A_487 = tpu.memref_squeeze %dma_wait3A_486 : memref<1x1x128xi32, #tpu.memory_space<hbm>> -> memref<128xi32, #tpu.memory_space<hbm>>
          %dma_wait3A_488 = arith.constant 0 : i32
          %dma_wait3A_489 = tpu.memref_slice %arg2[%add3A, %add3A_265, %dma_wait3A_488] : memref<32x40x128xi32, #tpu.memory_space<hbm>> -> memref<1x1x128xi32, #tpu.memory_space<hbm>>
          %dma_wait3A_490 = tpu.memref_squeeze %dma_wait3A_489 : memref<1x1x128xi32, #tpu.memory_space<hbm>> -> memref<128xi32, #tpu.memory_space<hbm>>
          tpu.wait_dma2 semaphore(%run_scoped3A_478 : memref<!tpu.dma_semaphore, #tpu.memory_space<semaphore_mem>>) src(%dma_wait3A_490 : memref<128xi32, #tpu.memory_space<hbm>>) dst(%arg7 : memref<128xi32, #tpu.memory_space<vmem>>)
          tpu.yield
        }) : () -> ()
        "tpu.region"() ({
          %run_scoped3A_478 = tpu.sem_alloc : memref<!tpu.dma_semaphore, #tpu.memory_space<semaphore_mem>>
          %dma_start3A_479 = arith.constant 0 : i32
          %dma_start3A_480 = tpu.memref_slice %arg4[%add3A, %add3A_265, %dma_start3A_479] : memref<32x40x128xi32, #tpu.memory_space<hbm>> -> memref<1x1x128xi32, #tpu.memory_space<hbm>>
          %dma_start3A_481 = tpu.memref_squeeze %dma_start3A_480 : memref<1x1x128xi32, #tpu.memory_space<hbm>> -> memref<128xi32, #tpu.memory_space<hbm>>
          %dma_start3A_482 = arith.constant 0 : i32
          %dma_start3A_483 = tpu.memref_slice %arg4[%add3A, %add3A_265, %dma_start3A_482] : memref<32x40x128xi32, #tpu.memory_space<hbm>> -> memref<1x1x128xi32, #tpu.memory_space<hbm>>
          %dma_start3A_484 = tpu.memref_squeeze %dma_start3A_483 : memref<1x1x128xi32, #tpu.memory_space<hbm>> -> memref<128xi32, #tpu.memory_space<hbm>>
          tpu.enqueue_dma source(%dma_start3A_484 : memref<128xi32, #tpu.memory_space<hbm>>) target(%arg8 : memref<128xi32, #tpu.memory_space<vmem>>) target_semaphore(%run_scoped3A_478 : memref<!tpu.dma_semaphore, #tpu.memory_space<semaphore_mem>>)
          %dma_wait3A_485 = arith.constant 0 : i32
          %dma_wait3A_486 = tpu.memref_slice %arg4[%add3A, %add3A_265, %dma_wait3A_485] : memref<32x40x128xi32, #tpu.memory_space<hbm>> -> memref<1x1x128xi32, #tpu.memory_space<hbm>>
          %dma_wait3A_487 = tpu.memref_squeeze %dma_wait3A_486 : memref<1x1x128xi32, #tpu.memory_space<hbm>> -> memref<128xi32, #tpu.memory_space<hbm>>
          %dma_wait3A_488 = arith.constant 0 : i32
          %dma_wait3A_489 = tpu.memref_slice %arg4[%add3A, %add3A_265, %dma_wait3A_488] : memref<32x40x128xi32, #tpu.memory_space<hbm>> -> memref<1x1x128xi32, #tpu.memory_space<hbm>>
          %dma_wait3A_490 = tpu.memref_squeeze %dma_wait3A_489 : memref<1x1x128xi32, #tpu.memory_space<hbm>> -> memref<128xi32, #tpu.memory_space<hbm>>
          tpu.wait_dma2 semaphore(%run_scoped3A_478 : memref<!tpu.dma_semaphore, #tpu.memory_space<semaphore_mem>>) src(%dma_wait3A_490 : memref<128xi32, #tpu.memory_space<hbm>>) dst(%arg8 : memref<128xi32, #tpu.memory_space<vmem>>)
          tpu.yield
        }) : () -> ()
        %scan3A_266 = arith.constant 0 : i32
        %mul3A_267 = arith.constant 16 : i32
        %mul3A_268 = arith.muli %scan3A_266, %mul3A_267 : i32
        %get3A_269 = arith.index_cast %mul3A_268 : i32 to index
        %get3A_270 = tpu.vector_load %arg8[%get3A_269] {strides = array<i32>} : memref<128xi32, #tpu.memory_space<vmem>>, vector<16xi32>,
        %get3A_271 = vector.shape_cast %get3A_270 : vector<16xi32> to vector<16xi32>
        %mul3A_272 = arith.constant 16 : i32
        %mul3A_273 = arith.muli %scan3A_266, %mul3A_272 : i32
        %get3A_274 = arith.index_cast %mul3A_273 : i32 to index
        %get3A_275 = tpu.vector_load %arg7[%get3A_274] {strides = array<i32>} : memref<128xi32, #tpu.memory_space<vmem>>, vector<16xi32>,
        %get3A_276 = vector.shape_cast %get3A_275 : vector<16xi32> to vector<16xi32>
        %and3A_277 = arith.constant 7 : i32
        %and3A_278 = vector.broadcast %and3A_277 : i32 to vector<16xi32>
        %and3A_279 = arith.andi %get3A_271, %and3A_278 : vector<16xi32>
        %mul3A_280 = arith.constant 10000 : i32
        %mul3A_281 = vector.broadcast %mul3A_280 : i32 to vector<16xi32>
        %mul3A_282 = arith.muli %and3A_279, %mul3A_281 : vector<16xi32>
        %add3A_283 = arith.addi %mul3A_282, %get3A_276 : vector<16xi32>
        %add3A_284 = vector.broadcast %scan3A_228 : i32 to vector<16xi32>
        %add3A_285 = arith.addi %add3A_283, %add3A_284 : vector<16xi32>
        %mul3A_286 = arith.constant 16 : i32
        %mul3A_287 = arith.muli %scan3A_266, %mul3A_286 : i32
        %swap3A_288 = arith.index_cast %mul3A_287 : i32 to index
        %swap3A_289 = tpu.vector_load %arg12[%swap3A_288] {strides = array<i32>} : memref<128xi32, #tpu.memory_space<vmem>>, vector<16xi32>,
        %swap3A_290 = vector.shape_cast %swap3A_289 : vector<16xi32> to vector<16xi32>
        %swap3A_291 = vector.shape_cast %add3A_285 : vector<16xi32> to vector<16xi32>
        tpu.vector_store %arg12[%swap3A_288], %swap3A_291 {strides = array<i32>} : memref<128xi32, #tpu.memory_space<vmem>>, vector<16xi32>,
        %scan3A_292 = arith.constant 1 : i32
        %mul3A_293 = arith.constant 16 : i32
        %mul3A_294 = arith.muli %scan3A_292, %mul3A_293 : i32
        %get3A_295 = arith.index_cast %mul3A_294 : i32 to index
        %get3A_296 = tpu.vector_load %arg8[%get3A_295] {strides = array<i32>} : memref<128xi32, #tpu.memory_space<vmem>>, vector<16xi32>,
        %get3A_297 = vector.shape_cast %get3A_296 : vector<16xi32> to vector<16xi32>
        %mul3A_298 = arith.constant 16 : i32
        %mul3A_299 = arith.muli %scan3A_292, %mul3A_298 : i32
        %get3A_300 = arith.index_cast %mul3A_299 : i32 to index
        %get3A_301 = tpu.vector_load %arg7[%get3A_300] {strides = array<i32>} : memref<128xi32, #tpu.memory_space<vmem>>, vector<16xi32>,
        %get3A_302 = vector.shape_cast %get3A_301 : vector<16xi32> to vector<16xi32>
        %and3A_303 = arith.constant 7 : i32
        %and3A_304 = vector.broadcast %and3A_303 : i32 to vector<16xi32>
        %and3A_305 = arith.andi %get3A_297, %and3A_304 : vector<16xi32>
        %mul3A_306 = arith.constant 10000 : i32
        %mul3A_307 = vector.broadcast %mul3A_306 : i32 to vector<16xi32>
        %mul3A_308 = arith.muli %and3A_305, %mul3A_307 : vector<16xi32>
        %add3A_309 = arith.addi %mul3A_308, %get3A_302 : vector<16xi32>
        %add3A_310 = vector.broadcast %scan3A_228 : i32 to vector<16xi32>
        %add3A_311 = arith.addi %add3A_309, %add3A_310 : vector<16xi32>
        %mul3A_312 = arith.constant 16 : i32
        %mul3A_313 = arith.muli %scan3A_292, %mul3A_312 : i32
        %swap3A_314 = arith.index_cast %mul3A_313 : i32 to index
        %swap3A_315 = tpu.vector_load %arg12[%swap3A_314] {strides = array<i32>} : memref<128xi32, #tpu.memory_space<vmem>>, vector<16xi32>,
        %swap3A_316 = vector.shape_cast %swap3A_315 : vector<16xi32> to vector<16xi32>
        %swap3A_317 = vector.shape_cast %add3A_311 : vector<16xi32> to vector<16xi32>
        tpu.vector_store %arg12[%swap3A_314], %swap3A_317 {strides = array<i32>} : memref<128xi32, #tpu.memory_space<vmem>>, vector<16xi32>,
        %scan3A_318 = arith.constant 2 : i32
        %mul3A_319 = arith.constant 16 : i32
        %mul3A_320 = arith.muli %scan3A_318, %mul3A_319 : i32
        %get3A_321 = arith.index_cast %mul3A_320 : i32 to index
        %get3A_322 = tpu.vector_load %arg8[%get3A_321] {strides = array<i32>} : memref<128xi32, #tpu.memory_space<vmem>>, vector<16xi32>,
        %get3A_323 = vector.shape_cast %get3A_322 : vector<16xi32> to vector<16xi32>
        %mul3A_324 = arith.constant 16 : i32
        %mul3A_325 = arith.muli %scan3A_318, %mul3A_324 : i32
        %get3A_326 = arith.index_cast %mul3A_325 : i32 to index
        %get3A_327 = tpu.vector_load %arg7[%get3A_326] {strides = array<i32>} : memref<128xi32, #tpu.memory_space<vmem>>, vector<16xi32>,
        %get3A_328 = vector.shape_cast %get3A_327 : vector<16xi32> to vector<16xi32>
        %and3A_329 = arith.constant 7 : i32
        %and3A_330 = vector.broadcast %and3A_329 : i32 to vector<16xi32>
        %and3A_331 = arith.andi %get3A_323, %and3A_330 : vector<16xi32>
        %mul3A_332 = arith.constant 10000 : i32
        %mul3A_333 = vector.broadcast %mul3A_332 : i32 to vector<16xi32>
        %mul3A_334 = arith.muli %and3A_331, %mul3A_333 : vector<16xi32>
        %add3A_335 = arith.addi %mul3A_334, %get3A_328 : vector<16xi32>
        %add3A_336 = vector.broadcast %scan3A_228 : i32 to vector<16xi32>
        %add3A_337 = arith.addi %add3A_335, %add3A_336 : vector<16xi32>
        %mul3A_338 = arith.constant 16 : i32
        %mul3A_339 = arith.muli %scan3A_318, %mul3A_338 : i32
        %swap3A_340 = arith.index_cast %mul3A_339 : i32 to index
        %swap3A_341 = tpu.vector_load %arg12[%swap3A_340] {strides = array<i32>} : memref<128xi32, #tpu.memory_space<vmem>>, vector<16xi32>,
        %swap3A_342 = vector.shape_cast %swap3A_341 : vector<16xi32> to vector<16xi32>
        %swap3A_343 = vector.shape_cast %add3A_337 : vector<16xi32> to vector<16xi32>
        tpu.vector_store %arg12[%swap3A_340], %swap3A_343 {strides = array<i32>} : memref<128xi32, #tpu.memory_space<vmem>>, vector<16xi32>,
        %scan3A_344 = arith.constant 3 : i32
        %mul3A_345 = arith.constant 16 : i32
        %mul3A_346 = arith.muli %scan3A_344, %mul3A_345 : i32
        %get3A_347 = arith.index_cast %mul3A_346 : i32 to index
        %get3A_348 = tpu.vector_load %arg8[%get3A_347] {strides = array<i32>} : memref<128xi32, #tpu.memory_space<vmem>>, vector<16xi32>,
        %get3A_349 = vector.shape_cast %get3A_348 : vector<16xi32> to vector<16xi32>
        %mul3A_350 = arith.constant 16 : i32
        %mul3A_351 = arith.muli %scan3A_344, %mul3A_350 : i32
        %get3A_352 = arith.index_cast %mul3A_351 : i32 to index
        %get3A_353 = tpu.vector_load %arg7[%get3A_352] {strides = array<i32>} : memref<128xi32, #tpu.memory_space<vmem>>, vector<16xi32>,
        %get3A_354 = vector.shape_cast %get3A_353 : vector<16xi32> to vector<16xi32>
        %and3A_355 = arith.constant 7 : i32
        %and3A_356 = vector.broadcast %and3A_355 : i32 to vector<16xi32>
        %and3A_357 = arith.andi %get3A_349, %and3A_356 : vector<16xi32>
        %mul3A_358 = arith.constant 10000 : i32
        %mul3A_359 = vector.broadcast %mul3A_358 : i32 to vector<16xi32>
        %mul3A_360 = arith.muli %and3A_357, %mul3A_359 : vector<16xi32>
        %add3A_361 = arith.addi %mul3A_360, %get3A_354 : vector<16xi32>
        %add3A_362 = vector.broadcast %scan3A_228 : i32 to vector<16xi32>
        %add3A_363 = arith.addi %add3A_361, %add3A_362 : vector<16xi32>
        %mul3A_364 = arith.constant 16 : i32
        %mul3A_365 = arith.muli %scan3A_344, %mul3A_364 : i32
        %swap3A_366 = arith.index_cast %mul3A_365 : i32 to index
        %swap3A_367 = tpu.vector_load %arg12[%swap3A_366] {strides = array<i32>} : memref<128xi32, #tpu.memory_space<vmem>>, vector<16xi32>,
        %swap3A_368 = vector.shape_cast %swap3A_367 : vector<16xi32> to vector<16xi32>
        %swap3A_369 = vector.shape_cast %add3A_363 : vector<16xi32> to vector<16xi32>
        tpu.vector_store %arg12[%swap3A_366], %swap3A_369 {strides = array<i32>} : memref<128xi32, #tpu.memory_space<vmem>>, vector<16xi32>,
        %scan3A_370 = arith.constant 4 : i32
        %mul3A_371 = arith.constant 16 : i32
        %mul3A_372 = arith.muli %scan3A_370, %mul3A_371 : i32
        %get3A_373 = arith.index_cast %mul3A_372 : i32 to index
        %get3A_374 = tpu.vector_load %arg8[%get3A_373] {strides = array<i32>} : memref<128xi32, #tpu.memory_space<vmem>>, vector<16xi32>,
        %get3A_375 = vector.shape_cast %get3A_374 : vector<16xi32> to vector<16xi32>
        %mul3A_376 = arith.constant 16 : i32
        %mul3A_377 = arith.muli %scan3A_370, %mul3A_376 : i32
        %get3A_378 = arith.index_cast %mul3A_377 : i32 to index
        %get3A_379 = tpu.vector_load %arg7[%get3A_378] {strides = array<i32>} : memref<128xi32, #tpu.memory_space<vmem>>, vector<16xi32>,
        %get3A_380 = vector.shape_cast %get3A_379 : vector<16xi32> to vector<16xi32>
        %and3A_381 = arith.constant 7 : i32
        %and3A_382 = vector.broadcast %and3A_381 : i32 to vector<16xi32>
        %and3A_383 = arith.andi %get3A_375, %and3A_382 : vector<16xi32>
        %mul3A_384 = arith.constant 10000 : i32
        %mul3A_385 = vector.broadcast %mul3A_384 : i32 to vector<16xi32>
        %mul3A_386 = arith.muli %and3A_383, %mul3A_385 : vector<16xi32>
        %add3A_387 = arith.addi %mul3A_386, %get3A_380 : vector<16xi32>
        %add3A_388 = vector.broadcast %scan3A_228 : i32 to vector<16xi32>
        %add3A_389 = arith.addi %add3A_387, %add3A_388 : vector<16xi32>
        %mul3A_390 = arith.constant 16 : i32
        %mul3A_391 = arith.muli %scan3A_370, %mul3A_390 : i32
        %swap3A_392 = arith.index_cast %mul3A_391 : i32 to index
        %swap3A_393 = tpu.vector_load %arg12[%swap3A_392] {strides = array<i32>} : memref<128xi32, #tpu.memory_space<vmem>>, vector<16xi32>,
        %swap3A_394 = vector.shape_cast %swap3A_393 : vector<16xi32> to vector<16xi32>
        %swap3A_395 = vector.shape_cast %add3A_389 : vector<16xi32> to vector<16xi32>
        tpu.vector_store %arg12[%swap3A_392], %swap3A_395 {strides = array<i32>} : memref<128xi32, #tpu.memory_space<vmem>>, vector<16xi32>,
        %scan3A_396 = arith.constant 5 : i32
        %mul3A_397 = arith.constant 16 : i32
        %mul3A_398 = arith.muli %scan3A_396, %mul3A_397 : i32
        %get3A_399 = arith.index_cast %mul3A_398 : i32 to index
        %get3A_400 = tpu.vector_load %arg8[%get3A_399] {strides = array<i32>} : memref<128xi32, #tpu.memory_space<vmem>>, vector<16xi32>,
        %get3A_401 = vector.shape_cast %get3A_400 : vector<16xi32> to vector<16xi32>
        %mul3A_402 = arith.constant 16 : i32
        %mul3A_403 = arith.muli %scan3A_396, %mul3A_402 : i32
        %get3A_404 = arith.index_cast %mul3A_403 : i32 to index
        %get3A_405 = tpu.vector_load %arg7[%get3A_404] {strides = array<i32>} : memref<128xi32, #tpu.memory_space<vmem>>, vector<16xi32>,
        %get3A_406 = vector.shape_cast %get3A_405 : vector<16xi32> to vector<16xi32>
        %and3A_407 = arith.constant 7 : i32
        %and3A_408 = vector.broadcast %and3A_407 : i32 to vector<16xi32>
        %and3A_409 = arith.andi %get3A_401, %and3A_408 : vector<16xi32>
        %mul3A_410 = arith.constant 10000 : i32
        %mul3A_411 = vector.broadcast %mul3A_410 : i32 to vector<16xi32>
        %mul3A_412 = arith.muli %and3A_409, %mul3A_411 : vector<16xi32>
        %add3A_413 = arith.addi %mul3A_412, %get3A_406 : vector<16xi32>
        %add3A_414 = vector.broadcast %scan3A_228 : i32 to vector<16xi32>
        %add3A_415 = arith.addi %add3A_413, %add3A_414 : vector<16xi32>
        %mul3A_416 = arith.constant 16 : i32
        %mul3A_417 = arith.muli %scan3A_396, %mul3A_416 : i32
        %swap3A_418 = arith.index_cast %mul3A_417 : i32 to index
        %swap3A_419 = tpu.vector_load %arg12[%swap3A_418] {strides = array<i32>} : memref<128xi32, #tpu.memory_space<vmem>>, vector<16xi32>,
        %swap3A_420 = vector.shape_cast %swap3A_419 : vector<16xi32> to vector<16xi32>
        %swap3A_421 = vector.shape_cast %add3A_415 : vector<16xi32> to vector<16xi32>
        tpu.vector_store %arg12[%swap3A_418], %swap3A_421 {strides = array<i32>} : memref<128xi32, #tpu.memory_space<vmem>>, vector<16xi32>,
        %scan3A_422 = arith.constant 6 : i32
        %mul3A_423 = arith.constant 16 : i32
        %mul3A_424 = arith.muli %scan3A_422, %mul3A_423 : i32
        %get3A_425 = arith.index_cast %mul3A_424 : i32 to index
        %get3A_426 = tpu.vector_load %arg8[%get3A_425] {strides = array<i32>} : memref<128xi32, #tpu.memory_space<vmem>>, vector<16xi32>,
        %get3A_427 = vector.shape_cast %get3A_426 : vector<16xi32> to vector<16xi32>
        %mul3A_428 = arith.constant 16 : i32
        %mul3A_429 = arith.muli %scan3A_422, %mul3A_428 : i32
        %get3A_430 = arith.index_cast %mul3A_429 : i32 to index
        %get3A_431 = tpu.vector_load %arg7[%get3A_430] {strides = array<i32>} : memref<128xi32, #tpu.memory_space<vmem>>, vector<16xi32>,
        %get3A_432 = vector.shape_cast %get3A_431 : vector<16xi32> to vector<16xi32>
        %and3A_433 = arith.constant 7 : i32
        %and3A_434 = vector.broadcast %and3A_433 : i32 to vector<16xi32>
        %and3A_435 = arith.andi %get3A_427, %and3A_434 : vector<16xi32>
        %mul3A_436 = arith.constant 10000 : i32
        %mul3A_437 = vector.broadcast %mul3A_436 : i32 to vector<16xi32>
        %mul3A_438 = arith.muli %and3A_435, %mul3A_437 : vector<16xi32>
        %add3A_439 = arith.addi %mul3A_438, %get3A_432 : vector<16xi32>
        %add3A_440 = vector.broadcast %scan3A_228 : i32 to vector<16xi32>
        %add3A_441 = arith.addi %add3A_439, %add3A_440 : vector<16xi32>
        %mul3A_442 = arith.constant 16 : i32
        %mul3A_443 = arith.muli %scan3A_422, %mul3A_442 : i32
        %swap3A_444 = arith.index_cast %mul3A_443 : i32 to index
        %swap3A_445 = tpu.vector_load %arg12[%swap3A_444] {strides = array<i32>} : memref<128xi32, #tpu.memory_space<vmem>>, vector<16xi32>,
        %swap3A_446 = vector.shape_cast %swap3A_445 : vector<16xi32> to vector<16xi32>
        %swap3A_447 = vector.shape_cast %add3A_441 : vector<16xi32> to vector<16xi32>
        tpu.vector_store %arg12[%swap3A_444], %swap3A_447 {strides = array<i32>} : memref<128xi32, #tpu.memory_space<vmem>>, vector<16xi32>,
        %scan3A_448 = arith.constant 7 : i32
        %mul3A_449 = arith.constant 16 : i32
        %mul3A_450 = arith.muli %scan3A_448, %mul3A_449 : i32
        %get3A_451 = arith.index_cast %mul3A_450 : i32 to index
        %get3A_452 = tpu.vector_load %arg8[%get3A_451] {strides = array<i32>} : memref<128xi32, #tpu.memory_space<vmem>>, vector<16xi32>,
        %get3A_453 = vector.shape_cast %get3A_452 : vector<16xi32> to vector<16xi32>
        %mul3A_454 = arith.constant 16 : i32
        %mul3A_455 = arith.muli %scan3A_448, %mul3A_454 : i32
        %get3A_456 = arith.index_cast %mul3A_455 : i32 to index
        %get3A_457 = tpu.vector_load %arg7[%get3A_456] {strides = array<i32>} : memref<128xi32, #tpu.memory_space<vmem>>, vector<16xi32>,
        %get3A_458 = vector.shape_cast %get3A_457 : vector<16xi32> to vector<16xi32>
        %and3A_459 = arith.constant 7 : i32
        %and3A_460 = vector.broadcast %and3A_459 : i32 to vector<16xi32>
        %and3A_461 = arith.andi %get3A_453, %and3A_460 : vector<16xi32>
        %mul3A_462 = arith.constant 10000 : i32
        %mul3A_463 = vector.broadcast %mul3A_462 : i32 to vector<16xi32>
        %mul3A_464 = arith.muli %and3A_461, %mul3A_463 : vector<16xi32>
        %add3A_465 = arith.addi %mul3A_464, %get3A_458 : vector<16xi32>
        %add3A_466 = vector.broadcast %scan3A_228 : i32 to vector<16xi32>
        %add3A_467 = arith.addi %add3A_465, %add3A_466 : vector<16xi32>
        %mul3A_468 = arith.constant 16 : i32
        %mul3A_469 = arith.muli %scan3A_448, %mul3A_468 : i32
        %swap3A_470 = arith.index_cast %mul3A_469 : i32 to index
        %swap3A_471 = tpu.vector_load %arg12[%swap3A_470] {strides = array<i32>} : memref<128xi32, #tpu.memory_space<vmem>>, vector<16xi32>,
        %swap3A_472 = vector.shape_cast %swap3A_471 : vector<16xi32> to vector<16xi32>
        %swap3A_473 = vector.shape_cast %add3A_467 : vector<16xi32> to vector<16xi32>
        tpu.vector_store %arg12[%swap3A_470], %swap3A_473 {strides = array<i32>} : memref<128xi32, #tpu.memory_space<vmem>>, vector<16xi32>,
        %scan3A_474 = arith.constant 8 : i32
        "tpu.region"() ({
          %run_scoped3A_478 = tpu.sem_alloc : memref<!tpu.dma_semaphore, #tpu.memory_space<semaphore_mem>>
          %dma_start3A_479 = arith.constant 0 : i32
          %dma_start3A_480 = tpu.memref_slice %arg3[%add3A, %add3A_265, %dma_start3A_479] : memref<32x40x128xi32, #tpu.memory_space<hbm>> -> memref<1x1x128xi32, #tpu.memory_space<hbm>>
          %dma_start3A_481 = tpu.memref_squeeze %dma_start3A_480 : memref<1x1x128xi32, #tpu.memory_space<hbm>> -> memref<128xi32, #tpu.memory_space<hbm>>
          %dma_start3A_482 = arith.constant 0 : i32
          %dma_start3A_483 = tpu.memref_slice %arg3[%add3A, %add3A_265, %dma_start3A_482] : memref<32x40x128xi32, #tpu.memory_space<hbm>> -> memref<1x1x128xi32, #tpu.memory_space<hbm>>
          %dma_start3A_484 = tpu.memref_squeeze %dma_start3A_483 : memref<1x1x128xi32, #tpu.memory_space<hbm>> -> memref<128xi32, #tpu.memory_space<hbm>>
          tpu.enqueue_dma source(%dma_start3A_484 : memref<128xi32, #tpu.memory_space<hbm>>) target(%arg10 : memref<128xi32, #tpu.memory_space<vmem>>) target_semaphore(%run_scoped3A_478 : memref<!tpu.dma_semaphore, #tpu.memory_space<semaphore_mem>>)
          %dma_wait3A_485 = arith.constant 0 : i32
          %dma_wait3A_486 = tpu.memref_slice %arg3[%add3A, %add3A_265, %dma_wait3A_485] : memref<32x40x128xi32, #tpu.memory_space<hbm>> -> memref<1x1x128xi32, #tpu.memory_space<hbm>>
          %dma_wait3A_487 = tpu.memref_squeeze %dma_wait3A_486 : memref<1x1x128xi32, #tpu.memory_space<hbm>> -> memref<128xi32, #tpu.memory_space<hbm>>
          %dma_wait3A_488 = arith.constant 0 : i32
          %dma_wait3A_489 = tpu.memref_slice %arg3[%add3A, %add3A_265, %dma_wait3A_488] : memref<32x40x128xi32, #tpu.memory_space<hbm>> -> memref<1x1x128xi32, #tpu.memory_space<hbm>>
          %dma_wait3A_490 = tpu.memref_squeeze %dma_wait3A_489 : memref<1x1x128xi32, #tpu.memory_space<hbm>> -> memref<128xi32, #tpu.memory_space<hbm>>
          tpu.wait_dma2 semaphore(%run_scoped3A_478 : memref<!tpu.dma_semaphore, #tpu.memory_space<semaphore_mem>>) src(%dma_wait3A_490 : memref<128xi32, #tpu.memory_space<hbm>>) dst(%arg10 : memref<128xi32, #tpu.memory_space<vmem>>)
          tpu.yield
        }) : () -> ()
        %dma_start3A_475 = arith.constant 0 : i32
        %dma_start3A_476 = arith.constant 0 : i32
        %dma_start3A_477 = tpu.memref_slice %arg5[%dma_start3A_475, %dma_start3A_476] : memref<80000x128xf32, #tpu.memory_space<hbm>> -> memref<80000x128xf32, #tpu.memory_space<hbm>>
        tpu.enqueue_indirect_dma source(%dma_start3A_477 : memref<80000x128xf32, #tpu.memory_space<hbm>>) target(%arg14 : memref<128x128xf32, #tpu.memory_space<vmem>>) offsets(%arg12 : memref<128xi32, #tpu.memory_space<vmem>>) semaphore(%arg17 : memref<!tpu.dma_semaphore, #tpu.memory_space<semaphore_mem>>)
      } else {
      }
      %dma_wait3A = arith.constant 0 : i32
      %dma_wait3A_248 = arith.constant 0 : i32
      %dma_wait3A_249 = tpu.memref_slice %arg5[%dma_wait3A, %dma_wait3A_248] : memref<80000x128xf32, #tpu.memory_space<hbm>> -> memref<80000x128xf32, #tpu.memory_space<hbm>>
      tpu.wait_indirect_dma semaphore(%arg16 : memref<!tpu.dma_semaphore, #tpu.memory_space<semaphore_mem>>) src(%dma_wait3A_249 : memref<80000x128xf32, #tpu.memory_space<hbm>>) dst(%arg13 : memref<128x128xf32, #tpu.memory_space<vmem>>)
      "tpu.region"() ({
        %run_scoped3A_264 = tpu.sem_alloc : memref<!tpu.dma_semaphore, #tpu.memory_space<semaphore_mem>>
        %dma_start3A_265 = arith.constant 0 : i32
        %dma_start3A_266 = arith.constant 0 : i32
        %dma_start3A_267 = tpu.memref_slice %arg15[%dma_start3A_265, %dma_start3A_266] : memref<10016x128xf32, #tpu.memory_space<vmem_shared>> -> memref<10016x128xf32, #tpu.memory_space<vmem_shared>>
        tpu.enqueue_indirect_dma source(%arg13 : memref<128x128xf32, #tpu.memory_space<vmem>>) target(%dma_start3A_267 : memref<10016x128xf32, #tpu.memory_space<vmem_shared>>) offsets(%arg9 : memref<128xi32, #tpu.memory_space<vmem>>) semaphore(%run_scoped3A_264 : memref<!tpu.dma_semaphore, #tpu.memory_space<semaphore_mem>>) {add = true}
        %dma_wait3A_268 = arith.constant 0 : i32
        %dma_wait3A_269 = arith.constant 0 : i32
        %dma_wait3A_270 = tpu.memref_slice %arg15[%dma_wait3A_268, %dma_wait3A_269] : memref<10016x128xf32, #tpu.memory_space<vmem_shared>> -> memref<10016x128xf32, #tpu.memory_space<vmem_shared>>
        tpu.wait_indirect_dma semaphore(%run_scoped3A_264 : memref<!tpu.dma_semaphore, #tpu.memory_space<semaphore_mem>>) src(%arg13 : memref<128x128xf32, #tpu.memory_space<vmem>>) dst(%dma_wait3A_270 : memref<10016x128xf32, #tpu.memory_space<vmem_shared>>)
        tpu.yield
      }) : () -> ()
      %add3A_250 = arith.constant 2 : i32
      %add3A_251 = arith.addi %mul3A_241, %add3A_250 : i32
      %lt3A_252 = arith.constant 40 : i32
      %lt3A_253 = arith.cmpi slt, %add3A_251, %lt3A_252 : i32
      %convert_element_type3A_254 = arith.extui %lt3A_253 : i1 to i32
      %cond3A_255 = arith.constant 0 : i32
      %cond3A_256 = arith.cmpi ne, %convert_element_type3A_254, %cond3A_255 : i32
      scf.if %cond3A_256 {
        %add3A_264 = arith.constant 2 : i32
        %add3A_265 = arith.addi %mul3A_241, %add3A_264 : i32
        "tpu.region"() ({
          %run_scoped3A_478 = tpu.sem_alloc : memref<!tpu.dma_semaphore, #tpu.memory_space<semaphore_mem>>
          %dma_start3A_479 = arith.constant 0 : i32
          %dma_start3A_480 = tpu.memref_slice %arg2[%add3A, %add3A_265, %dma_start3A_479] : memref<32x40x128xi32, #tpu.memory_space<hbm>> -> memref<1x1x128xi32, #tpu.memory_space<hbm>>
          %dma_start3A_481 = tpu.memref_squeeze %dma_start3A_480 : memref<1x1x128xi32, #tpu.memory_space<hbm>> -> memref<128xi32, #tpu.memory_space<hbm>>
          %dma_start3A_482 = arith.constant 0 : i32
          %dma_start3A_483 = tpu.memref_slice %arg2[%add3A, %add3A_265, %dma_start3A_482] : memref<32x40x128xi32, #tpu.memory_space<hbm>> -> memref<1x1x128xi32, #tpu.memory_space<hbm>>
          %dma_start3A_484 = tpu.memref_squeeze %dma_start3A_483 : memref<1x1x128xi32, #tpu.memory_space<hbm>> -> memref<128xi32, #tpu.memory_space<hbm>>
          tpu.enqueue_dma source(%dma_start3A_484 : memref<128xi32, #tpu.memory_space<hbm>>) target(%arg7 : memref<128xi32, #tpu.memory_space<vmem>>) target_semaphore(%run_scoped3A_478 : memref<!tpu.dma_semaphore, #tpu.memory_space<semaphore_mem>>)
          %dma_wait3A_485 = arith.constant 0 : i32
          %dma_wait3A_486 = tpu.memref_slice %arg2[%add3A, %add3A_265, %dma_wait3A_485] : memref<32x40x128xi32, #tpu.memory_space<hbm>> -> memref<1x1x128xi32, #tpu.memory_space<hbm>>
          %dma_wait3A_487 = tpu.memref_squeeze %dma_wait3A_486 : memref<1x1x128xi32, #tpu.memory_space<hbm>> -> memref<128xi32, #tpu.memory_space<hbm>>
          %dma_wait3A_488 = arith.constant 0 : i32
          %dma_wait3A_489 = tpu.memref_slice %arg2[%add3A, %add3A_265, %dma_wait3A_488] : memref<32x40x128xi32, #tpu.memory_space<hbm>> -> memref<1x1x128xi32, #tpu.memory_space<hbm>>
          %dma_wait3A_490 = tpu.memref_squeeze %dma_wait3A_489 : memref<1x1x128xi32, #tpu.memory_space<hbm>> -> memref<128xi32, #tpu.memory_space<hbm>>
          tpu.wait_dma2 semaphore(%run_scoped3A_478 : memref<!tpu.dma_semaphore, #tpu.memory_space<semaphore_mem>>) src(%dma_wait3A_490 : memref<128xi32, #tpu.memory_space<hbm>>) dst(%arg7 : memref<128xi32, #tpu.memory_space<vmem>>)
          tpu.yield
        }) : () -> ()
        "tpu.region"() ({
          %run_scoped3A_478 = tpu.sem_alloc : memref<!tpu.dma_semaphore, #tpu.memory_space<semaphore_mem>>
          %dma_start3A_479 = arith.constant 0 : i32
          %dma_start3A_480 = tpu.memref_slice %arg4[%add3A, %add3A_265, %dma_start3A_479] : memref<32x40x128xi32, #tpu.memory_space<hbm>> -> memref<1x1x128xi32, #tpu.memory_space<hbm>>
          %dma_start3A_481 = tpu.memref_squeeze %dma_start3A_480 : memref<1x1x128xi32, #tpu.memory_space<hbm>> -> memref<128xi32, #tpu.memory_space<hbm>>
          %dma_start3A_482 = arith.constant 0 : i32
          %dma_start3A_483 = tpu.memref_slice %arg4[%add3A, %add3A_265, %dma_start3A_482] : memref<32x40x128xi32, #tpu.memory_space<hbm>> -> memref<1x1x128xi32, #tpu.memory_space<hbm>>
          %dma_start3A_484 = tpu.memref_squeeze %dma_start3A_483 : memref<1x1x128xi32, #tpu.memory_space<hbm>> -> memref<128xi32, #tpu.memory_space<hbm>>
          tpu.enqueue_dma source(%dma_start3A_484 : memref<128xi32, #tpu.memory_space<hbm>>) target(%arg8 : memref<128xi32, #tpu.memory_space<vmem>>) target_semaphore(%run_scoped3A_478 : memref<!tpu.dma_semaphore, #tpu.memory_space<semaphore_mem>>)
          %dma_wait3A_485 = arith.constant 0 : i32
          %dma_wait3A_486 = tpu.memref_slice %arg4[%add3A, %add3A_265, %dma_wait3A_485] : memref<32x40x128xi32, #tpu.memory_space<hbm>> -> memref<1x1x128xi32, #tpu.memory_space<hbm>>
          %dma_wait3A_487 = tpu.memref_squeeze %dma_wait3A_486 : memref<1x1x128xi32, #tpu.memory_space<hbm>> -> memref<128xi32, #tpu.memory_space<hbm>>
          %dma_wait3A_488 = arith.constant 0 : i32
          %dma_wait3A_489 = tpu.memref_slice %arg4[%add3A, %add3A_265, %dma_wait3A_488] : memref<32x40x128xi32, #tpu.memory_space<hbm>> -> memref<1x1x128xi32, #tpu.memory_space<hbm>>
          %dma_wait3A_490 = tpu.memref_squeeze %dma_wait3A_489 : memref<1x1x128xi32, #tpu.memory_space<hbm>> -> memref<128xi32, #tpu.memory_space<hbm>>
          tpu.wait_dma2 semaphore(%run_scoped3A_478 : memref<!tpu.dma_semaphore, #tpu.memory_space<semaphore_mem>>) src(%dma_wait3A_490 : memref<128xi32, #tpu.memory_space<hbm>>) dst(%arg8 : memref<128xi32, #tpu.memory_space<vmem>>)
          tpu.yield
        }) : () -> ()
        %scan3A_266 = arith.constant 0 : i32
        %mul3A_267 = arith.constant 16 : i32
        %mul3A_268 = arith.muli %scan3A_266, %mul3A_267 : i32
        %get3A_269 = arith.index_cast %mul3A_268 : i32 to index
        %get3A_270 = tpu.vector_load %arg8[%get3A_269] {strides = array<i32>} : memref<128xi32, #tpu.memory_space<vmem>>, vector<16xi32>,
        %get3A_271 = vector.shape_cast %get3A_270 : vector<16xi32> to vector<16xi32>
        %mul3A_272 = arith.constant 16 : i32
        %mul3A_273 = arith.muli %scan3A_266, %mul3A_272 : i32
        %get3A_274 = arith.index_cast %mul3A_273 : i32 to index
        %get3A_275 = tpu.vector_load %arg7[%get3A_274] {strides = array<i32>} : memref<128xi32, #tpu.memory_space<vmem>>, vector<16xi32>,
        %get3A_276 = vector.shape_cast %get3A_275 : vector<16xi32> to vector<16xi32>
        %and3A_277 = arith.constant 7 : i32
        %and3A_278 = vector.broadcast %and3A_277 : i32 to vector<16xi32>
        %and3A_279 = arith.andi %get3A_271, %and3A_278 : vector<16xi32>
        %mul3A_280 = arith.constant 10000 : i32
        %mul3A_281 = vector.broadcast %mul3A_280 : i32 to vector<16xi32>
        %mul3A_282 = arith.muli %and3A_279, %mul3A_281 : vector<16xi32>
        %add3A_283 = arith.addi %mul3A_282, %get3A_276 : vector<16xi32>
        %add3A_284 = vector.broadcast %scan3A_228 : i32 to vector<16xi32>
        %add3A_285 = arith.addi %add3A_283, %add3A_284 : vector<16xi32>
        %mul3A_286 = arith.constant 16 : i32
        %mul3A_287 = arith.muli %scan3A_266, %mul3A_286 : i32
        %swap3A_288 = arith.index_cast %mul3A_287 : i32 to index
        %swap3A_289 = tpu.vector_load %arg11[%swap3A_288] {strides = array<i32>} : memref<128xi32, #tpu.memory_space<vmem>>, vector<16xi32>,
        %swap3A_290 = vector.shape_cast %swap3A_289 : vector<16xi32> to vector<16xi32>
        %swap3A_291 = vector.shape_cast %add3A_285 : vector<16xi32> to vector<16xi32>
        tpu.vector_store %arg11[%swap3A_288], %swap3A_291 {strides = array<i32>} : memref<128xi32, #tpu.memory_space<vmem>>, vector<16xi32>,
        %scan3A_292 = arith.constant 1 : i32
        %mul3A_293 = arith.constant 16 : i32
        %mul3A_294 = arith.muli %scan3A_292, %mul3A_293 : i32
        %get3A_295 = arith.index_cast %mul3A_294 : i32 to index
        %get3A_296 = tpu.vector_load %arg8[%get3A_295] {strides = array<i32>} : memref<128xi32, #tpu.memory_space<vmem>>, vector<16xi32>,
        %get3A_297 = vector.shape_cast %get3A_296 : vector<16xi32> to vector<16xi32>
        %mul3A_298 = arith.constant 16 : i32
        %mul3A_299 = arith.muli %scan3A_292, %mul3A_298 : i32
        %get3A_300 = arith.index_cast %mul3A_299 : i32 to index
        %get3A_301 = tpu.vector_load %arg7[%get3A_300] {strides = array<i32>} : memref<128xi32, #tpu.memory_space<vmem>>, vector<16xi32>,
        %get3A_302 = vector.shape_cast %get3A_301 : vector<16xi32> to vector<16xi32>
        %and3A_303 = arith.constant 7 : i32
        %and3A_304 = vector.broadcast %and3A_303 : i32 to vector<16xi32>
        %and3A_305 = arith.andi %get3A_297, %and3A_304 : vector<16xi32>
        %mul3A_306 = arith.constant 10000 : i32
        %mul3A_307 = vector.broadcast %mul3A_306 : i32 to vector<16xi32>
        %mul3A_308 = arith.muli %and3A_305, %mul3A_307 : vector<16xi32>
        %add3A_309 = arith.addi %mul3A_308, %get3A_302 : vector<16xi32>
        %add3A_310 = vector.broadcast %scan3A_228 : i32 to vector<16xi32>
        %add3A_311 = arith.addi %add3A_309, %add3A_310 : vector<16xi32>
        %mul3A_312 = arith.constant 16 : i32
        %mul3A_313 = arith.muli %scan3A_292, %mul3A_312 : i32
        %swap3A_314 = arith.index_cast %mul3A_313 : i32 to index
        %swap3A_315 = tpu.vector_load %arg11[%swap3A_314] {strides = array<i32>} : memref<128xi32, #tpu.memory_space<vmem>>, vector<16xi32>,
        %swap3A_316 = vector.shape_cast %swap3A_315 : vector<16xi32> to vector<16xi32>
        %swap3A_317 = vector.shape_cast %add3A_311 : vector<16xi32> to vector<16xi32>
        tpu.vector_store %arg11[%swap3A_314], %swap3A_317 {strides = array<i32>} : memref<128xi32, #tpu.memory_space<vmem>>, vector<16xi32>,
        %scan3A_318 = arith.constant 2 : i32
        %mul3A_319 = arith.constant 16 : i32
        %mul3A_320 = arith.muli %scan3A_318, %mul3A_319 : i32
        %get3A_321 = arith.index_cast %mul3A_320 : i32 to index
        %get3A_322 = tpu.vector_load %arg8[%get3A_321] {strides = array<i32>} : memref<128xi32, #tpu.memory_space<vmem>>, vector<16xi32>,
        %get3A_323 = vector.shape_cast %get3A_322 : vector<16xi32> to vector<16xi32>
        %mul3A_324 = arith.constant 16 : i32
        %mul3A_325 = arith.muli %scan3A_318, %mul3A_324 : i32
        %get3A_326 = arith.index_cast %mul3A_325 : i32 to index
        %get3A_327 = tpu.vector_load %arg7[%get3A_326] {strides = array<i32>} : memref<128xi32, #tpu.memory_space<vmem>>, vector<16xi32>,
        %get3A_328 = vector.shape_cast %get3A_327 : vector<16xi32> to vector<16xi32>
        %and3A_329 = arith.constant 7 : i32
        %and3A_330 = vector.broadcast %and3A_329 : i32 to vector<16xi32>
        %and3A_331 = arith.andi %get3A_323, %and3A_330 : vector<16xi32>
        %mul3A_332 = arith.constant 10000 : i32
        %mul3A_333 = vector.broadcast %mul3A_332 : i32 to vector<16xi32>
        %mul3A_334 = arith.muli %and3A_331, %mul3A_333 : vector<16xi32>
        %add3A_335 = arith.addi %mul3A_334, %get3A_328 : vector<16xi32>
        %add3A_336 = vector.broadcast %scan3A_228 : i32 to vector<16xi32>
        %add3A_337 = arith.addi %add3A_335, %add3A_336 : vector<16xi32>
        %mul3A_338 = arith.constant 16 : i32
        %mul3A_339 = arith.muli %scan3A_318, %mul3A_338 : i32
        %swap3A_340 = arith.index_cast %mul3A_339 : i32 to index
        %swap3A_341 = tpu.vector_load %arg11[%swap3A_340] {strides = array<i32>} : memref<128xi32, #tpu.memory_space<vmem>>, vector<16xi32>,
        %swap3A_342 = vector.shape_cast %swap3A_341 : vector<16xi32> to vector<16xi32>
        %swap3A_343 = vector.shape_cast %add3A_337 : vector<16xi32> to vector<16xi32>
        tpu.vector_store %arg11[%swap3A_340], %swap3A_343 {strides = array<i32>} : memref<128xi32, #tpu.memory_space<vmem>>, vector<16xi32>,
        %scan3A_344 = arith.constant 3 : i32
        %mul3A_345 = arith.constant 16 : i32
        %mul3A_346 = arith.muli %scan3A_344, %mul3A_345 : i32
        %get3A_347 = arith.index_cast %mul3A_346 : i32 to index
        %get3A_348 = tpu.vector_load %arg8[%get3A_347] {strides = array<i32>} : memref<128xi32, #tpu.memory_space<vmem>>, vector<16xi32>,
        %get3A_349 = vector.shape_cast %get3A_348 : vector<16xi32> to vector<16xi32>
        %mul3A_350 = arith.constant 16 : i32
        %mul3A_351 = arith.muli %scan3A_344, %mul3A_350 : i32
        %get3A_352 = arith.index_cast %mul3A_351 : i32 to index
        %get3A_353 = tpu.vector_load %arg7[%get3A_352] {strides = array<i32>} : memref<128xi32, #tpu.memory_space<vmem>>, vector<16xi32>,
        %get3A_354 = vector.shape_cast %get3A_353 : vector<16xi32> to vector<16xi32>
        %and3A_355 = arith.constant 7 : i32
        %and3A_356 = vector.broadcast %and3A_355 : i32 to vector<16xi32>
        %and3A_357 = arith.andi %get3A_349, %and3A_356 : vector<16xi32>
        %mul3A_358 = arith.constant 10000 : i32
        %mul3A_359 = vector.broadcast %mul3A_358 : i32 to vector<16xi32>
        %mul3A_360 = arith.muli %and3A_357, %mul3A_359 : vector<16xi32>
        %add3A_361 = arith.addi %mul3A_360, %get3A_354 : vector<16xi32>
        %add3A_362 = vector.broadcast %scan3A_228 : i32 to vector<16xi32>
        %add3A_363 = arith.addi %add3A_361, %add3A_362 : vector<16xi32>
        %mul3A_364 = arith.constant 16 : i32
        %mul3A_365 = arith.muli %scan3A_344, %mul3A_364 : i32
        %swap3A_366 = arith.index_cast %mul3A_365 : i32 to index
        %swap3A_367 = tpu.vector_load %arg11[%swap3A_366] {strides = array<i32>} : memref<128xi32, #tpu.memory_space<vmem>>, vector<16xi32>,
        %swap3A_368 = vector.shape_cast %swap3A_367 : vector<16xi32> to vector<16xi32>
        %swap3A_369 = vector.shape_cast %add3A_363 : vector<16xi32> to vector<16xi32>
        tpu.vector_store %arg11[%swap3A_366], %swap3A_369 {strides = array<i32>} : memref<128xi32, #tpu.memory_space<vmem>>, vector<16xi32>,
        %scan3A_370 = arith.constant 4 : i32
        %mul3A_371 = arith.constant 16 : i32
        %mul3A_372 = arith.muli %scan3A_370, %mul3A_371 : i32
        %get3A_373 = arith.index_cast %mul3A_372 : i32 to index
        %get3A_374 = tpu.vector_load %arg8[%get3A_373] {strides = array<i32>} : memref<128xi32, #tpu.memory_space<vmem>>, vector<16xi32>,
        %get3A_375 = vector.shape_cast %get3A_374 : vector<16xi32> to vector<16xi32>
        %mul3A_376 = arith.constant 16 : i32
        %mul3A_377 = arith.muli %scan3A_370, %mul3A_376 : i32
        %get3A_378 = arith.index_cast %mul3A_377 : i32 to index
        %get3A_379 = tpu.vector_load %arg7[%get3A_378] {strides = array<i32>} : memref<128xi32, #tpu.memory_space<vmem>>, vector<16xi32>,
        %get3A_380 = vector.shape_cast %get3A_379 : vector<16xi32> to vector<16xi32>
        %and3A_381 = arith.constant 7 : i32
        %and3A_382 = vector.broadcast %and3A_381 : i32 to vector<16xi32>
        %and3A_383 = arith.andi %get3A_375, %and3A_382 : vector<16xi32>
        %mul3A_384 = arith.constant 10000 : i32
        %mul3A_385 = vector.broadcast %mul3A_384 : i32 to vector<16xi32>
        %mul3A_386 = arith.muli %and3A_383, %mul3A_385 : vector<16xi32>
        %add3A_387 = arith.addi %mul3A_386, %get3A_380 : vector<16xi32>
        %add3A_388 = vector.broadcast %scan3A_228 : i32 to vector<16xi32>
        %add3A_389 = arith.addi %add3A_387, %add3A_388 : vector<16xi32>
        %mul3A_390 = arith.constant 16 : i32
        %mul3A_391 = arith.muli %scan3A_370, %mul3A_390 : i32
        %swap3A_392 = arith.index_cast %mul3A_391 : i32 to index
        %swap3A_393 = tpu.vector_load %arg11[%swap3A_392] {strides = array<i32>} : memref<128xi32, #tpu.memory_space<vmem>>, vector<16xi32>,
        %swap3A_394 = vector.shape_cast %swap3A_393 : vector<16xi32> to vector<16xi32>
        %swap3A_395 = vector.shape_cast %add3A_389 : vector<16xi32> to vector<16xi32>
        tpu.vector_store %arg11[%swap3A_392], %swap3A_395 {strides = array<i32>} : memref<128xi32, #tpu.memory_space<vmem>>, vector<16xi32>,
        %scan3A_396 = arith.constant 5 : i32
        %mul3A_397 = arith.constant 16 : i32
        %mul3A_398 = arith.muli %scan3A_396, %mul3A_397 : i32
        %get3A_399 = arith.index_cast %mul3A_398 : i32 to index
        %get3A_400 = tpu.vector_load %arg8[%get3A_399] {strides = array<i32>} : memref<128xi32, #tpu.memory_space<vmem>>, vector<16xi32>,
        %get3A_401 = vector.shape_cast %get3A_400 : vector<16xi32> to vector<16xi32>
        %mul3A_402 = arith.constant 16 : i32
        %mul3A_403 = arith.muli %scan3A_396, %mul3A_402 : i32
        %get3A_404 = arith.index_cast %mul3A_403 : i32 to index
        %get3A_405 = tpu.vector_load %arg7[%get3A_404] {strides = array<i32>} : memref<128xi32, #tpu.memory_space<vmem>>, vector<16xi32>,
        %get3A_406 = vector.shape_cast %get3A_405 : vector<16xi32> to vector<16xi32>
        %and3A_407 = arith.constant 7 : i32
        %and3A_408 = vector.broadcast %and3A_407 : i32 to vector<16xi32>
        %and3A_409 = arith.andi %get3A_401, %and3A_408 : vector<16xi32>
        %mul3A_410 = arith.constant 10000 : i32
        %mul3A_411 = vector.broadcast %mul3A_410 : i32 to vector<16xi32>
        %mul3A_412 = arith.muli %and3A_409, %mul3A_411 : vector<16xi32>
        %add3A_413 = arith.addi %mul3A_412, %get3A_406 : vector<16xi32>
        %add3A_414 = vector.broadcast %scan3A_228 : i32 to vector<16xi32>
        %add3A_415 = arith.addi %add3A_413, %add3A_414 : vector<16xi32>
        %mul3A_416 = arith.constant 16 : i32
        %mul3A_417 = arith.muli %scan3A_396, %mul3A_416 : i32
        %swap3A_418 = arith.index_cast %mul3A_417 : i32 to index
        %swap3A_419 = tpu.vector_load %arg11[%swap3A_418] {strides = array<i32>} : memref<128xi32, #tpu.memory_space<vmem>>, vector<16xi32>,
        %swap3A_420 = vector.shape_cast %swap3A_419 : vector<16xi32> to vector<16xi32>
        %swap3A_421 = vector.shape_cast %add3A_415 : vector<16xi32> to vector<16xi32>
        tpu.vector_store %arg11[%swap3A_418], %swap3A_421 {strides = array<i32>} : memref<128xi32, #tpu.memory_space<vmem>>, vector<16xi32>,
        %scan3A_422 = arith.constant 6 : i32
        %mul3A_423 = arith.constant 16 : i32
        %mul3A_424 = arith.muli %scan3A_422, %mul3A_423 : i32
        %get3A_425 = arith.index_cast %mul3A_424 : i32 to index
        %get3A_426 = tpu.vector_load %arg8[%get3A_425] {strides = array<i32>} : memref<128xi32, #tpu.memory_space<vmem>>, vector<16xi32>,
        %get3A_427 = vector.shape_cast %get3A_426 : vector<16xi32> to vector<16xi32>
        %mul3A_428 = arith.constant 16 : i32
        %mul3A_429 = arith.muli %scan3A_422, %mul3A_428 : i32
        %get3A_430 = arith.index_cast %mul3A_429 : i32 to index
        %get3A_431 = tpu.vector_load %arg7[%get3A_430] {strides = array<i32>} : memref<128xi32, #tpu.memory_space<vmem>>, vector<16xi32>,
        %get3A_432 = vector.shape_cast %get3A_431 : vector<16xi32> to vector<16xi32>
        %and3A_433 = arith.constant 7 : i32
        %and3A_434 = vector.broadcast %and3A_433 : i32 to vector<16xi32>
        %and3A_435 = arith.andi %get3A_427, %and3A_434 : vector<16xi32>
        %mul3A_436 = arith.constant 10000 : i32
        %mul3A_437 = vector.broadcast %mul3A_436 : i32 to vector<16xi32>
        %mul3A_438 = arith.muli %and3A_435, %mul3A_437 : vector<16xi32>
        %add3A_439 = arith.addi %mul3A_438, %get3A_432 : vector<16xi32>
        %add3A_440 = vector.broadcast %scan3A_228 : i32 to vector<16xi32>
        %add3A_441 = arith.addi %add3A_439, %add3A_440 : vector<16xi32>
        %mul3A_442 = arith.constant 16 : i32
        %mul3A_443 = arith.muli %scan3A_422, %mul3A_442 : i32
        %swap3A_444 = arith.index_cast %mul3A_443 : i32 to index
        %swap3A_445 = tpu.vector_load %arg11[%swap3A_444] {strides = array<i32>} : memref<128xi32, #tpu.memory_space<vmem>>, vector<16xi32>,
        %swap3A_446 = vector.shape_cast %swap3A_445 : vector<16xi32> to vector<16xi32>
        %swap3A_447 = vector.shape_cast %add3A_441 : vector<16xi32> to vector<16xi32>
        tpu.vector_store %arg11[%swap3A_444], %swap3A_447 {strides = array<i32>} : memref<128xi32, #tpu.memory_space<vmem>>, vector<16xi32>,
        %scan3A_448 = arith.constant 7 : i32
        %mul3A_449 = arith.constant 16 : i32
        %mul3A_450 = arith.muli %scan3A_448, %mul3A_449 : i32
        %get3A_451 = arith.index_cast %mul3A_450 : i32 to index
        %get3A_452 = tpu.vector_load %arg8[%get3A_451] {strides = array<i32>} : memref<128xi32, #tpu.memory_space<vmem>>, vector<16xi32>,
        %get3A_453 = vector.shape_cast %get3A_452 : vector<16xi32> to vector<16xi32>
        %mul3A_454 = arith.constant 16 : i32
        %mul3A_455 = arith.muli %scan3A_448, %mul3A_454 : i32
        %get3A_456 = arith.index_cast %mul3A_455 : i32 to index
        %get3A_457 = tpu.vector_load %arg7[%get3A_456] {strides = array<i32>} : memref<128xi32, #tpu.memory_space<vmem>>, vector<16xi32>,
        %get3A_458 = vector.shape_cast %get3A_457 : vector<16xi32> to vector<16xi32>
        %and3A_459 = arith.constant 7 : i32
        %and3A_460 = vector.broadcast %and3A_459 : i32 to vector<16xi32>
        %and3A_461 = arith.andi %get3A_453, %and3A_460 : vector<16xi32>
        %mul3A_462 = arith.constant 10000 : i32
        %mul3A_463 = vector.broadcast %mul3A_462 : i32 to vector<16xi32>
        %mul3A_464 = arith.muli %and3A_461, %mul3A_463 : vector<16xi32>
        %add3A_465 = arith.addi %mul3A_464, %get3A_458 : vector<16xi32>
        %add3A_466 = vector.broadcast %scan3A_228 : i32 to vector<16xi32>
        %add3A_467 = arith.addi %add3A_465, %add3A_466 : vector<16xi32>
        %mul3A_468 = arith.constant 16 : i32
        %mul3A_469 = arith.muli %scan3A_448, %mul3A_468 : i32
        %swap3A_470 = arith.index_cast %mul3A_469 : i32 to index
        %swap3A_471 = tpu.vector_load %arg11[%swap3A_470] {strides = array<i32>} : memref<128xi32, #tpu.memory_space<vmem>>, vector<16xi32>,
        %swap3A_472 = vector.shape_cast %swap3A_471 : vector<16xi32> to vector<16xi32>
        %swap3A_473 = vector.shape_cast %add3A_467 : vector<16xi32> to vector<16xi32>
        tpu.vector_store %arg11[%swap3A_470], %swap3A_473 {strides = array<i32>} : memref<128xi32, #tpu.memory_space<vmem>>, vector<16xi32>,
        %scan3A_474 = arith.constant 8 : i32
        "tpu.region"() ({
          %run_scoped3A_478 = tpu.sem_alloc : memref<!tpu.dma_semaphore, #tpu.memory_space<semaphore_mem>>
          %dma_start3A_479 = arith.constant 0 : i32
          %dma_start3A_480 = tpu.memref_slice %arg3[%add3A, %add3A_265, %dma_start3A_479] : memref<32x40x128xi32, #tpu.memory_space<hbm>> -> memref<1x1x128xi32, #tpu.memory_space<hbm>>
          %dma_start3A_481 = tpu.memref_squeeze %dma_start3A_480 : memref<1x1x128xi32, #tpu.memory_space<hbm>> -> memref<128xi32, #tpu.memory_space<hbm>>
          %dma_start3A_482 = arith.constant 0 : i32
          %dma_start3A_483 = tpu.memref_slice %arg3[%add3A, %add3A_265, %dma_start3A_482] : memref<32x40x128xi32, #tpu.memory_space<hbm>> -> memref<1x1x128xi32, #tpu.memory_space<hbm>>
          %dma_start3A_484 = tpu.memref_squeeze %dma_start3A_483 : memref<1x1x128xi32, #tpu.memory_space<hbm>> -> memref<128xi32, #tpu.memory_space<hbm>>
          tpu.enqueue_dma source(%dma_start3A_484 : memref<128xi32, #tpu.memory_space<hbm>>) target(%arg9 : memref<128xi32, #tpu.memory_space<vmem>>) target_semaphore(%run_scoped3A_478 : memref<!tpu.dma_semaphore, #tpu.memory_space<semaphore_mem>>)
          %dma_wait3A_485 = arith.constant 0 : i32
          %dma_wait3A_486 = tpu.memref_slice %arg3[%add3A, %add3A_265, %dma_wait3A_485] : memref<32x40x128xi32, #tpu.memory_space<hbm>> -> memref<1x1x128xi32, #tpu.memory_space<hbm>>
          %dma_wait3A_487 = tpu.memref_squeeze %dma_wait3A_486 : memref<1x1x128xi32, #tpu.memory_space<hbm>> -> memref<128xi32, #tpu.memory_space<hbm>>
          %dma_wait3A_488 = arith.constant 0 : i32
          %dma_wait3A_489 = tpu.memref_slice %arg3[%add3A, %add3A_265, %dma_wait3A_488] : memref<32x40x128xi32, #tpu.memory_space<hbm>> -> memref<1x1x128xi32, #tpu.memory_space<hbm>>
          %dma_wait3A_490 = tpu.memref_squeeze %dma_wait3A_489 : memref<1x1x128xi32, #tpu.memory_space<hbm>> -> memref<128xi32, #tpu.memory_space<hbm>>
          tpu.wait_dma2 semaphore(%run_scoped3A_478 : memref<!tpu.dma_semaphore, #tpu.memory_space<semaphore_mem>>) src(%dma_wait3A_490 : memref<128xi32, #tpu.memory_space<hbm>>) dst(%arg9 : memref<128xi32, #tpu.memory_space<vmem>>)
          tpu.yield
        }) : () -> ()
        %dma_start3A_475 = arith.constant 0 : i32
        %dma_start3A_476 = arith.constant 0 : i32
        %dma_start3A_477 = tpu.memref_slice %arg5[%dma_start3A_475, %dma_start3A_476] : memref<80000x128xf32, #tpu.memory_space<hbm>> -> memref<80000x128xf32, #tpu.memory_space<hbm>>
        tpu.enqueue_indirect_dma source(%dma_start3A_477 : memref<80000x128xf32, #tpu.memory_space<hbm>>) target(%arg13 : memref<128x128xf32, #tpu.memory_space<vmem>>) offsets(%arg11 : memref<128xi32, #tpu.memory_space<vmem>>) semaphore(%arg16 : memref<!tpu.dma_semaphore, #tpu.memory_space<semaphore_mem>>)
      } else {
      }
      %add3A_257 = arith.constant 1 : i32
      %add3A_258 = arith.addi %mul3A_241, %add3A_257 : i32
      %lt3A_259 = arith.constant 40 : i32
      %lt3A_260 = arith.cmpi slt, %add3A_258, %lt3A_259 : i32
      %convert_element_type3A_261 = arith.extui %lt3A_260 : i1 to i32
      %cond3A_262 = arith.constant 0 : i32
      %cond3A_263 = arith.cmpi ne, %convert_element_type3A_261, %cond3A_262 : i32
      scf.if %cond3A_263 {
        %dma_wait3A_264 = arith.constant 0 : i32
        %dma_wait3A_265 = arith.constant 0 : i32
        %dma_wait3A_266 = tpu.memref_slice %arg5[%dma_wait3A_264, %dma_wait3A_265] : memref<80000x128xf32, #tpu.memory_space<hbm>> -> memref<80000x128xf32, #tpu.memory_space<hbm>>
        tpu.wait_indirect_dma semaphore(%arg17 : memref<!tpu.dma_semaphore, #tpu.memory_space<semaphore_mem>>) src(%dma_wait3A_266 : memref<80000x128xf32, #tpu.memory_space<hbm>>) dst(%arg14 : memref<128x128xf32, #tpu.memory_space<vmem>>)
        "tpu.region"() ({
          %run_scoped3A_267 = tpu.sem_alloc : memref<!tpu.dma_semaphore, #tpu.memory_space<semaphore_mem>>
          %dma_start3A_268 = arith.constant 0 : i32
          %dma_start3A_269 = arith.constant 0 : i32
          %dma_start3A_270 = tpu.memref_slice %arg15[%dma_start3A_268, %dma_start3A_269] : memref<10016x128xf32, #tpu.memory_space<vmem_shared>> -> memref<10016x128xf32, #tpu.memory_space<vmem_shared>>
          tpu.enqueue_indirect_dma source(%arg14 : memref<128x128xf32, #tpu.memory_space<vmem>>) target(%dma_start3A_270 : memref<10016x128xf32, #tpu.memory_space<vmem_shared>>) offsets(%arg10 : memref<128xi32, #tpu.memory_space<vmem>>) semaphore(%run_scoped3A_267 : memref<!tpu.dma_semaphore, #tpu.memory_space<semaphore_mem>>) {add = true}
          %dma_wait3A_271 = arith.constant 0 : i32
          %dma_wait3A_272 = arith.constant 0 : i32
          %dma_wait3A_273 = tpu.memref_slice %arg15[%dma_wait3A_271, %dma_wait3A_272] : memref<10016x128xf32, #tpu.memory_space<vmem_shared>> -> memref<10016x128xf32, #tpu.memory_space<vmem_shared>>
          tpu.wait_indirect_dma semaphore(%run_scoped3A_267 : memref<!tpu.dma_semaphore, #tpu.memory_space<semaphore_mem>>) src(%arg14 : memref<128x128xf32, #tpu.memory_space<vmem>>) dst(%dma_wait3A_273 : memref<10016x128xf32, #tpu.memory_space<vmem_shared>>)
          tpu.yield
        }) : () -> ()
      } else {
      }
    }
    %scan3A_233 = arith.constant 20 : i32
    %barrier3A_234 = arith.constant 0 : index
    tpu.barrier barrier_id(%barrier3A_234)
    %mul3A_235 = arith.constant 624 : i32
    %mul3A_236 = arith.muli %arg1, %mul3A_235 : i32
    "tpu.region"() ({
      %run_scoped3A_239 = tpu.sem_alloc : memref<!tpu.dma_semaphore, #tpu.memory_space<semaphore_mem>>
      %dma_start3A_240 = arith.constant 0 : i32
      %dma_start3A_241 = tpu.memref_slice %arg6[%arg0, %mul3A_236, %dma_start3A_240] : memref<2x10000x128xf32, #tpu.memory_space<hbm>> -> memref<1x624x128xf32, #tpu.memory_space<hbm>>
      %dma_start3A_242 = tpu.memref_squeeze %dma_start3A_241 : memref<1x624x128xf32, #tpu.memory_space<hbm>> -> memref<624x128xf32, #tpu.memory_space<hbm>>
      %dma_start3A_243 = arith.constant 0 : i32
      %dma_start3A_244 = tpu.memref_slice %arg15[%mul3A_236, %dma_start3A_243] : memref<10016x128xf32, #tpu.memory_space<vmem_shared>> -> memref<624x128xf32, #tpu.memory_space<vmem_shared>>
      tpu.enqueue_dma source(%dma_start3A_244 : memref<624x128xf32, #tpu.memory_space<vmem_shared>>) target(%dma_start3A_242 : memref<624x128xf32, #tpu.memory_space<hbm>>) target_semaphore(%run_scoped3A_239 : memref<!tpu.dma_semaphore, #tpu.memory_space<semaphore_mem>>)
      %dma_wait3A = arith.constant 0 : i32
      %dma_wait3A_245 = tpu.memref_slice %arg6[%arg0, %mul3A_236, %dma_wait3A] : memref<2x10000x128xf32, #tpu.memory_space<hbm>> -> memref<1x624x128xf32, #tpu.memory_space<hbm>>
      %dma_wait3A_246 = tpu.memref_squeeze %dma_wait3A_245 : memref<1x624x128xf32, #tpu.memory_space<hbm>> -> memref<624x128xf32, #tpu.memory_space<hbm>>
      %dma_wait3A_247 = arith.constant 0 : i32
      %dma_wait3A_248 = tpu.memref_slice %arg15[%mul3A_236, %dma_wait3A_247] : memref<10016x128xf32, #tpu.memory_space<vmem_shared>> -> memref<624x128xf32, #tpu.memory_space<vmem_shared>>
      tpu.wait_dma2 semaphore(%run_scoped3A_239 : memref<!tpu.dma_semaphore, #tpu.memory_space<semaphore_mem>>) src(%dma_wait3A_248 : memref<624x128xf32, #tpu.memory_space<vmem_shared>>) dst(%dma_wait3A_246 : memref<624x128xf32, #tpu.memory_space<hbm>>)
      tpu.yield
    }) : () -> ()
    %eq3A = arith.constant 15 : i32
    %eq3A_237 = arith.cmpi eq, %arg1, %eq3A : i32
    %convert_element_type3A = arith.extui %eq3A_237 : i1 to i32
    %cond3A = arith.constant 0 : i32
    %cond3A_238 = arith.cmpi ne, %convert_element_type3A, %cond3A : i32
    scf.if %cond3A_238 {
      "tpu.region"() ({
        %run_scoped3A_239 = tpu.sem_alloc : memref<!tpu.dma_semaphore, #tpu.memory_space<semaphore_mem>>
        %dma_start3A_240 = arith.constant 9984 : i32
        %dma_start3A_241 = arith.constant 0 : i32
        %dma_start3A_242 = tpu.memref_slice %arg6[%arg0, %dma_start3A_240, %dma_start3A_241] : memref<2x10000x128xf32, #tpu.memory_space<hbm>> -> memref<1x16x128xf32, #tpu.memory_space<hbm>>
        %dma_start3A_243 = tpu.memref_squeeze %dma_start3A_242 : memref<1x16x128xf32, #tpu.memory_space<hbm>> -> memref<16x128xf32, #tpu.memory_space<hbm>>
        %dma_start3A_244 = arith.constant 9984 : i32
        %dma_start3A_245 = arith.constant 0 : i32
        %dma_start3A_246 = tpu.memref_slice %arg15[%dma_start3A_244, %dma_start3A_245] : memref<10016x128xf32, #tpu.memory_space<vmem_shared>> -> memref<16x128xf32, #tpu.memory_space<vmem_shared>>
        tpu.enqueue_dma source(%dma_start3A_246 : memref<16x128xf32, #tpu.memory_space<vmem_shared>>) target(%dma_start3A_243 : memref<16x128xf32, #tpu.memory_space<hbm>>) target_semaphore(%run_scoped3A_239 : memref<!tpu.dma_semaphore, #tpu.memory_space<semaphore_mem>>)
        %dma_wait3A = arith.constant 9984 : i32
        %dma_wait3A_247 = arith.constant 0 : i32
        %dma_wait3A_248 = tpu.memref_slice %arg6[%arg0, %dma_wait3A, %dma_wait3A_247] : memref<2x10000x128xf32, #tpu.memory_space<hbm>> -> memref<1x16x128xf32, #tpu.memory_space<hbm>>
        %dma_wait3A_249 = tpu.memref_squeeze %dma_wait3A_248 : memref<1x16x128xf32, #tpu.memory_space<hbm>> -> memref<16x128xf32, #tpu.memory_space<hbm>>
        %dma_wait3A_250 = arith.constant 9984 : i32
        %dma_wait3A_251 = arith.constant 0 : i32
        %dma_wait3A_252 = tpu.memref_slice %arg15[%dma_wait3A_250, %dma_wait3A_251] : memref<10016x128xf32, #tpu.memory_space<vmem_shared>> -> memref<16x128xf32, #tpu.memory_space<vmem_shared>>
        tpu.wait_dma2 semaphore(%run_scoped3A_239 : memref<!tpu.dma_semaphore, #tpu.memory_space<semaphore_mem>>) src(%dma_wait3A_252 : memref<16x128xf32, #tpu.memory_space<vmem_shared>>) dst(%dma_wait3A_249 : memref<16x128xf32, #tpu.memory_space<hbm>>)
        tpu.yield
      }) : () -> ()
    } else {
    }
    return
  }
}

module attributes {stable_mosaic.version = 14 : i64} {
  func.func @_actmm_kernel(%arg0: i32, %arg1: memref<2x400x128xf32, #tpu.memory_space<vmem>>, %arg2: memref<2x400x128xf32, #tpu.memory_space<vmem>>, %arg3: memref<256x1024xf32, #tpu.memory_space<vmem>>, %arg4: memref<8x128xf32, #tpu.memory_space<vmem>>, %arg5: memref<256x256xf32, #tpu.memory_space<vmem>>, %arg6: memref<16x400x128xf32, #tpu.memory_space<vmem>>, %arg7: memref<2x400x128xf32, #tpu.memory_space<vmem>>) attributes {dimension_semantics = [#tpu.dimension_semantics<arbitrary>], iteration_bounds = array<i64: 25>, scalar_prefetch = 0 : i64, scratch_operands = 0 : i64, tpu.core_type = #tpu.core_type<tc>, window_params = [{transform_indices = @transform_0, window_bounds = array<i64: 2, 400, 128>}, {transform_indices = @transform_1, window_bounds = array<i64: 2, 400, 128>}, {pipeline_mode = #tpu.pipeline_mode<synchronous>, transform_indices = @transform_2, window_bounds = array<i64: 256, 1024>}, {pipeline_mode = #tpu.pipeline_mode<synchronous>, transform_indices = @transform_3, window_bounds = array<i64: 8, 128>}, {pipeline_mode = #tpu.pipeline_mode<synchronous>, transform_indices = @transform_4, window_bounds = array<i64: 256, 256>}, {transform_indices = @transform_5, window_bounds = array<i64: 16, 400, 128>}, {transform_indices = @transform_6, window_bounds = array<i64: 2, 400, 128>}]} {
    %get3A = arith.constant 0 : index
    %get3A_0 = arith.constant 0 : index
    %get3A_1 = arith.constant 0 : index
    %get3A_2 = vector.load %arg1[%get3A, %get3A_0, %get3A_1] : memref<2x400x128xf32, #tpu.memory_space<vmem>>, vector<2x400x128xf32>
    %get3A_3 = arith.constant 0 : index
    %get3A_4 = arith.constant 0 : index
    %get3A_5 = arith.constant 0 : index
    %get3A_6 = vector.load %arg2[%get3A_3, %get3A_4, %get3A_5] : memref<2x400x128xf32, #tpu.memory_space<vmem>>, vector<2x400x128xf32>
    %slice3A = vector.extract_strided_slice %get3A_2 {offsets = [0, 0, 0], sizes = [1, 400, 128], strides = [1, 1, 1]} : vector<2x400x128xf32> to vector<1x400x128xf32>
    %squeeze3A = vector.shape_cast %slice3A : vector<1x400x128xf32> to vector<400x128xf32>
    %slice3A_7 = vector.extract_strided_slice %get3A_6 {offsets = [0, 0, 0], sizes = [1, 400, 128], strides = [1, 1, 1]} : vector<2x400x128xf32> to vector<1x400x128xf32>
    %squeeze3A_8 = vector.shape_cast %slice3A_7 : vector<1x400x128xf32> to vector<400x128xf32>
    %add3A = arith.addf %squeeze3A, %squeeze3A_8 : vector<400x128xf32>
    %slice3A_9 = vector.extract_strided_slice %get3A_2 {offsets = [1, 0, 0], sizes = [1, 400, 128], strides = [1, 1, 1]} : vector<2x400x128xf32> to vector<1x400x128xf32>
    %squeeze3A_10 = vector.shape_cast %slice3A_9 : vector<1x400x128xf32> to vector<400x128xf32>
    %slice3A_11 = vector.extract_strided_slice %get3A_6 {offsets = [1, 0, 0], sizes = [1, 400, 128], strides = [1, 1, 1]} : vector<2x400x128xf32> to vector<1x400x128xf32>
    %squeeze3A_12 = vector.shape_cast %slice3A_11 : vector<1x400x128xf32> to vector<400x128xf32>
    %add3A_13 = arith.addf %squeeze3A_10, %squeeze3A_12 : vector<400x128xf32>
    %concatenate3A = tpu.concatenate %add3A, %add3A_13 in 1 : vector<400x128xf32>, vector<400x128xf32> -> vector<400x256xf32>
    %max3A = arith.constant 0.000000e+00 : f32
    %max3A_14 = vector.broadcast %max3A : f32 to vector<400x256xf32>
    %max3A_15 = arith.maximumf %concatenate3A, %max3A_14 : vector<400x256xf32>
    %get3A_16 = arith.constant 0 : index
    %get3A_17 = arith.constant 0 : index
    %get3A_18 = vector.load %arg3[%get3A_16, %get3A_17] : memref<256x1024xf32, #tpu.memory_space<vmem>>, vector<256x1024xf32>
    %dot_general3A = arith.constant dense<0.000000e+00> : vector<400x1024xf32>
    %dot_general3A_19 = tpu.matmul %max3A_15, %get3A_18, %dot_general3A {dimension_numbers = #tpu.dot_dimension_numbers<[1], [0], [0], [1], [0, 0, 1, 1], [], []>, transpose_lhs_hint = false} : vector<400x256xf32>, vector<256x1024xf32>, vector<400x1024xf32> -> vector<400x1024xf32>
    %slice3A_20 = vector.extract_strided_slice %dot_general3A_19 {offsets = [0, 0], sizes = [400, 128], strides = [1, 1]} : vector<400x1024xf32> to vector<400x128xf32>
    %get3A_21 = arith.constant 0 : index
    %get3A_22 = arith.constant 0 : index
    %get3A_23 = vector.load %arg4[%get3A_21, %get3A_22] : memref<8x128xf32, #tpu.memory_space<vmem>>, vector<1x1xf32>
    %get3A_24 = vector.extract %get3A_23[0, 0] : f32 from vector<1x1xf32>
    %mul3A = vector.broadcast %get3A_24 : f32 to vector<400x128xf32>
    %mul3A_25 = arith.mulf %mul3A, %slice3A_20 : vector<400x128xf32>
    %slice3A_26 = vector.extract_strided_slice %dot_general3A_19 {offsets = [0, 256], sizes = [400, 128], strides = [1, 1]} : vector<400x1024xf32> to vector<400x128xf32>
    %get3A_27 = arith.constant 0 : index
    %get3A_28 = arith.constant 1 : index
    %get3A_29 = vector.load %arg4[%get3A_27, %get3A_28] : memref<8x128xf32, #tpu.memory_space<vmem>>, vector<1x1xf32>
    %get3A_30 = vector.extract %get3A_29[0, 0] : f32 from vector<1x1xf32>
    %mul3A_31 = vector.broadcast %get3A_30 : f32 to vector<400x128xf32>
    %mul3A_32 = arith.mulf %mul3A_31, %slice3A_26 : vector<400x128xf32>
    %add3A_33 = arith.addf %mul3A_25, %mul3A_32 : vector<400x128xf32>
    %slice3A_34 = vector.extract_strided_slice %dot_general3A_19 {offsets = [0, 512], sizes = [400, 128], strides = [1, 1]} : vector<400x1024xf32> to vector<400x128xf32>
    %get3A_35 = arith.constant 0 : index
    %get3A_36 = arith.constant 2 : index
    %get3A_37 = vector.load %arg4[%get3A_35, %get3A_36] : memref<8x128xf32, #tpu.memory_space<vmem>>, vector<1x1xf32>
    %get3A_38 = vector.extract %get3A_37[0, 0] : f32 from vector<1x1xf32>
    %mul3A_39 = vector.broadcast %get3A_38 : f32 to vector<400x128xf32>
    %mul3A_40 = arith.mulf %mul3A_39, %slice3A_34 : vector<400x128xf32>
    %add3A_41 = arith.addf %add3A_33, %mul3A_40 : vector<400x128xf32>
    %slice3A_42 = vector.extract_strided_slice %dot_general3A_19 {offsets = [0, 768], sizes = [400, 128], strides = [1, 1]} : vector<400x1024xf32> to vector<400x128xf32>
    %get3A_43 = arith.constant 0 : index
    %get3A_44 = arith.constant 3 : index
    %get3A_45 = vector.load %arg4[%get3A_43, %get3A_44] : memref<8x128xf32, #tpu.memory_space<vmem>>, vector<1x1xf32>
    %get3A_46 = vector.extract %get3A_45[0, 0] : f32 from vector<1x1xf32>
    %mul3A_47 = vector.broadcast %get3A_46 : f32 to vector<400x128xf32>
    %mul3A_48 = arith.mulf %mul3A_47, %slice3A_42 : vector<400x128xf32>
    %add3A_49 = arith.addf %add3A_41, %mul3A_48 : vector<400x128xf32>
    %swap3A = arith.constant 0 : index
    %swap3A_50 = arith.constant 0 : index
    %swap3A_51 = arith.constant 0 : index
    %swap3A_52 = vector.load %arg6[%swap3A, %swap3A_50, %swap3A_51] : memref<16x400x128xf32, #tpu.memory_space<vmem>>, vector<1x400x128xf32>
    %swap3A_53 = vector.shape_cast %swap3A_52 : vector<1x400x128xf32> to vector<400x128xf32>
    %swap3A_54 = vector.shape_cast %add3A_49 : vector<400x128xf32> to vector<1x400x128xf32>
    tpu.vector_store %arg6[%swap3A, %swap3A_50, %swap3A_51], %swap3A_54 {strides = array<i32>} : memref<16x400x128xf32, #tpu.memory_space<vmem>>, vector<1x400x128xf32>,
    %slice3A_55 = vector.extract_strided_slice %dot_general3A_19 {offsets = [0, 0], sizes = [400, 128], strides = [1, 1]} : vector<400x1024xf32> to vector<400x128xf32>
    %get3A_56 = arith.constant 1 : index
    %get3A_57 = arith.constant 0 : index
    %get3A_58 = vector.load %arg4[%get3A_56, %get3A_57] : memref<8x128xf32, #tpu.memory_space<vmem>>, vector<1x1xf32>
    %get3A_59 = vector.extract %get3A_58[0, 0] : f32 from vector<1x1xf32>
    %mul3A_60 = vector.broadcast %get3A_59 : f32 to vector<400x128xf32>
    %mul3A_61 = arith.mulf %mul3A_60, %slice3A_55 : vector<400x128xf32>
    %slice3A_62 = vector.extract_strided_slice %dot_general3A_19 {offsets = [0, 256], sizes = [400, 128], strides = [1, 1]} : vector<400x1024xf32> to vector<400x128xf32>
    %get3A_63 = arith.constant 1 : index
    %get3A_64 = arith.constant 1 : index
    %get3A_65 = vector.load %arg4[%get3A_63, %get3A_64] : memref<8x128xf32, #tpu.memory_space<vmem>>, vector<1x1xf32>
    %get3A_66 = vector.extract %get3A_65[0, 0] : f32 from vector<1x1xf32>
    %mul3A_67 = vector.broadcast %get3A_66 : f32 to vector<400x128xf32>
    %mul3A_68 = arith.mulf %mul3A_67, %slice3A_62 : vector<400x128xf32>
    %add3A_69 = arith.addf %mul3A_61, %mul3A_68 : vector<400x128xf32>
    %slice3A_70 = vector.extract_strided_slice %dot_general3A_19 {offsets = [0, 512], sizes = [400, 128], strides = [1, 1]} : vector<400x1024xf32> to vector<400x128xf32>
    %get3A_71 = arith.constant 1 : index
    %get3A_72 = arith.constant 2 : index
    %get3A_73 = vector.load %arg4[%get3A_71, %get3A_72] : memref<8x128xf32, #tpu.memory_space<vmem>>, vector<1x1xf32>
    %get3A_74 = vector.extract %get3A_73[0, 0] : f32 from vector<1x1xf32>
    %mul3A_75 = vector.broadcast %get3A_74 : f32 to vector<400x128xf32>
    %mul3A_76 = arith.mulf %mul3A_75, %slice3A_70 : vector<400x128xf32>
    %add3A_77 = arith.addf %add3A_69, %mul3A_76 : vector<400x128xf32>
    %slice3A_78 = vector.extract_strided_slice %dot_general3A_19 {offsets = [0, 768], sizes = [400, 128], strides = [1, 1]} : vector<400x1024xf32> to vector<400x128xf32>
    %get3A_79 = arith.constant 1 : index
    %get3A_80 = arith.constant 3 : index
    %get3A_81 = vector.load %arg4[%get3A_79, %get3A_80] : memref<8x128xf32, #tpu.memory_space<vmem>>, vector<1x1xf32>
    %get3A_82 = vector.extract %get3A_81[0, 0] : f32 from vector<1x1xf32>
    %mul3A_83 = vector.broadcast %get3A_82 : f32 to vector<400x128xf32>
    %mul3A_84 = arith.mulf %mul3A_83, %slice3A_78 : vector<400x128xf32>
    %add3A_85 = arith.addf %add3A_77, %mul3A_84 : vector<400x128xf32>
    %swap3A_86 = arith.constant 1 : index
    %swap3A_87 = arith.constant 0 : index
    %swap3A_88 = arith.constant 0 : index
    %swap3A_89 = vector.load %arg6[%swap3A_86, %swap3A_87, %swap3A_88] : memref<16x400x128xf32, #tpu.memory_space<vmem>>, vector<1x400x128xf32>
    %swap3A_90 = vector.shape_cast %swap3A_89 : vector<1x400x128xf32> to vector<400x128xf32>
    %swap3A_91 = vector.shape_cast %add3A_85 : vector<400x128xf32> to vector<1x400x128xf32>
    tpu.vector_store %arg6[%swap3A_86, %swap3A_87, %swap3A_88], %swap3A_91 {strides = array<i32>} : memref<16x400x128xf32, #tpu.memory_space<vmem>>, vector<1x400x128xf32>,
    %slice3A_92 = vector.extract_strided_slice %dot_general3A_19 {offsets = [0, 0], sizes = [400, 128], strides = [1, 1]} : vector<400x1024xf32> to vector<400x128xf32>
    %get3A_93 = arith.constant 2 : index
    %get3A_94 = arith.constant 0 : index
    %get3A_95 = vector.load %arg4[%get3A_93, %get3A_94] : memref<8x128xf32, #tpu.memory_space<vmem>>, vector<1x1xf32>
    %get3A_96 = vector.extract %get3A_95[0, 0] : f32 from vector<1x1xf32>
    %mul3A_97 = vector.broadcast %get3A_96 : f32 to vector<400x128xf32>
    %mul3A_98 = arith.mulf %mul3A_97, %slice3A_92 : vector<400x128xf32>
    %slice3A_99 = vector.extract_strided_slice %dot_general3A_19 {offsets = [0, 256], sizes = [400, 128], strides = [1, 1]} : vector<400x1024xf32> to vector<400x128xf32>
    %get3A_100 = arith.constant 2 : index
    %get3A_101 = arith.constant 1 : index
    %get3A_102 = vector.load %arg4[%get3A_100, %get3A_101] : memref<8x128xf32, #tpu.memory_space<vmem>>, vector<1x1xf32>
    %get3A_103 = vector.extract %get3A_102[0, 0] : f32 from vector<1x1xf32>
    %mul3A_104 = vector.broadcast %get3A_103 : f32 to vector<400x128xf32>
    %mul3A_105 = arith.mulf %mul3A_104, %slice3A_99 : vector<400x128xf32>
    %add3A_106 = arith.addf %mul3A_98, %mul3A_105 : vector<400x128xf32>
    %slice3A_107 = vector.extract_strided_slice %dot_general3A_19 {offsets = [0, 512], sizes = [400, 128], strides = [1, 1]} : vector<400x1024xf32> to vector<400x128xf32>
    %get3A_108 = arith.constant 2 : index
    %get3A_109 = arith.constant 2 : index
    %get3A_110 = vector.load %arg4[%get3A_108, %get3A_109] : memref<8x128xf32, #tpu.memory_space<vmem>>, vector<1x1xf32>
    %get3A_111 = vector.extract %get3A_110[0, 0] : f32 from vector<1x1xf32>
    %mul3A_112 = vector.broadcast %get3A_111 : f32 to vector<400x128xf32>
    %mul3A_113 = arith.mulf %mul3A_112, %slice3A_107 : vector<400x128xf32>
    %add3A_114 = arith.addf %add3A_106, %mul3A_113 : vector<400x128xf32>
    %slice3A_115 = vector.extract_strided_slice %dot_general3A_19 {offsets = [0, 768], sizes = [400, 128], strides = [1, 1]} : vector<400x1024xf32> to vector<400x128xf32>
    %get3A_116 = arith.constant 2 : index
    %get3A_117 = arith.constant 3 : index
    %get3A_118 = vector.load %arg4[%get3A_116, %get3A_117] : memref<8x128xf32, #tpu.memory_space<vmem>>, vector<1x1xf32>
    %get3A_119 = vector.extract %get3A_118[0, 0] : f32 from vector<1x1xf32>
    %mul3A_120 = vector.broadcast %get3A_119 : f32 to vector<400x128xf32>
    %mul3A_121 = arith.mulf %mul3A_120, %slice3A_115 : vector<400x128xf32>
    %add3A_122 = arith.addf %add3A_114, %mul3A_121 : vector<400x128xf32>
    %swap3A_123 = arith.constant 2 : index
    %swap3A_124 = arith.constant 0 : index
    %swap3A_125 = arith.constant 0 : index
    %swap3A_126 = vector.load %arg6[%swap3A_123, %swap3A_124, %swap3A_125] : memref<16x400x128xf32, #tpu.memory_space<vmem>>, vector<1x400x128xf32>
    %swap3A_127 = vector.shape_cast %swap3A_126 : vector<1x400x128xf32> to vector<400x128xf32>
    %swap3A_128 = vector.shape_cast %add3A_122 : vector<400x128xf32> to vector<1x400x128xf32>
    tpu.vector_store %arg6[%swap3A_123, %swap3A_124, %swap3A_125], %swap3A_128 {strides = array<i32>} : memref<16x400x128xf32, #tpu.memory_space<vmem>>, vector<1x400x128xf32>,
    %slice3A_129 = vector.extract_strided_slice %dot_general3A_19 {offsets = [0, 0], sizes = [400, 128], strides = [1, 1]} : vector<400x1024xf32> to vector<400x128xf32>
    %get3A_130 = arith.constant 3 : index
    %get3A_131 = arith.constant 0 : index
    %get3A_132 = vector.load %arg4[%get3A_130, %get3A_131] : memref<8x128xf32, #tpu.memory_space<vmem>>, vector<1x1xf32>
    %get3A_133 = vector.extract %get3A_132[0, 0] : f32 from vector<1x1xf32>
    %mul3A_134 = vector.broadcast %get3A_133 : f32 to vector<400x128xf32>
    %mul3A_135 = arith.mulf %mul3A_134, %slice3A_129 : vector<400x128xf32>
    %slice3A_136 = vector.extract_strided_slice %dot_general3A_19 {offsets = [0, 256], sizes = [400, 128], strides = [1, 1]} : vector<400x1024xf32> to vector<400x128xf32>
    %get3A_137 = arith.constant 3 : index
    %get3A_138 = arith.constant 1 : index
    %get3A_139 = vector.load %arg4[%get3A_137, %get3A_138] : memref<8x128xf32, #tpu.memory_space<vmem>>, vector<1x1xf32>
    %get3A_140 = vector.extract %get3A_139[0, 0] : f32 from vector<1x1xf32>
    %mul3A_141 = vector.broadcast %get3A_140 : f32 to vector<400x128xf32>
    %mul3A_142 = arith.mulf %mul3A_141, %slice3A_136 : vector<400x128xf32>
    %add3A_143 = arith.addf %mul3A_135, %mul3A_142 : vector<400x128xf32>
    %slice3A_144 = vector.extract_strided_slice %dot_general3A_19 {offsets = [0, 512], sizes = [400, 128], strides = [1, 1]} : vector<400x1024xf32> to vector<400x128xf32>
    %get3A_145 = arith.constant 3 : index
    %get3A_146 = arith.constant 2 : index
    %get3A_147 = vector.load %arg4[%get3A_145, %get3A_146] : memref<8x128xf32, #tpu.memory_space<vmem>>, vector<1x1xf32>
    %get3A_148 = vector.extract %get3A_147[0, 0] : f32 from vector<1x1xf32>
    %mul3A_149 = vector.broadcast %get3A_148 : f32 to vector<400x128xf32>
    %mul3A_150 = arith.mulf %mul3A_149, %slice3A_144 : vector<400x128xf32>
    %add3A_151 = arith.addf %add3A_143, %mul3A_150 : vector<400x128xf32>
    %slice3A_152 = vector.extract_strided_slice %dot_general3A_19 {offsets = [0, 768], sizes = [400, 128], strides = [1, 1]} : vector<400x1024xf32> to vector<400x128xf32>
    %get3A_153 = arith.constant 3 : index
    %get3A_154 = arith.constant 3 : index
    %get3A_155 = vector.load %arg4[%get3A_153, %get3A_154] : memref<8x128xf32, #tpu.memory_space<vmem>>, vector<1x1xf32>
    %get3A_156 = vector.extract %get3A_155[0, 0] : f32 from vector<1x1xf32>
    %mul3A_157 = vector.broadcast %get3A_156 : f32 to vector<400x128xf32>
    %mul3A_158 = arith.mulf %mul3A_157, %slice3A_152 : vector<400x128xf32>
    %add3A_159 = arith.addf %add3A_151, %mul3A_158 : vector<400x128xf32>
    %swap3A_160 = arith.constant 3 : index
    %swap3A_161 = arith.constant 0 : index
    %swap3A_162 = arith.constant 0 : index
    %swap3A_163 = vector.load %arg6[%swap3A_160, %swap3A_161, %swap3A_162] : memref<16x400x128xf32, #tpu.memory_space<vmem>>, vector<1x400x128xf32>
    %swap3A_164 = vector.shape_cast %swap3A_163 : vector<1x400x128xf32> to vector<400x128xf32>
    %swap3A_165 = vector.shape_cast %add3A_159 : vector<400x128xf32> to vector<1x400x128xf32>
    tpu.vector_store %arg6[%swap3A_160, %swap3A_161, %swap3A_162], %swap3A_165 {strides = array<i32>} : memref<16x400x128xf32, #tpu.memory_space<vmem>>, vector<1x400x128xf32>,
    %slice3A_166 = vector.extract_strided_slice %dot_general3A_19 {offsets = [0, 0], sizes = [400, 128], strides = [1, 1]} : vector<400x1024xf32> to vector<400x128xf32>
    %get3A_167 = arith.constant 4 : index
    %get3A_168 = arith.constant 0 : index
    %get3A_169 = vector.load %arg4[%get3A_167, %get3A_168] : memref<8x128xf32, #tpu.memory_space<vmem>>, vector<1x1xf32>
    %get3A_170 = vector.extract %get3A_169[0, 0] : f32 from vector<1x1xf32>
    %mul3A_171 = vector.broadcast %get3A_170 : f32 to vector<400x128xf32>
    %mul3A_172 = arith.mulf %mul3A_171, %slice3A_166 : vector<400x128xf32>
    %slice3A_173 = vector.extract_strided_slice %dot_general3A_19 {offsets = [0, 256], sizes = [400, 128], strides = [1, 1]} : vector<400x1024xf32> to vector<400x128xf32>
    %get3A_174 = arith.constant 4 : index
    %get3A_175 = arith.constant 1 : index
    %get3A_176 = vector.load %arg4[%get3A_174, %get3A_175] : memref<8x128xf32, #tpu.memory_space<vmem>>, vector<1x1xf32>
    %get3A_177 = vector.extract %get3A_176[0, 0] : f32 from vector<1x1xf32>
    %mul3A_178 = vector.broadcast %get3A_177 : f32 to vector<400x128xf32>
    %mul3A_179 = arith.mulf %mul3A_178, %slice3A_173 : vector<400x128xf32>
    %add3A_180 = arith.addf %mul3A_172, %mul3A_179 : vector<400x128xf32>
    %slice3A_181 = vector.extract_strided_slice %dot_general3A_19 {offsets = [0, 512], sizes = [400, 128], strides = [1, 1]} : vector<400x1024xf32> to vector<400x128xf32>
    %get3A_182 = arith.constant 4 : index
    %get3A_183 = arith.constant 2 : index
    %get3A_184 = vector.load %arg4[%get3A_182, %get3A_183] : memref<8x128xf32, #tpu.memory_space<vmem>>, vector<1x1xf32>
    %get3A_185 = vector.extract %get3A_184[0, 0] : f32 from vector<1x1xf32>
    %mul3A_186 = vector.broadcast %get3A_185 : f32 to vector<400x128xf32>
    %mul3A_187 = arith.mulf %mul3A_186, %slice3A_181 : vector<400x128xf32>
    %add3A_188 = arith.addf %add3A_180, %mul3A_187 : vector<400x128xf32>
    %slice3A_189 = vector.extract_strided_slice %dot_general3A_19 {offsets = [0, 768], sizes = [400, 128], strides = [1, 1]} : vector<400x1024xf32> to vector<400x128xf32>
    %get3A_190 = arith.constant 4 : index
    %get3A_191 = arith.constant 3 : index
    %get3A_192 = vector.load %arg4[%get3A_190, %get3A_191] : memref<8x128xf32, #tpu.memory_space<vmem>>, vector<1x1xf32>
    %get3A_193 = vector.extract %get3A_192[0, 0] : f32 from vector<1x1xf32>
    %mul3A_194 = vector.broadcast %get3A_193 : f32 to vector<400x128xf32>
    %mul3A_195 = arith.mulf %mul3A_194, %slice3A_189 : vector<400x128xf32>
    %add3A_196 = arith.addf %add3A_188, %mul3A_195 : vector<400x128xf32>
    %swap3A_197 = arith.constant 4 : index
    %swap3A_198 = arith.constant 0 : index
    %swap3A_199 = arith.constant 0 : index
    %swap3A_200 = vector.load %arg6[%swap3A_197, %swap3A_198, %swap3A_199] : memref<16x400x128xf32, #tpu.memory_space<vmem>>, vector<1x400x128xf32>
    %swap3A_201 = vector.shape_cast %swap3A_200 : vector<1x400x128xf32> to vector<400x128xf32>
    %swap3A_202 = vector.shape_cast %add3A_196 : vector<400x128xf32> to vector<1x400x128xf32>
    tpu.vector_store %arg6[%swap3A_197, %swap3A_198, %swap3A_199], %swap3A_202 {strides = array<i32>} : memref<16x400x128xf32, #tpu.memory_space<vmem>>, vector<1x400x128xf32>,
    %slice3A_203 = vector.extract_strided_slice %dot_general3A_19 {offsets = [0, 0], sizes = [400, 128], strides = [1, 1]} : vector<400x1024xf32> to vector<400x128xf32>
    %get3A_204 = arith.constant 5 : index
    %get3A_205 = arith.constant 0 : index
    %get3A_206 = vector.load %arg4[%get3A_204, %get3A_205] : memref<8x128xf32, #tpu.memory_space<vmem>>, vector<1x1xf32>
    %get3A_207 = vector.extract %get3A_206[0, 0] : f32 from vector<1x1xf32>
    %mul3A_208 = vector.broadcast %get3A_207 : f32 to vector<400x128xf32>
    %mul3A_209 = arith.mulf %mul3A_208, %slice3A_203 : vector<400x128xf32>
    %slice3A_210 = vector.extract_strided_slice %dot_general3A_19 {offsets = [0, 256], sizes = [400, 128], strides = [1, 1]} : vector<400x1024xf32> to vector<400x128xf32>
    %get3A_211 = arith.constant 5 : index
    %get3A_212 = arith.constant 1 : index
    %get3A_213 = vector.load %arg4[%get3A_211, %get3A_212] : memref<8x128xf32, #tpu.memory_space<vmem>>, vector<1x1xf32>
    %get3A_214 = vector.extract %get3A_213[0, 0] : f32 from vector<1x1xf32>
    %mul3A_215 = vector.broadcast %get3A_214 : f32 to vector<400x128xf32>
    %mul3A_216 = arith.mulf %mul3A_215, %slice3A_210 : vector<400x128xf32>
    %add3A_217 = arith.addf %mul3A_209, %mul3A_216 : vector<400x128xf32>
    %slice3A_218 = vector.extract_strided_slice %dot_general3A_19 {offsets = [0, 512], sizes = [400, 128], strides = [1, 1]} : vector<400x1024xf32> to vector<400x128xf32>
    %get3A_219 = arith.constant 5 : index
    %get3A_220 = arith.constant 2 : index
    %get3A_221 = vector.load %arg4[%get3A_219, %get3A_220] : memref<8x128xf32, #tpu.memory_space<vmem>>, vector<1x1xf32>
    %get3A_222 = vector.extract %get3A_221[0, 0] : f32 from vector<1x1xf32>
    %mul3A_223 = vector.broadcast %get3A_222 : f32 to vector<400x128xf32>
    %mul3A_224 = arith.mulf %mul3A_223, %slice3A_218 : vector<400x128xf32>
    %add3A_225 = arith.addf %add3A_217, %mul3A_224 : vector<400x128xf32>
    %slice3A_226 = vector.extract_strided_slice %dot_general3A_19 {offsets = [0, 768], sizes = [400, 128], strides = [1, 1]} : vector<400x1024xf32> to vector<400x128xf32>
    %get3A_227 = arith.constant 5 : index
    %get3A_228 = arith.constant 3 : index
    %get3A_229 = vector.load %arg4[%get3A_227, %get3A_228] : memref<8x128xf32, #tpu.memory_space<vmem>>, vector<1x1xf32>
    %get3A_230 = vector.extract %get3A_229[0, 0] : f32 from vector<1x1xf32>
    %mul3A_231 = vector.broadcast %get3A_230 : f32 to vector<400x128xf32>
    %mul3A_232 = arith.mulf %mul3A_231, %slice3A_226 : vector<400x128xf32>
    %add3A_233 = arith.addf %add3A_225, %mul3A_232 : vector<400x128xf32>
    %swap3A_234 = arith.constant 5 : index
    %swap3A_235 = arith.constant 0 : index
    %swap3A_236 = arith.constant 0 : index
    %swap3A_237 = vector.load %arg6[%swap3A_234, %swap3A_235, %swap3A_236] : memref<16x400x128xf32, #tpu.memory_space<vmem>>, vector<1x400x128xf32>
    %swap3A_238 = vector.shape_cast %swap3A_237 : vector<1x400x128xf32> to vector<400x128xf32>
    %swap3A_239 = vector.shape_cast %add3A_233 : vector<400x128xf32> to vector<1x400x128xf32>
    tpu.vector_store %arg6[%swap3A_234, %swap3A_235, %swap3A_236], %swap3A_239 {strides = array<i32>} : memref<16x400x128xf32, #tpu.memory_space<vmem>>, vector<1x400x128xf32>,
    %slice3A_240 = vector.extract_strided_slice %dot_general3A_19 {offsets = [0, 0], sizes = [400, 128], strides = [1, 1]} : vector<400x1024xf32> to vector<400x128xf32>
    %get3A_241 = arith.constant 6 : index
    %get3A_242 = arith.constant 0 : index
    %get3A_243 = vector.load %arg4[%get3A_241, %get3A_242] : memref<8x128xf32, #tpu.memory_space<vmem>>, vector<1x1xf32>
    %get3A_244 = vector.extract %get3A_243[0, 0] : f32 from vector<1x1xf32>
    %mul3A_245 = vector.broadcast %get3A_244 : f32 to vector<400x128xf32>
    %mul3A_246 = arith.mulf %mul3A_245, %slice3A_240 : vector<400x128xf32>
    %slice3A_247 = vector.extract_strided_slice %dot_general3A_19 {offsets = [0, 256], sizes = [400, 128], strides = [1, 1]} : vector<400x1024xf32> to vector<400x128xf32>
    %get3A_248 = arith.constant 6 : index
    %get3A_249 = arith.constant 1 : index
    %get3A_250 = vector.load %arg4[%get3A_248, %get3A_249] : memref<8x128xf32, #tpu.memory_space<vmem>>, vector<1x1xf32>
    %get3A_251 = vector.extract %get3A_250[0, 0] : f32 from vector<1x1xf32>
    %mul3A_252 = vector.broadcast %get3A_251 : f32 to vector<400x128xf32>
    %mul3A_253 = arith.mulf %mul3A_252, %slice3A_247 : vector<400x128xf32>
    %add3A_254 = arith.addf %mul3A_246, %mul3A_253 : vector<400x128xf32>
    %slice3A_255 = vector.extract_strided_slice %dot_general3A_19 {offsets = [0, 512], sizes = [400, 128], strides = [1, 1]} : vector<400x1024xf32> to vector<400x128xf32>
    %get3A_256 = arith.constant 6 : index
    %get3A_257 = arith.constant 2 : index
    %get3A_258 = vector.load %arg4[%get3A_256, %get3A_257] : memref<8x128xf32, #tpu.memory_space<vmem>>, vector<1x1xf32>
    %get3A_259 = vector.extract %get3A_258[0, 0] : f32 from vector<1x1xf32>
    %mul3A_260 = vector.broadcast %get3A_259 : f32 to vector<400x128xf32>
    %mul3A_261 = arith.mulf %mul3A_260, %slice3A_255 : vector<400x128xf32>
    %add3A_262 = arith.addf %add3A_254, %mul3A_261 : vector<400x128xf32>
    %slice3A_263 = vector.extract_strided_slice %dot_general3A_19 {offsets = [0, 768], sizes = [400, 128], strides = [1, 1]} : vector<400x1024xf32> to vector<400x128xf32>
    %get3A_264 = arith.constant 6 : index
    %get3A_265 = arith.constant 3 : index
    %get3A_266 = vector.load %arg4[%get3A_264, %get3A_265] : memref<8x128xf32, #tpu.memory_space<vmem>>, vector<1x1xf32>
    %get3A_267 = vector.extract %get3A_266[0, 0] : f32 from vector<1x1xf32>
    %mul3A_268 = vector.broadcast %get3A_267 : f32 to vector<400x128xf32>
    %mul3A_269 = arith.mulf %mul3A_268, %slice3A_263 : vector<400x128xf32>
    %add3A_270 = arith.addf %add3A_262, %mul3A_269 : vector<400x128xf32>
    %swap3A_271 = arith.constant 6 : index
    %swap3A_272 = arith.constant 0 : index
    %swap3A_273 = arith.constant 0 : index
    %swap3A_274 = vector.load %arg6[%swap3A_271, %swap3A_272, %swap3A_273] : memref<16x400x128xf32, #tpu.memory_space<vmem>>, vector<1x400x128xf32>
    %swap3A_275 = vector.shape_cast %swap3A_274 : vector<1x400x128xf32> to vector<400x128xf32>
    %swap3A_276 = vector.shape_cast %add3A_270 : vector<400x128xf32> to vector<1x400x128xf32>
    tpu.vector_store %arg6[%swap3A_271, %swap3A_272, %swap3A_273], %swap3A_276 {strides = array<i32>} : memref<16x400x128xf32, #tpu.memory_space<vmem>>, vector<1x400x128xf32>,
    %slice3A_277 = vector.extract_strided_slice %dot_general3A_19 {offsets = [0, 0], sizes = [400, 128], strides = [1, 1]} : vector<400x1024xf32> to vector<400x128xf32>
    %get3A_278 = arith.constant 7 : index
    %get3A_279 = arith.constant 0 : index
    %get3A_280 = vector.load %arg4[%get3A_278, %get3A_279] : memref<8x128xf32, #tpu.memory_space<vmem>>, vector<1x1xf32>
    %get3A_281 = vector.extract %get3A_280[0, 0] : f32 from vector<1x1xf32>
    %mul3A_282 = vector.broadcast %get3A_281 : f32 to vector<400x128xf32>
    %mul3A_283 = arith.mulf %mul3A_282, %slice3A_277 : vector<400x128xf32>
    %slice3A_284 = vector.extract_strided_slice %dot_general3A_19 {offsets = [0, 256], sizes = [400, 128], strides = [1, 1]} : vector<400x1024xf32> to vector<400x128xf32>
    %get3A_285 = arith.constant 7 : index
    %get3A_286 = arith.constant 1 : index
    %get3A_287 = vector.load %arg4[%get3A_285, %get3A_286] : memref<8x128xf32, #tpu.memory_space<vmem>>, vector<1x1xf32>
    %get3A_288 = vector.extract %get3A_287[0, 0] : f32 from vector<1x1xf32>
    %mul3A_289 = vector.broadcast %get3A_288 : f32 to vector<400x128xf32>
    %mul3A_290 = arith.mulf %mul3A_289, %slice3A_284 : vector<400x128xf32>
    %add3A_291 = arith.addf %mul3A_283, %mul3A_290 : vector<400x128xf32>
    %slice3A_292 = vector.extract_strided_slice %dot_general3A_19 {offsets = [0, 512], sizes = [400, 128], strides = [1, 1]} : vector<400x1024xf32> to vector<400x128xf32>
    %get3A_293 = arith.constant 7 : index
    %get3A_294 = arith.constant 2 : index
    %get3A_295 = vector.load %arg4[%get3A_293, %get3A_294] : memref<8x128xf32, #tpu.memory_space<vmem>>, vector<1x1xf32>
    %get3A_296 = vector.extract %get3A_295[0, 0] : f32 from vector<1x1xf32>
    %mul3A_297 = vector.broadcast %get3A_296 : f32 to vector<400x128xf32>
    %mul3A_298 = arith.mulf %mul3A_297, %slice3A_292 : vector<400x128xf32>
    %add3A_299 = arith.addf %add3A_291, %mul3A_298 : vector<400x128xf32>
    %slice3A_300 = vector.extract_strided_slice %dot_general3A_19 {offsets = [0, 768], sizes = [400, 128], strides = [1, 1]} : vector<400x1024xf32> to vector<400x128xf32>
    %get3A_301 = arith.constant 7 : index
    %get3A_302 = arith.constant 3 : index
    %get3A_303 = vector.load %arg4[%get3A_301, %get3A_302] : memref<8x128xf32, #tpu.memory_space<vmem>>, vector<1x1xf32>
    %get3A_304 = vector.extract %get3A_303[0, 0] : f32 from vector<1x1xf32>
    %mul3A_305 = vector.broadcast %get3A_304 : f32 to vector<400x128xf32>
    %mul3A_306 = arith.mulf %mul3A_305, %slice3A_300 : vector<400x128xf32>
    %add3A_307 = arith.addf %add3A_299, %mul3A_306 : vector<400x128xf32>
    %swap3A_308 = arith.constant 7 : index
    %swap3A_309 = arith.constant 0 : index
    %swap3A_310 = arith.constant 0 : index
    %swap3A_311 = vector.load %arg6[%swap3A_308, %swap3A_309, %swap3A_310] : memref<16x400x128xf32, #tpu.memory_space<vmem>>, vector<1x400x128xf32>
    %swap3A_312 = vector.shape_cast %swap3A_311 : vector<1x400x128xf32> to vector<400x128xf32>
    %swap3A_313 = vector.shape_cast %add3A_307 : vector<400x128xf32> to vector<1x400x128xf32>
    tpu.vector_store %arg6[%swap3A_308, %swap3A_309, %swap3A_310], %swap3A_313 {strides = array<i32>} : memref<16x400x128xf32, #tpu.memory_space<vmem>>, vector<1x400x128xf32>,
    %slice3A_314 = vector.extract_strided_slice %dot_general3A_19 {offsets = [0, 128], sizes = [400, 128], strides = [1, 1]} : vector<400x1024xf32> to vector<400x128xf32>
    %get3A_315 = arith.constant 0 : index
    %get3A_316 = arith.constant 0 : index
    %get3A_317 = vector.load %arg4[%get3A_315, %get3A_316] : memref<8x128xf32, #tpu.memory_space<vmem>>, vector<1x1xf32>
    %get3A_318 = vector.extract %get3A_317[0, 0] : f32 from vector<1x1xf32>
    %mul3A_319 = vector.broadcast %get3A_318 : f32 to vector<400x128xf32>
    %mul3A_320 = arith.mulf %mul3A_319, %slice3A_314 : vector<400x128xf32>
    %slice3A_321 = vector.extract_strided_slice %dot_general3A_19 {offsets = [0, 384], sizes = [400, 128], strides = [1, 1]} : vector<400x1024xf32> to vector<400x128xf32>
    %get3A_322 = arith.constant 0 : index
    %get3A_323 = arith.constant 1 : index
    %get3A_324 = vector.load %arg4[%get3A_322, %get3A_323] : memref<8x128xf32, #tpu.memory_space<vmem>>, vector<1x1xf32>
    %get3A_325 = vector.extract %get3A_324[0, 0] : f32 from vector<1x1xf32>
    %mul3A_326 = vector.broadcast %get3A_325 : f32 to vector<400x128xf32>
    %mul3A_327 = arith.mulf %mul3A_326, %slice3A_321 : vector<400x128xf32>
    %add3A_328 = arith.addf %mul3A_320, %mul3A_327 : vector<400x128xf32>
    %slice3A_329 = vector.extract_strided_slice %dot_general3A_19 {offsets = [0, 640], sizes = [400, 128], strides = [1, 1]} : vector<400x1024xf32> to vector<400x128xf32>
    %get3A_330 = arith.constant 0 : index
    %get3A_331 = arith.constant 2 : index
    %get3A_332 = vector.load %arg4[%get3A_330, %get3A_331] : memref<8x128xf32, #tpu.memory_space<vmem>>, vector<1x1xf32>
    %get3A_333 = vector.extract %get3A_332[0, 0] : f32 from vector<1x1xf32>
    %mul3A_334 = vector.broadcast %get3A_333 : f32 to vector<400x128xf32>
    %mul3A_335 = arith.mulf %mul3A_334, %slice3A_329 : vector<400x128xf32>
    %add3A_336 = arith.addf %add3A_328, %mul3A_335 : vector<400x128xf32>
    %slice3A_337 = vector.extract_strided_slice %dot_general3A_19 {offsets = [0, 896], sizes = [400, 128], strides = [1, 1]} : vector<400x1024xf32> to vector<400x128xf32>
    %get3A_338 = arith.constant 0 : index
    %get3A_339 = arith.constant 3 : index
    %get3A_340 = vector.load %arg4[%get3A_338, %get3A_339] : memref<8x128xf32, #tpu.memory_space<vmem>>, vector<1x1xf32>
    %get3A_341 = vector.extract %get3A_340[0, 0] : f32 from vector<1x1xf32>
    %mul3A_342 = vector.broadcast %get3A_341 : f32 to vector<400x128xf32>
    %mul3A_343 = arith.mulf %mul3A_342, %slice3A_337 : vector<400x128xf32>
    %add3A_344 = arith.addf %add3A_336, %mul3A_343 : vector<400x128xf32>
    %swap3A_345 = arith.constant 8 : index
    %swap3A_346 = arith.constant 0 : index
    %swap3A_347 = arith.constant 0 : index
    %swap3A_348 = vector.load %arg6[%swap3A_345, %swap3A_346, %swap3A_347] : memref<16x400x128xf32, #tpu.memory_space<vmem>>, vector<1x400x128xf32>
    %swap3A_349 = vector.shape_cast %swap3A_348 : vector<1x400x128xf32> to vector<400x128xf32>
    %swap3A_350 = vector.shape_cast %add3A_344 : vector<400x128xf32> to vector<1x400x128xf32>
    tpu.vector_store %arg6[%swap3A_345, %swap3A_346, %swap3A_347], %swap3A_350 {strides = array<i32>} : memref<16x400x128xf32, #tpu.memory_space<vmem>>, vector<1x400x128xf32>,
    %slice3A_351 = vector.extract_strided_slice %dot_general3A_19 {offsets = [0, 128], sizes = [400, 128], strides = [1, 1]} : vector<400x1024xf32> to vector<400x128xf32>
    %get3A_352 = arith.constant 1 : index
    %get3A_353 = arith.constant 0 : index
    %get3A_354 = vector.load %arg4[%get3A_352, %get3A_353] : memref<8x128xf32, #tpu.memory_space<vmem>>, vector<1x1xf32>
    %get3A_355 = vector.extract %get3A_354[0, 0] : f32 from vector<1x1xf32>
    %mul3A_356 = vector.broadcast %get3A_355 : f32 to vector<400x128xf32>
    %mul3A_357 = arith.mulf %mul3A_356, %slice3A_351 : vector<400x128xf32>
    %slice3A_358 = vector.extract_strided_slice %dot_general3A_19 {offsets = [0, 384], sizes = [400, 128], strides = [1, 1]} : vector<400x1024xf32> to vector<400x128xf32>
    %get3A_359 = arith.constant 1 : index
    %get3A_360 = arith.constant 1 : index
    %get3A_361 = vector.load %arg4[%get3A_359, %get3A_360] : memref<8x128xf32, #tpu.memory_space<vmem>>, vector<1x1xf32>
    %get3A_362 = vector.extract %get3A_361[0, 0] : f32 from vector<1x1xf32>
    %mul3A_363 = vector.broadcast %get3A_362 : f32 to vector<400x128xf32>
    %mul3A_364 = arith.mulf %mul3A_363, %slice3A_358 : vector<400x128xf32>
    %add3A_365 = arith.addf %mul3A_357, %mul3A_364 : vector<400x128xf32>
    %slice3A_366 = vector.extract_strided_slice %dot_general3A_19 {offsets = [0, 640], sizes = [400, 128], strides = [1, 1]} : vector<400x1024xf32> to vector<400x128xf32>
    %get3A_367 = arith.constant 1 : index
    %get3A_368 = arith.constant 2 : index
    %get3A_369 = vector.load %arg4[%get3A_367, %get3A_368] : memref<8x128xf32, #tpu.memory_space<vmem>>, vector<1x1xf32>
    %get3A_370 = vector.extract %get3A_369[0, 0] : f32 from vector<1x1xf32>
    %mul3A_371 = vector.broadcast %get3A_370 : f32 to vector<400x128xf32>
    %mul3A_372 = arith.mulf %mul3A_371, %slice3A_366 : vector<400x128xf32>
    %add3A_373 = arith.addf %add3A_365, %mul3A_372 : vector<400x128xf32>
    %slice3A_374 = vector.extract_strided_slice %dot_general3A_19 {offsets = [0, 896], sizes = [400, 128], strides = [1, 1]} : vector<400x1024xf32> to vector<400x128xf32>
    %get3A_375 = arith.constant 1 : index
    %get3A_376 = arith.constant 3 : index
    %get3A_377 = vector.load %arg4[%get3A_375, %get3A_376] : memref<8x128xf32, #tpu.memory_space<vmem>>, vector<1x1xf32>
    %get3A_378 = vector.extract %get3A_377[0, 0] : f32 from vector<1x1xf32>
    %mul3A_379 = vector.broadcast %get3A_378 : f32 to vector<400x128xf32>
    %mul3A_380 = arith.mulf %mul3A_379, %slice3A_374 : vector<400x128xf32>
    %add3A_381 = arith.addf %add3A_373, %mul3A_380 : vector<400x128xf32>
    %swap3A_382 = arith.constant 9 : index
    %swap3A_383 = arith.constant 0 : index
    %swap3A_384 = arith.constant 0 : index
    %swap3A_385 = vector.load %arg6[%swap3A_382, %swap3A_383, %swap3A_384] : memref<16x400x128xf32, #tpu.memory_space<vmem>>, vector<1x400x128xf32>
    %swap3A_386 = vector.shape_cast %swap3A_385 : vector<1x400x128xf32> to vector<400x128xf32>
    %swap3A_387 = vector.shape_cast %add3A_381 : vector<400x128xf32> to vector<1x400x128xf32>
    tpu.vector_store %arg6[%swap3A_382, %swap3A_383, %swap3A_384], %swap3A_387 {strides = array<i32>} : memref<16x400x128xf32, #tpu.memory_space<vmem>>, vector<1x400x128xf32>,
    %slice3A_388 = vector.extract_strided_slice %dot_general3A_19 {offsets = [0, 128], sizes = [400, 128], strides = [1, 1]} : vector<400x1024xf32> to vector<400x128xf32>
    %get3A_389 = arith.constant 2 : index
    %get3A_390 = arith.constant 0 : index
    %get3A_391 = vector.load %arg4[%get3A_389, %get3A_390] : memref<8x128xf32, #tpu.memory_space<vmem>>, vector<1x1xf32>
    %get3A_392 = vector.extract %get3A_391[0, 0] : f32 from vector<1x1xf32>
    %mul3A_393 = vector.broadcast %get3A_392 : f32 to vector<400x128xf32>
    %mul3A_394 = arith.mulf %mul3A_393, %slice3A_388 : vector<400x128xf32>
    %slice3A_395 = vector.extract_strided_slice %dot_general3A_19 {offsets = [0, 384], sizes = [400, 128], strides = [1, 1]} : vector<400x1024xf32> to vector<400x128xf32>
    %get3A_396 = arith.constant 2 : index
    %get3A_397 = arith.constant 1 : index
    %get3A_398 = vector.load %arg4[%get3A_396, %get3A_397] : memref<8x128xf32, #tpu.memory_space<vmem>>, vector<1x1xf32>
    %get3A_399 = vector.extract %get3A_398[0, 0] : f32 from vector<1x1xf32>
    %mul3A_400 = vector.broadcast %get3A_399 : f32 to vector<400x128xf32>
    %mul3A_401 = arith.mulf %mul3A_400, %slice3A_395 : vector<400x128xf32>
    %add3A_402 = arith.addf %mul3A_394, %mul3A_401 : vector<400x128xf32>
    %slice3A_403 = vector.extract_strided_slice %dot_general3A_19 {offsets = [0, 640], sizes = [400, 128], strides = [1, 1]} : vector<400x1024xf32> to vector<400x128xf32>
    %get3A_404 = arith.constant 2 : index
    %get3A_405 = arith.constant 2 : index
    %get3A_406 = vector.load %arg4[%get3A_404, %get3A_405] : memref<8x128xf32, #tpu.memory_space<vmem>>, vector<1x1xf32>
    %get3A_407 = vector.extract %get3A_406[0, 0] : f32 from vector<1x1xf32>
    %mul3A_408 = vector.broadcast %get3A_407 : f32 to vector<400x128xf32>
    %mul3A_409 = arith.mulf %mul3A_408, %slice3A_403 : vector<400x128xf32>
    %add3A_410 = arith.addf %add3A_402, %mul3A_409 : vector<400x128xf32>
    %slice3A_411 = vector.extract_strided_slice %dot_general3A_19 {offsets = [0, 896], sizes = [400, 128], strides = [1, 1]} : vector<400x1024xf32> to vector<400x128xf32>
    %get3A_412 = arith.constant 2 : index
    %get3A_413 = arith.constant 3 : index
    %get3A_414 = vector.load %arg4[%get3A_412, %get3A_413] : memref<8x128xf32, #tpu.memory_space<vmem>>, vector<1x1xf32>
    %get3A_415 = vector.extract %get3A_414[0, 0] : f32 from vector<1x1xf32>
    %mul3A_416 = vector.broadcast %get3A_415 : f32 to vector<400x128xf32>
    %mul3A_417 = arith.mulf %mul3A_416, %slice3A_411 : vector<400x128xf32>
    %add3A_418 = arith.addf %add3A_410, %mul3A_417 : vector<400x128xf32>
    %swap3A_419 = arith.constant 10 : index
    %swap3A_420 = arith.constant 0 : index
    %swap3A_421 = arith.constant 0 : index
    %swap3A_422 = vector.load %arg6[%swap3A_419, %swap3A_420, %swap3A_421] : memref<16x400x128xf32, #tpu.memory_space<vmem>>, vector<1x400x128xf32>
    %swap3A_423 = vector.shape_cast %swap3A_422 : vector<1x400x128xf32> to vector<400x128xf32>
    %swap3A_424 = vector.shape_cast %add3A_418 : vector<400x128xf32> to vector<1x400x128xf32>
    tpu.vector_store %arg6[%swap3A_419, %swap3A_420, %swap3A_421], %swap3A_424 {strides = array<i32>} : memref<16x400x128xf32, #tpu.memory_space<vmem>>, vector<1x400x128xf32>,
    %slice3A_425 = vector.extract_strided_slice %dot_general3A_19 {offsets = [0, 128], sizes = [400, 128], strides = [1, 1]} : vector<400x1024xf32> to vector<400x128xf32>
    %get3A_426 = arith.constant 3 : index
    %get3A_427 = arith.constant 0 : index
    %get3A_428 = vector.load %arg4[%get3A_426, %get3A_427] : memref<8x128xf32, #tpu.memory_space<vmem>>, vector<1x1xf32>
    %get3A_429 = vector.extract %get3A_428[0, 0] : f32 from vector<1x1xf32>
    %mul3A_430 = vector.broadcast %get3A_429 : f32 to vector<400x128xf32>
    %mul3A_431 = arith.mulf %mul3A_430, %slice3A_425 : vector<400x128xf32>
    %slice3A_432 = vector.extract_strided_slice %dot_general3A_19 {offsets = [0, 384], sizes = [400, 128], strides = [1, 1]} : vector<400x1024xf32> to vector<400x128xf32>
    %get3A_433 = arith.constant 3 : index
    %get3A_434 = arith.constant 1 : index
    %get3A_435 = vector.load %arg4[%get3A_433, %get3A_434] : memref<8x128xf32, #tpu.memory_space<vmem>>, vector<1x1xf32>
    %get3A_436 = vector.extract %get3A_435[0, 0] : f32 from vector<1x1xf32>
    %mul3A_437 = vector.broadcast %get3A_436 : f32 to vector<400x128xf32>
    %mul3A_438 = arith.mulf %mul3A_437, %slice3A_432 : vector<400x128xf32>
    %add3A_439 = arith.addf %mul3A_431, %mul3A_438 : vector<400x128xf32>
    %slice3A_440 = vector.extract_strided_slice %dot_general3A_19 {offsets = [0, 640], sizes = [400, 128], strides = [1, 1]} : vector<400x1024xf32> to vector<400x128xf32>
    %get3A_441 = arith.constant 3 : index
    %get3A_442 = arith.constant 2 : index
    %get3A_443 = vector.load %arg4[%get3A_441, %get3A_442] : memref<8x128xf32, #tpu.memory_space<vmem>>, vector<1x1xf32>
    %get3A_444 = vector.extract %get3A_443[0, 0] : f32 from vector<1x1xf32>
    %mul3A_445 = vector.broadcast %get3A_444 : f32 to vector<400x128xf32>
    %mul3A_446 = arith.mulf %mul3A_445, %slice3A_440 : vector<400x128xf32>
    %add3A_447 = arith.addf %add3A_439, %mul3A_446 : vector<400x128xf32>
    %slice3A_448 = vector.extract_strided_slice %dot_general3A_19 {offsets = [0, 896], sizes = [400, 128], strides = [1, 1]} : vector<400x1024xf32> to vector<400x128xf32>
    %get3A_449 = arith.constant 3 : index
    %get3A_450 = arith.constant 3 : index
    %get3A_451 = vector.load %arg4[%get3A_449, %get3A_450] : memref<8x128xf32, #tpu.memory_space<vmem>>, vector<1x1xf32>
    %get3A_452 = vector.extract %get3A_451[0, 0] : f32 from vector<1x1xf32>
    %mul3A_453 = vector.broadcast %get3A_452 : f32 to vector<400x128xf32>
    %mul3A_454 = arith.mulf %mul3A_453, %slice3A_448 : vector<400x128xf32>
    %add3A_455 = arith.addf %add3A_447, %mul3A_454 : vector<400x128xf32>
    %swap3A_456 = arith.constant 11 : index
    %swap3A_457 = arith.constant 0 : index
    %swap3A_458 = arith.constant 0 : index
    %swap3A_459 = vector.load %arg6[%swap3A_456, %swap3A_457, %swap3A_458] : memref<16x400x128xf32, #tpu.memory_space<vmem>>, vector<1x400x128xf32>
    %swap3A_460 = vector.shape_cast %swap3A_459 : vector<1x400x128xf32> to vector<400x128xf32>
    %swap3A_461 = vector.shape_cast %add3A_455 : vector<400x128xf32> to vector<1x400x128xf32>
    tpu.vector_store %arg6[%swap3A_456, %swap3A_457, %swap3A_458], %swap3A_461 {strides = array<i32>} : memref<16x400x128xf32, #tpu.memory_space<vmem>>, vector<1x400x128xf32>,
    %slice3A_462 = vector.extract_strided_slice %dot_general3A_19 {offsets = [0, 128], sizes = [400, 128], strides = [1, 1]} : vector<400x1024xf32> to vector<400x128xf32>
    %get3A_463 = arith.constant 4 : index
    %get3A_464 = arith.constant 0 : index
    %get3A_465 = vector.load %arg4[%get3A_463, %get3A_464] : memref<8x128xf32, #tpu.memory_space<vmem>>, vector<1x1xf32>
    %get3A_466 = vector.extract %get3A_465[0, 0] : f32 from vector<1x1xf32>
    %mul3A_467 = vector.broadcast %get3A_466 : f32 to vector<400x128xf32>
    %mul3A_468 = arith.mulf %mul3A_467, %slice3A_462 : vector<400x128xf32>
    %slice3A_469 = vector.extract_strided_slice %dot_general3A_19 {offsets = [0, 384], sizes = [400, 128], strides = [1, 1]} : vector<400x1024xf32> to vector<400x128xf32>
    %get3A_470 = arith.constant 4 : index
    %get3A_471 = arith.constant 1 : index
    %get3A_472 = vector.load %arg4[%get3A_470, %get3A_471] : memref<8x128xf32, #tpu.memory_space<vmem>>, vector<1x1xf32>
    %get3A_473 = vector.extract %get3A_472[0, 0] : f32 from vector<1x1xf32>
    %mul3A_474 = vector.broadcast %get3A_473 : f32 to vector<400x128xf32>
    %mul3A_475 = arith.mulf %mul3A_474, %slice3A_469 : vector<400x128xf32>
    %add3A_476 = arith.addf %mul3A_468, %mul3A_475 : vector<400x128xf32>
    %slice3A_477 = vector.extract_strided_slice %dot_general3A_19 {offsets = [0, 640], sizes = [400, 128], strides = [1, 1]} : vector<400x1024xf32> to vector<400x128xf32>
    %get3A_478 = arith.constant 4 : index
    %get3A_479 = arith.constant 2 : index
    %get3A_480 = vector.load %arg4[%get3A_478, %get3A_479] : memref<8x128xf32, #tpu.memory_space<vmem>>, vector<1x1xf32>
    %get3A_481 = vector.extract %get3A_480[0, 0] : f32 from vector<1x1xf32>
    %mul3A_482 = vector.broadcast %get3A_481 : f32 to vector<400x128xf32>
    %mul3A_483 = arith.mulf %mul3A_482, %slice3A_477 : vector<400x128xf32>
    %add3A_484 = arith.addf %add3A_476, %mul3A_483 : vector<400x128xf32>
    %slice3A_485 = vector.extract_strided_slice %dot_general3A_19 {offsets = [0, 896], sizes = [400, 128], strides = [1, 1]} : vector<400x1024xf32> to vector<400x128xf32>
    %get3A_486 = arith.constant 4 : index
    %get3A_487 = arith.constant 3 : index
    %get3A_488 = vector.load %arg4[%get3A_486, %get3A_487] : memref<8x128xf32, #tpu.memory_space<vmem>>, vector<1x1xf32>
    %get3A_489 = vector.extract %get3A_488[0, 0] : f32 from vector<1x1xf32>
    %mul3A_490 = vector.broadcast %get3A_489 : f32 to vector<400x128xf32>
    %mul3A_491 = arith.mulf %mul3A_490, %slice3A_485 : vector<400x128xf32>
    %add3A_492 = arith.addf %add3A_484, %mul3A_491 : vector<400x128xf32>
    %swap3A_493 = arith.constant 12 : index
    %swap3A_494 = arith.constant 0 : index
    %swap3A_495 = arith.constant 0 : index
    %swap3A_496 = vector.load %arg6[%swap3A_493, %swap3A_494, %swap3A_495] : memref<16x400x128xf32, #tpu.memory_space<vmem>>, vector<1x400x128xf32>
    %swap3A_497 = vector.shape_cast %swap3A_496 : vector<1x400x128xf32> to vector<400x128xf32>
    %swap3A_498 = vector.shape_cast %add3A_492 : vector<400x128xf32> to vector<1x400x128xf32>
    tpu.vector_store %arg6[%swap3A_493, %swap3A_494, %swap3A_495], %swap3A_498 {strides = array<i32>} : memref<16x400x128xf32, #tpu.memory_space<vmem>>, vector<1x400x128xf32>,
    %slice3A_499 = vector.extract_strided_slice %dot_general3A_19 {offsets = [0, 128], sizes = [400, 128], strides = [1, 1]} : vector<400x1024xf32> to vector<400x128xf32>
    %get3A_500 = arith.constant 5 : index
    %get3A_501 = arith.constant 0 : index
    %get3A_502 = vector.load %arg4[%get3A_500, %get3A_501] : memref<8x128xf32, #tpu.memory_space<vmem>>, vector<1x1xf32>
    %get3A_503 = vector.extract %get3A_502[0, 0] : f32 from vector<1x1xf32>
    %mul3A_504 = vector.broadcast %get3A_503 : f32 to vector<400x128xf32>
    %mul3A_505 = arith.mulf %mul3A_504, %slice3A_499 : vector<400x128xf32>
    %slice3A_506 = vector.extract_strided_slice %dot_general3A_19 {offsets = [0, 384], sizes = [400, 128], strides = [1, 1]} : vector<400x1024xf32> to vector<400x128xf32>
    %get3A_507 = arith.constant 5 : index
    %get3A_508 = arith.constant 1 : index
    %get3A_509 = vector.load %arg4[%get3A_507, %get3A_508] : memref<8x128xf32, #tpu.memory_space<vmem>>, vector<1x1xf32>
    %get3A_510 = vector.extract %get3A_509[0, 0] : f32 from vector<1x1xf32>
    %mul3A_511 = vector.broadcast %get3A_510 : f32 to vector<400x128xf32>
    %mul3A_512 = arith.mulf %mul3A_511, %slice3A_506 : vector<400x128xf32>
    %add3A_513 = arith.addf %mul3A_505, %mul3A_512 : vector<400x128xf32>
    %slice3A_514 = vector.extract_strided_slice %dot_general3A_19 {offsets = [0, 640], sizes = [400, 128], strides = [1, 1]} : vector<400x1024xf32> to vector<400x128xf32>
    %get3A_515 = arith.constant 5 : index
    %get3A_516 = arith.constant 2 : index
    %get3A_517 = vector.load %arg4[%get3A_515, %get3A_516] : memref<8x128xf32, #tpu.memory_space<vmem>>, vector<1x1xf32>
    %get3A_518 = vector.extract %get3A_517[0, 0] : f32 from vector<1x1xf32>
    %mul3A_519 = vector.broadcast %get3A_518 : f32 to vector<400x128xf32>
    %mul3A_520 = arith.mulf %mul3A_519, %slice3A_514 : vector<400x128xf32>
    %add3A_521 = arith.addf %add3A_513, %mul3A_520 : vector<400x128xf32>
    %slice3A_522 = vector.extract_strided_slice %dot_general3A_19 {offsets = [0, 896], sizes = [400, 128], strides = [1, 1]} : vector<400x1024xf32> to vector<400x128xf32>
    %get3A_523 = arith.constant 5 : index
    %get3A_524 = arith.constant 3 : index
    %get3A_525 = vector.load %arg4[%get3A_523, %get3A_524] : memref<8x128xf32, #tpu.memory_space<vmem>>, vector<1x1xf32>
    %get3A_526 = vector.extract %get3A_525[0, 0] : f32 from vector<1x1xf32>
    %mul3A_527 = vector.broadcast %get3A_526 : f32 to vector<400x128xf32>
    %mul3A_528 = arith.mulf %mul3A_527, %slice3A_522 : vector<400x128xf32>
    %add3A_529 = arith.addf %add3A_521, %mul3A_528 : vector<400x128xf32>
    %swap3A_530 = arith.constant 13 : index
    %swap3A_531 = arith.constant 0 : index
    %swap3A_532 = arith.constant 0 : index
    %swap3A_533 = vector.load %arg6[%swap3A_530, %swap3A_531, %swap3A_532] : memref<16x400x128xf32, #tpu.memory_space<vmem>>, vector<1x400x128xf32>
    %swap3A_534 = vector.shape_cast %swap3A_533 : vector<1x400x128xf32> to vector<400x128xf32>
    %swap3A_535 = vector.shape_cast %add3A_529 : vector<400x128xf32> to vector<1x400x128xf32>
    tpu.vector_store %arg6[%swap3A_530, %swap3A_531, %swap3A_532], %swap3A_535 {strides = array<i32>} : memref<16x400x128xf32, #tpu.memory_space<vmem>>, vector<1x400x128xf32>,
    %slice3A_536 = vector.extract_strided_slice %dot_general3A_19 {offsets = [0, 128], sizes = [400, 128], strides = [1, 1]} : vector<400x1024xf32> to vector<400x128xf32>
    %get3A_537 = arith.constant 6 : index
    %get3A_538 = arith.constant 0 : index
    %get3A_539 = vector.load %arg4[%get3A_537, %get3A_538] : memref<8x128xf32, #tpu.memory_space<vmem>>, vector<1x1xf32>
    %get3A_540 = vector.extract %get3A_539[0, 0] : f32 from vector<1x1xf32>
    %mul3A_541 = vector.broadcast %get3A_540 : f32 to vector<400x128xf32>
    %mul3A_542 = arith.mulf %mul3A_541, %slice3A_536 : vector<400x128xf32>
    %slice3A_543 = vector.extract_strided_slice %dot_general3A_19 {offsets = [0, 384], sizes = [400, 128], strides = [1, 1]} : vector<400x1024xf32> to vector<400x128xf32>
    %get3A_544 = arith.constant 6 : index
    %get3A_545 = arith.constant 1 : index
    %get3A_546 = vector.load %arg4[%get3A_544, %get3A_545] : memref<8x128xf32, #tpu.memory_space<vmem>>, vector<1x1xf32>
    %get3A_547 = vector.extract %get3A_546[0, 0] : f32 from vector<1x1xf32>
    %mul3A_548 = vector.broadcast %get3A_547 : f32 to vector<400x128xf32>
    %mul3A_549 = arith.mulf %mul3A_548, %slice3A_543 : vector<400x128xf32>
    %add3A_550 = arith.addf %mul3A_542, %mul3A_549 : vector<400x128xf32>
    %slice3A_551 = vector.extract_strided_slice %dot_general3A_19 {offsets = [0, 640], sizes = [400, 128], strides = [1, 1]} : vector<400x1024xf32> to vector<400x128xf32>
    %get3A_552 = arith.constant 6 : index
    %get3A_553 = arith.constant 2 : index
    %get3A_554 = vector.load %arg4[%get3A_552, %get3A_553] : memref<8x128xf32, #tpu.memory_space<vmem>>, vector<1x1xf32>
    %get3A_555 = vector.extract %get3A_554[0, 0] : f32 from vector<1x1xf32>
    %mul3A_556 = vector.broadcast %get3A_555 : f32 to vector<400x128xf32>
    %mul3A_557 = arith.mulf %mul3A_556, %slice3A_551 : vector<400x128xf32>
    %add3A_558 = arith.addf %add3A_550, %mul3A_557 : vector<400x128xf32>
    %slice3A_559 = vector.extract_strided_slice %dot_general3A_19 {offsets = [0, 896], sizes = [400, 128], strides = [1, 1]} : vector<400x1024xf32> to vector<400x128xf32>
    %get3A_560 = arith.constant 6 : index
    %get3A_561 = arith.constant 3 : index
    %get3A_562 = vector.load %arg4[%get3A_560, %get3A_561] : memref<8x128xf32, #tpu.memory_space<vmem>>, vector<1x1xf32>
    %get3A_563 = vector.extract %get3A_562[0, 0] : f32 from vector<1x1xf32>
    %mul3A_564 = vector.broadcast %get3A_563 : f32 to vector<400x128xf32>
    %mul3A_565 = arith.mulf %mul3A_564, %slice3A_559 : vector<400x128xf32>
    %add3A_566 = arith.addf %add3A_558, %mul3A_565 : vector<400x128xf32>
    %swap3A_567 = arith.constant 14 : index
    %swap3A_568 = arith.constant 0 : index
    %swap3A_569 = arith.constant 0 : index
    %swap3A_570 = vector.load %arg6[%swap3A_567, %swap3A_568, %swap3A_569] : memref<16x400x128xf32, #tpu.memory_space<vmem>>, vector<1x400x128xf32>
    %swap3A_571 = vector.shape_cast %swap3A_570 : vector<1x400x128xf32> to vector<400x128xf32>
    %swap3A_572 = vector.shape_cast %add3A_566 : vector<400x128xf32> to vector<1x400x128xf32>
    tpu.vector_store %arg6[%swap3A_567, %swap3A_568, %swap3A_569], %swap3A_572 {strides = array<i32>} : memref<16x400x128xf32, #tpu.memory_space<vmem>>, vector<1x400x128xf32>,
    %slice3A_573 = vector.extract_strided_slice %dot_general3A_19 {offsets = [0, 128], sizes = [400, 128], strides = [1, 1]} : vector<400x1024xf32> to vector<400x128xf32>
    %get3A_574 = arith.constant 7 : index
    %get3A_575 = arith.constant 0 : index
    %get3A_576 = vector.load %arg4[%get3A_574, %get3A_575] : memref<8x128xf32, #tpu.memory_space<vmem>>, vector<1x1xf32>
    %get3A_577 = vector.extract %get3A_576[0, 0] : f32 from vector<1x1xf32>
    %mul3A_578 = vector.broadcast %get3A_577 : f32 to vector<400x128xf32>
    %mul3A_579 = arith.mulf %mul3A_578, %slice3A_573 : vector<400x128xf32>
    %slice3A_580 = vector.extract_strided_slice %dot_general3A_19 {offsets = [0, 384], sizes = [400, 128], strides = [1, 1]} : vector<400x1024xf32> to vector<400x128xf32>
    %get3A_581 = arith.constant 7 : index
    %get3A_582 = arith.constant 1 : index
    %get3A_583 = vector.load %arg4[%get3A_581, %get3A_582] : memref<8x128xf32, #tpu.memory_space<vmem>>, vector<1x1xf32>
    %get3A_584 = vector.extract %get3A_583[0, 0] : f32 from vector<1x1xf32>
    %mul3A_585 = vector.broadcast %get3A_584 : f32 to vector<400x128xf32>
    %mul3A_586 = arith.mulf %mul3A_585, %slice3A_580 : vector<400x128xf32>
    %add3A_587 = arith.addf %mul3A_579, %mul3A_586 : vector<400x128xf32>
    %slice3A_588 = vector.extract_strided_slice %dot_general3A_19 {offsets = [0, 640], sizes = [400, 128], strides = [1, 1]} : vector<400x1024xf32> to vector<400x128xf32>
    %get3A_589 = arith.constant 7 : index
    %get3A_590 = arith.constant 2 : index
    %get3A_591 = vector.load %arg4[%get3A_589, %get3A_590] : memref<8x128xf32, #tpu.memory_space<vmem>>, vector<1x1xf32>
    %get3A_592 = vector.extract %get3A_591[0, 0] : f32 from vector<1x1xf32>
    %mul3A_593 = vector.broadcast %get3A_592 : f32 to vector<400x128xf32>
    %mul3A_594 = arith.mulf %mul3A_593, %slice3A_588 : vector<400x128xf32>
    %add3A_595 = arith.addf %add3A_587, %mul3A_594 : vector<400x128xf32>
    %slice3A_596 = vector.extract_strided_slice %dot_general3A_19 {offsets = [0, 896], sizes = [400, 128], strides = [1, 1]} : vector<400x1024xf32> to vector<400x128xf32>
    %get3A_597 = arith.constant 7 : index
    %get3A_598 = arith.constant 3 : index
    %get3A_599 = vector.load %arg4[%get3A_597, %get3A_598] : memref<8x128xf32, #tpu.memory_space<vmem>>, vector<1x1xf32>
    %get3A_600 = vector.extract %get3A_599[0, 0] : f32 from vector<1x1xf32>
    %mul3A_601 = vector.broadcast %get3A_600 : f32 to vector<400x128xf32>
    %mul3A_602 = arith.mulf %mul3A_601, %slice3A_596 : vector<400x128xf32>
    %add3A_603 = arith.addf %add3A_595, %mul3A_602 : vector<400x128xf32>
    %swap3A_604 = arith.constant 15 : index
    %swap3A_605 = arith.constant 0 : index
    %swap3A_606 = arith.constant 0 : index
    %swap3A_607 = vector.load %arg6[%swap3A_604, %swap3A_605, %swap3A_606] : memref<16x400x128xf32, #tpu.memory_space<vmem>>, vector<1x400x128xf32>
    %swap3A_608 = vector.shape_cast %swap3A_607 : vector<1x400x128xf32> to vector<400x128xf32>
    %swap3A_609 = vector.shape_cast %add3A_603 : vector<400x128xf32> to vector<1x400x128xf32>
    tpu.vector_store %arg6[%swap3A_604, %swap3A_605, %swap3A_606], %swap3A_609 {strides = array<i32>} : memref<16x400x128xf32, #tpu.memory_space<vmem>>, vector<1x400x128xf32>,
    %get3A_610 = arith.constant 0 : index
    %get3A_611 = arith.constant 0 : index
    %get3A_612 = vector.load %arg5[%get3A_610, %get3A_611] : memref<256x256xf32, #tpu.memory_space<vmem>>, vector<256x128xf32>
    %dot_general3A_613 = arith.constant dense<0.000000e+00> : vector<400x128xf32>
    %dot_general3A_614 = tpu.matmul %max3A_15, %get3A_612, %dot_general3A_613 {dimension_numbers = #tpu.dot_dimension_numbers<[1], [0], [0], [1], [0, 0, 1, 1], [], []>, transpose_lhs_hint = false} : vector<400x256xf32>, vector<256x128xf32>, vector<400x128xf32> -> vector<400x128xf32>
    %swap3A_615 = arith.constant 0 : index
    %swap3A_616 = arith.constant 0 : index
    %swap3A_617 = arith.constant 0 : index
    %swap3A_618 = vector.load %arg7[%swap3A_615, %swap3A_616, %swap3A_617] : memref<2x400x128xf32, #tpu.memory_space<vmem>>, vector<1x400x128xf32>
    %swap3A_619 = vector.shape_cast %swap3A_618 : vector<1x400x128xf32> to vector<400x128xf32>
    %swap3A_620 = vector.shape_cast %dot_general3A_614 : vector<400x128xf32> to vector<1x400x128xf32>
    tpu.vector_store %arg7[%swap3A_615, %swap3A_616, %swap3A_617], %swap3A_620 {strides = array<i32>} : memref<2x400x128xf32, #tpu.memory_space<vmem>>, vector<1x400x128xf32>,
    %get3A_621 = arith.constant 0 : index
    %get3A_622 = arith.constant 128 : index
    %get3A_623 = vector.load %arg5[%get3A_621, %get3A_622] : memref<256x256xf32, #tpu.memory_space<vmem>>, vector<256x128xf32>
    %dot_general3A_624 = arith.constant dense<0.000000e+00> : vector<400x128xf32>
    %dot_general3A_625 = tpu.matmul %max3A_15, %get3A_623, %dot_general3A_624 {dimension_numbers = #tpu.dot_dimension_numbers<[1], [0], [0], [1], [0, 0, 1, 1], [], []>, transpose_lhs_hint = false} : vector<400x256xf32>, vector<256x128xf32>, vector<400x128xf32> -> vector<400x128xf32>
    %swap3A_626 = arith.constant 1 : index
    %swap3A_627 = arith.constant 0 : index
    %swap3A_628 = arith.constant 0 : index
    %swap3A_629 = vector.load %arg7[%swap3A_626, %swap3A_627, %swap3A_628] : memref<2x400x128xf32, #tpu.memory_space<vmem>>, vector<1x400x128xf32>
    %swap3A_630 = vector.shape_cast %swap3A_629 : vector<1x400x128xf32> to vector<400x128xf32>
    %swap3A_631 = vector.shape_cast %dot_general3A_625 : vector<400x128xf32> to vector<1x400x128xf32>
    tpu.vector_store %arg7[%swap3A_626, %swap3A_627, %swap3A_628], %swap3A_631 {strides = array<i32>} : memref<2x400x128xf32, #tpu.memory_space<vmem>>, vector<1x400x128xf32>,
    return
  }
  func.func @transform_0(%arg0: i32) -> (i32, i32, i32) {
    %c0_i32 = arith.constant 0 : i32
    %c0_i32_0 = arith.constant 0 : i32
    %c0_i32_1 = arith.constant 0 : i32
    return %c0_i32, %arg0, %c0_i32_0 : i32, i32, i32
  }
  func.func @transform_1(%arg0: i32) -> (i32, i32, i32) {
    %c0_i32 = arith.constant 0 : i32
    %c0_i32_0 = arith.constant 0 : i32
    %c0_i32_1 = arith.constant 0 : i32
    return %c0_i32, %arg0, %c0_i32_0 : i32, i32, i32
  }
  func.func @transform_2(%arg0: i32) -> (i32, i32) {
    %c0_i32 = arith.constant 0 : i32
    %c0_i32_0 = arith.constant 0 : i32
    %c0_i32_1 = arith.constant 0 : i32
    return %c0_i32, %c0_i32_0 : i32, i32
  }
  func.func @transform_3(%arg0: i32) -> (i32, i32) {
    %c0_i32 = arith.constant 0 : i32
    %c0_i32_0 = arith.constant 0 : i32
    %c0_i32_1 = arith.constant 0 : i32
    return %c0_i32, %c0_i32_0 : i32, i32
  }
  func.func @transform_4(%arg0: i32) -> (i32, i32) {
    %c0_i32 = arith.constant 0 : i32
    %c0_i32_0 = arith.constant 0 : i32
    %c0_i32_1 = arith.constant 0 : i32
    return %c0_i32, %c0_i32_0 : i32, i32
  }
  func.func @transform_5(%arg0: i32) -> (i32, i32, i32) {
    %c0_i32 = arith.constant 0 : i32
    %c0_i32_0 = arith.constant 0 : i32
    %c0_i32_1 = arith.constant 0 : i32
    return %c0_i32, %arg0, %c0_i32_0 : i32, i32, i32
  }
  func.func @transform_6(%arg0: i32) -> (i32, i32, i32) {
    %c0_i32 = arith.constant 0 : i32
    %c0_i32_0 = arith.constant 0 : i32
    %c0_i32_1 = arith.constant 0 : i32
    return %c0_i32, %arg0, %c0_i32_0 : i32, i32, i32
  }
}

module attributes {stable_mosaic.version = 14 : i64} {
  func.func @_mm_kernel(%arg0: i32, %arg1: memref<400x256xf32, #tpu.memory_space<vmem>>, %arg2: memref<256x1024xf32, #tpu.memory_space<vmem>>, %arg3: memref<8x128xf32, #tpu.memory_space<vmem>>, %arg4: memref<256x256xf32, #tpu.memory_space<vmem>>, %arg5: memref<16x400x128xf32, #tpu.memory_space<vmem>>, %arg6: memref<2x400x128xf32, #tpu.memory_space<vmem>>) attributes {dimension_semantics = [#tpu.dimension_semantics<arbitrary>], iteration_bounds = array<i64: 25>, scalar_prefetch = 0 : i64, scratch_operands = 0 : i64, tpu.core_type = #tpu.core_type<tc>, window_params = [{transform_indices = @transform_0, window_bounds = array<i64: 400, 256>}, {pipeline_mode = #tpu.pipeline_mode<synchronous>, transform_indices = @transform_1, window_bounds = array<i64: 256, 1024>}, {pipeline_mode = #tpu.pipeline_mode<synchronous>, transform_indices = @transform_2, window_bounds = array<i64: 8, 128>}, {pipeline_mode = #tpu.pipeline_mode<synchronous>, transform_indices = @transform_3, window_bounds = array<i64: 256, 256>}, {transform_indices = @transform_4, window_bounds = array<i64: 16, 400, 128>}, {transform_indices = @transform_5, window_bounds = array<i64: 2, 400, 128>}]} {
    %get3A = arith.constant 0 : index
    %get3A_0 = arith.constant 0 : index
    %get3A_1 = vector.load %arg1[%get3A, %get3A_0] : memref<400x256xf32, #tpu.memory_space<vmem>>, vector<400x256xf32>
    %get3A_2 = arith.constant 0 : index
    %get3A_3 = arith.constant 0 : index
    %get3A_4 = vector.load %arg2[%get3A_2, %get3A_3] : memref<256x1024xf32, #tpu.memory_space<vmem>>, vector<256x1024xf32>
    %dot_general3A = arith.constant dense<0.000000e+00> : vector<400x1024xf32>
    %dot_general3A_5 = tpu.matmul %get3A_1, %get3A_4, %dot_general3A {dimension_numbers = #tpu.dot_dimension_numbers<[1], [0], [0], [1], [0, 0, 1, 1], [], []>, transpose_lhs_hint = false} : vector<400x256xf32>, vector<256x1024xf32>, vector<400x1024xf32> -> vector<400x1024xf32>
    %slice3A = vector.extract_strided_slice %dot_general3A_5 {offsets = [0, 0], sizes = [400, 128], strides = [1, 1]} : vector<400x1024xf32> to vector<400x128xf32>
    %get3A_6 = arith.constant 0 : index
    %get3A_7 = arith.constant 0 : index
    %get3A_8 = vector.load %arg3[%get3A_6, %get3A_7] : memref<8x128xf32, #tpu.memory_space<vmem>>, vector<1x1xf32>
    %get3A_9 = vector.extract %get3A_8[0, 0] : f32 from vector<1x1xf32>
    %mul3A = vector.broadcast %get3A_9 : f32 to vector<400x128xf32>
    %mul3A_10 = arith.mulf %mul3A, %slice3A : vector<400x128xf32>
    %slice3A_11 = vector.extract_strided_slice %dot_general3A_5 {offsets = [0, 256], sizes = [400, 128], strides = [1, 1]} : vector<400x1024xf32> to vector<400x128xf32>
    %get3A_12 = arith.constant 0 : index
    %get3A_13 = arith.constant 1 : index
    %get3A_14 = vector.load %arg3[%get3A_12, %get3A_13] : memref<8x128xf32, #tpu.memory_space<vmem>>, vector<1x1xf32>
    %get3A_15 = vector.extract %get3A_14[0, 0] : f32 from vector<1x1xf32>
    %mul3A_16 = vector.broadcast %get3A_15 : f32 to vector<400x128xf32>
    %mul3A_17 = arith.mulf %mul3A_16, %slice3A_11 : vector<400x128xf32>
    %add3A = arith.addf %mul3A_10, %mul3A_17 : vector<400x128xf32>
    %slice3A_18 = vector.extract_strided_slice %dot_general3A_5 {offsets = [0, 512], sizes = [400, 128], strides = [1, 1]} : vector<400x1024xf32> to vector<400x128xf32>
    %get3A_19 = arith.constant 0 : index
    %get3A_20 = arith.constant 2 : index
    %get3A_21 = vector.load %arg3[%get3A_19, %get3A_20] : memref<8x128xf32, #tpu.memory_space<vmem>>, vector<1x1xf32>
    %get3A_22 = vector.extract %get3A_21[0, 0] : f32 from vector<1x1xf32>
    %mul3A_23 = vector.broadcast %get3A_22 : f32 to vector<400x128xf32>
    %mul3A_24 = arith.mulf %mul3A_23, %slice3A_18 : vector<400x128xf32>
    %add3A_25 = arith.addf %add3A, %mul3A_24 : vector<400x128xf32>
    %slice3A_26 = vector.extract_strided_slice %dot_general3A_5 {offsets = [0, 768], sizes = [400, 128], strides = [1, 1]} : vector<400x1024xf32> to vector<400x128xf32>
    %get3A_27 = arith.constant 0 : index
    %get3A_28 = arith.constant 3 : index
    %get3A_29 = vector.load %arg3[%get3A_27, %get3A_28] : memref<8x128xf32, #tpu.memory_space<vmem>>, vector<1x1xf32>
    %get3A_30 = vector.extract %get3A_29[0, 0] : f32 from vector<1x1xf32>
    %mul3A_31 = vector.broadcast %get3A_30 : f32 to vector<400x128xf32>
    %mul3A_32 = arith.mulf %mul3A_31, %slice3A_26 : vector<400x128xf32>
    %add3A_33 = arith.addf %add3A_25, %mul3A_32 : vector<400x128xf32>
    %swap3A = arith.constant 0 : index
    %swap3A_34 = arith.constant 0 : index
    %swap3A_35 = arith.constant 0 : index
    %swap3A_36 = vector.load %arg5[%swap3A, %swap3A_34, %swap3A_35] : memref<16x400x128xf32, #tpu.memory_space<vmem>>, vector<1x400x128xf32>
    %swap3A_37 = vector.shape_cast %swap3A_36 : vector<1x400x128xf32> to vector<400x128xf32>
    %swap3A_38 = vector.shape_cast %add3A_33 : vector<400x128xf32> to vector<1x400x128xf32>
    tpu.vector_store %arg5[%swap3A, %swap3A_34, %swap3A_35], %swap3A_38 {strides = array<i32>} : memref<16x400x128xf32, #tpu.memory_space<vmem>>, vector<1x400x128xf32>,
    %slice3A_39 = vector.extract_strided_slice %dot_general3A_5 {offsets = [0, 0], sizes = [400, 128], strides = [1, 1]} : vector<400x1024xf32> to vector<400x128xf32>
    %get3A_40 = arith.constant 1 : index
    %get3A_41 = arith.constant 0 : index
    %get3A_42 = vector.load %arg3[%get3A_40, %get3A_41] : memref<8x128xf32, #tpu.memory_space<vmem>>, vector<1x1xf32>
    %get3A_43 = vector.extract %get3A_42[0, 0] : f32 from vector<1x1xf32>
    %mul3A_44 = vector.broadcast %get3A_43 : f32 to vector<400x128xf32>
    %mul3A_45 = arith.mulf %mul3A_44, %slice3A_39 : vector<400x128xf32>
    %slice3A_46 = vector.extract_strided_slice %dot_general3A_5 {offsets = [0, 256], sizes = [400, 128], strides = [1, 1]} : vector<400x1024xf32> to vector<400x128xf32>
    %get3A_47 = arith.constant 1 : index
    %get3A_48 = arith.constant 1 : index
    %get3A_49 = vector.load %arg3[%get3A_47, %get3A_48] : memref<8x128xf32, #tpu.memory_space<vmem>>, vector<1x1xf32>
    %get3A_50 = vector.extract %get3A_49[0, 0] : f32 from vector<1x1xf32>
    %mul3A_51 = vector.broadcast %get3A_50 : f32 to vector<400x128xf32>
    %mul3A_52 = arith.mulf %mul3A_51, %slice3A_46 : vector<400x128xf32>
    %add3A_53 = arith.addf %mul3A_45, %mul3A_52 : vector<400x128xf32>
    %slice3A_54 = vector.extract_strided_slice %dot_general3A_5 {offsets = [0, 512], sizes = [400, 128], strides = [1, 1]} : vector<400x1024xf32> to vector<400x128xf32>
    %get3A_55 = arith.constant 1 : index
    %get3A_56 = arith.constant 2 : index
    %get3A_57 = vector.load %arg3[%get3A_55, %get3A_56] : memref<8x128xf32, #tpu.memory_space<vmem>>, vector<1x1xf32>
    %get3A_58 = vector.extract %get3A_57[0, 0] : f32 from vector<1x1xf32>
    %mul3A_59 = vector.broadcast %get3A_58 : f32 to vector<400x128xf32>
    %mul3A_60 = arith.mulf %mul3A_59, %slice3A_54 : vector<400x128xf32>
    %add3A_61 = arith.addf %add3A_53, %mul3A_60 : vector<400x128xf32>
    %slice3A_62 = vector.extract_strided_slice %dot_general3A_5 {offsets = [0, 768], sizes = [400, 128], strides = [1, 1]} : vector<400x1024xf32> to vector<400x128xf32>
    %get3A_63 = arith.constant 1 : index
    %get3A_64 = arith.constant 3 : index
    %get3A_65 = vector.load %arg3[%get3A_63, %get3A_64] : memref<8x128xf32, #tpu.memory_space<vmem>>, vector<1x1xf32>
    %get3A_66 = vector.extract %get3A_65[0, 0] : f32 from vector<1x1xf32>
    %mul3A_67 = vector.broadcast %get3A_66 : f32 to vector<400x128xf32>
    %mul3A_68 = arith.mulf %mul3A_67, %slice3A_62 : vector<400x128xf32>
    %add3A_69 = arith.addf %add3A_61, %mul3A_68 : vector<400x128xf32>
    %swap3A_70 = arith.constant 1 : index
    %swap3A_71 = arith.constant 0 : index
    %swap3A_72 = arith.constant 0 : index
    %swap3A_73 = vector.load %arg5[%swap3A_70, %swap3A_71, %swap3A_72] : memref<16x400x128xf32, #tpu.memory_space<vmem>>, vector<1x400x128xf32>
    %swap3A_74 = vector.shape_cast %swap3A_73 : vector<1x400x128xf32> to vector<400x128xf32>
    %swap3A_75 = vector.shape_cast %add3A_69 : vector<400x128xf32> to vector<1x400x128xf32>
    tpu.vector_store %arg5[%swap3A_70, %swap3A_71, %swap3A_72], %swap3A_75 {strides = array<i32>} : memref<16x400x128xf32, #tpu.memory_space<vmem>>, vector<1x400x128xf32>,
    %slice3A_76 = vector.extract_strided_slice %dot_general3A_5 {offsets = [0, 0], sizes = [400, 128], strides = [1, 1]} : vector<400x1024xf32> to vector<400x128xf32>
    %get3A_77 = arith.constant 2 : index
    %get3A_78 = arith.constant 0 : index
    %get3A_79 = vector.load %arg3[%get3A_77, %get3A_78] : memref<8x128xf32, #tpu.memory_space<vmem>>, vector<1x1xf32>
    %get3A_80 = vector.extract %get3A_79[0, 0] : f32 from vector<1x1xf32>
    %mul3A_81 = vector.broadcast %get3A_80 : f32 to vector<400x128xf32>
    %mul3A_82 = arith.mulf %mul3A_81, %slice3A_76 : vector<400x128xf32>
    %slice3A_83 = vector.extract_strided_slice %dot_general3A_5 {offsets = [0, 256], sizes = [400, 128], strides = [1, 1]} : vector<400x1024xf32> to vector<400x128xf32>
    %get3A_84 = arith.constant 2 : index
    %get3A_85 = arith.constant 1 : index
    %get3A_86 = vector.load %arg3[%get3A_84, %get3A_85] : memref<8x128xf32, #tpu.memory_space<vmem>>, vector<1x1xf32>
    %get3A_87 = vector.extract %get3A_86[0, 0] : f32 from vector<1x1xf32>
    %mul3A_88 = vector.broadcast %get3A_87 : f32 to vector<400x128xf32>
    %mul3A_89 = arith.mulf %mul3A_88, %slice3A_83 : vector<400x128xf32>
    %add3A_90 = arith.addf %mul3A_82, %mul3A_89 : vector<400x128xf32>
    %slice3A_91 = vector.extract_strided_slice %dot_general3A_5 {offsets = [0, 512], sizes = [400, 128], strides = [1, 1]} : vector<400x1024xf32> to vector<400x128xf32>
    %get3A_92 = arith.constant 2 : index
    %get3A_93 = arith.constant 2 : index
    %get3A_94 = vector.load %arg3[%get3A_92, %get3A_93] : memref<8x128xf32, #tpu.memory_space<vmem>>, vector<1x1xf32>
    %get3A_95 = vector.extract %get3A_94[0, 0] : f32 from vector<1x1xf32>
    %mul3A_96 = vector.broadcast %get3A_95 : f32 to vector<400x128xf32>
    %mul3A_97 = arith.mulf %mul3A_96, %slice3A_91 : vector<400x128xf32>
    %add3A_98 = arith.addf %add3A_90, %mul3A_97 : vector<400x128xf32>
    %slice3A_99 = vector.extract_strided_slice %dot_general3A_5 {offsets = [0, 768], sizes = [400, 128], strides = [1, 1]} : vector<400x1024xf32> to vector<400x128xf32>
    %get3A_100 = arith.constant 2 : index
    %get3A_101 = arith.constant 3 : index
    %get3A_102 = vector.load %arg3[%get3A_100, %get3A_101] : memref<8x128xf32, #tpu.memory_space<vmem>>, vector<1x1xf32>
    %get3A_103 = vector.extract %get3A_102[0, 0] : f32 from vector<1x1xf32>
    %mul3A_104 = vector.broadcast %get3A_103 : f32 to vector<400x128xf32>
    %mul3A_105 = arith.mulf %mul3A_104, %slice3A_99 : vector<400x128xf32>
    %add3A_106 = arith.addf %add3A_98, %mul3A_105 : vector<400x128xf32>
    %swap3A_107 = arith.constant 2 : index
    %swap3A_108 = arith.constant 0 : index
    %swap3A_109 = arith.constant 0 : index
    %swap3A_110 = vector.load %arg5[%swap3A_107, %swap3A_108, %swap3A_109] : memref<16x400x128xf32, #tpu.memory_space<vmem>>, vector<1x400x128xf32>
    %swap3A_111 = vector.shape_cast %swap3A_110 : vector<1x400x128xf32> to vector<400x128xf32>
    %swap3A_112 = vector.shape_cast %add3A_106 : vector<400x128xf32> to vector<1x400x128xf32>
    tpu.vector_store %arg5[%swap3A_107, %swap3A_108, %swap3A_109], %swap3A_112 {strides = array<i32>} : memref<16x400x128xf32, #tpu.memory_space<vmem>>, vector<1x400x128xf32>,
    %slice3A_113 = vector.extract_strided_slice %dot_general3A_5 {offsets = [0, 0], sizes = [400, 128], strides = [1, 1]} : vector<400x1024xf32> to vector<400x128xf32>
    %get3A_114 = arith.constant 3 : index
    %get3A_115 = arith.constant 0 : index
    %get3A_116 = vector.load %arg3[%get3A_114, %get3A_115] : memref<8x128xf32, #tpu.memory_space<vmem>>, vector<1x1xf32>
    %get3A_117 = vector.extract %get3A_116[0, 0] : f32 from vector<1x1xf32>
    %mul3A_118 = vector.broadcast %get3A_117 : f32 to vector<400x128xf32>
    %mul3A_119 = arith.mulf %mul3A_118, %slice3A_113 : vector<400x128xf32>
    %slice3A_120 = vector.extract_strided_slice %dot_general3A_5 {offsets = [0, 256], sizes = [400, 128], strides = [1, 1]} : vector<400x1024xf32> to vector<400x128xf32>
    %get3A_121 = arith.constant 3 : index
    %get3A_122 = arith.constant 1 : index
    %get3A_123 = vector.load %arg3[%get3A_121, %get3A_122] : memref<8x128xf32, #tpu.memory_space<vmem>>, vector<1x1xf32>
    %get3A_124 = vector.extract %get3A_123[0, 0] : f32 from vector<1x1xf32>
    %mul3A_125 = vector.broadcast %get3A_124 : f32 to vector<400x128xf32>
    %mul3A_126 = arith.mulf %mul3A_125, %slice3A_120 : vector<400x128xf32>
    %add3A_127 = arith.addf %mul3A_119, %mul3A_126 : vector<400x128xf32>
    %slice3A_128 = vector.extract_strided_slice %dot_general3A_5 {offsets = [0, 512], sizes = [400, 128], strides = [1, 1]} : vector<400x1024xf32> to vector<400x128xf32>
    %get3A_129 = arith.constant 3 : index
    %get3A_130 = arith.constant 2 : index
    %get3A_131 = vector.load %arg3[%get3A_129, %get3A_130] : memref<8x128xf32, #tpu.memory_space<vmem>>, vector<1x1xf32>
    %get3A_132 = vector.extract %get3A_131[0, 0] : f32 from vector<1x1xf32>
    %mul3A_133 = vector.broadcast %get3A_132 : f32 to vector<400x128xf32>
    %mul3A_134 = arith.mulf %mul3A_133, %slice3A_128 : vector<400x128xf32>
    %add3A_135 = arith.addf %add3A_127, %mul3A_134 : vector<400x128xf32>
    %slice3A_136 = vector.extract_strided_slice %dot_general3A_5 {offsets = [0, 768], sizes = [400, 128], strides = [1, 1]} : vector<400x1024xf32> to vector<400x128xf32>
    %get3A_137 = arith.constant 3 : index
    %get3A_138 = arith.constant 3 : index
    %get3A_139 = vector.load %arg3[%get3A_137, %get3A_138] : memref<8x128xf32, #tpu.memory_space<vmem>>, vector<1x1xf32>
    %get3A_140 = vector.extract %get3A_139[0, 0] : f32 from vector<1x1xf32>
    %mul3A_141 = vector.broadcast %get3A_140 : f32 to vector<400x128xf32>
    %mul3A_142 = arith.mulf %mul3A_141, %slice3A_136 : vector<400x128xf32>
    %add3A_143 = arith.addf %add3A_135, %mul3A_142 : vector<400x128xf32>
    %swap3A_144 = arith.constant 3 : index
    %swap3A_145 = arith.constant 0 : index
    %swap3A_146 = arith.constant 0 : index
    %swap3A_147 = vector.load %arg5[%swap3A_144, %swap3A_145, %swap3A_146] : memref<16x400x128xf32, #tpu.memory_space<vmem>>, vector<1x400x128xf32>
    %swap3A_148 = vector.shape_cast %swap3A_147 : vector<1x400x128xf32> to vector<400x128xf32>
    %swap3A_149 = vector.shape_cast %add3A_143 : vector<400x128xf32> to vector<1x400x128xf32>
    tpu.vector_store %arg5[%swap3A_144, %swap3A_145, %swap3A_146], %swap3A_149 {strides = array<i32>} : memref<16x400x128xf32, #tpu.memory_space<vmem>>, vector<1x400x128xf32>,
    %slice3A_150 = vector.extract_strided_slice %dot_general3A_5 {offsets = [0, 0], sizes = [400, 128], strides = [1, 1]} : vector<400x1024xf32> to vector<400x128xf32>
    %get3A_151 = arith.constant 4 : index
    %get3A_152 = arith.constant 0 : index
    %get3A_153 = vector.load %arg3[%get3A_151, %get3A_152] : memref<8x128xf32, #tpu.memory_space<vmem>>, vector<1x1xf32>
    %get3A_154 = vector.extract %get3A_153[0, 0] : f32 from vector<1x1xf32>
    %mul3A_155 = vector.broadcast %get3A_154 : f32 to vector<400x128xf32>
    %mul3A_156 = arith.mulf %mul3A_155, %slice3A_150 : vector<400x128xf32>
    %slice3A_157 = vector.extract_strided_slice %dot_general3A_5 {offsets = [0, 256], sizes = [400, 128], strides = [1, 1]} : vector<400x1024xf32> to vector<400x128xf32>
    %get3A_158 = arith.constant 4 : index
    %get3A_159 = arith.constant 1 : index
    %get3A_160 = vector.load %arg3[%get3A_158, %get3A_159] : memref<8x128xf32, #tpu.memory_space<vmem>>, vector<1x1xf32>
    %get3A_161 = vector.extract %get3A_160[0, 0] : f32 from vector<1x1xf32>
    %mul3A_162 = vector.broadcast %get3A_161 : f32 to vector<400x128xf32>
    %mul3A_163 = arith.mulf %mul3A_162, %slice3A_157 : vector<400x128xf32>
    %add3A_164 = arith.addf %mul3A_156, %mul3A_163 : vector<400x128xf32>
    %slice3A_165 = vector.extract_strided_slice %dot_general3A_5 {offsets = [0, 512], sizes = [400, 128], strides = [1, 1]} : vector<400x1024xf32> to vector<400x128xf32>
    %get3A_166 = arith.constant 4 : index
    %get3A_167 = arith.constant 2 : index
    %get3A_168 = vector.load %arg3[%get3A_166, %get3A_167] : memref<8x128xf32, #tpu.memory_space<vmem>>, vector<1x1xf32>
    %get3A_169 = vector.extract %get3A_168[0, 0] : f32 from vector<1x1xf32>
    %mul3A_170 = vector.broadcast %get3A_169 : f32 to vector<400x128xf32>
    %mul3A_171 = arith.mulf %mul3A_170, %slice3A_165 : vector<400x128xf32>
    %add3A_172 = arith.addf %add3A_164, %mul3A_171 : vector<400x128xf32>
    %slice3A_173 = vector.extract_strided_slice %dot_general3A_5 {offsets = [0, 768], sizes = [400, 128], strides = [1, 1]} : vector<400x1024xf32> to vector<400x128xf32>
    %get3A_174 = arith.constant 4 : index
    %get3A_175 = arith.constant 3 : index
    %get3A_176 = vector.load %arg3[%get3A_174, %get3A_175] : memref<8x128xf32, #tpu.memory_space<vmem>>, vector<1x1xf32>
    %get3A_177 = vector.extract %get3A_176[0, 0] : f32 from vector<1x1xf32>
    %mul3A_178 = vector.broadcast %get3A_177 : f32 to vector<400x128xf32>
    %mul3A_179 = arith.mulf %mul3A_178, %slice3A_173 : vector<400x128xf32>
    %add3A_180 = arith.addf %add3A_172, %mul3A_179 : vector<400x128xf32>
    %swap3A_181 = arith.constant 4 : index
    %swap3A_182 = arith.constant 0 : index
    %swap3A_183 = arith.constant 0 : index
    %swap3A_184 = vector.load %arg5[%swap3A_181, %swap3A_182, %swap3A_183] : memref<16x400x128xf32, #tpu.memory_space<vmem>>, vector<1x400x128xf32>
    %swap3A_185 = vector.shape_cast %swap3A_184 : vector<1x400x128xf32> to vector<400x128xf32>
    %swap3A_186 = vector.shape_cast %add3A_180 : vector<400x128xf32> to vector<1x400x128xf32>
    tpu.vector_store %arg5[%swap3A_181, %swap3A_182, %swap3A_183], %swap3A_186 {strides = array<i32>} : memref<16x400x128xf32, #tpu.memory_space<vmem>>, vector<1x400x128xf32>,
    %slice3A_187 = vector.extract_strided_slice %dot_general3A_5 {offsets = [0, 0], sizes = [400, 128], strides = [1, 1]} : vector<400x1024xf32> to vector<400x128xf32>
    %get3A_188 = arith.constant 5 : index
    %get3A_189 = arith.constant 0 : index
    %get3A_190 = vector.load %arg3[%get3A_188, %get3A_189] : memref<8x128xf32, #tpu.memory_space<vmem>>, vector<1x1xf32>
    %get3A_191 = vector.extract %get3A_190[0, 0] : f32 from vector<1x1xf32>
    %mul3A_192 = vector.broadcast %get3A_191 : f32 to vector<400x128xf32>
    %mul3A_193 = arith.mulf %mul3A_192, %slice3A_187 : vector<400x128xf32>
    %slice3A_194 = vector.extract_strided_slice %dot_general3A_5 {offsets = [0, 256], sizes = [400, 128], strides = [1, 1]} : vector<400x1024xf32> to vector<400x128xf32>
    %get3A_195 = arith.constant 5 : index
    %get3A_196 = arith.constant 1 : index
    %get3A_197 = vector.load %arg3[%get3A_195, %get3A_196] : memref<8x128xf32, #tpu.memory_space<vmem>>, vector<1x1xf32>
    %get3A_198 = vector.extract %get3A_197[0, 0] : f32 from vector<1x1xf32>
    %mul3A_199 = vector.broadcast %get3A_198 : f32 to vector<400x128xf32>
    %mul3A_200 = arith.mulf %mul3A_199, %slice3A_194 : vector<400x128xf32>
    %add3A_201 = arith.addf %mul3A_193, %mul3A_200 : vector<400x128xf32>
    %slice3A_202 = vector.extract_strided_slice %dot_general3A_5 {offsets = [0, 512], sizes = [400, 128], strides = [1, 1]} : vector<400x1024xf32> to vector<400x128xf32>
    %get3A_203 = arith.constant 5 : index
    %get3A_204 = arith.constant 2 : index
    %get3A_205 = vector.load %arg3[%get3A_203, %get3A_204] : memref<8x128xf32, #tpu.memory_space<vmem>>, vector<1x1xf32>
    %get3A_206 = vector.extract %get3A_205[0, 0] : f32 from vector<1x1xf32>
    %mul3A_207 = vector.broadcast %get3A_206 : f32 to vector<400x128xf32>
    %mul3A_208 = arith.mulf %mul3A_207, %slice3A_202 : vector<400x128xf32>
    %add3A_209 = arith.addf %add3A_201, %mul3A_208 : vector<400x128xf32>
    %slice3A_210 = vector.extract_strided_slice %dot_general3A_5 {offsets = [0, 768], sizes = [400, 128], strides = [1, 1]} : vector<400x1024xf32> to vector<400x128xf32>
    %get3A_211 = arith.constant 5 : index
    %get3A_212 = arith.constant 3 : index
    %get3A_213 = vector.load %arg3[%get3A_211, %get3A_212] : memref<8x128xf32, #tpu.memory_space<vmem>>, vector<1x1xf32>
    %get3A_214 = vector.extract %get3A_213[0, 0] : f32 from vector<1x1xf32>
    %mul3A_215 = vector.broadcast %get3A_214 : f32 to vector<400x128xf32>
    %mul3A_216 = arith.mulf %mul3A_215, %slice3A_210 : vector<400x128xf32>
    %add3A_217 = arith.addf %add3A_209, %mul3A_216 : vector<400x128xf32>
    %swap3A_218 = arith.constant 5 : index
    %swap3A_219 = arith.constant 0 : index
    %swap3A_220 = arith.constant 0 : index
    %swap3A_221 = vector.load %arg5[%swap3A_218, %swap3A_219, %swap3A_220] : memref<16x400x128xf32, #tpu.memory_space<vmem>>, vector<1x400x128xf32>
    %swap3A_222 = vector.shape_cast %swap3A_221 : vector<1x400x128xf32> to vector<400x128xf32>
    %swap3A_223 = vector.shape_cast %add3A_217 : vector<400x128xf32> to vector<1x400x128xf32>
    tpu.vector_store %arg5[%swap3A_218, %swap3A_219, %swap3A_220], %swap3A_223 {strides = array<i32>} : memref<16x400x128xf32, #tpu.memory_space<vmem>>, vector<1x400x128xf32>,
    %slice3A_224 = vector.extract_strided_slice %dot_general3A_5 {offsets = [0, 0], sizes = [400, 128], strides = [1, 1]} : vector<400x1024xf32> to vector<400x128xf32>
    %get3A_225 = arith.constant 6 : index
    %get3A_226 = arith.constant 0 : index
    %get3A_227 = vector.load %arg3[%get3A_225, %get3A_226] : memref<8x128xf32, #tpu.memory_space<vmem>>, vector<1x1xf32>
    %get3A_228 = vector.extract %get3A_227[0, 0] : f32 from vector<1x1xf32>
    %mul3A_229 = vector.broadcast %get3A_228 : f32 to vector<400x128xf32>
    %mul3A_230 = arith.mulf %mul3A_229, %slice3A_224 : vector<400x128xf32>
    %slice3A_231 = vector.extract_strided_slice %dot_general3A_5 {offsets = [0, 256], sizes = [400, 128], strides = [1, 1]} : vector<400x1024xf32> to vector<400x128xf32>
    %get3A_232 = arith.constant 6 : index
    %get3A_233 = arith.constant 1 : index
    %get3A_234 = vector.load %arg3[%get3A_232, %get3A_233] : memref<8x128xf32, #tpu.memory_space<vmem>>, vector<1x1xf32>
    %get3A_235 = vector.extract %get3A_234[0, 0] : f32 from vector<1x1xf32>
    %mul3A_236 = vector.broadcast %get3A_235 : f32 to vector<400x128xf32>
    %mul3A_237 = arith.mulf %mul3A_236, %slice3A_231 : vector<400x128xf32>
    %add3A_238 = arith.addf %mul3A_230, %mul3A_237 : vector<400x128xf32>
    %slice3A_239 = vector.extract_strided_slice %dot_general3A_5 {offsets = [0, 512], sizes = [400, 128], strides = [1, 1]} : vector<400x1024xf32> to vector<400x128xf32>
    %get3A_240 = arith.constant 6 : index
    %get3A_241 = arith.constant 2 : index
    %get3A_242 = vector.load %arg3[%get3A_240, %get3A_241] : memref<8x128xf32, #tpu.memory_space<vmem>>, vector<1x1xf32>
    %get3A_243 = vector.extract %get3A_242[0, 0] : f32 from vector<1x1xf32>
    %mul3A_244 = vector.broadcast %get3A_243 : f32 to vector<400x128xf32>
    %mul3A_245 = arith.mulf %mul3A_244, %slice3A_239 : vector<400x128xf32>
    %add3A_246 = arith.addf %add3A_238, %mul3A_245 : vector<400x128xf32>
    %slice3A_247 = vector.extract_strided_slice %dot_general3A_5 {offsets = [0, 768], sizes = [400, 128], strides = [1, 1]} : vector<400x1024xf32> to vector<400x128xf32>
    %get3A_248 = arith.constant 6 : index
    %get3A_249 = arith.constant 3 : index
    %get3A_250 = vector.load %arg3[%get3A_248, %get3A_249] : memref<8x128xf32, #tpu.memory_space<vmem>>, vector<1x1xf32>
    %get3A_251 = vector.extract %get3A_250[0, 0] : f32 from vector<1x1xf32>
    %mul3A_252 = vector.broadcast %get3A_251 : f32 to vector<400x128xf32>
    %mul3A_253 = arith.mulf %mul3A_252, %slice3A_247 : vector<400x128xf32>
    %add3A_254 = arith.addf %add3A_246, %mul3A_253 : vector<400x128xf32>
    %swap3A_255 = arith.constant 6 : index
    %swap3A_256 = arith.constant 0 : index
    %swap3A_257 = arith.constant 0 : index
    %swap3A_258 = vector.load %arg5[%swap3A_255, %swap3A_256, %swap3A_257] : memref<16x400x128xf32, #tpu.memory_space<vmem>>, vector<1x400x128xf32>
    %swap3A_259 = vector.shape_cast %swap3A_258 : vector<1x400x128xf32> to vector<400x128xf32>
    %swap3A_260 = vector.shape_cast %add3A_254 : vector<400x128xf32> to vector<1x400x128xf32>
    tpu.vector_store %arg5[%swap3A_255, %swap3A_256, %swap3A_257], %swap3A_260 {strides = array<i32>} : memref<16x400x128xf32, #tpu.memory_space<vmem>>, vector<1x400x128xf32>,
    %slice3A_261 = vector.extract_strided_slice %dot_general3A_5 {offsets = [0, 0], sizes = [400, 128], strides = [1, 1]} : vector<400x1024xf32> to vector<400x128xf32>
    %get3A_262 = arith.constant 7 : index
    %get3A_263 = arith.constant 0 : index
    %get3A_264 = vector.load %arg3[%get3A_262, %get3A_263] : memref<8x128xf32, #tpu.memory_space<vmem>>, vector<1x1xf32>
    %get3A_265 = vector.extract %get3A_264[0, 0] : f32 from vector<1x1xf32>
    %mul3A_266 = vector.broadcast %get3A_265 : f32 to vector<400x128xf32>
    %mul3A_267 = arith.mulf %mul3A_266, %slice3A_261 : vector<400x128xf32>
    %slice3A_268 = vector.extract_strided_slice %dot_general3A_5 {offsets = [0, 256], sizes = [400, 128], strides = [1, 1]} : vector<400x1024xf32> to vector<400x128xf32>
    %get3A_269 = arith.constant 7 : index
    %get3A_270 = arith.constant 1 : index
    %get3A_271 = vector.load %arg3[%get3A_269, %get3A_270] : memref<8x128xf32, #tpu.memory_space<vmem>>, vector<1x1xf32>
    %get3A_272 = vector.extract %get3A_271[0, 0] : f32 from vector<1x1xf32>
    %mul3A_273 = vector.broadcast %get3A_272 : f32 to vector<400x128xf32>
    %mul3A_274 = arith.mulf %mul3A_273, %slice3A_268 : vector<400x128xf32>
    %add3A_275 = arith.addf %mul3A_267, %mul3A_274 : vector<400x128xf32>
    %slice3A_276 = vector.extract_strided_slice %dot_general3A_5 {offsets = [0, 512], sizes = [400, 128], strides = [1, 1]} : vector<400x1024xf32> to vector<400x128xf32>
    %get3A_277 = arith.constant 7 : index
    %get3A_278 = arith.constant 2 : index
    %get3A_279 = vector.load %arg3[%get3A_277, %get3A_278] : memref<8x128xf32, #tpu.memory_space<vmem>>, vector<1x1xf32>
    %get3A_280 = vector.extract %get3A_279[0, 0] : f32 from vector<1x1xf32>
    %mul3A_281 = vector.broadcast %get3A_280 : f32 to vector<400x128xf32>
    %mul3A_282 = arith.mulf %mul3A_281, %slice3A_276 : vector<400x128xf32>
    %add3A_283 = arith.addf %add3A_275, %mul3A_282 : vector<400x128xf32>
    %slice3A_284 = vector.extract_strided_slice %dot_general3A_5 {offsets = [0, 768], sizes = [400, 128], strides = [1, 1]} : vector<400x1024xf32> to vector<400x128xf32>
    %get3A_285 = arith.constant 7 : index
    %get3A_286 = arith.constant 3 : index
    %get3A_287 = vector.load %arg3[%get3A_285, %get3A_286] : memref<8x128xf32, #tpu.memory_space<vmem>>, vector<1x1xf32>
    %get3A_288 = vector.extract %get3A_287[0, 0] : f32 from vector<1x1xf32>
    %mul3A_289 = vector.broadcast %get3A_288 : f32 to vector<400x128xf32>
    %mul3A_290 = arith.mulf %mul3A_289, %slice3A_284 : vector<400x128xf32>
    %add3A_291 = arith.addf %add3A_283, %mul3A_290 : vector<400x128xf32>
    %swap3A_292 = arith.constant 7 : index
    %swap3A_293 = arith.constant 0 : index
    %swap3A_294 = arith.constant 0 : index
    %swap3A_295 = vector.load %arg5[%swap3A_292, %swap3A_293, %swap3A_294] : memref<16x400x128xf32, #tpu.memory_space<vmem>>, vector<1x400x128xf32>
    %swap3A_296 = vector.shape_cast %swap3A_295 : vector<1x400x128xf32> to vector<400x128xf32>
    %swap3A_297 = vector.shape_cast %add3A_291 : vector<400x128xf32> to vector<1x400x128xf32>
    tpu.vector_store %arg5[%swap3A_292, %swap3A_293, %swap3A_294], %swap3A_297 {strides = array<i32>} : memref<16x400x128xf32, #tpu.memory_space<vmem>>, vector<1x400x128xf32>,
    %slice3A_298 = vector.extract_strided_slice %dot_general3A_5 {offsets = [0, 128], sizes = [400, 128], strides = [1, 1]} : vector<400x1024xf32> to vector<400x128xf32>
    %get3A_299 = arith.constant 0 : index
    %get3A_300 = arith.constant 0 : index
    %get3A_301 = vector.load %arg3[%get3A_299, %get3A_300] : memref<8x128xf32, #tpu.memory_space<vmem>>, vector<1x1xf32>
    %get3A_302 = vector.extract %get3A_301[0, 0] : f32 from vector<1x1xf32>
    %mul3A_303 = vector.broadcast %get3A_302 : f32 to vector<400x128xf32>
    %mul3A_304 = arith.mulf %mul3A_303, %slice3A_298 : vector<400x128xf32>
    %slice3A_305 = vector.extract_strided_slice %dot_general3A_5 {offsets = [0, 384], sizes = [400, 128], strides = [1, 1]} : vector<400x1024xf32> to vector<400x128xf32>
    %get3A_306 = arith.constant 0 : index
    %get3A_307 = arith.constant 1 : index
    %get3A_308 = vector.load %arg3[%get3A_306, %get3A_307] : memref<8x128xf32, #tpu.memory_space<vmem>>, vector<1x1xf32>
    %get3A_309 = vector.extract %get3A_308[0, 0] : f32 from vector<1x1xf32>
    %mul3A_310 = vector.broadcast %get3A_309 : f32 to vector<400x128xf32>
    %mul3A_311 = arith.mulf %mul3A_310, %slice3A_305 : vector<400x128xf32>
    %add3A_312 = arith.addf %mul3A_304, %mul3A_311 : vector<400x128xf32>
    %slice3A_313 = vector.extract_strided_slice %dot_general3A_5 {offsets = [0, 640], sizes = [400, 128], strides = [1, 1]} : vector<400x1024xf32> to vector<400x128xf32>
    %get3A_314 = arith.constant 0 : index
    %get3A_315 = arith.constant 2 : index
    %get3A_316 = vector.load %arg3[%get3A_314, %get3A_315] : memref<8x128xf32, #tpu.memory_space<vmem>>, vector<1x1xf32>
    %get3A_317 = vector.extract %get3A_316[0, 0] : f32 from vector<1x1xf32>
    %mul3A_318 = vector.broadcast %get3A_317 : f32 to vector<400x128xf32>
    %mul3A_319 = arith.mulf %mul3A_318, %slice3A_313 : vector<400x128xf32>
    %add3A_320 = arith.addf %add3A_312, %mul3A_319 : vector<400x128xf32>
    %slice3A_321 = vector.extract_strided_slice %dot_general3A_5 {offsets = [0, 896], sizes = [400, 128], strides = [1, 1]} : vector<400x1024xf32> to vector<400x128xf32>
    %get3A_322 = arith.constant 0 : index
    %get3A_323 = arith.constant 3 : index
    %get3A_324 = vector.load %arg3[%get3A_322, %get3A_323] : memref<8x128xf32, #tpu.memory_space<vmem>>, vector<1x1xf32>
    %get3A_325 = vector.extract %get3A_324[0, 0] : f32 from vector<1x1xf32>
    %mul3A_326 = vector.broadcast %get3A_325 : f32 to vector<400x128xf32>
    %mul3A_327 = arith.mulf %mul3A_326, %slice3A_321 : vector<400x128xf32>
    %add3A_328 = arith.addf %add3A_320, %mul3A_327 : vector<400x128xf32>
    %swap3A_329 = arith.constant 8 : index
    %swap3A_330 = arith.constant 0 : index
    %swap3A_331 = arith.constant 0 : index
    %swap3A_332 = vector.load %arg5[%swap3A_329, %swap3A_330, %swap3A_331] : memref<16x400x128xf32, #tpu.memory_space<vmem>>, vector<1x400x128xf32>
    %swap3A_333 = vector.shape_cast %swap3A_332 : vector<1x400x128xf32> to vector<400x128xf32>
    %swap3A_334 = vector.shape_cast %add3A_328 : vector<400x128xf32> to vector<1x400x128xf32>
    tpu.vector_store %arg5[%swap3A_329, %swap3A_330, %swap3A_331], %swap3A_334 {strides = array<i32>} : memref<16x400x128xf32, #tpu.memory_space<vmem>>, vector<1x400x128xf32>,
    %slice3A_335 = vector.extract_strided_slice %dot_general3A_5 {offsets = [0, 128], sizes = [400, 128], strides = [1, 1]} : vector<400x1024xf32> to vector<400x128xf32>
    %get3A_336 = arith.constant 1 : index
    %get3A_337 = arith.constant 0 : index
    %get3A_338 = vector.load %arg3[%get3A_336, %get3A_337] : memref<8x128xf32, #tpu.memory_space<vmem>>, vector<1x1xf32>
    %get3A_339 = vector.extract %get3A_338[0, 0] : f32 from vector<1x1xf32>
    %mul3A_340 = vector.broadcast %get3A_339 : f32 to vector<400x128xf32>
    %mul3A_341 = arith.mulf %mul3A_340, %slice3A_335 : vector<400x128xf32>
    %slice3A_342 = vector.extract_strided_slice %dot_general3A_5 {offsets = [0, 384], sizes = [400, 128], strides = [1, 1]} : vector<400x1024xf32> to vector<400x128xf32>
    %get3A_343 = arith.constant 1 : index
    %get3A_344 = arith.constant 1 : index
    %get3A_345 = vector.load %arg3[%get3A_343, %get3A_344] : memref<8x128xf32, #tpu.memory_space<vmem>>, vector<1x1xf32>
    %get3A_346 = vector.extract %get3A_345[0, 0] : f32 from vector<1x1xf32>
    %mul3A_347 = vector.broadcast %get3A_346 : f32 to vector<400x128xf32>
    %mul3A_348 = arith.mulf %mul3A_347, %slice3A_342 : vector<400x128xf32>
    %add3A_349 = arith.addf %mul3A_341, %mul3A_348 : vector<400x128xf32>
    %slice3A_350 = vector.extract_strided_slice %dot_general3A_5 {offsets = [0, 640], sizes = [400, 128], strides = [1, 1]} : vector<400x1024xf32> to vector<400x128xf32>
    %get3A_351 = arith.constant 1 : index
    %get3A_352 = arith.constant 2 : index
    %get3A_353 = vector.load %arg3[%get3A_351, %get3A_352] : memref<8x128xf32, #tpu.memory_space<vmem>>, vector<1x1xf32>
    %get3A_354 = vector.extract %get3A_353[0, 0] : f32 from vector<1x1xf32>
    %mul3A_355 = vector.broadcast %get3A_354 : f32 to vector<400x128xf32>
    %mul3A_356 = arith.mulf %mul3A_355, %slice3A_350 : vector<400x128xf32>
    %add3A_357 = arith.addf %add3A_349, %mul3A_356 : vector<400x128xf32>
    %slice3A_358 = vector.extract_strided_slice %dot_general3A_5 {offsets = [0, 896], sizes = [400, 128], strides = [1, 1]} : vector<400x1024xf32> to vector<400x128xf32>
    %get3A_359 = arith.constant 1 : index
    %get3A_360 = arith.constant 3 : index
    %get3A_361 = vector.load %arg3[%get3A_359, %get3A_360] : memref<8x128xf32, #tpu.memory_space<vmem>>, vector<1x1xf32>
    %get3A_362 = vector.extract %get3A_361[0, 0] : f32 from vector<1x1xf32>
    %mul3A_363 = vector.broadcast %get3A_362 : f32 to vector<400x128xf32>
    %mul3A_364 = arith.mulf %mul3A_363, %slice3A_358 : vector<400x128xf32>
    %add3A_365 = arith.addf %add3A_357, %mul3A_364 : vector<400x128xf32>
    %swap3A_366 = arith.constant 9 : index
    %swap3A_367 = arith.constant 0 : index
    %swap3A_368 = arith.constant 0 : index
    %swap3A_369 = vector.load %arg5[%swap3A_366, %swap3A_367, %swap3A_368] : memref<16x400x128xf32, #tpu.memory_space<vmem>>, vector<1x400x128xf32>
    %swap3A_370 = vector.shape_cast %swap3A_369 : vector<1x400x128xf32> to vector<400x128xf32>
    %swap3A_371 = vector.shape_cast %add3A_365 : vector<400x128xf32> to vector<1x400x128xf32>
    tpu.vector_store %arg5[%swap3A_366, %swap3A_367, %swap3A_368], %swap3A_371 {strides = array<i32>} : memref<16x400x128xf32, #tpu.memory_space<vmem>>, vector<1x400x128xf32>,
    %slice3A_372 = vector.extract_strided_slice %dot_general3A_5 {offsets = [0, 128], sizes = [400, 128], strides = [1, 1]} : vector<400x1024xf32> to vector<400x128xf32>
    %get3A_373 = arith.constant 2 : index
    %get3A_374 = arith.constant 0 : index
    %get3A_375 = vector.load %arg3[%get3A_373, %get3A_374] : memref<8x128xf32, #tpu.memory_space<vmem>>, vector<1x1xf32>
    %get3A_376 = vector.extract %get3A_375[0, 0] : f32 from vector<1x1xf32>
    %mul3A_377 = vector.broadcast %get3A_376 : f32 to vector<400x128xf32>
    %mul3A_378 = arith.mulf %mul3A_377, %slice3A_372 : vector<400x128xf32>
    %slice3A_379 = vector.extract_strided_slice %dot_general3A_5 {offsets = [0, 384], sizes = [400, 128], strides = [1, 1]} : vector<400x1024xf32> to vector<400x128xf32>
    %get3A_380 = arith.constant 2 : index
    %get3A_381 = arith.constant 1 : index
    %get3A_382 = vector.load %arg3[%get3A_380, %get3A_381] : memref<8x128xf32, #tpu.memory_space<vmem>>, vector<1x1xf32>
    %get3A_383 = vector.extract %get3A_382[0, 0] : f32 from vector<1x1xf32>
    %mul3A_384 = vector.broadcast %get3A_383 : f32 to vector<400x128xf32>
    %mul3A_385 = arith.mulf %mul3A_384, %slice3A_379 : vector<400x128xf32>
    %add3A_386 = arith.addf %mul3A_378, %mul3A_385 : vector<400x128xf32>
    %slice3A_387 = vector.extract_strided_slice %dot_general3A_5 {offsets = [0, 640], sizes = [400, 128], strides = [1, 1]} : vector<400x1024xf32> to vector<400x128xf32>
    %get3A_388 = arith.constant 2 : index
    %get3A_389 = arith.constant 2 : index
    %get3A_390 = vector.load %arg3[%get3A_388, %get3A_389] : memref<8x128xf32, #tpu.memory_space<vmem>>, vector<1x1xf32>
    %get3A_391 = vector.extract %get3A_390[0, 0] : f32 from vector<1x1xf32>
    %mul3A_392 = vector.broadcast %get3A_391 : f32 to vector<400x128xf32>
    %mul3A_393 = arith.mulf %mul3A_392, %slice3A_387 : vector<400x128xf32>
    %add3A_394 = arith.addf %add3A_386, %mul3A_393 : vector<400x128xf32>
    %slice3A_395 = vector.extract_strided_slice %dot_general3A_5 {offsets = [0, 896], sizes = [400, 128], strides = [1, 1]} : vector<400x1024xf32> to vector<400x128xf32>
    %get3A_396 = arith.constant 2 : index
    %get3A_397 = arith.constant 3 : index
    %get3A_398 = vector.load %arg3[%get3A_396, %get3A_397] : memref<8x128xf32, #tpu.memory_space<vmem>>, vector<1x1xf32>
    %get3A_399 = vector.extract %get3A_398[0, 0] : f32 from vector<1x1xf32>
    %mul3A_400 = vector.broadcast %get3A_399 : f32 to vector<400x128xf32>
    %mul3A_401 = arith.mulf %mul3A_400, %slice3A_395 : vector<400x128xf32>
    %add3A_402 = arith.addf %add3A_394, %mul3A_401 : vector<400x128xf32>
    %swap3A_403 = arith.constant 10 : index
    %swap3A_404 = arith.constant 0 : index
    %swap3A_405 = arith.constant 0 : index
    %swap3A_406 = vector.load %arg5[%swap3A_403, %swap3A_404, %swap3A_405] : memref<16x400x128xf32, #tpu.memory_space<vmem>>, vector<1x400x128xf32>
    %swap3A_407 = vector.shape_cast %swap3A_406 : vector<1x400x128xf32> to vector<400x128xf32>
    %swap3A_408 = vector.shape_cast %add3A_402 : vector<400x128xf32> to vector<1x400x128xf32>
    tpu.vector_store %arg5[%swap3A_403, %swap3A_404, %swap3A_405], %swap3A_408 {strides = array<i32>} : memref<16x400x128xf32, #tpu.memory_space<vmem>>, vector<1x400x128xf32>,
    %slice3A_409 = vector.extract_strided_slice %dot_general3A_5 {offsets = [0, 128], sizes = [400, 128], strides = [1, 1]} : vector<400x1024xf32> to vector<400x128xf32>
    %get3A_410 = arith.constant 3 : index
    %get3A_411 = arith.constant 0 : index
    %get3A_412 = vector.load %arg3[%get3A_410, %get3A_411] : memref<8x128xf32, #tpu.memory_space<vmem>>, vector<1x1xf32>
    %get3A_413 = vector.extract %get3A_412[0, 0] : f32 from vector<1x1xf32>
    %mul3A_414 = vector.broadcast %get3A_413 : f32 to vector<400x128xf32>
    %mul3A_415 = arith.mulf %mul3A_414, %slice3A_409 : vector<400x128xf32>
    %slice3A_416 = vector.extract_strided_slice %dot_general3A_5 {offsets = [0, 384], sizes = [400, 128], strides = [1, 1]} : vector<400x1024xf32> to vector<400x128xf32>
    %get3A_417 = arith.constant 3 : index
    %get3A_418 = arith.constant 1 : index
    %get3A_419 = vector.load %arg3[%get3A_417, %get3A_418] : memref<8x128xf32, #tpu.memory_space<vmem>>, vector<1x1xf32>
    %get3A_420 = vector.extract %get3A_419[0, 0] : f32 from vector<1x1xf32>
    %mul3A_421 = vector.broadcast %get3A_420 : f32 to vector<400x128xf32>
    %mul3A_422 = arith.mulf %mul3A_421, %slice3A_416 : vector<400x128xf32>
    %add3A_423 = arith.addf %mul3A_415, %mul3A_422 : vector<400x128xf32>
    %slice3A_424 = vector.extract_strided_slice %dot_general3A_5 {offsets = [0, 640], sizes = [400, 128], strides = [1, 1]} : vector<400x1024xf32> to vector<400x128xf32>
    %get3A_425 = arith.constant 3 : index
    %get3A_426 = arith.constant 2 : index
    %get3A_427 = vector.load %arg3[%get3A_425, %get3A_426] : memref<8x128xf32, #tpu.memory_space<vmem>>, vector<1x1xf32>
    %get3A_428 = vector.extract %get3A_427[0, 0] : f32 from vector<1x1xf32>
    %mul3A_429 = vector.broadcast %get3A_428 : f32 to vector<400x128xf32>
    %mul3A_430 = arith.mulf %mul3A_429, %slice3A_424 : vector<400x128xf32>
    %add3A_431 = arith.addf %add3A_423, %mul3A_430 : vector<400x128xf32>
    %slice3A_432 = vector.extract_strided_slice %dot_general3A_5 {offsets = [0, 896], sizes = [400, 128], strides = [1, 1]} : vector<400x1024xf32> to vector<400x128xf32>
    %get3A_433 = arith.constant 3 : index
    %get3A_434 = arith.constant 3 : index
    %get3A_435 = vector.load %arg3[%get3A_433, %get3A_434] : memref<8x128xf32, #tpu.memory_space<vmem>>, vector<1x1xf32>
    %get3A_436 = vector.extract %get3A_435[0, 0] : f32 from vector<1x1xf32>
    %mul3A_437 = vector.broadcast %get3A_436 : f32 to vector<400x128xf32>
    %mul3A_438 = arith.mulf %mul3A_437, %slice3A_432 : vector<400x128xf32>
    %add3A_439 = arith.addf %add3A_431, %mul3A_438 : vector<400x128xf32>
    %swap3A_440 = arith.constant 11 : index
    %swap3A_441 = arith.constant 0 : index
    %swap3A_442 = arith.constant 0 : index
    %swap3A_443 = vector.load %arg5[%swap3A_440, %swap3A_441, %swap3A_442] : memref<16x400x128xf32, #tpu.memory_space<vmem>>, vector<1x400x128xf32>
    %swap3A_444 = vector.shape_cast %swap3A_443 : vector<1x400x128xf32> to vector<400x128xf32>
    %swap3A_445 = vector.shape_cast %add3A_439 : vector<400x128xf32> to vector<1x400x128xf32>
    tpu.vector_store %arg5[%swap3A_440, %swap3A_441, %swap3A_442], %swap3A_445 {strides = array<i32>} : memref<16x400x128xf32, #tpu.memory_space<vmem>>, vector<1x400x128xf32>,
    %slice3A_446 = vector.extract_strided_slice %dot_general3A_5 {offsets = [0, 128], sizes = [400, 128], strides = [1, 1]} : vector<400x1024xf32> to vector<400x128xf32>
    %get3A_447 = arith.constant 4 : index
    %get3A_448 = arith.constant 0 : index
    %get3A_449 = vector.load %arg3[%get3A_447, %get3A_448] : memref<8x128xf32, #tpu.memory_space<vmem>>, vector<1x1xf32>
    %get3A_450 = vector.extract %get3A_449[0, 0] : f32 from vector<1x1xf32>
    %mul3A_451 = vector.broadcast %get3A_450 : f32 to vector<400x128xf32>
    %mul3A_452 = arith.mulf %mul3A_451, %slice3A_446 : vector<400x128xf32>
    %slice3A_453 = vector.extract_strided_slice %dot_general3A_5 {offsets = [0, 384], sizes = [400, 128], strides = [1, 1]} : vector<400x1024xf32> to vector<400x128xf32>
    %get3A_454 = arith.constant 4 : index
    %get3A_455 = arith.constant 1 : index
    %get3A_456 = vector.load %arg3[%get3A_454, %get3A_455] : memref<8x128xf32, #tpu.memory_space<vmem>>, vector<1x1xf32>
    %get3A_457 = vector.extract %get3A_456[0, 0] : f32 from vector<1x1xf32>
    %mul3A_458 = vector.broadcast %get3A_457 : f32 to vector<400x128xf32>
    %mul3A_459 = arith.mulf %mul3A_458, %slice3A_453 : vector<400x128xf32>
    %add3A_460 = arith.addf %mul3A_452, %mul3A_459 : vector<400x128xf32>
    %slice3A_461 = vector.extract_strided_slice %dot_general3A_5 {offsets = [0, 640], sizes = [400, 128], strides = [1, 1]} : vector<400x1024xf32> to vector<400x128xf32>
    %get3A_462 = arith.constant 4 : index
    %get3A_463 = arith.constant 2 : index
    %get3A_464 = vector.load %arg3[%get3A_462, %get3A_463] : memref<8x128xf32, #tpu.memory_space<vmem>>, vector<1x1xf32>
    %get3A_465 = vector.extract %get3A_464[0, 0] : f32 from vector<1x1xf32>
    %mul3A_466 = vector.broadcast %get3A_465 : f32 to vector<400x128xf32>
    %mul3A_467 = arith.mulf %mul3A_466, %slice3A_461 : vector<400x128xf32>
    %add3A_468 = arith.addf %add3A_460, %mul3A_467 : vector<400x128xf32>
    %slice3A_469 = vector.extract_strided_slice %dot_general3A_5 {offsets = [0, 896], sizes = [400, 128], strides = [1, 1]} : vector<400x1024xf32> to vector<400x128xf32>
    %get3A_470 = arith.constant 4 : index
    %get3A_471 = arith.constant 3 : index
    %get3A_472 = vector.load %arg3[%get3A_470, %get3A_471] : memref<8x128xf32, #tpu.memory_space<vmem>>, vector<1x1xf32>
    %get3A_473 = vector.extract %get3A_472[0, 0] : f32 from vector<1x1xf32>
    %mul3A_474 = vector.broadcast %get3A_473 : f32 to vector<400x128xf32>
    %mul3A_475 = arith.mulf %mul3A_474, %slice3A_469 : vector<400x128xf32>
    %add3A_476 = arith.addf %add3A_468, %mul3A_475 : vector<400x128xf32>
    %swap3A_477 = arith.constant 12 : index
    %swap3A_478 = arith.constant 0 : index
    %swap3A_479 = arith.constant 0 : index
    %swap3A_480 = vector.load %arg5[%swap3A_477, %swap3A_478, %swap3A_479] : memref<16x400x128xf32, #tpu.memory_space<vmem>>, vector<1x400x128xf32>
    %swap3A_481 = vector.shape_cast %swap3A_480 : vector<1x400x128xf32> to vector<400x128xf32>
    %swap3A_482 = vector.shape_cast %add3A_476 : vector<400x128xf32> to vector<1x400x128xf32>
    tpu.vector_store %arg5[%swap3A_477, %swap3A_478, %swap3A_479], %swap3A_482 {strides = array<i32>} : memref<16x400x128xf32, #tpu.memory_space<vmem>>, vector<1x400x128xf32>,
    %slice3A_483 = vector.extract_strided_slice %dot_general3A_5 {offsets = [0, 128], sizes = [400, 128], strides = [1, 1]} : vector<400x1024xf32> to vector<400x128xf32>
    %get3A_484 = arith.constant 5 : index
    %get3A_485 = arith.constant 0 : index
    %get3A_486 = vector.load %arg3[%get3A_484, %get3A_485] : memref<8x128xf32, #tpu.memory_space<vmem>>, vector<1x1xf32>
    %get3A_487 = vector.extract %get3A_486[0, 0] : f32 from vector<1x1xf32>
    %mul3A_488 = vector.broadcast %get3A_487 : f32 to vector<400x128xf32>
    %mul3A_489 = arith.mulf %mul3A_488, %slice3A_483 : vector<400x128xf32>
    %slice3A_490 = vector.extract_strided_slice %dot_general3A_5 {offsets = [0, 384], sizes = [400, 128], strides = [1, 1]} : vector<400x1024xf32> to vector<400x128xf32>
    %get3A_491 = arith.constant 5 : index
    %get3A_492 = arith.constant 1 : index
    %get3A_493 = vector.load %arg3[%get3A_491, %get3A_492] : memref<8x128xf32, #tpu.memory_space<vmem>>, vector<1x1xf32>
    %get3A_494 = vector.extract %get3A_493[0, 0] : f32 from vector<1x1xf32>
    %mul3A_495 = vector.broadcast %get3A_494 : f32 to vector<400x128xf32>
    %mul3A_496 = arith.mulf %mul3A_495, %slice3A_490 : vector<400x128xf32>
    %add3A_497 = arith.addf %mul3A_489, %mul3A_496 : vector<400x128xf32>
    %slice3A_498 = vector.extract_strided_slice %dot_general3A_5 {offsets = [0, 640], sizes = [400, 128], strides = [1, 1]} : vector<400x1024xf32> to vector<400x128xf32>
    %get3A_499 = arith.constant 5 : index
    %get3A_500 = arith.constant 2 : index
    %get3A_501 = vector.load %arg3[%get3A_499, %get3A_500] : memref<8x128xf32, #tpu.memory_space<vmem>>, vector<1x1xf32>
    %get3A_502 = vector.extract %get3A_501[0, 0] : f32 from vector<1x1xf32>
    %mul3A_503 = vector.broadcast %get3A_502 : f32 to vector<400x128xf32>
    %mul3A_504 = arith.mulf %mul3A_503, %slice3A_498 : vector<400x128xf32>
    %add3A_505 = arith.addf %add3A_497, %mul3A_504 : vector<400x128xf32>
    %slice3A_506 = vector.extract_strided_slice %dot_general3A_5 {offsets = [0, 896], sizes = [400, 128], strides = [1, 1]} : vector<400x1024xf32> to vector<400x128xf32>
    %get3A_507 = arith.constant 5 : index
    %get3A_508 = arith.constant 3 : index
    %get3A_509 = vector.load %arg3[%get3A_507, %get3A_508] : memref<8x128xf32, #tpu.memory_space<vmem>>, vector<1x1xf32>
    %get3A_510 = vector.extract %get3A_509[0, 0] : f32 from vector<1x1xf32>
    %mul3A_511 = vector.broadcast %get3A_510 : f32 to vector<400x128xf32>
    %mul3A_512 = arith.mulf %mul3A_511, %slice3A_506 : vector<400x128xf32>
    %add3A_513 = arith.addf %add3A_505, %mul3A_512 : vector<400x128xf32>
    %swap3A_514 = arith.constant 13 : index
    %swap3A_515 = arith.constant 0 : index
    %swap3A_516 = arith.constant 0 : index
    %swap3A_517 = vector.load %arg5[%swap3A_514, %swap3A_515, %swap3A_516] : memref<16x400x128xf32, #tpu.memory_space<vmem>>, vector<1x400x128xf32>
    %swap3A_518 = vector.shape_cast %swap3A_517 : vector<1x400x128xf32> to vector<400x128xf32>
    %swap3A_519 = vector.shape_cast %add3A_513 : vector<400x128xf32> to vector<1x400x128xf32>
    tpu.vector_store %arg5[%swap3A_514, %swap3A_515, %swap3A_516], %swap3A_519 {strides = array<i32>} : memref<16x400x128xf32, #tpu.memory_space<vmem>>, vector<1x400x128xf32>,
    %slice3A_520 = vector.extract_strided_slice %dot_general3A_5 {offsets = [0, 128], sizes = [400, 128], strides = [1, 1]} : vector<400x1024xf32> to vector<400x128xf32>
    %get3A_521 = arith.constant 6 : index
    %get3A_522 = arith.constant 0 : index
    %get3A_523 = vector.load %arg3[%get3A_521, %get3A_522] : memref<8x128xf32, #tpu.memory_space<vmem>>, vector<1x1xf32>
    %get3A_524 = vector.extract %get3A_523[0, 0] : f32 from vector<1x1xf32>
    %mul3A_525 = vector.broadcast %get3A_524 : f32 to vector<400x128xf32>
    %mul3A_526 = arith.mulf %mul3A_525, %slice3A_520 : vector<400x128xf32>
    %slice3A_527 = vector.extract_strided_slice %dot_general3A_5 {offsets = [0, 384], sizes = [400, 128], strides = [1, 1]} : vector<400x1024xf32> to vector<400x128xf32>
    %get3A_528 = arith.constant 6 : index
    %get3A_529 = arith.constant 1 : index
    %get3A_530 = vector.load %arg3[%get3A_528, %get3A_529] : memref<8x128xf32, #tpu.memory_space<vmem>>, vector<1x1xf32>
    %get3A_531 = vector.extract %get3A_530[0, 0] : f32 from vector<1x1xf32>
    %mul3A_532 = vector.broadcast %get3A_531 : f32 to vector<400x128xf32>
    %mul3A_533 = arith.mulf %mul3A_532, %slice3A_527 : vector<400x128xf32>
    %add3A_534 = arith.addf %mul3A_526, %mul3A_533 : vector<400x128xf32>
    %slice3A_535 = vector.extract_strided_slice %dot_general3A_5 {offsets = [0, 640], sizes = [400, 128], strides = [1, 1]} : vector<400x1024xf32> to vector<400x128xf32>
    %get3A_536 = arith.constant 6 : index
    %get3A_537 = arith.constant 2 : index
    %get3A_538 = vector.load %arg3[%get3A_536, %get3A_537] : memref<8x128xf32, #tpu.memory_space<vmem>>, vector<1x1xf32>
    %get3A_539 = vector.extract %get3A_538[0, 0] : f32 from vector<1x1xf32>
    %mul3A_540 = vector.broadcast %get3A_539 : f32 to vector<400x128xf32>
    %mul3A_541 = arith.mulf %mul3A_540, %slice3A_535 : vector<400x128xf32>
    %add3A_542 = arith.addf %add3A_534, %mul3A_541 : vector<400x128xf32>
    %slice3A_543 = vector.extract_strided_slice %dot_general3A_5 {offsets = [0, 896], sizes = [400, 128], strides = [1, 1]} : vector<400x1024xf32> to vector<400x128xf32>
    %get3A_544 = arith.constant 6 : index
    %get3A_545 = arith.constant 3 : index
    %get3A_546 = vector.load %arg3[%get3A_544, %get3A_545] : memref<8x128xf32, #tpu.memory_space<vmem>>, vector<1x1xf32>
    %get3A_547 = vector.extract %get3A_546[0, 0] : f32 from vector<1x1xf32>
    %mul3A_548 = vector.broadcast %get3A_547 : f32 to vector<400x128xf32>
    %mul3A_549 = arith.mulf %mul3A_548, %slice3A_543 : vector<400x128xf32>
    %add3A_550 = arith.addf %add3A_542, %mul3A_549 : vector<400x128xf32>
    %swap3A_551 = arith.constant 14 : index
    %swap3A_552 = arith.constant 0 : index
    %swap3A_553 = arith.constant 0 : index
    %swap3A_554 = vector.load %arg5[%swap3A_551, %swap3A_552, %swap3A_553] : memref<16x400x128xf32, #tpu.memory_space<vmem>>, vector<1x400x128xf32>
    %swap3A_555 = vector.shape_cast %swap3A_554 : vector<1x400x128xf32> to vector<400x128xf32>
    %swap3A_556 = vector.shape_cast %add3A_550 : vector<400x128xf32> to vector<1x400x128xf32>
    tpu.vector_store %arg5[%swap3A_551, %swap3A_552, %swap3A_553], %swap3A_556 {strides = array<i32>} : memref<16x400x128xf32, #tpu.memory_space<vmem>>, vector<1x400x128xf32>,
    %slice3A_557 = vector.extract_strided_slice %dot_general3A_5 {offsets = [0, 128], sizes = [400, 128], strides = [1, 1]} : vector<400x1024xf32> to vector<400x128xf32>
    %get3A_558 = arith.constant 7 : index
    %get3A_559 = arith.constant 0 : index
    %get3A_560 = vector.load %arg3[%get3A_558, %get3A_559] : memref<8x128xf32, #tpu.memory_space<vmem>>, vector<1x1xf32>
    %get3A_561 = vector.extract %get3A_560[0, 0] : f32 from vector<1x1xf32>
    %mul3A_562 = vector.broadcast %get3A_561 : f32 to vector<400x128xf32>
    %mul3A_563 = arith.mulf %mul3A_562, %slice3A_557 : vector<400x128xf32>
    %slice3A_564 = vector.extract_strided_slice %dot_general3A_5 {offsets = [0, 384], sizes = [400, 128], strides = [1, 1]} : vector<400x1024xf32> to vector<400x128xf32>
    %get3A_565 = arith.constant 7 : index
    %get3A_566 = arith.constant 1 : index
    %get3A_567 = vector.load %arg3[%get3A_565, %get3A_566] : memref<8x128xf32, #tpu.memory_space<vmem>>, vector<1x1xf32>
    %get3A_568 = vector.extract %get3A_567[0, 0] : f32 from vector<1x1xf32>
    %mul3A_569 = vector.broadcast %get3A_568 : f32 to vector<400x128xf32>
    %mul3A_570 = arith.mulf %mul3A_569, %slice3A_564 : vector<400x128xf32>
    %add3A_571 = arith.addf %mul3A_563, %mul3A_570 : vector<400x128xf32>
    %slice3A_572 = vector.extract_strided_slice %dot_general3A_5 {offsets = [0, 640], sizes = [400, 128], strides = [1, 1]} : vector<400x1024xf32> to vector<400x128xf32>
    %get3A_573 = arith.constant 7 : index
    %get3A_574 = arith.constant 2 : index
    %get3A_575 = vector.load %arg3[%get3A_573, %get3A_574] : memref<8x128xf32, #tpu.memory_space<vmem>>, vector<1x1xf32>
    %get3A_576 = vector.extract %get3A_575[0, 0] : f32 from vector<1x1xf32>
    %mul3A_577 = vector.broadcast %get3A_576 : f32 to vector<400x128xf32>
    %mul3A_578 = arith.mulf %mul3A_577, %slice3A_572 : vector<400x128xf32>
    %add3A_579 = arith.addf %add3A_571, %mul3A_578 : vector<400x128xf32>
    %slice3A_580 = vector.extract_strided_slice %dot_general3A_5 {offsets = [0, 896], sizes = [400, 128], strides = [1, 1]} : vector<400x1024xf32> to vector<400x128xf32>
    %get3A_581 = arith.constant 7 : index
    %get3A_582 = arith.constant 3 : index
    %get3A_583 = vector.load %arg3[%get3A_581, %get3A_582] : memref<8x128xf32, #tpu.memory_space<vmem>>, vector<1x1xf32>
    %get3A_584 = vector.extract %get3A_583[0, 0] : f32 from vector<1x1xf32>
    %mul3A_585 = vector.broadcast %get3A_584 : f32 to vector<400x128xf32>
    %mul3A_586 = arith.mulf %mul3A_585, %slice3A_580 : vector<400x128xf32>
    %add3A_587 = arith.addf %add3A_579, %mul3A_586 : vector<400x128xf32>
    %swap3A_588 = arith.constant 15 : index
    %swap3A_589 = arith.constant 0 : index
    %swap3A_590 = arith.constant 0 : index
    %swap3A_591 = vector.load %arg5[%swap3A_588, %swap3A_589, %swap3A_590] : memref<16x400x128xf32, #tpu.memory_space<vmem>>, vector<1x400x128xf32>
    %swap3A_592 = vector.shape_cast %swap3A_591 : vector<1x400x128xf32> to vector<400x128xf32>
    %swap3A_593 = vector.shape_cast %add3A_587 : vector<400x128xf32> to vector<1x400x128xf32>
    tpu.vector_store %arg5[%swap3A_588, %swap3A_589, %swap3A_590], %swap3A_593 {strides = array<i32>} : memref<16x400x128xf32, #tpu.memory_space<vmem>>, vector<1x400x128xf32>,
    %get3A_594 = arith.constant 0 : index
    %get3A_595 = arith.constant 0 : index
    %get3A_596 = vector.load %arg4[%get3A_594, %get3A_595] : memref<256x256xf32, #tpu.memory_space<vmem>>, vector<256x128xf32>
    %dot_general3A_597 = arith.constant dense<0.000000e+00> : vector<400x128xf32>
    %dot_general3A_598 = tpu.matmul %get3A_1, %get3A_596, %dot_general3A_597 {dimension_numbers = #tpu.dot_dimension_numbers<[1], [0], [0], [1], [0, 0, 1, 1], [], []>, transpose_lhs_hint = false} : vector<400x256xf32>, vector<256x128xf32>, vector<400x128xf32> -> vector<400x128xf32>
    %swap3A_599 = arith.constant 0 : index
    %swap3A_600 = arith.constant 0 : index
    %swap3A_601 = arith.constant 0 : index
    %swap3A_602 = vector.load %arg6[%swap3A_599, %swap3A_600, %swap3A_601] : memref<2x400x128xf32, #tpu.memory_space<vmem>>, vector<1x400x128xf32>
    %swap3A_603 = vector.shape_cast %swap3A_602 : vector<1x400x128xf32> to vector<400x128xf32>
    %swap3A_604 = vector.shape_cast %dot_general3A_598 : vector<400x128xf32> to vector<1x400x128xf32>
    tpu.vector_store %arg6[%swap3A_599, %swap3A_600, %swap3A_601], %swap3A_604 {strides = array<i32>} : memref<2x400x128xf32, #tpu.memory_space<vmem>>, vector<1x400x128xf32>,
    %get3A_605 = arith.constant 0 : index
    %get3A_606 = arith.constant 128 : index
    %get3A_607 = vector.load %arg4[%get3A_605, %get3A_606] : memref<256x256xf32, #tpu.memory_space<vmem>>, vector<256x128xf32>
    %dot_general3A_608 = arith.constant dense<0.000000e+00> : vector<400x128xf32>
    %dot_general3A_609 = tpu.matmul %get3A_1, %get3A_607, %dot_general3A_608 {dimension_numbers = #tpu.dot_dimension_numbers<[1], [0], [0], [1], [0, 0, 1, 1], [], []>, transpose_lhs_hint = false} : vector<400x256xf32>, vector<256x128xf32>, vector<400x128xf32> -> vector<400x128xf32>
    %swap3A_610 = arith.constant 1 : index
    %swap3A_611 = arith.constant 0 : index
    %swap3A_612 = arith.constant 0 : index
    %swap3A_613 = vector.load %arg6[%swap3A_610, %swap3A_611, %swap3A_612] : memref<2x400x128xf32, #tpu.memory_space<vmem>>, vector<1x400x128xf32>
    %swap3A_614 = vector.shape_cast %swap3A_613 : vector<1x400x128xf32> to vector<400x128xf32>
    %swap3A_615 = vector.shape_cast %dot_general3A_609 : vector<400x128xf32> to vector<1x400x128xf32>
    tpu.vector_store %arg6[%swap3A_610, %swap3A_611, %swap3A_612], %swap3A_615 {strides = array<i32>} : memref<2x400x128xf32, #tpu.memory_space<vmem>>, vector<1x400x128xf32>,
    return
  }
  func.func @transform_0(%arg0: i32) -> (i32, i32) {
    %c0_i32 = arith.constant 0 : i32
    %c0_i32_0 = arith.constant 0 : i32
    return %arg0, %c0_i32 : i32, i32
  }
  func.func @transform_1(%arg0: i32) -> (i32, i32) {
    %c0_i32 = arith.constant 0 : i32
    %c0_i32_0 = arith.constant 0 : i32
    %c0_i32_1 = arith.constant 0 : i32
    return %c0_i32, %c0_i32_0 : i32, i32
  }
  func.func @transform_2(%arg0: i32) -> (i32, i32) {
    %c0_i32 = arith.constant 0 : i32
    %c0_i32_0 = arith.constant 0 : i32
    %c0_i32_1 = arith.constant 0 : i32
    return %c0_i32, %c0_i32_0 : i32, i32
  }
  func.func @transform_3(%arg0: i32) -> (i32, i32) {
    %c0_i32 = arith.constant 0 : i32
    %c0_i32_0 = arith.constant 0 : i32
    %c0_i32_1 = arith.constant 0 : i32
    return %c0_i32, %c0_i32_0 : i32, i32
  }
  func.func @transform_4(%arg0: i32) -> (i32, i32, i32) {
    %c0_i32 = arith.constant 0 : i32
    %c0_i32_0 = arith.constant 0 : i32
    %c0_i32_1 = arith.constant 0 : i32
    return %c0_i32, %arg0, %c0_i32_0 : i32, i32, i32
  }
  func.func @transform_5(%arg0: i32) -> (i32, i32, i32) {
    %c0_i32 = arith.constant 0 : i32
    %c0_i32_0 = arith.constant 0 : i32
    %c0_i32_1 = arith.constant 0 : i32
    return %c0_i32, %arg0, %c0_i32_0 : i32, i32, i32
  }
}

module attributes {stable_mosaic.version = 14 : i64} {
  func.func @_actmm_kernel(%arg0: i32, %arg1: memref<2x400x128xf32, #tpu.memory_space<vmem>>, %arg2: memref<2x400x128xf32, #tpu.memory_space<vmem>>, %arg3: memref<256x512xf32, #tpu.memory_space<vmem>>, %arg4: memref<8x128xf32, #tpu.memory_space<vmem>>, %arg5: memref<256x128xf32, #tpu.memory_space<vmem>>, %arg6: memref<8x400x128xf32, #tpu.memory_space<vmem>>, %arg7: memref<1x400x128xf32, #tpu.memory_space<vmem>>) attributes {dimension_semantics = [#tpu.dimension_semantics<arbitrary>], iteration_bounds = array<i64: 25>, scalar_prefetch = 0 : i64, scratch_operands = 0 : i64, tpu.core_type = #tpu.core_type<tc>, window_params = [{transform_indices = @transform_0, window_bounds = array<i64: 2, 400, 128>}, {transform_indices = @transform_1, window_bounds = array<i64: 2, 400, 128>}, {pipeline_mode = #tpu.pipeline_mode<synchronous>, transform_indices = @transform_2, window_bounds = array<i64: 256, 512>}, {pipeline_mode = #tpu.pipeline_mode<synchronous>, transform_indices = @transform_3, window_bounds = array<i64: 8, 128>}, {pipeline_mode = #tpu.pipeline_mode<synchronous>, transform_indices = @transform_4, window_bounds = array<i64: 256, 128>}, {transform_indices = @transform_5, window_bounds = array<i64: 8, 400, 128>}, {transform_indices = @transform_6, window_bounds = array<i64: 1, 400, 128>}]} {
    %get3A = arith.constant 0 : index
    %get3A_0 = arith.constant 0 : index
    %get3A_1 = arith.constant 0 : index
    %get3A_2 = vector.load %arg1[%get3A, %get3A_0, %get3A_1] : memref<2x400x128xf32, #tpu.memory_space<vmem>>, vector<2x400x128xf32>
    %get3A_3 = arith.constant 0 : index
    %get3A_4 = arith.constant 0 : index
    %get3A_5 = arith.constant 0 : index
    %get3A_6 = vector.load %arg2[%get3A_3, %get3A_4, %get3A_5] : memref<2x400x128xf32, #tpu.memory_space<vmem>>, vector<2x400x128xf32>
    %slice3A = vector.extract_strided_slice %get3A_2 {offsets = [0, 0, 0], sizes = [1, 400, 128], strides = [1, 1, 1]} : vector<2x400x128xf32> to vector<1x400x128xf32>
    %squeeze3A = vector.shape_cast %slice3A : vector<1x400x128xf32> to vector<400x128xf32>
    %slice3A_7 = vector.extract_strided_slice %get3A_6 {offsets = [0, 0, 0], sizes = [1, 400, 128], strides = [1, 1, 1]} : vector<2x400x128xf32> to vector<1x400x128xf32>
    %squeeze3A_8 = vector.shape_cast %slice3A_7 : vector<1x400x128xf32> to vector<400x128xf32>
    %add3A = arith.addf %squeeze3A, %squeeze3A_8 : vector<400x128xf32>
    %slice3A_9 = vector.extract_strided_slice %get3A_2 {offsets = [1, 0, 0], sizes = [1, 400, 128], strides = [1, 1, 1]} : vector<2x400x128xf32> to vector<1x400x128xf32>
    %squeeze3A_10 = vector.shape_cast %slice3A_9 : vector<1x400x128xf32> to vector<400x128xf32>
    %slice3A_11 = vector.extract_strided_slice %get3A_6 {offsets = [1, 0, 0], sizes = [1, 400, 128], strides = [1, 1, 1]} : vector<2x400x128xf32> to vector<1x400x128xf32>
    %squeeze3A_12 = vector.shape_cast %slice3A_11 : vector<1x400x128xf32> to vector<400x128xf32>
    %add3A_13 = arith.addf %squeeze3A_10, %squeeze3A_12 : vector<400x128xf32>
    %concatenate3A = tpu.concatenate %add3A, %add3A_13 in 1 : vector<400x128xf32>, vector<400x128xf32> -> vector<400x256xf32>
    %max3A = arith.constant 0.000000e+00 : f32
    %max3A_14 = vector.broadcast %max3A : f32 to vector<400x256xf32>
    %max3A_15 = arith.maximumf %concatenate3A, %max3A_14 : vector<400x256xf32>
    %get3A_16 = arith.constant 0 : index
    %get3A_17 = arith.constant 0 : index
    %get3A_18 = vector.load %arg3[%get3A_16, %get3A_17] : memref<256x512xf32, #tpu.memory_space<vmem>>, vector<256x512xf32>
    %dot_general3A = arith.constant dense<0.000000e+00> : vector<400x512xf32>
    %dot_general3A_19 = tpu.matmul %max3A_15, %get3A_18, %dot_general3A {dimension_numbers = #tpu.dot_dimension_numbers<[1], [0], [0], [1], [0, 0, 1, 1], [], []>, transpose_lhs_hint = false} : vector<400x256xf32>, vector<256x512xf32>, vector<400x512xf32> -> vector<400x512xf32>
    %slice3A_20 = vector.extract_strided_slice %dot_general3A_19 {offsets = [0, 0], sizes = [400, 128], strides = [1, 1]} : vector<400x512xf32> to vector<400x128xf32>
    %get3A_21 = arith.constant 0 : index
    %get3A_22 = arith.constant 0 : index
    %get3A_23 = vector.load %arg4[%get3A_21, %get3A_22] : memref<8x128xf32, #tpu.memory_space<vmem>>, vector<1x1xf32>
    %get3A_24 = vector.extract %get3A_23[0, 0] : f32 from vector<1x1xf32>
    %mul3A = vector.broadcast %get3A_24 : f32 to vector<400x128xf32>
    %mul3A_25 = arith.mulf %mul3A, %slice3A_20 : vector<400x128xf32>
    %slice3A_26 = vector.extract_strided_slice %dot_general3A_19 {offsets = [0, 128], sizes = [400, 128], strides = [1, 1]} : vector<400x512xf32> to vector<400x128xf32>
    %get3A_27 = arith.constant 0 : index
    %get3A_28 = arith.constant 1 : index
    %get3A_29 = vector.load %arg4[%get3A_27, %get3A_28] : memref<8x128xf32, #tpu.memory_space<vmem>>, vector<1x1xf32>
    %get3A_30 = vector.extract %get3A_29[0, 0] : f32 from vector<1x1xf32>
    %mul3A_31 = vector.broadcast %get3A_30 : f32 to vector<400x128xf32>
    %mul3A_32 = arith.mulf %mul3A_31, %slice3A_26 : vector<400x128xf32>
    %add3A_33 = arith.addf %mul3A_25, %mul3A_32 : vector<400x128xf32>
    %slice3A_34 = vector.extract_strided_slice %dot_general3A_19 {offsets = [0, 256], sizes = [400, 128], strides = [1, 1]} : vector<400x512xf32> to vector<400x128xf32>
    %get3A_35 = arith.constant 0 : index
    %get3A_36 = arith.constant 2 : index
    %get3A_37 = vector.load %arg4[%get3A_35, %get3A_36] : memref<8x128xf32, #tpu.memory_space<vmem>>, vector<1x1xf32>
    %get3A_38 = vector.extract %get3A_37[0, 0] : f32 from vector<1x1xf32>
    %mul3A_39 = vector.broadcast %get3A_38 : f32 to vector<400x128xf32>
    %mul3A_40 = arith.mulf %mul3A_39, %slice3A_34 : vector<400x128xf32>
    %add3A_41 = arith.addf %add3A_33, %mul3A_40 : vector<400x128xf32>
    %slice3A_42 = vector.extract_strided_slice %dot_general3A_19 {offsets = [0, 384], sizes = [400, 128], strides = [1, 1]} : vector<400x512xf32> to vector<400x128xf32>
    %get3A_43 = arith.constant 0 : index
    %get3A_44 = arith.constant 3 : index
    %get3A_45 = vector.load %arg4[%get3A_43, %get3A_44] : memref<8x128xf32, #tpu.memory_space<vmem>>, vector<1x1xf32>
    %get3A_46 = vector.extract %get3A_45[0, 0] : f32 from vector<1x1xf32>
    %mul3A_47 = vector.broadcast %get3A_46 : f32 to vector<400x128xf32>
    %mul3A_48 = arith.mulf %mul3A_47, %slice3A_42 : vector<400x128xf32>
    %add3A_49 = arith.addf %add3A_41, %mul3A_48 : vector<400x128xf32>
    %swap3A = arith.constant 0 : index
    %swap3A_50 = arith.constant 0 : index
    %swap3A_51 = arith.constant 0 : index
    %swap3A_52 = vector.load %arg6[%swap3A, %swap3A_50, %swap3A_51] : memref<8x400x128xf32, #tpu.memory_space<vmem>>, vector<1x400x128xf32>
    %swap3A_53 = vector.shape_cast %swap3A_52 : vector<1x400x128xf32> to vector<400x128xf32>
    %swap3A_54 = vector.shape_cast %add3A_49 : vector<400x128xf32> to vector<1x400x128xf32>
    tpu.vector_store %arg6[%swap3A, %swap3A_50, %swap3A_51], %swap3A_54 {strides = array<i32>} : memref<8x400x128xf32, #tpu.memory_space<vmem>>, vector<1x400x128xf32>,
    %slice3A_55 = vector.extract_strided_slice %dot_general3A_19 {offsets = [0, 0], sizes = [400, 128], strides = [1, 1]} : vector<400x512xf32> to vector<400x128xf32>
    %get3A_56 = arith.constant 1 : index
    %get3A_57 = arith.constant 0 : index
    %get3A_58 = vector.load %arg4[%get3A_56, %get3A_57] : memref<8x128xf32, #tpu.memory_space<vmem>>, vector<1x1xf32>
    %get3A_59 = vector.extract %get3A_58[0, 0] : f32 from vector<1x1xf32>
    %mul3A_60 = vector.broadcast %get3A_59 : f32 to vector<400x128xf32>
    %mul3A_61 = arith.mulf %mul3A_60, %slice3A_55 : vector<400x128xf32>
    %slice3A_62 = vector.extract_strided_slice %dot_general3A_19 {offsets = [0, 128], sizes = [400, 128], strides = [1, 1]} : vector<400x512xf32> to vector<400x128xf32>
    %get3A_63 = arith.constant 1 : index
    %get3A_64 = arith.constant 1 : index
    %get3A_65 = vector.load %arg4[%get3A_63, %get3A_64] : memref<8x128xf32, #tpu.memory_space<vmem>>, vector<1x1xf32>
    %get3A_66 = vector.extract %get3A_65[0, 0] : f32 from vector<1x1xf32>
    %mul3A_67 = vector.broadcast %get3A_66 : f32 to vector<400x128xf32>
    %mul3A_68 = arith.mulf %mul3A_67, %slice3A_62 : vector<400x128xf32>
    %add3A_69 = arith.addf %mul3A_61, %mul3A_68 : vector<400x128xf32>
    %slice3A_70 = vector.extract_strided_slice %dot_general3A_19 {offsets = [0, 256], sizes = [400, 128], strides = [1, 1]} : vector<400x512xf32> to vector<400x128xf32>
    %get3A_71 = arith.constant 1 : index
    %get3A_72 = arith.constant 2 : index
    %get3A_73 = vector.load %arg4[%get3A_71, %get3A_72] : memref<8x128xf32, #tpu.memory_space<vmem>>, vector<1x1xf32>
    %get3A_74 = vector.extract %get3A_73[0, 0] : f32 from vector<1x1xf32>
    %mul3A_75 = vector.broadcast %get3A_74 : f32 to vector<400x128xf32>
    %mul3A_76 = arith.mulf %mul3A_75, %slice3A_70 : vector<400x128xf32>
    %add3A_77 = arith.addf %add3A_69, %mul3A_76 : vector<400x128xf32>
    %slice3A_78 = vector.extract_strided_slice %dot_general3A_19 {offsets = [0, 384], sizes = [400, 128], strides = [1, 1]} : vector<400x512xf32> to vector<400x128xf32>
    %get3A_79 = arith.constant 1 : index
    %get3A_80 = arith.constant 3 : index
    %get3A_81 = vector.load %arg4[%get3A_79, %get3A_80] : memref<8x128xf32, #tpu.memory_space<vmem>>, vector<1x1xf32>
    %get3A_82 = vector.extract %get3A_81[0, 0] : f32 from vector<1x1xf32>
    %mul3A_83 = vector.broadcast %get3A_82 : f32 to vector<400x128xf32>
    %mul3A_84 = arith.mulf %mul3A_83, %slice3A_78 : vector<400x128xf32>
    %add3A_85 = arith.addf %add3A_77, %mul3A_84 : vector<400x128xf32>
    %swap3A_86 = arith.constant 1 : index
    %swap3A_87 = arith.constant 0 : index
    %swap3A_88 = arith.constant 0 : index
    %swap3A_89 = vector.load %arg6[%swap3A_86, %swap3A_87, %swap3A_88] : memref<8x400x128xf32, #tpu.memory_space<vmem>>, vector<1x400x128xf32>
    %swap3A_90 = vector.shape_cast %swap3A_89 : vector<1x400x128xf32> to vector<400x128xf32>
    %swap3A_91 = vector.shape_cast %add3A_85 : vector<400x128xf32> to vector<1x400x128xf32>
    tpu.vector_store %arg6[%swap3A_86, %swap3A_87, %swap3A_88], %swap3A_91 {strides = array<i32>} : memref<8x400x128xf32, #tpu.memory_space<vmem>>, vector<1x400x128xf32>,
    %slice3A_92 = vector.extract_strided_slice %dot_general3A_19 {offsets = [0, 0], sizes = [400, 128], strides = [1, 1]} : vector<400x512xf32> to vector<400x128xf32>
    %get3A_93 = arith.constant 2 : index
    %get3A_94 = arith.constant 0 : index
    %get3A_95 = vector.load %arg4[%get3A_93, %get3A_94] : memref<8x128xf32, #tpu.memory_space<vmem>>, vector<1x1xf32>
    %get3A_96 = vector.extract %get3A_95[0, 0] : f32 from vector<1x1xf32>
    %mul3A_97 = vector.broadcast %get3A_96 : f32 to vector<400x128xf32>
    %mul3A_98 = arith.mulf %mul3A_97, %slice3A_92 : vector<400x128xf32>
    %slice3A_99 = vector.extract_strided_slice %dot_general3A_19 {offsets = [0, 128], sizes = [400, 128], strides = [1, 1]} : vector<400x512xf32> to vector<400x128xf32>
    %get3A_100 = arith.constant 2 : index
    %get3A_101 = arith.constant 1 : index
    %get3A_102 = vector.load %arg4[%get3A_100, %get3A_101] : memref<8x128xf32, #tpu.memory_space<vmem>>, vector<1x1xf32>
    %get3A_103 = vector.extract %get3A_102[0, 0] : f32 from vector<1x1xf32>
    %mul3A_104 = vector.broadcast %get3A_103 : f32 to vector<400x128xf32>
    %mul3A_105 = arith.mulf %mul3A_104, %slice3A_99 : vector<400x128xf32>
    %add3A_106 = arith.addf %mul3A_98, %mul3A_105 : vector<400x128xf32>
    %slice3A_107 = vector.extract_strided_slice %dot_general3A_19 {offsets = [0, 256], sizes = [400, 128], strides = [1, 1]} : vector<400x512xf32> to vector<400x128xf32>
    %get3A_108 = arith.constant 2 : index
    %get3A_109 = arith.constant 2 : index
    %get3A_110 = vector.load %arg4[%get3A_108, %get3A_109] : memref<8x128xf32, #tpu.memory_space<vmem>>, vector<1x1xf32>
    %get3A_111 = vector.extract %get3A_110[0, 0] : f32 from vector<1x1xf32>
    %mul3A_112 = vector.broadcast %get3A_111 : f32 to vector<400x128xf32>
    %mul3A_113 = arith.mulf %mul3A_112, %slice3A_107 : vector<400x128xf32>
    %add3A_114 = arith.addf %add3A_106, %mul3A_113 : vector<400x128xf32>
    %slice3A_115 = vector.extract_strided_slice %dot_general3A_19 {offsets = [0, 384], sizes = [400, 128], strides = [1, 1]} : vector<400x512xf32> to vector<400x128xf32>
    %get3A_116 = arith.constant 2 : index
    %get3A_117 = arith.constant 3 : index
    %get3A_118 = vector.load %arg4[%get3A_116, %get3A_117] : memref<8x128xf32, #tpu.memory_space<vmem>>, vector<1x1xf32>
    %get3A_119 = vector.extract %get3A_118[0, 0] : f32 from vector<1x1xf32>
    %mul3A_120 = vector.broadcast %get3A_119 : f32 to vector<400x128xf32>
    %mul3A_121 = arith.mulf %mul3A_120, %slice3A_115 : vector<400x128xf32>
    %add3A_122 = arith.addf %add3A_114, %mul3A_121 : vector<400x128xf32>
    %swap3A_123 = arith.constant 2 : index
    %swap3A_124 = arith.constant 0 : index
    %swap3A_125 = arith.constant 0 : index
    %swap3A_126 = vector.load %arg6[%swap3A_123, %swap3A_124, %swap3A_125] : memref<8x400x128xf32, #tpu.memory_space<vmem>>, vector<1x400x128xf32>
    %swap3A_127 = vector.shape_cast %swap3A_126 : vector<1x400x128xf32> to vector<400x128xf32>
    %swap3A_128 = vector.shape_cast %add3A_122 : vector<400x128xf32> to vector<1x400x128xf32>
    tpu.vector_store %arg6[%swap3A_123, %swap3A_124, %swap3A_125], %swap3A_128 {strides = array<i32>} : memref<8x400x128xf32, #tpu.memory_space<vmem>>, vector<1x400x128xf32>,
    %slice3A_129 = vector.extract_strided_slice %dot_general3A_19 {offsets = [0, 0], sizes = [400, 128], strides = [1, 1]} : vector<400x512xf32> to vector<400x128xf32>
    %get3A_130 = arith.constant 3 : index
    %get3A_131 = arith.constant 0 : index
    %get3A_132 = vector.load %arg4[%get3A_130, %get3A_131] : memref<8x128xf32, #tpu.memory_space<vmem>>, vector<1x1xf32>
    %get3A_133 = vector.extract %get3A_132[0, 0] : f32 from vector<1x1xf32>
    %mul3A_134 = vector.broadcast %get3A_133 : f32 to vector<400x128xf32>
    %mul3A_135 = arith.mulf %mul3A_134, %slice3A_129 : vector<400x128xf32>
    %slice3A_136 = vector.extract_strided_slice %dot_general3A_19 {offsets = [0, 128], sizes = [400, 128], strides = [1, 1]} : vector<400x512xf32> to vector<400x128xf32>
    %get3A_137 = arith.constant 3 : index
    %get3A_138 = arith.constant 1 : index
    %get3A_139 = vector.load %arg4[%get3A_137, %get3A_138] : memref<8x128xf32, #tpu.memory_space<vmem>>, vector<1x1xf32>
    %get3A_140 = vector.extract %get3A_139[0, 0] : f32 from vector<1x1xf32>
    %mul3A_141 = vector.broadcast %get3A_140 : f32 to vector<400x128xf32>
    %mul3A_142 = arith.mulf %mul3A_141, %slice3A_136 : vector<400x128xf32>
    %add3A_143 = arith.addf %mul3A_135, %mul3A_142 : vector<400x128xf32>
    %slice3A_144 = vector.extract_strided_slice %dot_general3A_19 {offsets = [0, 256], sizes = [400, 128], strides = [1, 1]} : vector<400x512xf32> to vector<400x128xf32>
    %get3A_145 = arith.constant 3 : index
    %get3A_146 = arith.constant 2 : index
    %get3A_147 = vector.load %arg4[%get3A_145, %get3A_146] : memref<8x128xf32, #tpu.memory_space<vmem>>, vector<1x1xf32>
    %get3A_148 = vector.extract %get3A_147[0, 0] : f32 from vector<1x1xf32>
    %mul3A_149 = vector.broadcast %get3A_148 : f32 to vector<400x128xf32>
    %mul3A_150 = arith.mulf %mul3A_149, %slice3A_144 : vector<400x128xf32>
    %add3A_151 = arith.addf %add3A_143, %mul3A_150 : vector<400x128xf32>
    %slice3A_152 = vector.extract_strided_slice %dot_general3A_19 {offsets = [0, 384], sizes = [400, 128], strides = [1, 1]} : vector<400x512xf32> to vector<400x128xf32>
    %get3A_153 = arith.constant 3 : index
    %get3A_154 = arith.constant 3 : index
    %get3A_155 = vector.load %arg4[%get3A_153, %get3A_154] : memref<8x128xf32, #tpu.memory_space<vmem>>, vector<1x1xf32>
    %get3A_156 = vector.extract %get3A_155[0, 0] : f32 from vector<1x1xf32>
    %mul3A_157 = vector.broadcast %get3A_156 : f32 to vector<400x128xf32>
    %mul3A_158 = arith.mulf %mul3A_157, %slice3A_152 : vector<400x128xf32>
    %add3A_159 = arith.addf %add3A_151, %mul3A_158 : vector<400x128xf32>
    %swap3A_160 = arith.constant 3 : index
    %swap3A_161 = arith.constant 0 : index
    %swap3A_162 = arith.constant 0 : index
    %swap3A_163 = vector.load %arg6[%swap3A_160, %swap3A_161, %swap3A_162] : memref<8x400x128xf32, #tpu.memory_space<vmem>>, vector<1x400x128xf32>
    %swap3A_164 = vector.shape_cast %swap3A_163 : vector<1x400x128xf32> to vector<400x128xf32>
    %swap3A_165 = vector.shape_cast %add3A_159 : vector<400x128xf32> to vector<1x400x128xf32>
    tpu.vector_store %arg6[%swap3A_160, %swap3A_161, %swap3A_162], %swap3A_165 {strides = array<i32>} : memref<8x400x128xf32, #tpu.memory_space<vmem>>, vector<1x400x128xf32>,
    %slice3A_166 = vector.extract_strided_slice %dot_general3A_19 {offsets = [0, 0], sizes = [400, 128], strides = [1, 1]} : vector<400x512xf32> to vector<400x128xf32>
    %get3A_167 = arith.constant 4 : index
    %get3A_168 = arith.constant 0 : index
    %get3A_169 = vector.load %arg4[%get3A_167, %get3A_168] : memref<8x128xf32, #tpu.memory_space<vmem>>, vector<1x1xf32>
    %get3A_170 = vector.extract %get3A_169[0, 0] : f32 from vector<1x1xf32>
    %mul3A_171 = vector.broadcast %get3A_170 : f32 to vector<400x128xf32>
    %mul3A_172 = arith.mulf %mul3A_171, %slice3A_166 : vector<400x128xf32>
    %slice3A_173 = vector.extract_strided_slice %dot_general3A_19 {offsets = [0, 128], sizes = [400, 128], strides = [1, 1]} : vector<400x512xf32> to vector<400x128xf32>
    %get3A_174 = arith.constant 4 : index
    %get3A_175 = arith.constant 1 : index
    %get3A_176 = vector.load %arg4[%get3A_174, %get3A_175] : memref<8x128xf32, #tpu.memory_space<vmem>>, vector<1x1xf32>
    %get3A_177 = vector.extract %get3A_176[0, 0] : f32 from vector<1x1xf32>
    %mul3A_178 = vector.broadcast %get3A_177 : f32 to vector<400x128xf32>
    %mul3A_179 = arith.mulf %mul3A_178, %slice3A_173 : vector<400x128xf32>
    %add3A_180 = arith.addf %mul3A_172, %mul3A_179 : vector<400x128xf32>
    %slice3A_181 = vector.extract_strided_slice %dot_general3A_19 {offsets = [0, 256], sizes = [400, 128], strides = [1, 1]} : vector<400x512xf32> to vector<400x128xf32>
    %get3A_182 = arith.constant 4 : index
    %get3A_183 = arith.constant 2 : index
    %get3A_184 = vector.load %arg4[%get3A_182, %get3A_183] : memref<8x128xf32, #tpu.memory_space<vmem>>, vector<1x1xf32>
    %get3A_185 = vector.extract %get3A_184[0, 0] : f32 from vector<1x1xf32>
    %mul3A_186 = vector.broadcast %get3A_185 : f32 to vector<400x128xf32>
    %mul3A_187 = arith.mulf %mul3A_186, %slice3A_181 : vector<400x128xf32>
    %add3A_188 = arith.addf %add3A_180, %mul3A_187 : vector<400x128xf32>
    %slice3A_189 = vector.extract_strided_slice %dot_general3A_19 {offsets = [0, 384], sizes = [400, 128], strides = [1, 1]} : vector<400x512xf32> to vector<400x128xf32>
    %get3A_190 = arith.constant 4 : index
    %get3A_191 = arith.constant 3 : index
    %get3A_192 = vector.load %arg4[%get3A_190, %get3A_191] : memref<8x128xf32, #tpu.memory_space<vmem>>, vector<1x1xf32>
    %get3A_193 = vector.extract %get3A_192[0, 0] : f32 from vector<1x1xf32>
    %mul3A_194 = vector.broadcast %get3A_193 : f32 to vector<400x128xf32>
    %mul3A_195 = arith.mulf %mul3A_194, %slice3A_189 : vector<400x128xf32>
    %add3A_196 = arith.addf %add3A_188, %mul3A_195 : vector<400x128xf32>
    %swap3A_197 = arith.constant 4 : index
    %swap3A_198 = arith.constant 0 : index
    %swap3A_199 = arith.constant 0 : index
    %swap3A_200 = vector.load %arg6[%swap3A_197, %swap3A_198, %swap3A_199] : memref<8x400x128xf32, #tpu.memory_space<vmem>>, vector<1x400x128xf32>
    %swap3A_201 = vector.shape_cast %swap3A_200 : vector<1x400x128xf32> to vector<400x128xf32>
    %swap3A_202 = vector.shape_cast %add3A_196 : vector<400x128xf32> to vector<1x400x128xf32>
    tpu.vector_store %arg6[%swap3A_197, %swap3A_198, %swap3A_199], %swap3A_202 {strides = array<i32>} : memref<8x400x128xf32, #tpu.memory_space<vmem>>, vector<1x400x128xf32>,
    %slice3A_203 = vector.extract_strided_slice %dot_general3A_19 {offsets = [0, 0], sizes = [400, 128], strides = [1, 1]} : vector<400x512xf32> to vector<400x128xf32>
    %get3A_204 = arith.constant 5 : index
    %get3A_205 = arith.constant 0 : index
    %get3A_206 = vector.load %arg4[%get3A_204, %get3A_205] : memref<8x128xf32, #tpu.memory_space<vmem>>, vector<1x1xf32>
    %get3A_207 = vector.extract %get3A_206[0, 0] : f32 from vector<1x1xf32>
    %mul3A_208 = vector.broadcast %get3A_207 : f32 to vector<400x128xf32>
    %mul3A_209 = arith.mulf %mul3A_208, %slice3A_203 : vector<400x128xf32>
    %slice3A_210 = vector.extract_strided_slice %dot_general3A_19 {offsets = [0, 128], sizes = [400, 128], strides = [1, 1]} : vector<400x512xf32> to vector<400x128xf32>
    %get3A_211 = arith.constant 5 : index
    %get3A_212 = arith.constant 1 : index
    %get3A_213 = vector.load %arg4[%get3A_211, %get3A_212] : memref<8x128xf32, #tpu.memory_space<vmem>>, vector<1x1xf32>
    %get3A_214 = vector.extract %get3A_213[0, 0] : f32 from vector<1x1xf32>
    %mul3A_215 = vector.broadcast %get3A_214 : f32 to vector<400x128xf32>
    %mul3A_216 = arith.mulf %mul3A_215, %slice3A_210 : vector<400x128xf32>
    %add3A_217 = arith.addf %mul3A_209, %mul3A_216 : vector<400x128xf32>
    %slice3A_218 = vector.extract_strided_slice %dot_general3A_19 {offsets = [0, 256], sizes = [400, 128], strides = [1, 1]} : vector<400x512xf32> to vector<400x128xf32>
    %get3A_219 = arith.constant 5 : index
    %get3A_220 = arith.constant 2 : index
    %get3A_221 = vector.load %arg4[%get3A_219, %get3A_220] : memref<8x128xf32, #tpu.memory_space<vmem>>, vector<1x1xf32>
    %get3A_222 = vector.extract %get3A_221[0, 0] : f32 from vector<1x1xf32>
    %mul3A_223 = vector.broadcast %get3A_222 : f32 to vector<400x128xf32>
    %mul3A_224 = arith.mulf %mul3A_223, %slice3A_218 : vector<400x128xf32>
    %add3A_225 = arith.addf %add3A_217, %mul3A_224 : vector<400x128xf32>
    %slice3A_226 = vector.extract_strided_slice %dot_general3A_19 {offsets = [0, 384], sizes = [400, 128], strides = [1, 1]} : vector<400x512xf32> to vector<400x128xf32>
    %get3A_227 = arith.constant 5 : index
    %get3A_228 = arith.constant 3 : index
    %get3A_229 = vector.load %arg4[%get3A_227, %get3A_228] : memref<8x128xf32, #tpu.memory_space<vmem>>, vector<1x1xf32>
    %get3A_230 = vector.extract %get3A_229[0, 0] : f32 from vector<1x1xf32>
    %mul3A_231 = vector.broadcast %get3A_230 : f32 to vector<400x128xf32>
    %mul3A_232 = arith.mulf %mul3A_231, %slice3A_226 : vector<400x128xf32>
    %add3A_233 = arith.addf %add3A_225, %mul3A_232 : vector<400x128xf32>
    %swap3A_234 = arith.constant 5 : index
    %swap3A_235 = arith.constant 0 : index
    %swap3A_236 = arith.constant 0 : index
    %swap3A_237 = vector.load %arg6[%swap3A_234, %swap3A_235, %swap3A_236] : memref<8x400x128xf32, #tpu.memory_space<vmem>>, vector<1x400x128xf32>
    %swap3A_238 = vector.shape_cast %swap3A_237 : vector<1x400x128xf32> to vector<400x128xf32>
    %swap3A_239 = vector.shape_cast %add3A_233 : vector<400x128xf32> to vector<1x400x128xf32>
    tpu.vector_store %arg6[%swap3A_234, %swap3A_235, %swap3A_236], %swap3A_239 {strides = array<i32>} : memref<8x400x128xf32, #tpu.memory_space<vmem>>, vector<1x400x128xf32>,
    %slice3A_240 = vector.extract_strided_slice %dot_general3A_19 {offsets = [0, 0], sizes = [400, 128], strides = [1, 1]} : vector<400x512xf32> to vector<400x128xf32>
    %get3A_241 = arith.constant 6 : index
    %get3A_242 = arith.constant 0 : index
    %get3A_243 = vector.load %arg4[%get3A_241, %get3A_242] : memref<8x128xf32, #tpu.memory_space<vmem>>, vector<1x1xf32>
    %get3A_244 = vector.extract %get3A_243[0, 0] : f32 from vector<1x1xf32>
    %mul3A_245 = vector.broadcast %get3A_244 : f32 to vector<400x128xf32>
    %mul3A_246 = arith.mulf %mul3A_245, %slice3A_240 : vector<400x128xf32>
    %slice3A_247 = vector.extract_strided_slice %dot_general3A_19 {offsets = [0, 128], sizes = [400, 128], strides = [1, 1]} : vector<400x512xf32> to vector<400x128xf32>
    %get3A_248 = arith.constant 6 : index
    %get3A_249 = arith.constant 1 : index
    %get3A_250 = vector.load %arg4[%get3A_248, %get3A_249] : memref<8x128xf32, #tpu.memory_space<vmem>>, vector<1x1xf32>
    %get3A_251 = vector.extract %get3A_250[0, 0] : f32 from vector<1x1xf32>
    %mul3A_252 = vector.broadcast %get3A_251 : f32 to vector<400x128xf32>
    %mul3A_253 = arith.mulf %mul3A_252, %slice3A_247 : vector<400x128xf32>
    %add3A_254 = arith.addf %mul3A_246, %mul3A_253 : vector<400x128xf32>
    %slice3A_255 = vector.extract_strided_slice %dot_general3A_19 {offsets = [0, 256], sizes = [400, 128], strides = [1, 1]} : vector<400x512xf32> to vector<400x128xf32>
    %get3A_256 = arith.constant 6 : index
    %get3A_257 = arith.constant 2 : index
    %get3A_258 = vector.load %arg4[%get3A_256, %get3A_257] : memref<8x128xf32, #tpu.memory_space<vmem>>, vector<1x1xf32>
    %get3A_259 = vector.extract %get3A_258[0, 0] : f32 from vector<1x1xf32>
    %mul3A_260 = vector.broadcast %get3A_259 : f32 to vector<400x128xf32>
    %mul3A_261 = arith.mulf %mul3A_260, %slice3A_255 : vector<400x128xf32>
    %add3A_262 = arith.addf %add3A_254, %mul3A_261 : vector<400x128xf32>
    %slice3A_263 = vector.extract_strided_slice %dot_general3A_19 {offsets = [0, 384], sizes = [400, 128], strides = [1, 1]} : vector<400x512xf32> to vector<400x128xf32>
    %get3A_264 = arith.constant 6 : index
    %get3A_265 = arith.constant 3 : index
    %get3A_266 = vector.load %arg4[%get3A_264, %get3A_265] : memref<8x128xf32, #tpu.memory_space<vmem>>, vector<1x1xf32>
    %get3A_267 = vector.extract %get3A_266[0, 0] : f32 from vector<1x1xf32>
    %mul3A_268 = vector.broadcast %get3A_267 : f32 to vector<400x128xf32>
    %mul3A_269 = arith.mulf %mul3A_268, %slice3A_263 : vector<400x128xf32>
    %add3A_270 = arith.addf %add3A_262, %mul3A_269 : vector<400x128xf32>
    %swap3A_271 = arith.constant 6 : index
    %swap3A_272 = arith.constant 0 : index
    %swap3A_273 = arith.constant 0 : index
    %swap3A_274 = vector.load %arg6[%swap3A_271, %swap3A_272, %swap3A_273] : memref<8x400x128xf32, #tpu.memory_space<vmem>>, vector<1x400x128xf32>
    %swap3A_275 = vector.shape_cast %swap3A_274 : vector<1x400x128xf32> to vector<400x128xf32>
    %swap3A_276 = vector.shape_cast %add3A_270 : vector<400x128xf32> to vector<1x400x128xf32>
    tpu.vector_store %arg6[%swap3A_271, %swap3A_272, %swap3A_273], %swap3A_276 {strides = array<i32>} : memref<8x400x128xf32, #tpu.memory_space<vmem>>, vector<1x400x128xf32>,
    %slice3A_277 = vector.extract_strided_slice %dot_general3A_19 {offsets = [0, 0], sizes = [400, 128], strides = [1, 1]} : vector<400x512xf32> to vector<400x128xf32>
    %get3A_278 = arith.constant 7 : index
    %get3A_279 = arith.constant 0 : index
    %get3A_280 = vector.load %arg4[%get3A_278, %get3A_279] : memref<8x128xf32, #tpu.memory_space<vmem>>, vector<1x1xf32>
    %get3A_281 = vector.extract %get3A_280[0, 0] : f32 from vector<1x1xf32>
    %mul3A_282 = vector.broadcast %get3A_281 : f32 to vector<400x128xf32>
    %mul3A_283 = arith.mulf %mul3A_282, %slice3A_277 : vector<400x128xf32>
    %slice3A_284 = vector.extract_strided_slice %dot_general3A_19 {offsets = [0, 128], sizes = [400, 128], strides = [1, 1]} : vector<400x512xf32> to vector<400x128xf32>
    %get3A_285 = arith.constant 7 : index
    %get3A_286 = arith.constant 1 : index
    %get3A_287 = vector.load %arg4[%get3A_285, %get3A_286] : memref<8x128xf32, #tpu.memory_space<vmem>>, vector<1x1xf32>
    %get3A_288 = vector.extract %get3A_287[0, 0] : f32 from vector<1x1xf32>
    %mul3A_289 = vector.broadcast %get3A_288 : f32 to vector<400x128xf32>
    %mul3A_290 = arith.mulf %mul3A_289, %slice3A_284 : vector<400x128xf32>
    %add3A_291 = arith.addf %mul3A_283, %mul3A_290 : vector<400x128xf32>
    %slice3A_292 = vector.extract_strided_slice %dot_general3A_19 {offsets = [0, 256], sizes = [400, 128], strides = [1, 1]} : vector<400x512xf32> to vector<400x128xf32>
    %get3A_293 = arith.constant 7 : index
    %get3A_294 = arith.constant 2 : index
    %get3A_295 = vector.load %arg4[%get3A_293, %get3A_294] : memref<8x128xf32, #tpu.memory_space<vmem>>, vector<1x1xf32>
    %get3A_296 = vector.extract %get3A_295[0, 0] : f32 from vector<1x1xf32>
    %mul3A_297 = vector.broadcast %get3A_296 : f32 to vector<400x128xf32>
    %mul3A_298 = arith.mulf %mul3A_297, %slice3A_292 : vector<400x128xf32>
    %add3A_299 = arith.addf %add3A_291, %mul3A_298 : vector<400x128xf32>
    %slice3A_300 = vector.extract_strided_slice %dot_general3A_19 {offsets = [0, 384], sizes = [400, 128], strides = [1, 1]} : vector<400x512xf32> to vector<400x128xf32>
    %get3A_301 = arith.constant 7 : index
    %get3A_302 = arith.constant 3 : index
    %get3A_303 = vector.load %arg4[%get3A_301, %get3A_302] : memref<8x128xf32, #tpu.memory_space<vmem>>, vector<1x1xf32>
    %get3A_304 = vector.extract %get3A_303[0, 0] : f32 from vector<1x1xf32>
    %mul3A_305 = vector.broadcast %get3A_304 : f32 to vector<400x128xf32>
    %mul3A_306 = arith.mulf %mul3A_305, %slice3A_300 : vector<400x128xf32>
    %add3A_307 = arith.addf %add3A_299, %mul3A_306 : vector<400x128xf32>
    %swap3A_308 = arith.constant 7 : index
    %swap3A_309 = arith.constant 0 : index
    %swap3A_310 = arith.constant 0 : index
    %swap3A_311 = vector.load %arg6[%swap3A_308, %swap3A_309, %swap3A_310] : memref<8x400x128xf32, #tpu.memory_space<vmem>>, vector<1x400x128xf32>
    %swap3A_312 = vector.shape_cast %swap3A_311 : vector<1x400x128xf32> to vector<400x128xf32>
    %swap3A_313 = vector.shape_cast %add3A_307 : vector<400x128xf32> to vector<1x400x128xf32>
    tpu.vector_store %arg6[%swap3A_308, %swap3A_309, %swap3A_310], %swap3A_313 {strides = array<i32>} : memref<8x400x128xf32, #tpu.memory_space<vmem>>, vector<1x400x128xf32>,
    %get3A_314 = arith.constant 0 : index
    %get3A_315 = arith.constant 0 : index
    %get3A_316 = vector.load %arg5[%get3A_314, %get3A_315] : memref<256x128xf32, #tpu.memory_space<vmem>>, vector<256x128xf32>
    %dot_general3A_317 = arith.constant dense<0.000000e+00> : vector<400x128xf32>
    %dot_general3A_318 = tpu.matmul %max3A_15, %get3A_316, %dot_general3A_317 {dimension_numbers = #tpu.dot_dimension_numbers<[1], [0], [0], [1], [0, 0, 1, 1], [], []>, transpose_lhs_hint = false} : vector<400x256xf32>, vector<256x128xf32>, vector<400x128xf32> -> vector<400x128xf32>
    %swap3A_319 = arith.constant 0 : index
    %swap3A_320 = arith.constant 0 : index
    %swap3A_321 = arith.constant 0 : index
    %swap3A_322 = vector.load %arg7[%swap3A_319, %swap3A_320, %swap3A_321] : memref<1x400x128xf32, #tpu.memory_space<vmem>>, vector<1x400x128xf32>
    %swap3A_323 = vector.shape_cast %swap3A_322 : vector<1x400x128xf32> to vector<400x128xf32>
    %swap3A_324 = vector.shape_cast %dot_general3A_318 : vector<400x128xf32> to vector<1x400x128xf32>
    tpu.vector_store %arg7[%swap3A_319, %swap3A_320, %swap3A_321], %swap3A_324 {strides = array<i32>} : memref<1x400x128xf32, #tpu.memory_space<vmem>>, vector<1x400x128xf32>,
    return
  }
  func.func @transform_0(%arg0: i32) -> (i32, i32, i32) {
    %c0_i32 = arith.constant 0 : i32
    %c0_i32_0 = arith.constant 0 : i32
    %c0_i32_1 = arith.constant 0 : i32
    return %c0_i32, %arg0, %c0_i32_0 : i32, i32, i32
  }
  func.func @transform_1(%arg0: i32) -> (i32, i32, i32) {
    %c0_i32 = arith.constant 0 : i32
    %c0_i32_0 = arith.constant 0 : i32
    %c0_i32_1 = arith.constant 0 : i32
    return %c0_i32, %arg0, %c0_i32_0 : i32, i32, i32
  }
  func.func @transform_2(%arg0: i32) -> (i32, i32) {
    %c0_i32 = arith.constant 0 : i32
    %c0_i32_0 = arith.constant 0 : i32
    %c0_i32_1 = arith.constant 0 : i32
    return %c0_i32, %c0_i32_0 : i32, i32
  }
  func.func @transform_3(%arg0: i32) -> (i32, i32) {
    %c0_i32 = arith.constant 0 : i32
    %c0_i32_0 = arith.constant 0 : i32
    %c0_i32_1 = arith.constant 0 : i32
    return %c0_i32, %c0_i32_0 : i32, i32
  }
  func.func @transform_4(%arg0: i32) -> (i32, i32) {
    %c0_i32 = arith.constant 0 : i32
    %c0_i32_0 = arith.constant 0 : i32
    %c0_i32_1 = arith.constant 0 : i32
    return %c0_i32, %c0_i32_0 : i32, i32
  }
  func.func @transform_5(%arg0: i32) -> (i32, i32, i32) {
    %c0_i32 = arith.constant 0 : i32
    %c0_i32_0 = arith.constant 0 : i32
    %c0_i32_1 = arith.constant 0 : i32
    return %c0_i32, %arg0, %c0_i32_0 : i32, i32, i32
  }
  func.func @transform_6(%arg0: i32) -> (i32, i32, i32) {
    %c0_i32 = arith.constant 0 : i32
    %c0_i32_0 = arith.constant 0 : i32
    %c0_i32_1 = arith.constant 0 : i32
    return %c0_i32, %arg0, %c0_i32_0 : i32, i32, i32
  }
}

module attributes {stable_mosaic.version = 14 : i64} {
  func.func @_act_softmax_kernel(%arg0: i32, %arg1: memref<2x400x128xf32, #tpu.memory_space<vmem>>, %arg2: memref<400x128xf32, #tpu.memory_space<vmem>>, %arg3: memref<400x128xf32, #tpu.memory_space<vmem>>) attributes {dimension_semantics = [#tpu.dimension_semantics<arbitrary>], iteration_bounds = array<i64: 25>, scalar_prefetch = 0 : i64, scratch_operands = 0 : i64, tpu.core_type = #tpu.core_type<tc>, window_params = [{transform_indices = @transform_0, window_bounds = array<i64: 2, 400, 128>}, {transform_indices = @transform_1, window_bounds = array<i64: 400, 128>}, {transform_indices = @transform_2, window_bounds = array<i64: 400, 128>}]} {
    %get3A = arith.constant 0 : index
    %get3A_0 = arith.constant 0 : index
    %get3A_1 = arith.constant 0 : index
    %get3A_2 = vector.load %arg1[%get3A, %get3A_0, %get3A_1] : memref<2x400x128xf32, #tpu.memory_space<vmem>>, vector<2x400x128xf32>
    %slice3A = vector.extract_strided_slice %get3A_2 {offsets = [0, 0, 0], sizes = [1, 400, 128], strides = [1, 1, 1]} : vector<2x400x128xf32> to vector<1x400x128xf32>
    %squeeze3A = vector.shape_cast %slice3A : vector<1x400x128xf32> to vector<400x128xf32>
    %slice3A_3 = vector.extract_strided_slice %get3A_2 {offsets = [1, 0, 0], sizes = [1, 400, 128], strides = [1, 1, 1]} : vector<2x400x128xf32> to vector<1x400x128xf32>
    %squeeze3A_4 = vector.shape_cast %slice3A_3 : vector<1x400x128xf32> to vector<400x128xf32>
    %add3A = arith.addf %squeeze3A, %squeeze3A_4 : vector<400x128xf32>
    %get3A_5 = arith.constant 0 : index
    %get3A_6 = arith.constant 0 : index
    %get3A_7 = vector.load %arg2[%get3A_5, %get3A_6] : memref<400x128xf32, #tpu.memory_space<vmem>>, vector<400x128xf32>
    %add3A_8 = arith.addf %add3A, %get3A_7 : vector<400x128xf32>
    %reduce_max3A = arith.constant dense<0xFF800000> : vector<400xf32>
    %reduce_max3A_9 = vector.multi_reduction <maximumf>, %add3A_8, %reduce_max3A [1] : vector<400x128xf32> to vector<400xf32>
    %broadcast_in_dim3A = vector.shape_cast %reduce_max3A_9 : vector<400xf32> to vector<400x1xf32>
    %sub3A = vector.broadcast %broadcast_in_dim3A : vector<400x1xf32> to vector<400x128xf32>
    %sub3A_10 = arith.subf %add3A_8, %sub3A : vector<400x128xf32>
    %exp3A = math.exp %sub3A_10 : vector<400x128xf32>
    %reduce_sum3A = arith.constant dense<0.000000e+00> : vector<400xf32>
    %reduce_sum3A_11 = vector.multi_reduction <add>, %exp3A, %reduce_sum3A [1] : vector<400x128xf32> to vector<400xf32>
    %broadcast_in_dim3A_12 = vector.shape_cast %reduce_sum3A_11 : vector<400xf32> to vector<400x1xf32>
    %div3A = vector.broadcast %broadcast_in_dim3A_12 : vector<400x1xf32> to vector<400x128xf32>
    %div3A_13 = arith.divf %exp3A, %div3A : vector<400x128xf32>
    %swap3A = arith.constant 0 : index
    %swap3A_14 = arith.constant 0 : index
    %swap3A_15 = vector.load %arg3[%swap3A, %swap3A_14] : memref<400x128xf32, #tpu.memory_space<vmem>>, vector<400x128xf32>
    tpu.vector_store %arg3[%swap3A, %swap3A_14], %div3A_13 {strides = array<i32>} : memref<400x128xf32, #tpu.memory_space<vmem>>, vector<400x128xf32>,
    return
  }
  func.func @transform_0(%arg0: i32) -> (i32, i32, i32) {
    %c0_i32 = arith.constant 0 : i32
    %c0_i32_0 = arith.constant 0 : i32
    %c0_i32_1 = arith.constant 0 : i32
    return %c0_i32, %arg0, %c0_i32_0 : i32, i32, i32
  }
  func.func @transform_1(%arg0: i32) -> (i32, i32) {
    %c0_i32 = arith.constant 0 : i32
    %c0_i32_0 = arith.constant 0 : i32
    return %arg0, %c0_i32 : i32, i32
  }
  func.func @transform_2(%arg0: i32) -> (i32, i32) {
    %c0_i32 = arith.constant 0 : i32
    %c0_i32_0 = arith.constant 0 : i32
    return %arg0, %c0_i32 : i32, i32
  }
}

</mosaic_0001>

<sc_bundles>
// kernel: kernel.12.cloned.1.call-start
scs
__scs_entry_jumppad:
0x0: {  	(pc) =	sbr.rel $0x88, $3  }
0x1: {  	(tag) =	ssettag $0x0;
	lr =	simm.s32 $0x1  }
0x2: {  	[smem:$0x3F96] =	sst lr;
	_ =	strace $0xD0000000  }
0x3: {  	_ = 	snop  }
0x4: {  	_ = 	snop  }
0x5: {  	_ = 	snop  }
0x6: {  	_ = 	snop  }
0x7: {  	_ = 	snop  }
__scs_overlays_trampoline_lowered:
0x8: {  	[smem:$0x3FA5] =	sst s0  }
0x9: {  	[smem:$0x3FA6] =	sst s1  }
0xa: {  	[smem:$0x3FA7] =	sst s2  }
0xb: {  	[smem:$0x3FA8] =	sst s3  }
0xc: {  	[smem:$0x3FA9] =	sst s4  }
0xd: {  	[smem:$0x3FAA] =	sst s5  }
0xe: {  	[smem:$0x3FAB] =	sst s6  }
0xf: {  	[smem:$0x3FAC] =	sst s7  }
0x10: {  	[smem:$0x3FAD] =	sst s8  }
0x11: {  	[smem:$0x3FAE] =	sst s9;
	s0 =	simm.s32 @!p0 $0x0  }
0x12: {  	s1 =	sld [smem:$0x3F94];
	s0 =	simm.s32 @p0 $0x1  }
0x13: {  	[smem:$0x3FAF] =	sst s0;
	s0 =	simm.s32 @!p1 $0x0  }
0x14: {  	s2 =	sld [smem:$0x3F93];
	s0 =	simm.s32 @p1 $0x1  }
0x15: {  	[smem:$0x3FB0] =	sst s0;
	s0 =	simm.s32 @!p2 $0x0  }
0x16: {  	s3 =	sld [smem:$0x3FDB];
	s0 =	simm.s32 @p2 $0x1  }
0x17: {  	s4 =	simm.s32 $0x1BF5;
	[smem:$0x3FB2] =	sst s0  }
0x18: {  	s0 =	sld [smem:$0x3F95];
	_ =	swait.ge [sflag:s4], $0x0  }
0x19: {  	s7 =	sld [smem:$0x3F96]  }
0x1a: {  	s8 =	sadd.s32 $0xFFFFE003, lr  }
0x1b: {  	s9 =	sadd.s32 $0xFFFFFEF7, lr;
	s5 =	simm.s32 $0xFFFFFFFF;
	p2 =	slt.u32 s8, $0xFFFFF086  }
0x1c: {  	p1 =	slt.u32 s9, $0xF7A;
	s5 =	simm.s32 @!p2 $0x0  }
0x1d: {  	s5 =	simm.s32 @p1 $0x1;
	p0 =	seq.s32 s7, s2  }
0x1e: {  	s7 =	smul.u32 @!p0 $0xF7A, s2;
	p2 =	seq.s32 @!p0 s5, $0x0  }
0x1f: {  	s9 =	smul.u32 $0xF7A, s1;
	s8 =	simm.s32 @!p0 $0x1BF5;
	p2 =	por !p2, p0  }
0x20: {  	[sflag:s8] =	ssyncset.s32 @!p0 $0xFFFFF086;
	s6 =	sadd.s32 @!p0 s3, s7;
	s7 =	simm.s32 @!p0 $0x108  }
0x21: {  	s3 =	sadd.s32 s3, s9;
	s6 =	sadd.s32 @!p0 $0x88, s6;
	s7 =	simm.s32 @p2 $0x1082  }
0x22: {  	[simem:s7], [sflag:s8] =	dma.local @!p0 [hbm:s6], $0xF7A  }
0x23: {  	s9 =	sor.u32 $0xD0000000, s2;
	s6 =	simm.s32 $0x108;
	_ =	swait.ge @!p0 [sflag:s8], $0x0  }
0x24: {  	s3 =	sadd.s32 $0x88, s3;
	s6 =	simm.s32 @!p1 $0x1082;
	[sflag:s4] =	ssyncset.s32 $0xFFFFF086  }
0x25: {  	[simem:s6], [sflag:s4] =	dma.local [hbm:s3], $0xF7A  }
0x26: {  	[smem:$0x3F96] =	sst s1;
	(tag) =	ssettag s2;
	_ =	strace s9  }
0x27: {  	s1 =	sld [smem:$0x3FA6]  }
0x28: {  	s2 =	sld [smem:$0x3FA7]  }
0x29: {  	s4 =	sld [smem:$0x3FA9]  }
0x2a: {  	p0 =	seq.s32 s5, $0x0;
	s5 =	sld [smem:$0x3FAA]  }
0x2b: {  	s6 =	sld [smem:$0x3FAB]  }
0x2c: {  	s7 =	sld [smem:$0x3FAC]  }
0x2d: {  	s3 =	simm.s32 $0x108;
	s8 =	sld [smem:$0x3FAD]  }
0x2e: {  	s3 =	simm.s32 @!p0 $0x1082;
	s9 =	sld [smem:$0x3FAE]  }
0x2f: {  	lr =	sadd.s32 s0, s3;
	s0 =	sld [smem:$0x3FA5]  }
0x30: {  	s3 =	sld [smem:$0x3FA8]  }
0x31: {  	[smem:$0x3FB1] =	sst s10  }
0x32: {  	s10 =	sld [smem:$0x3FAF];
	_ =	sdelay $0x3  }
0x33: {  	p0 =	seq.s32 s10, $0x1;
	s10 =	sld [smem:$0x3FB1];
	_ =	sdelay $0x3  }
0x34: {  	[smem:$0x3FB1] =	sst s10  }
0x35: {  	s10 =	sld [smem:$0x3FB0];
	_ =	sdelay $0x3  }
0x36: {  	p1 =	seq.s32 s10, $0x1;
	s10 =	sld [smem:$0x3FB1];
	_ =	sdelay $0x3  }
0x37: {  	[smem:$0x3FB1] =	sst s10  }
0x38: {  	s10 =	sld [smem:$0x3FB2]  }
0x39: {  	_ = 	snop;
	(pc) =	sbr.ind lr, $3  }
0x3a: {  	_ = 	snop  }
0x3b: {  	_ = 	snop  }
0x3c: {  	p2 =	seq.s32 s10, $0x1;
	s10 =	sld [smem:$0x3FB1]  }
0x3d: {  	_ =	shalt  }
0x3e: {  	_ =	shalt  }
0x3f: {  	_ =	shalt  }
0x40: {  	_ =	shalt  }
0x41: {  	_ =	shalt  }
0x42: {  	_ =	shalt  }
0x43: {  	_ =	shalt  }
0x44: {  	_ =	shalt  }
0x45: {  	_ =	shalt  }
0x46: {  	_ =	shalt  }
0x47: {  	_ =	shalt  }
0x48: {  	_ =	shalt  }
0x49: {  	_ =	shalt  }
0x4a: {  	_ =	shalt  }
0x4b: {  	_ =	shalt  }
0x4c: {  	_ =	shalt  }
0x4d: {  	_ =	shalt  }
0x4e: {  	_ =	shalt  }
0x4f: {  	_ =	shalt  }
0x50: {  	_ =	shalt  }
0x51: {  	_ =	shalt  }
0x52: {  	_ =	shalt  }
0x53: {  	_ =	shalt  }
0x54: {  	_ =	shalt  }
0x55: {  	_ =	shalt  }
0x56: {  	_ =	shalt  }
0x57: {  	_ =	shalt  }
0x58: {  	_ =	shalt  }
0x59: {  	_ =	shalt  }
0x5a: {  	_ =	shalt  }
0x5b: {  	_ =	shalt  }
0x5c: {  	_ =	shalt  }
0x5d: {  	_ =	shalt  }
0x5e: {  	_ =	shalt  }
0x5f: {  	_ =	shalt  }
0x60: {  	_ =	shalt  }
0x61: {  	_ =	shalt  }
0x62: {  	_ =	shalt  }
0x63: {  	_ =	shalt  }
0x64: {  	_ =	shalt  }
0x65: {  	_ =	shalt  }
0x66: {  	_ =	shalt  }
0x67: {  	_ =	shalt  }
0x68: {  	_ =	shalt  }
0x69: {  	_ =	shalt  }
0x6a: {  	_ =	shalt  }
0x6b: {  	_ =	shalt  }
0x6c: {  	_ =	shalt  }
0x6d: {  	_ =	shalt  }
0x6e: {  	_ =	shalt  }
0x6f: {  	_ =	shalt  }
0x70: {  	_ =	shalt  }
0x71: {  	_ =	shalt  }
0x72: {  	_ =	shalt  }
0x73: {  	_ =	shalt  }
0x74: {  	_ =	shalt  }
0x75: {  	_ =	shalt  }
0x76: {  	_ =	shalt  }
0x77: {  	_ =	shalt  }
0x78: {  	_ =	shalt  }
0x79: {  	_ =	shalt  }
0x7a: {  	_ =	shalt  }
0x7b: {  	_ =	shalt  }
0x7c: {  	_ =	shalt  }
0x7d: {  	_ =	shalt  }
0x7e: {  	_ =	shalt  }
0x7f: {  	_ =	shalt  }
0x80: {  	_ =	shalt  }
0x81: {  	_ =	shalt  }
0x82: {  	_ =	shalt  }
0x83: {  	_ =	shalt  }
0x84: {  	_ =	shalt  }
0x85: {  	_ =	shalt  }
0x86: {  	_ =	shalt  }
0x87: {  	_ =	shalt  }
.Lfunc_end0:
.L_simem_size_0:
called_computation.1_lowered:
.L_overlay_start_0:
0x88: {  	s2 =	sld [smem:$0x3FD9]  }
0x89: {  	s3 =	sld [smem:$0x3FFE];
	_ =	sdelay $0x1  }
0x8a: {  	s1 =	srdreg.scid  }
0x8b: {  	s0 =	sand.u32 $0x1, s1  }
0x8c: {  	s16 =	sshll.u32 s0, $0xA;
	s2 =	sadd.s32 s3, s2  }
0x8d: {  	s2 =	sadd.s32 s2, s16  }
0x8e: {  	[smem:$0x3FBD] =	sst s2  }
0x8f: {  	_ = 	snop  }
0x90: {  	(tm) =	ssettm $0x1  }
0x91: {  	s17 =	sld [smem:$0x3FFB];
	_ =	sdelay $0x3  }
0x92: {  	_ =	strace s17  }
0x93: {  	s2 =	sld [smem:$0x3FFC];
	_ =	sdelay $0x3  }
0x94: {  	_ =	strace s2  }
0x95: {  	s2 =	sld [smem:$0x3FFD];
	_ =	sdelay $0x3  }
0x96: {  	_ =	strace s2  }
0x97: {  	_ =	strace $0x8FFFFFFF  }
0x98: {  	s18 =	sld [smem:$0x3FDB];
	_ =	sdelay $0x1  }
0x99: {  	s19 =	simm.s32 $_scs_section_size  }
0x9a: {  	s4 =	simm.s32 $_size__tile_overlayer_lowered;
	s5 =	simm.s32 $_tile_overlayer_lowered  }
0x9b: {  	s22 =	simm.s32 $0x1BFF;
	s21 =	sshll.u32 s5, $0x1;
	s2 =	sadd.s32 s19, s18  }
0x9c: {  	s6 =	simm.s32 $0x0;
	s20 =	sshll.u32 s4, $0x1;
	s4 =	sadd.s32 s21, s2  }
0x9d: {  	[timem:s6], [sflag:s22] =	dma.local [hbm:s4], s20  }
0x9e: {  	_ =	swait.ge [sflag:s22], s20  }
0x9f: {  	s3 =	ssub.s32 $0x0, s20;
	[sflag:s22] =	ssyncset.done $0x0  }
0xa0: {  	[sflag:s22] =	ssyncadd.s32 s3;
	_ =	sdelay $0x1  }
0xa1: {  	s23 =	simm.s32 $0x1B8B  }
0xa2: {  	_ =	swait.ge [sflag:s23], $0x1  }
0xa3: {  	[sflag:s23] =	ssyncset.done $0x0  }
0xa4: {  	s25 =	simm.s32 $0x1B8E;
	s24 =	sld [smem:$0x3FFE];
	[sflag:s23] =	ssyncadd.s32 $0xFFFFFFFF  }
0xa5: {  	s26 =	simm.s32 $execute0_lowered;
	[smem:$0x3FD2] =	sst s25  }
0xa6: {  	s4 =	sshll.u32 s26, $0x1;
	_ =	strace $0x80000049;
	[dreg:$0x1] =	wrdreg $0xFFFFFFFF  }
0xa7: {  	s28 =	simm.s32 $_size_execute0_lowered;
	s2 =	sadd.s32 s2, s4;
	[dreg:$0x0] =	wrdreg $0x0  }
0xa8: {  	s4 =	sshll.u32 s28, $0x1;
	[dreg:$0x2] =	wrdreg s2  }
0xa9: {  	[dreg:$0x3] =	wrdreg s4  }
0xaa: {  	[dreg:$0x4] =	wrdreg $0xC0  }
0xab: {  	_ =	task [dreg:s6], $0x5FFFF  }
0xac: {  	[dreg:$0x1] =	wrdreg $0xFFFFFFFF  }
0xad: {  	[dreg:$0x0] =	wrdreg $0x60  }
0xae: {  	[dreg:$0x2] =	wrdreg s24  }
0xaf: {  	[dreg:$0x3] =	wrdreg $0x83000  }
0xb0: {  	[dreg:$0x4] =	wrdreg $0x9  }
0xb1: {  	_ =	task.clear_ibuf [dreg:s6], $0x5FFFF;
	_ =	strace $0x90000049  }
0xb2: {  	s29 =	simm.s32 $0x9;
	_ =	strace $0x8000004B  }
0xb3: {  	_ =	swait.ge [sflag:s29], $0x1  }
0xb4: {  	[sflag:s29] =	ssyncadd.s32 $0xFFFFFFFF  }
0xb5: {  	_ =	strace $0x9000004B  }
0xb6: {  	_ =	sfence  }
0xb7: {  	s30 =	sld [smem:$0x0];
	_ =	sdelay $0x2  }
0xb8: {  	s31 =	sshll.u32 s1, $0xD;
	s1 =	sshrl.u32 s1, $0x2  }
0xb9: {  	s3 =	sand.u32 $0x4000, s31;
	s1 =	sadd.s32 s1, s30  }
0xba: {  	s0 =	sor.u32 s3, s0;
	s1 =	sshll.u32 s1, $0x11  }
0xbb: {  	s0 =	sor.u32 s1, s0  }
0xbc: {  	s0 =	sadd.s32 $0x8F2B, s0  }
0xbd: {  	[sflag:s0] =	ssyncadd.remote.s32 $0x1  }
0xbe: {  	_ =	sfence.sel $0xFFFF  }
0xbf: {  	[dreg:$0x0] =	wrdreg $0xFFFFFFFF;
	(pc) =	sbr.abs _section_cstart, $3  }
0xc0: {  	[dreg:$0x1] =	wrdreg $0xFFFFFFFF  }
0xc1: {  	_ =	task.clear_ibuf [dreg:s6], $0x2FFFF;
	_ =	strace $0x9FFFFFFF  }
0xc2: {  	(tm) =	ssettm $0x7FFFFFFF  }
0xc3: {  	_ =	shalt  }
tec
execute0_lowered:
.L_overlay_start_1:
0x0: {  	(tag) =	ssettag $0x1  }
0x1: {  	s0 =	rddreg [dreg:$0x0]  }
0x2: {  	s1 =	rddreg [dreg:$0x1]  }
0x3: {  	s2 =	simm.s32 $0x0;
	s13 =	stileid.u32;
	s3 =	srdreg.scid  }
0x4: {  	s28 =	simm.s32 $0x180;
	s29 =	simm.s32 $0x280;
	s30 =	simm.s32 $0x4300  }
0x5: {  	s31 =	simm.s32 $0x1;
	[smem:$0x7FF] =	sst s2;
	s8 =	smul.u32 $0x4E400, s13  }
0x6: {  	s4 =	sadd.s32 $0xCE00, s0;
	s5 =	sadd.s32 $0x11E00, s0;
	s9 =	smul.u32 $0x2800, s13  }
0x7: {  	s6 =	sadd.s32 $0x16E00, s0;
	s7 =	sadd.s32 $0x1BE00, s0;
	s16 =	smul.u32 $0x13800, s13  }
0x8: {  	s0 =	sadd.s32 $0x2DB000, s0;
	s3 =	sand.u32 $0x1, s3;
	s18 =	smul.u32 $0x4E000, s13  }
0x9: {  	p0 =	sne.s32 s13, $0xF;
	_ =	strace $0x8000004A;
	s11 =	smul.u32 $0x13880, s3  }
0xa: {  	s10 =	ssub.s32 $0x2, s3;
	s3 =	smul.u32 $0x138800, s3;
	s8 =	sshrl.u32 s8, $0x2  }
0xb: {  	s12 =	sshrl.u32 s10, $0x1;
	s21 =	sshrl.u32 s9, $0x3;
	s25 =	sshrl.u32 s18, $0x2  }
0xc: {  	s8 =	sadd.s32 s8, s1;
	s10 =	ssub.s32 s10, s12;
	s23 =	sadd.s32 s4, s21  }
0xd: {  	s15 =	sadd.s32 s6, s21;
	s17 =	sadd.s32 s16, s3;
	s16 =	sadd.s32 s5, s21  }
0xe: {  	s3 =	sshrl.u32 s3, $0x3;
	s26 =	sadd.s32 s25, s1;
	s21 =	simm.s32 $0x3  }
0xf: {  	s25 =	simm.s32 $0x200;
	s19 =	sadd.s32 $0x4000, s8;
	[dreg:$0x7] =	wrdreg s23  }
0x10: {  	s20 =	sadd.s32 $0x8000, s8;
	s14 =	sadd.s32 $0xC000, s8;
	[dreg:$0x3] =	wrdreg s19  }
0x11: {  	s22 =	sadd.s32 $0x10000, s8;
	s24 =	sshrl.u32 s17, $0x3;
	[dreg:$0x4] =	wrdreg s20  }
.Ltmp0:
0x12: {  	s23 =	sshrl.u32 s26, $0x3;
	[dreg:$0x5] =	wrdreg s14;
	(pc) =	sbr.rel .LBB2_1-.Ltmp0, $4  }
0x13: {  	s26 =	simm.s32 $0x4;
	[dreg:$0x6] =	wrdreg s22;
	s17 =	sadd.s32 s0, s24  }
0x14: {  	s0 =	sadd.s32 s0, s3;
	s19 =	smax.u32 s10, $0x1;
	s20 =	simm.s32 $0x300  }
0x15: {  	s22 =	simm.s32 $0x80;
	s18 =	sadd.s32 $0x27000, s0;
	s0 =	sadd.s32 $0x138000, s1  }
0x16: {  	v1 =	vimm.f32 $0.0e+00;
	v0 =	vmov s11;
	s3 =	simm.s32 $0x0;
	s24 =	sshrl.u32 @!p0 s0, $0x3;
	s0 =	simm.s32 $0x100  }
.LBB2_9:
0x17: {  	s10 =	stileid.u32  }
0x18: {  	s10 =	sshll.u32 s10, $0x6  }
0x19: {  	[bflag:$0x0] =	sbarrier.arrive $0xFFFF;
	s10 =	sor.u32 $0x1C03, s10  }
0x1a: {  	[hbm:s17], [sflag:s10] =	dma.local [spmem:s23], $0x2700  }
0x1b: {  	_ =	swait.ge [sflag:s21], $0x2700  }
0x1c: {  	s3 =	sadd.s32 $0x1, s3;
	[sflag:s21] =	ssyncset.done $0x0  }
0x1d: {  	p1 =	sne.s32 s3, s19;
	[sflag:s21] =	ssyncadd.s32 $0xFFFFD900  }
0x1e: {  	[hbm:s18], [sflag:s10] =	dma.local @!p0 [spmem:s24], $0x100  }
.Ltmp1:
0x1f: {  	_ = 	snop;
	(pc) =	sbr.rel @!p1 .LBB2_10-.Ltmp1, $4  }
0x20: {  	s10 =	simm.s32 @!p0 $0x3  }
0x21: {  	_ =	swait.ge @!p0 [sflag:s10], $0x100  }
0x22: {  	[sflag:s10] =	ssyncset.done @!p0 $0x0  }
0x23: {  	[sflag:s10] =	ssyncadd.s32 @!p0 $0xFFFFFF00  }
.LBB2_1:
0x24: {  	s10 =	simm.s32 $0x0;
	s11 =	simm.s32 $0x200  }
.LBB2_2:
0x25: {  	p1 =	sne.s32 s11, $0xFE00;
	[tilespmem:s10+$0x370] =	vst v1  }
0x26: {  	[tilespmem:s10+$0x300] =	vst v1  }
0x27: {  	[tilespmem:s10+$0x310] =	vst v1  }
.Ltmp2:
0x28: {  	[tilespmem:s10+$0x320] =	vst v1;
	(pc) =	sbr.rel @p1 .LBB2_2-.Ltmp2, $4  }
0x29: {  	[tilespmem:s10+$0x330] =	vst v1  }
0x2a: {  	[tilespmem:s10+$0x340] =	vst v1  }
0x2b: {  	[tilespmem:s10+$0x350] =	vst v1  }
0x2c: {  	[tilespmem:s10+$0x360] =	vst v1;
	s10 =	sshra.s32 s11, $0x2;
	s11 =	sadd.s32 $0x200, s11  }
0x2d: {  	[tilespmem:s10+$0x370] =	vst v1  }
0x2e: {  	[tilespmem:s10+$0x300] =	vst v1  }
0x2f: {  	[tilespmem:s10+$0x310] =	vst v1  }
0x30: {  	[tilespmem:s10+$0x320] =	vst v1  }
0x31: {  	[tilespmem:s10+$0x330] =	vst v1  }
0x32: {  	[tilespmem:s10+$0x340] =	vst v1  }
0x33: {  	[tilespmem:s10+$0x350] =	vst v1  }
0x34: {  	[tilespmem:s10+$0x360] =	vst v1  }
0x35: {  	[spmem:s8] =	stream.linear.scatter [tilespmem:s20], [sflag:$0x3], $0x4000, $0x38;
	[tilespmem:$0x1BC00] =	vst v63  }
0x36: {  	_ =	swait.ge [sflag:s21], $0x4000  }
0x37: {  	[sflag:s21] =	ssyncset.done $0x0  }
0x38: {  	s14 =	rddreg [dreg:$0x3];
	[sflag:s21] =	ssyncadd.s32 $0xFFFFC000  }
0x39: {  	[spmem:s14] =	stream.linear.scatter [tilespmem:s20], [sflag:$0x3], $0x4000, $0x38;
	[tilespmem:$0x1BC00] =	vst v63  }
0x3a: {  	_ =	swait.ge [sflag:s21], $0x4000  }
0x3b: {  	[sflag:s21] =	ssyncset.done $0x0  }
0x3c: {  	s11 =	rddreg [dreg:$0x4];
	[sflag:s21] =	ssyncadd.s32 $0xFFFFC000  }
0x3d: {  	[spmem:s11] =	stream.linear.scatter [tilespmem:s20], [sflag:$0x3], $0x4000, $0x38;
	[tilespmem:$0x1BC00] =	vst v63  }
0x3e: {  	_ =	swait.ge [sflag:s21], $0x4000  }
0x3f: {  	[sflag:s21] =	ssyncset.done $0x0  }
0x40: {  	s12 =	rddreg [dreg:$0x5];
	[sflag:s21] =	ssyncadd.s32 $0xFFFFC000  }
0x41: {  	[spmem:s12] =	stream.linear.scatter [tilespmem:s20], [sflag:$0x3], $0x4000, $0x38;
	[tilespmem:$0x1BC00] =	vst v63  }
0x42: {  	_ =	swait.ge [sflag:s21], $0x4000  }
0x43: {  	[sflag:s21] =	ssyncset.done $0x0  }
0x44: {  	s13 =	rddreg [dreg:$0x6];
	[sflag:s21] =	ssyncadd.s32 $0xFFFFC000  }
0x45: {  	[spmem:s13] =	stream.linear.scatter [tilespmem:s20], [sflag:$0x3], $0x3900, $0x38;
	[tilespmem:$0x1BC00] =	vst v63  }
0x46: {  	_ =	swait.ge [sflag:s21], $0x3900  }
0x47: {  	[sflag:s21] =	ssyncset.done $0x0  }
0x48: {  	[sflag:s21] =	ssyncadd.s32 $0xFFFFC700  }
0x49: {  	[bflag:$0x0] =	sbarrier.arrive $0xFFFF  }
0x4a: {  	s14 =	rddreg [dreg:$0x7]  }
0x4b: {  	[tilespmem:s2], [sflag:$0x3] =	stream.linear.gather [hbm4b:s14+s2], $0x80, $0x38;
	[tilespmem:$0x1BC00] =	vst v63  }
0x4c: {  	_ =	swait.ge [sflag:s21], $0x80  }
0x4d: {  	[sflag:s21] =	ssyncset.done $0x0  }
0x4e: {  	[sflag:s21] =	ssyncadd.s32 $0xFFFFFF80  }
0x4f: {  	[tilespmem:s22], [sflag:$0x3] =	stream.linear.gather [hbm4b:s15+s2], $0x80, $0x38;
	[tilespmem:$0x1BC00] =	vst v63  }
0x50: {  	_ =	swait.ge [sflag:s21], $0x80  }
0x51: {  	[sflag:s21] =	ssyncset.done $0x0  }
0x52: {  	[sflag:s21] =	ssyncadd.s32 $0xFFFFFF80  }
0x53: {  	v2 =	vld [tilespmem:$0x80]  }
0x54: {  	v3 =	vld [tilespmem:$0x0]  }
0x55: {  	v4 =	vld [tilespmem:$0x90]  }
0x56: {  	v6 =	vld [tilespmem:$0xA0]  }
0x57: {  	v7 =	vld [tilespmem:$0x20]  }
0x58: {  	v8 =	vld [tilespmem:$0xB0]  }
0x59: {  	v9 =	vld [tilespmem:$0x30]  }
0x5a: {  	v10 =	vld [tilespmem:$0xC0]  }
0x5b: {  	v11 =	vld [tilespmem:$0x40]  }
0x5c: {  	v5 =	vld [tilespmem:$0x10]  }
0x5d: {  	v12 =	vld [tilespmem:$0xD0];
	v2 =	vand.u32 $0x7, v2;
	v4 =	vand.u32 $0x7, v4  }
0x5e: {  	v51 =	vld [tilespmem:$0xE0];
	v3 =	vadd.s32 v0, v3;
	v50 =	vand.u32 $0x7, v6;
	v53 =	vand.u32 $0x7, v8  }
0x5f: {  	v54 =	vld [tilespmem:$0xF0];
	v7 =	vadd.s32 v0, v7;
	v10 =	vand.u32 $0x7, v10;
	v2 =	vmul.u32 $0x2710, v2  }
0x60: {  	v13 =	vld [tilespmem:$0x50];
	v55 =	vadd.s32 v0, v9;
	v58 =	vadd.s32 v0, v11;
	v4 =	vmul.u32 $0x2710, v4  }
0x61: {  	v14 =	vld [tilespmem:$0x60];
	v52 =	vmul.u32 $0x2710, v50;
	v2 =	vadd.s32 v2, v3;
	v3 =	vadd.s32 v0, v5  }
0x62: {  	v57 =	vld [tilespmem:$0x70];
	v59 =	vand.u32 $0x7, v12;
	v5 =	vmul.u32 $0x2710, v53;
	v3 =	vadd.s32 v4, v3;
	[tilespmem:$0x200] =	vst v2  }
0x63: {  	v61 =	vand.u32 $0x7, v51;
	v56 =	vmul.u32 $0x2710, v10;
	v2 =	vadd.s32 v52, v7;
	[tilespmem:$0x210] =	vst v3  }
0x64: {  	v62 =	vand.u32 $0x7, v54;
	v60 =	vmul.u32 $0x2710, v59;
	v3 =	vadd.s32 v5, v55;
	[tilespmem:$0x220] =	vst v2  }
0x65: {  	v2 =	vadd.s32 v56, v58;
	v5 =	vmul.u32 $0x2710, v61;
	[tilespmem:$0x230] =	vst v3;
	v3 =	vadd.s32 v0, v13  }
0x66: {  	v63 =	vmul.u32 $0x2710, v62;
	[tilespmem:$0x240] =	vst v2;
	v2 =	vadd.s32 v60, v3;
	v3 =	vadd.s32 v0, v14  }
0x67: {  	[tilespmem:$0x250] =	vst v2;
	v2 =	vadd.s32 v5, v3;
	v3 =	vadd.s32 v0, v57  }
0x68: {  	[tilespmem:$0x260] =	vst v2;
	v2 =	vadd.s32 v63, v3  }
0x69: {  	s10 =	simm.s32 $0x100;
	[tilespmem:$0x270] =	vst v2  }
0x6a: {  	[tilespmem:s10], [sflag:$0x3] =	stream.linear.gather [hbm4b:s16+s2], $0x80, $0x38;
	[tilespmem:$0x1BC00] =	vst v63  }
.Ltmp3:
0x6b: {  	_ = 	snop;
	(pc) =	sbr.rel .LBB2_4-.Ltmp3, $4  }
0x6c: {  	_ =	swait.ge [sflag:s21], $0x80  }
0x6d: {  	[sflag:s21] =	ssyncset.done $0x0  }
0x6e: {  	s11 =	simm.s32 $0x1;
	[sflag:s21] =	ssyncadd.s32 $0xFFFFFF80  }
0x6f: {  	[tilespmem:s20], [sflag:$0x1] =	stream.indirect.gather [hbm4b:s7+s22], $0x80, s25, s22, $0xb8;
	[tilespmem:$0x1BC00] =	vst v63  }
.LBB2_8:
0x70: {  	s12 =	simm.s32 @!p1 $0x2  }
0x71: {  	s13 =	simm.s32 @!p1 $0x180;
	_ =	swait.ge @!p1 [sflag:s12], $0x4000  }
0x72: {  	s14 =	simm.s32 @!p1 $0x4300;
	s10 =	sadd.s32 $0x100, s10;
	[sflag:s12] =	ssyncset.done @!p1 $0x0  }
0x73: {  	p2 =	sne.s32 s10, $0x2900;
	[sflag:s12] =	ssyncadd.s32 @!p1 $0xFFFFC000;
	s12 =	simm.s32 @!p1 $0x80  }
0x74: {  	[spmem:s1] =	stream.indirect.scatter.add.f32 @!p1 [tilespmem:s14], [sflag:$0x3], $0x80, s13, s12, $0xb8;
	[tilespmem:$0x1BC00] =	vst v63  }
.Ltmp4:
0x75: {  	_ = 	snop;
	(pc) =	sbr.rel @!p2 .LBB2_9-.Ltmp4, $4  }
0x76: {  	s12 =	simm.s32 @!p1 $0x3  }
0x77: {  	_ =	swait.ge @!p1 [sflag:s12], $0x4000  }
0x78: {  	[sflag:s12] =	ssyncset.done @!p1 $0x0  }
0x79: {  	s11 =	sadd.s32 $0x2, s11;
	[sflag:s12] =	ssyncadd.s32 @!p1 $0xFFFFC000  }
.LBB2_4:
0x7a: {  	p1 =	sgt.u32 s11, $0x4E  }
.Ltmp5:
0x7b: {  	_ = 	snop;
	(pc) =	sbr.rel @p1 .LBB2_6-.Ltmp5, $1  }
0x7c: {  	_ =	sdelay $0x3  }
0x7d: {  	s12 =	sadd.s32 $0xFFFFFF00, s10  }
0x7e: {  	s13 =	sadd.s32 $0xFFFFFF80, s10;
	s12 =	sand.u32 $0x3C00, s12  }
0x7f: {  	s13 =	sand.u32 $0x380, s13;
	s12 =	sadd.s32 s9, s12  }
0x80: {  	s12 =	sor.u32 s12, s13  }
0x81: {  	s12 =	sshrl.u32 s12, $0x3  }
0x82: {  	s14 =	sadd.s32 s4, s12  }
0x83: {  	[tilespmem:s2], [sflag:$0x4] =	stream.linear.gather [hbm4b:s14+s2], $0x80, $0x38;
	[tilespmem:$0x1BC00] =	vst v63  }
0x84: {  	_ =	swait.ge [sflag:s26], $0x80  }
0x85: {  	[sflag:s26] =	ssyncset.done $0x0  }
0x86: {  	s14 =	sadd.s32 s6, s12;
	[sflag:s26] =	ssyncadd.s32 $0xFFFFFF80  }
0x87: {  	[tilespmem:s22], [sflag:$0x4] =	stream.linear.gather [hbm4b:s14+s2], $0x80, $0x38;
	[tilespmem:$0x1BC00] =	vst v63  }
0x88: {  	_ =	swait.ge [sflag:s26], $0x80  }
0x89: {  	[sflag:s26] =	ssyncset.done $0x0  }
0x8a: {  	[sflag:s26] =	ssyncadd.s32 $0xFFFFFF80  }
0x8b: {  	v2 =	vld [tilespmem:$0x80]  }
0x8c: {  	v3 =	vld [tilespmem:$0x0]  }
0x8d: {  	v4 =	vld [tilespmem:$0x90]  }
0x8e: {  	v6 =	vld [tilespmem:$0xA0]  }
0x8f: {  	v7 =	vld [tilespmem:$0x20]  }
0x90: {  	v8 =	vld [tilespmem:$0xB0]  }
0x91: {  	v9 =	vld [tilespmem:$0x30]  }
0x92: {  	v10 =	vld [tilespmem:$0xC0]  }
0x93: {  	v11 =	vld [tilespmem:$0x40]  }
0x94: {  	v5 =	vld [tilespmem:$0x10]  }
0x95: {  	v12 =	vld [tilespmem:$0xD0];
	v2 =	vand.u32 $0x7, v2;
	v4 =	vand.u32 $0x7, v4  }
0x96: {  	v51 =	vld [tilespmem:$0xE0];
	v3 =	vadd.s32 v0, v3;
	v50 =	vand.u32 $0x7, v6;
	v53 =	vand.u32 $0x7, v8  }
0x97: {  	v54 =	vld [tilespmem:$0xF0];
	v7 =	vadd.s32 v0, v7;
	v10 =	vand.u32 $0x7, v10;
	v2 =	vmul.u32 $0x2710, v2  }
0x98: {  	v13 =	vld [tilespmem:$0x50];
	v55 =	vadd.s32 v0, v9;
	v58 =	vadd.s32 v0, v11;
	v4 =	vmul.u32 $0x2710, v4  }
0x99: {  	v14 =	vld [tilespmem:$0x60];
	v52 =	vmul.u32 $0x2710, v50;
	v2 =	vadd.s32 v2, v3;
	v3 =	vadd.s32 v0, v5  }
0x9a: {  	v57 =	vld [tilespmem:$0x70];
	v59 =	vand.u32 $0x7, v12;
	v5 =	vmul.u32 $0x2710, v53;
	v3 =	vadd.s32 v4, v3;
	[tilespmem:$0x280] =	vst v2  }
0x9b: {  	v61 =	vand.u32 $0x7, v51;
	v56 =	vmul.u32 $0x2710, v10;
	v2 =	vadd.s32 v52, v7;
	[tilespmem:$0x290] =	vst v3  }
0x9c: {  	v62 =	vand.u32 $0x7, v54;
	v60 =	vmul.u32 $0x2710, v59;
	v3 =	vadd.s32 v5, v55;
	[tilespmem:$0x2A0] =	vst v2  }
0x9d: {  	v2 =	vadd.s32 v56, v58;
	v5 =	vmul.u32 $0x2710, v61;
	[tilespmem:$0x2B0] =	vst v3;
	v3 =	vadd.s32 v0, v13  }
0x9e: {  	v63 =	vmul.u32 $0x2710, v62;
	[tilespmem:$0x2C0] =	vst v2;
	v2 =	vadd.s32 v60, v3;
	v3 =	vadd.s32 v0, v14  }
0x9f: {  	[tilespmem:$0x2D0] =	vst v2;
	v2 =	vadd.s32 v5, v3;
	v3 =	vadd.s32 v0, v57  }
0xa0: {  	[tilespmem:$0x2E0] =	vst v2;
	v2 =	vadd.s32 v63, v3  }
0xa1: {  	s12 =	sadd.s32 s5, s12;
	[tilespmem:$0x2F0] =	vst v2  }
0xa2: {  	[tilespmem:s28], [sflag:$0x4] =	stream.linear.gather [hbm4b:s12+s2], $0x80, $0x38;
	[tilespmem:$0x1BC00] =	vst v63  }
0xa3: {  	_ =	swait.ge [sflag:s26], $0x80  }
0xa4: {  	[sflag:s26] =	ssyncset.done $0x0  }
0xa5: {  	[sflag:s26] =	ssyncadd.s32 $0xFFFFFF80  }
0xa6: {  	[tilespmem:s30], [sflag:$0x2] =	stream.indirect.gather [hbm4b:s7+s22], $0x80, s29, s22, $0xb8;
	[tilespmem:$0x1BC00] =	vst v63  }
.LBB2_6:
0xa7: {  	_ =	swait.ge [sflag:s31], $0x4000  }
0xa8: {  	p2 =	seq.s32 s11, $0x4F;
	[sflag:s31] =	ssyncset.done $0x0  }
.Ltmp6:
0xa9: {  	[sflag:s31] =	ssyncadd.s32 $0xFFFFC000;
	(pc) =	sbr.rel @p2 .LBB2_8-.Ltmp6, $4  }
0xaa: {  	[spmem:s1] =	stream.indirect.scatter.add.f32 [tilespmem:s20], [sflag:$0x4], $0x80, s0, s22, $0xb8;
	[tilespmem:$0x1BC00] =	vst v63  }
0xab: {  	_ =	swait.ge [sflag:s26], $0x4000  }
0xac: {  	[sflag:s26] =	ssyncset.done $0x0  }
0xad: {  	[sflag:s26] =	ssyncadd.s32 $0xFFFFC000  }
0xae: {  	s12 =	sand.u32 $0x7C00, s10  }
0xaf: {  	s13 =	sand.u32 $0x300, s10;
	s12 =	sadd.s32 s9, s12  }
0xb0: {  	s12 =	sor.u32 s13, s12  }
0xb1: {  	s12 =	sshrl.u32 s12, $0x3  }
0xb2: {  	s14 =	sadd.s32 s4, s12  }
0xb3: {  	[tilespmem:s2], [sflag:$0x4] =	stream.linear.gather [hbm4b:s14+s2], $0x80, $0x38;
	[tilespmem:$0x1BC00] =	vst v63  }
0xb4: {  	_ =	swait.ge [sflag:s26], $0x80  }
0xb5: {  	[sflag:s26] =	ssyncset.done $0x0  }
0xb6: {  	s14 =	sadd.s32 s6, s12;
	[sflag:s26] =	ssyncadd.s32 $0xFFFFFF80  }
0xb7: {  	[tilespmem:s22], [sflag:$0x4] =	stream.linear.gather [hbm4b:s14+s2], $0x80, $0x38;
	[tilespmem:$0x1BC00] =	vst v63  }
0xb8: {  	_ =	swait.ge [sflag:s26], $0x80  }
0xb9: {  	[sflag:s26] =	ssyncset.done $0x0  }
0xba: {  	[sflag:s26] =	ssyncadd.s32 $0xFFFFFF80  }
0xbb: {  	v2 =	vld [tilespmem:$0x80]  }
0xbc: {  	v3 =	vld [tilespmem:$0x0]  }
0xbd: {  	v4 =	vld [tilespmem:$0x90]  }
0xbe: {  	v6 =	vld [tilespmem:$0xA0]  }
0xbf: {  	v7 =	vld [tilespmem:$0x20]  }
0xc0: {  	v8 =	vld [tilespmem:$0xB0]  }
0xc1: {  	v9 =	vld [tilespmem:$0x30]  }
0xc2: {  	v10 =	vld [tilespmem:$0xC0]  }
0xc3: {  	v11 =	vld [tilespmem:$0x40]  }
0xc4: {  	v5 =	vld [tilespmem:$0x10]  }
0xc5: {  	v12 =	vld [tilespmem:$0xD0];
	v2 =	vand.u32 $0x7, v2;
	v4 =	vand.u32 $0x7, v4  }
0xc6: {  	v51 =	vld [tilespmem:$0xE0];
	v3 =	vadd.s32 v0, v3;
	v50 =	vand.u32 $0x7, v6;
	v53 =	vand.u32 $0x7, v8  }
0xc7: {  	v54 =	vld [tilespmem:$0xF0];
	v7 =	vadd.s32 v0, v7;
	v10 =	vand.u32 $0x7, v10;
	v2 =	vmul.u32 $0x2710, v2  }
0xc8: {  	v13 =	vld [tilespmem:$0x50];
	v55 =	vadd.s32 v0, v9;
	v58 =	vadd.s32 v0, v11;
	v4 =	vmul.u32 $0x2710, v4  }
0xc9: {  	v14 =	vld [tilespmem:$0x60];
	v52 =	vmul.u32 $0x2710, v50;
	v2 =	vadd.s32 v2, v3;
	v3 =	vadd.s32 v0, v5  }
0xca: {  	v57 =	vld [tilespmem:$0x70];
	v59 =	vand.u32 $0x7, v12;
	v5 =	vmul.u32 $0x2710, v53;
	v3 =	vadd.s32 v4, v3;
	[tilespmem:$0x200] =	vst v2  }
0xcb: {  	v61 =	vand.u32 $0x7, v51;
	v56 =	vmul.u32 $0x2710, v10;
	v2 =	vadd.s32 v52, v7;
	[tilespmem:$0x210] =	vst v3  }
0xcc: {  	v62 =	vand.u32 $0x7, v54;
	v60 =	vmul.u32 $0x2710, v59;
	v3 =	vadd.s32 v5, v55;
	[tilespmem:$0x220] =	vst v2  }
0xcd: {  	v2 =	vadd.s32 v56, v58;
	v5 =	vmul.u32 $0x2710, v61;
	[tilespmem:$0x230] =	vst v3;
	v3 =	vadd.s32 v0, v13  }
0xce: {  	v63 =	vmul.u32 $0x2710, v62;
	[tilespmem:$0x240] =	vst v2;
	v2 =	vadd.s32 v60, v3;
	v3 =	vadd.s32 v0, v14  }
0xcf: {  	[tilespmem:$0x250] =	vst v2;
	v2 =	vadd.s32 v5, v3;
	v3 =	vadd.s32 v0, v57  }
0xd0: {  	[tilespmem:$0x260] =	vst v2;
	v2 =	vadd.s32 v63, v3  }
0xd1: {  	s12 =	sadd.s32 s5, s12;
	[tilespmem:$0x270] =	vst v2  }
0xd2: {  	[tilespmem:s0], [sflag:$0x4] =	stream.linear.gather [hbm4b:s12+s2], $0x80, $0x38;
	[tilespmem:$0x1BC00] =	vst v63  }
.Ltmp7:
0xd3: {  	_ = 	snop;
	(pc) =	sbr.rel .LBB2_8-.Ltmp7, $4  }
0xd4: {  	_ =	swait.ge [sflag:s26], $0x80  }
0xd5: {  	[sflag:s26] =	ssyncset.done $0x0  }
0xd6: {  	[sflag:s26] =	ssyncadd.s32 $0xFFFFFF80  }
0xd7: {  	[tilespmem:s20], [sflag:$0x1] =	stream.indirect.gather [hbm4b:s7+s22], $0x80, s25, s22, $0xb8;
	[tilespmem:$0x1BC00] =	vst v63  }
.LBB2_10:
0xd8: {  	_ =	sfence.sel $0x180000  }
0xd9: {  	[bflag:$0x0] =	sbarrier.arrive $0xFFFF  }
0xda: {  	_ =	strace $0x9000004A  }
0xdb: {  	s0 =	stileid.u32;
	[bflag:$0x2] =	sbarrier.arrive $0xFFFF  }
0xdc: {  	p0 =	sne.s32 s0, $0x0;
	s0 =	rddreg [dreg:$0x2]  }
0xdd: {  	s0 =	sadd.s32 @!p0 $0x100000, s0  }
0xde: {  	[sflag:s0] =	ssyncadd.tile.s32 @!p0 $0x1;
	_ =	shalt  }
.Lfunc_end2:
_tile_overlayer_lowered:
.L_overlay_start_2:
0xdf: {  	(tag) =	ssettag $0x2  }
0xe0: {  	s0 =	rddreg [dreg:$0x0];
	s2 =	stileid.u32  }
0xe1: {  	s1 =	rddreg [dreg:$0x1];
	p0 =	sne.s32 s2, $0x0  }
0xe2: {  	s3 =	rddreg [dreg:$0x2];
	[bflag:$0x3] =	sbarrier.arrive $0xFFFF;
	s2 =	simm.s32 @!p0 $0x1C03  }
0xe3: {  	[timem:s3], [sflag:s2] =	dma.local @!p0 [hbm:s0], s1  }
0xe4: {  	s0 =	simm.s32 @!p0 $0x3  }
0xe5: {  	_ =	swait.ge @!p0 [sflag:s0], s1  }
0xe6: {  	s1 =	ssub.s32 @!p0 $0x0, s1;
	[sflag:s0] =	ssyncset.done @!p0 $0x0  }
0xe7: {  	[sflag:s0] =	ssyncadd.s32 @!p0 s1  }
0xe8: {  	[bflag:$0x3] =	sbarrier.arrive $0xFFFF  }
0xe9: {  	_ =	shalt  }

// kernel: kernel.15.cloned.1.call-start
scs
__scs_entry_jumppad:
0x0: {  	(pc) =	sbr.rel $0x88, $3  }
0x1: {  	(tag) =	ssettag $0x0;
	lr =	simm.s32 $0x1  }
0x2: {  	[smem:$0x3F96] =	sst lr;
	_ =	strace $0xD0000000  }
0x3: {  	_ = 	snop  }
0x4: {  	_ = 	snop  }
0x5: {  	_ = 	snop  }
0x6: {  	_ = 	snop  }
0x7: {  	_ = 	snop  }
__scs_overlays_trampoline_lowered:
0x8: {  	[smem:$0x3FA5] =	sst s0  }
0x9: {  	[smem:$0x3FA6] =	sst s1  }
0xa: {  	[smem:$0x3FA7] =	sst s2  }
0xb: {  	[smem:$0x3FA8] =	sst s3  }
0xc: {  	[smem:$0x3FA9] =	sst s4  }
0xd: {  	[smem:$0x3FAA] =	sst s5  }
0xe: {  	[smem:$0x3FAB] =	sst s6  }
0xf: {  	[smem:$0x3FAC] =	sst s7  }
0x10: {  	[smem:$0x3FAD] =	sst s8  }
0x11: {  	[smem:$0x3FAE] =	sst s9;
	s0 =	simm.s32 @!p0 $0x0  }
0x12: {  	s1 =	sld [smem:$0x3F94];
	s0 =	simm.s32 @p0 $0x1  }
0x13: {  	[smem:$0x3FAF] =	sst s0;
	s0 =	simm.s32 @!p1 $0x0  }
0x14: {  	s2 =	sld [smem:$0x3F93];
	s0 =	simm.s32 @p1 $0x1  }
0x15: {  	[smem:$0x3FB0] =	sst s0;
	s0 =	simm.s32 @!p2 $0x0  }
0x16: {  	s3 =	sld [smem:$0x3FDB];
	s0 =	simm.s32 @p2 $0x1  }
0x17: {  	s4 =	simm.s32 $0x1BF5;
	[smem:$0x3FB2] =	sst s0  }
0x18: {  	s0 =	sld [smem:$0x3F95];
	_ =	swait.ge [sflag:s4], $0x0  }
0x19: {  	s7 =	sld [smem:$0x3F96]  }
0x1a: {  	s8 =	sadd.s32 $0xFFFFE003, lr  }
0x1b: {  	s9 =	sadd.s32 $0xFFFFFEF7, lr;
	s5 =	simm.s32 $0xFFFFFFFF;
	p2 =	slt.u32 s8, $0xFFFFF086  }
0x1c: {  	p1 =	slt.u32 s9, $0xF7A;
	s5 =	simm.s32 @!p2 $0x0  }
0x1d: {  	s5 =	simm.s32 @p1 $0x1;
	p0 =	seq.s32 s7, s2  }
0x1e: {  	s7 =	smul.u32 @!p0 $0xF7A, s2;
	p2 =	seq.s32 @!p0 s5, $0x0  }
0x1f: {  	s9 =	smul.u32 $0xF7A, s1;
	s8 =	simm.s32 @!p0 $0x1BF5;
	p2 =	por !p2, p0  }
0x20: {  	[sflag:s8] =	ssyncset.s32 @!p0 $0xFFFFF086;
	s6 =	sadd.s32 @!p0 s3, s7;
	s7 =	simm.s32 @!p0 $0x108  }
0x21: {  	s3 =	sadd.s32 s3, s9;
	s6 =	sadd.s32 @!p0 $0x88, s6;
	s7 =	simm.s32 @p2 $0x1082  }
0x22: {  	[simem:s7], [sflag:s8] =	dma.local @!p0 [hbm:s6], $0xF7A  }
0x23: {  	s9 =	sor.u32 $0xD0000000, s2;
	s6 =	simm.s32 $0x108;
	_ =	swait.ge @!p0 [sflag:s8], $0x0  }
0x24: {  	s3 =	sadd.s32 $0x88, s3;
	s6 =	simm.s32 @!p1 $0x1082;
	[sflag:s4] =	ssyncset.s32 $0xFFFFF086  }
0x25: {  	[simem:s6], [sflag:s4] =	dma.local [hbm:s3], $0xF7A  }
0x26: {  	[smem:$0x3F96] =	sst s1;
	(tag) =	ssettag s2;
	_ =	strace s9  }
0x27: {  	s1 =	sld [smem:$0x3FA6]  }
0x28: {  	s2 =	sld [smem:$0x3FA7]  }
0x29: {  	s4 =	sld [smem:$0x3FA9]  }
0x2a: {  	p0 =	seq.s32 s5, $0x0;
	s5 =	sld [smem:$0x3FAA]  }
0x2b: {  	s6 =	sld [smem:$0x3FAB]  }
0x2c: {  	s7 =	sld [smem:$0x3FAC]  }
0x2d: {  	s3 =	simm.s32 $0x108;
	s8 =	sld [smem:$0x3FAD]  }
0x2e: {  	s3 =	simm.s32 @!p0 $0x1082;
	s9 =	sld [smem:$0x3FAE]  }
0x2f: {  	lr =	sadd.s32 s0, s3;
	s0 =	sld [smem:$0x3FA5]  }
0x30: {  	s3 =	sld [smem:$0x3FA8]  }
0x31: {  	[smem:$0x3FB1] =	sst s10  }
0x32: {  	s10 =	sld [smem:$0x3FAF];
	_ =	sdelay $0x3  }
0x33: {  	p0 =	seq.s32 s10, $0x1;
	s10 =	sld [smem:$0x3FB1];
	_ =	sdelay $0x3  }
0x34: {  	[smem:$0x3FB1] =	sst s10  }
0x35: {  	s10 =	sld [smem:$0x3FB0];
	_ =	sdelay $0x3  }
0x36: {  	p1 =	seq.s32 s10, $0x1;
	s10 =	sld [smem:$0x3FB1];
	_ =	sdelay $0x3  }
0x37: {  	[smem:$0x3FB1] =	sst s10  }
0x38: {  	s10 =	sld [smem:$0x3FB2]  }
0x39: {  	_ = 	snop;
	(pc) =	sbr.ind lr, $3  }
0x3a: {  	_ = 	snop  }
0x3b: {  	_ = 	snop  }
0x3c: {  	p2 =	seq.s32 s10, $0x1;
	s10 =	sld [smem:$0x3FB1]  }
0x3d: {  	_ =	shalt  }
0x3e: {  	_ =	shalt  }
0x3f: {  	_ =	shalt  }
0x40: {  	_ =	shalt  }
0x41: {  	_ =	shalt  }
0x42: {  	_ =	shalt  }
0x43: {  	_ =	shalt  }
0x44: {  	_ =	shalt  }
0x45: {  	_ =	shalt  }
0x46: {  	_ =	shalt  }
0x47: {  	_ =	shalt  }
0x48: {  	_ =	shalt  }
0x49: {  	_ =	shalt  }
0x4a: {  	_ =	shalt  }
0x4b: {  	_ =	shalt  }
0x4c: {  	_ =	shalt  }
0x4d: {  	_ =	shalt  }
0x4e: {  	_ =	shalt  }
0x4f: {  	_ =	shalt  }
0x50: {  	_ =	shalt  }
0x51: {  	_ =	shalt  }
0x52: {  	_ =	shalt  }
0x53: {  	_ =	shalt  }
0x54: {  	_ =	shalt  }
0x55: {  	_ =	shalt  }
0x56: {  	_ =	shalt  }
0x57: {  	_ =	shalt  }
0x58: {  	_ =	shalt  }
0x59: {  	_ =	shalt  }
0x5a: {  	_ =	shalt  }
0x5b: {  	_ =	shalt  }
0x5c: {  	_ =	shalt  }
0x5d: {  	_ =	shalt  }
0x5e: {  	_ =	shalt  }
0x5f: {  	_ =	shalt  }
0x60: {  	_ =	shalt  }
0x61: {  	_ =	shalt  }
0x62: {  	_ =	shalt  }
0x63: {  	_ =	shalt  }
0x64: {  	_ =	shalt  }
0x65: {  	_ =	shalt  }
0x66: {  	_ =	shalt  }
0x67: {  	_ =	shalt  }
0x68: {  	_ =	shalt  }
0x69: {  	_ =	shalt  }
0x6a: {  	_ =	shalt  }
0x6b: {  	_ =	shalt  }
0x6c: {  	_ =	shalt  }
0x6d: {  	_ =	shalt  }
0x6e: {  	_ =	shalt  }
0x6f: {  	_ =	shalt  }
0x70: {  	_ =	shalt  }
0x71: {  	_ =	shalt  }
0x72: {  	_ =	shalt  }
0x73: {  	_ =	shalt  }
0x74: {  	_ =	shalt  }
0x75: {  	_ =	shalt  }
0x76: {  	_ =	shalt  }
0x77: {  	_ =	shalt  }
0x78: {  	_ =	shalt  }
0x79: {  	_ =	shalt  }
0x7a: {  	_ =	shalt  }
0x7b: {  	_ =	shalt  }
0x7c: {  	_ =	shalt  }
0x7d: {  	_ =	shalt  }
0x7e: {  	_ =	shalt  }
0x7f: {  	_ =	shalt  }
0x80: {  	_ =	shalt  }
0x81: {  	_ =	shalt  }
0x82: {  	_ =	shalt  }
0x83: {  	_ =	shalt  }
0x84: {  	_ =	shalt  }
0x85: {  	_ =	shalt  }
0x86: {  	_ =	shalt  }
0x87: {  	_ =	shalt  }
.Lfunc_end0:
.L_simem_size_0:
called_computation.2_lowered:
.L_overlay_start_0:
0x88: {  	s2 =	sld [smem:$0x3FD9]  }
0x89: {  	s3 =	sld [smem:$0x3FFE];
	_ =	sdelay $0x1  }
0x8a: {  	s1 =	srdreg.scid  }
0x8b: {  	s0 =	sand.u32 $0x1, s1  }
0x8c: {  	s17 =	sshll.u32 s0, $0xA;
	s2 =	sadd.s32 s3, s2  }
0x8d: {  	s2 =	sadd.s32 s2, s17  }
0x8e: {  	[smem:$0x3FBD] =	sst s2  }
0x8f: {  	_ = 	snop  }
0x90: {  	s2 =	sld [smem:$0x3FD0];
	(tm) =	ssettm $0x1  }
0x91: {  	s18 =	sld [smem:$0x3FFB];
	_ =	sdelay $0x3  }
0x92: {  	_ =	strace s18  }
0x93: {  	s3 =	sld [smem:$0x3FFC];
	_ =	sdelay $0x3  }
0x94: {  	_ =	strace s3  }
0x95: {  	s3 =	sld [smem:$0x3FFD];
	_ =	sdelay $0x3  }
0x96: {  	_ =	strace s3  }
0x97: {  	_ =	strace $0x8FFFFFFF  }
0x98: {  	s19 =	sld [smem:$0x3FDB];
	_ =	sdelay $0x1  }
0x99: {  	s4 =	simm.s32 $_scs_section_size  }
0x9a: {  	s5 =	simm.s32 $_size__tile_overlayer_lowered;
	s6 =	simm.s32 $_tile_overlayer_lowered  }
0x9b: {  	s22 =	simm.s32 $0x1BFF;
	s21 =	sshll.u32 s6, $0x1;
	s3 =	sadd.s32 s4, s19  }
0x9c: {  	s7 =	simm.s32 $0x0;
	s20 =	sshll.u32 s5, $0x1;
	s5 =	sadd.s32 s21, s3  }
0x9d: {  	[timem:s7], [sflag:s22] =	dma.local [hbm:s5], s20  }
0x9e: {  	_ =	swait.ge [sflag:s22], s20  }
0x9f: {  	s4 =	ssub.s32 $0x0, s20;
	[sflag:s22] =	ssyncset.done $0x0  }
0xa0: {  	[sflag:s22] =	ssyncadd.s32 s4;
	_ =	sdelay $0x1  }
0xa1: {  	s23 =	simm.s32 $0x1B8B  }
0xa2: {  	_ =	swait.ge [sflag:s23], $0x1  }
0xa3: {  	[sflag:s23] =	ssyncset.done $0x0  }
0xa4: {  	s25 =	simm.s32 $0x1B8E;
	s24 =	sld [smem:$0x3FFE];
	[sflag:s23] =	ssyncadd.s32 $0xFFFFFFFF  }
0xa5: {  	s26 =	simm.s32 $execute0_lowered;
	[smem:$0x3FD2] =	sst s25  }
0xa6: {  	s5 =	sshll.u32 s26, $0x1;
	_ =	strace $0x8000004C;
	[dreg:$0x1] =	wrdreg $0xFFFFFFFF  }
0xa7: {  	s28 =	simm.s32 $_size_execute0_lowered;
	s3 =	sadd.s32 s3, s5;
	[dreg:$0x0] =	wrdreg $0x0  }
0xa8: {  	s5 =	sshll.u32 s28, $0x1;
	[dreg:$0x2] =	wrdreg s3  }
0xa9: {  	[dreg:$0x3] =	wrdreg s5  }
0xaa: {  	[dreg:$0x4] =	wrdreg $0xC0  }
0xab: {  	_ =	task [dreg:s7], $0x5FFFF  }
0xac: {  	[dreg:$0x1] =	wrdreg $0xFFFFFFFF  }
0xad: {  	[dreg:$0x0] =	wrdreg $0x60  }
0xae: {  	[dreg:$0x2] =	wrdreg s2  }
0xaf: {  	[dreg:$0x3] =	wrdreg s24  }
0xb0: {  	[dreg:$0x4] =	wrdreg $0x83000  }
0xb1: {  	[dreg:$0x5] =	wrdreg $0x9  }
0xb2: {  	_ =	task.clear_ibuf [dreg:s7], $0x6FFFF;
	_ =	strace $0x9000004C  }
0xb3: {  	s29 =	simm.s32 $0x9;
	_ =	strace $0x8000004E  }
0xb4: {  	_ =	swait.ge [sflag:s29], $0x1  }
0xb5: {  	[sflag:s29] =	ssyncadd.s32 $0xFFFFFFFF  }
0xb6: {  	_ =	strace $0x9000004E  }
0xb7: {  	_ =	sfence  }
0xb8: {  	s30 =	sld [smem:$0x0];
	_ =	sdelay $0x2  }
0xb9: {  	s31 =	sshll.u32 s1, $0xD;
	s1 =	sshrl.u32 s1, $0x2  }
0xba: {  	s3 =	sand.u32 $0x4000, s31;
	s1 =	sadd.s32 s1, s30  }
0xbb: {  	s0 =	sor.u32 s3, s0;
	s1 =	sshll.u32 s1, $0x11  }
0xbc: {  	s0 =	sor.u32 s1, s0  }
0xbd: {  	s0 =	sadd.s32 $0x8F2B, s0  }
0xbe: {  	[sflag:s0] =	ssyncadd.remote.s32 $0x1  }
0xbf: {  	_ =	sfence.sel $0xFFFF  }
0xc0: {  	[dreg:$0x0] =	wrdreg $0xFFFFFFFF;
	(pc) =	sbr.abs _section_cstart, $3  }
0xc1: {  	[dreg:$0x1] =	wrdreg $0xFFFFFFFF  }
0xc2: {  	_ =	task.clear_ibuf [dreg:s7], $0x2FFFF;
	_ =	strace $0x9FFFFFFF  }
0xc3: {  	(tm) =	ssettm $0x7FFFFFFF  }
tec
execute0_lowered:
.L_overlay_start_1:
0x0: {  	(tag) =	ssettag $0x1  }
0x1: {  	s1 =	rddreg [dreg:$0x0]  }
0x2: {  	s0 =	rddreg [dreg:$0x1]  }
0x3: {  	s2 =	rddreg [dreg:$0x2]  }
0x4: {  	s3 =	simm.s32 $0x0;
	s4 =	srdreg.scid;
	s13 =	stileid.u32  }
0x5: {  	s28 =	simm.s32 $0x4;
	s29 =	simm.s32 $0x180;
	s30 =	simm.s32 $0x280  }
0x6: {  	s31 =	simm.s32 $0x4300;
	[smem:$0x7FF] =	sst s3;
	s5 =	sadd.s32 $0x329200, s0  }
0x7: {  	s6 =	sadd.s32 $0x2E00, s0;
	s7 =	sadd.s32 $0x7E00, s0;
	s8 =	smul.u32 $0x4E400, s13  }
0x8: {  	s4 =	sand.u32 $0x1, s4;
	s0 =	sadd.s32 $0x140600, s0;
	s12 =	smul.u32 $0x13800, s13  }
0x9: {  	s17 =	smul.u32 $0x4E000, s13;
	p0 =	sne.s32 s13, $0xF;
	_ =	strace $0x8000004D  }
0xa: {  	s9 =	ssub.s32 $0x2, s4;
	s10 =	sshll.u32 s4, $0x4;
	s4 =	smul.u32 $0x138800, s4  }
0xb: {  	s11 =	sshrl.u32 s9, $0x1;
	s10 =	sor.u32 s13, s10;
	s8 =	sshrl.u32 s8, $0x2  }
0xc: {  	s25 =	sshrl.u32 s17, $0x2;
	s11 =	ssub.s32 s9, s11;
	s8 =	sadd.s32 s8, s2  }
0xd: {  	s9 =	smul.u32 $0x1400, s10;
	s24 =	sadd.s32 s12, s4;
	s4 =	sshrl.u32 s4, $0x3  }
0xe: {  	s26 =	sadd.s32 s25, s2;
	s20 =	sadd.s32 $0x4000, s8;
	s21 =	sadd.s32 $0x8000, s8  }
0xf: {  	s22 =	sadd.s32 $0xC000, s8;
	s14 =	sadd.s32 $0x10000, s8;
	[dreg:$0x4] =	wrdreg s20  }
0x10: {  	s10 =	sshrl.u32 s24, $0x3;
	s19 =	smax.u32 s11, $0x1;
	[dreg:$0x5] =	wrdreg s21  }
0x11: {  	s24 =	sshrl.u32 s26, $0x3;
	s26 =	simm.s32 $0x200;
	[dreg:$0x6] =	wrdreg s22  }
0x12: {  	s23 =	sshrl.u32 s9, $0x3;
	[dreg:$0x7] =	wrdreg s14;
	s17 =	sadd.s32 s0, s10  }
.Ltmp0:
0x13: {  	s0 =	sadd.s32 s0, s4;
	s20 =	simm.s32 $0x300;
	(pc) =	sbr.rel .LBB2_1-.Ltmp0, $4  }
0x14: {  	s21 =	simm.s32 $0x3;
	s22 =	simm.s32 $0x80;
	s4 =	simm.s32 $0x2  }
0x15: {  	s10 =	simm.s32 $0x0;
	s14 =	sadd.s32 s1, s23;
	s15 =	sadd.s32 s6, s23  }
0x16: {  	s16 =	sadd.s32 s5, s23;
	s18 =	sadd.s32 $0x27000, s0;
	s0 =	sadd.s32 $0x138000, s2  }
0x17: {  	v0 =	vimm.f32 $0.0e+00;
	s23 =	simm.s32 $0x100;
	s25 =	sshrl.u32 @!p0 s0, $0x3;
	s0 =	simm.s32 $0x1  }
.LBB2_7:
0x18: {  	s11 =	stileid.u32  }
0x19: {  	s11 =	sshll.u32 s11, $0x6  }
0x1a: {  	[bflag:$0x0] =	sbarrier.arrive $0xFFFF;
	s11 =	sor.u32 $0x1C03, s11  }
0x1b: {  	[hbm:s17], [sflag:s11] =	dma.local [spmem:s24], $0x2700  }
0x1c: {  	_ =	swait.ge [sflag:s21], $0x2700  }
0x1d: {  	s10 =	sadd.s32 $0x1, s10;
	[sflag:s21] =	ssyncset.done $0x0  }
0x1e: {  	p1 =	sne.s32 s10, s19;
	[sflag:s21] =	ssyncadd.s32 $0xFFFFD900  }
0x1f: {  	[hbm:s18], [sflag:s11] =	dma.local @!p0 [spmem:s25], $0x100  }
.Ltmp1:
0x20: {  	_ = 	snop;
	(pc) =	sbr.rel @!p1 .LBB2_8-.Ltmp1, $4  }
0x21: {  	s11 =	simm.s32 @!p0 $0x3  }
0x22: {  	_ =	swait.ge @!p0 [sflag:s11], $0x100  }
0x23: {  	[sflag:s11] =	ssyncset.done @!p0 $0x0  }
0x24: {  	[sflag:s11] =	ssyncadd.s32 @!p0 $0xFFFFFF00  }
.LBB2_1:
0x25: {  	s11 =	simm.s32 $0x0;
	s12 =	simm.s32 $0x200  }
.LBB2_2:
0x26: {  	p1 =	sne.s32 s12, $0xFE00;
	[tilespmem:s11+$0x370] =	vst v0  }
0x27: {  	[tilespmem:s11+$0x300] =	vst v0  }
0x28: {  	[tilespmem:s11+$0x310] =	vst v0  }
.Ltmp2:
0x29: {  	[tilespmem:s11+$0x320] =	vst v0;
	(pc) =	sbr.rel @p1 .LBB2_2-.Ltmp2, $4  }
0x2a: {  	[tilespmem:s11+$0x330] =	vst v0  }
0x2b: {  	[tilespmem:s11+$0x340] =	vst v0  }
0x2c: {  	[tilespmem:s11+$0x350] =	vst v0  }
0x2d: {  	[tilespmem:s11+$0x360] =	vst v0;
	s11 =	sshra.s32 s12, $0x2;
	s12 =	sadd.s32 $0x200, s12  }
0x2e: {  	[tilespmem:s11+$0x370] =	vst v0  }
0x2f: {  	[tilespmem:s11+$0x300] =	vst v0  }
0x30: {  	[tilespmem:s11+$0x310] =	vst v0  }
0x31: {  	[tilespmem:s11+$0x320] =	vst v0  }
0x32: {  	[tilespmem:s11+$0x330] =	vst v0  }
0x33: {  	[tilespmem:s11+$0x340] =	vst v0  }
0x34: {  	[tilespmem:s11+$0x350] =	vst v0  }
0x35: {  	[tilespmem:s11+$0x360] =	vst v0  }
0x36: {  	[spmem:s8] =	stream.linear.scatter [tilespmem:s20], [sflag:$0x3], $0x4000, $0x38;
	[tilespmem:$0x1BC00] =	vst v63  }
0x37: {  	_ =	swait.ge [sflag:s21], $0x4000  }
0x38: {  	[sflag:s21] =	ssyncset.done $0x0  }
0x39: {  	s12 =	rddreg [dreg:$0x4];
	[sflag:s21] =	ssyncadd.s32 $0xFFFFC000  }
0x3a: {  	[spmem:s12] =	stream.linear.scatter [tilespmem:s20], [sflag:$0x3], $0x4000, $0x38;
	[tilespmem:$0x1BC00] =	vst v63  }
0x3b: {  	_ =	swait.ge [sflag:s21], $0x4000  }
0x3c: {  	[sflag:s21] =	ssyncset.done $0x0  }
0x3d: {  	s13 =	rddreg [dreg:$0x5];
	[sflag:s21] =	ssyncadd.s32 $0xFFFFC000  }
0x3e: {  	[spmem:s13] =	stream.linear.scatter [tilespmem:s20], [sflag:$0x3], $0x4000, $0x38;
	[tilespmem:$0x1BC00] =	vst v63  }
0x3f: {  	_ =	swait.ge [sflag:s21], $0x4000  }
0x40: {  	[sflag:s21] =	ssyncset.done $0x0  }
0x41: {  	s12 =	rddreg [dreg:$0x6];
	[sflag:s21] =	ssyncadd.s32 $0xFFFFC000  }
0x42: {  	[spmem:s12] =	stream.linear.scatter [tilespmem:s20], [sflag:$0x3], $0x4000, $0x38;
	[tilespmem:$0x1BC00] =	vst v63  }
0x43: {  	_ =	swait.ge [sflag:s21], $0x4000  }
0x44: {  	[sflag:s21] =	ssyncset.done $0x0  }
0x45: {  	s13 =	rddreg [dreg:$0x7];
	[sflag:s21] =	ssyncadd.s32 $0xFFFFC000  }
0x46: {  	[spmem:s13] =	stream.linear.scatter [tilespmem:s20], [sflag:$0x3], $0x3900, $0x38;
	[tilespmem:$0x1BC00] =	vst v63  }
0x47: {  	_ =	swait.ge [sflag:s21], $0x3900  }
0x48: {  	[sflag:s21] =	ssyncset.done $0x0  }
0x49: {  	[sflag:s21] =	ssyncadd.s32 $0xFFFFC700  }
0x4a: {  	s11 =	simm.s32 $0x0;
	[bflag:$0x0] =	sbarrier.arrive $0xFFFF  }
0x4b: {  	[tilespmem:s11], [sflag:$0x3] =	stream.linear.gather [hbm4b:s14+s11], $0x80, $0x38;
	[tilespmem:$0x1BC00] =	vst v63  }
0x4c: {  	_ =	swait.ge [sflag:s21], $0x80  }
0x4d: {  	[sflag:s21] =	ssyncset.done $0x0  }
0x4e: {  	[sflag:s21] =	ssyncadd.s32 $0xFFFFFF80  }
0x4f: {  	[tilespmem:s22], [sflag:$0x3] =	stream.linear.gather [hbm4b:s15+s11], $0x80, $0x38;
	[tilespmem:$0x1BC00] =	vst v63  }
0x50: {  	_ =	swait.ge [sflag:s21], $0x80  }
0x51: {  	[sflag:s21] =	ssyncset.done $0x0  }
0x52: {  	[sflag:s21] =	ssyncadd.s32 $0xFFFFFF80  }
0x53: {  	v1 =	vld [tilespmem:$0x80]  }
0x54: {  	v2 =	vld [tilespmem:$0x0]  }
0x55: {  	v3 =	vld [tilespmem:$0x90]  }
0x56: {  	v4 =	vld [tilespmem:$0x10]  }
0x57: {  	v5 =	vld [tilespmem:$0xA0]  }
0x58: {  	v6 =	vld [tilespmem:$0x20]  }
0x59: {  	v7 =	vld [tilespmem:$0xB0]  }
0x5a: {  	v8 =	vld [tilespmem:$0x30]  }
0x5b: {  	v9 =	vld [tilespmem:$0xC0]  }
0x5c: {  	v10 =	vld [tilespmem:$0x40]  }
0x5d: {  	v11 =	vld [tilespmem:$0xD0];
	v1 =	vand.u32 $0x7, v1  }
0x5e: {  	v12 =	vld [tilespmem:$0xE0];
	v3 =	vand.u32 $0x7, v3;
	v1 =	vmul.u32 $0x2710, v1  }
0x5f: {  	v13 =	vld [tilespmem:$0xF0];
	v5 =	vand.u32 $0x7, v5;
	v3 =	vmul.u32 $0x2710, v3  }
0x60: {  	v57 =	vld [tilespmem:$0x50];
	v56 =	vand.u32 $0x7, v7;
	v1 =	vadd.s32 v2, v1;
	v2 =	vmul.u32 $0x2710, v5  }
0x61: {  	v59 =	vld [tilespmem:$0x60];
	v58 =	vand.u32 $0x7, v9;
	[tilespmem:$0x200] =	vst v1;
	v1 =	vadd.s32 v4, v3;
	v3 =	vmul.u32 $0x2710, v56  }
0x62: {  	v61 =	vld [tilespmem:$0x70];
	v60 =	vand.u32 $0x7, v11;
	[tilespmem:$0x210] =	vst v1;
	v1 =	vadd.s32 v6, v2;
	v2 =	vmul.u32 $0x2710, v58  }
0x63: {  	v62 =	vand.u32 $0x7, v12;
	[tilespmem:$0x220] =	vst v1;
	v1 =	vadd.s32 v8, v3;
	v3 =	vmul.u32 $0x2710, v60  }
0x64: {  	v63 =	vand.u32 $0x7, v13;
	[tilespmem:$0x230] =	vst v1;
	v1 =	vadd.s32 v10, v2;
	v2 =	vmul.u32 $0x2710, v62  }
0x65: {  	[tilespmem:$0x240] =	vst v1;
	v1 =	vadd.s32 v57, v3;
	v3 =	vmul.u32 $0x2710, v63  }
0x66: {  	[tilespmem:$0x250] =	vst v1;
	v1 =	vadd.s32 v59, v2  }
0x67: {  	[tilespmem:$0x260] =	vst v1;
	v1 =	vadd.s32 v61, v3  }
0x68: {  	[tilespmem:$0x270] =	vst v1  }
0x69: {  	[tilespmem:s23], [sflag:$0x3] =	stream.linear.gather [hbm4b:s16+s11], $0x80, $0x38;
	[tilespmem:$0x1BC00] =	vst v63  }
.Ltmp3:
0x6a: {  	_ = 	snop;
	(pc) =	sbr.rel .LBB2_4-.Ltmp3, $4  }
0x6b: {  	_ =	swait.ge [sflag:s21], $0x80  }
0x6c: {  	[sflag:s21] =	ssyncset.done $0x0  }
0x6d: {  	[sflag:s21] =	ssyncadd.s32 $0xFFFFFF80  }
0x6e: {  	[tilespmem:s20], [sflag:$0x1] =	stream.indirect.gather [hbm4b:s7+s22], $0x80, s26, s22, $0xb8;
	[tilespmem:$0x1BC00] =	vst v63  }
.LBB2_6:
0x6f: {  	_ =	swait.ge [sflag:s4], $0x4000;
	s11 =	sadd.s32 $0x100, s11  }
0x70: {  	[sflag:s4] =	ssyncset.done $0x0;
	p1 =	sne.s32 s11, $0x1400  }
.Ltmp4:
0x71: {  	[sflag:s4] =	ssyncadd.s32 $0xFFFFC000;
	(pc) =	sbr.rel @!p1 .LBB2_7-.Ltmp4, $4  }
0x72: {  	[spmem:s2] =	stream.indirect.scatter.add.f32 [tilespmem:s31], [sflag:$0x3], $0x80, s29, s22, $0xb8;
	[tilespmem:$0x1BC00] =	vst v63  }
0x73: {  	_ =	swait.ge [sflag:s21], $0x4000  }
0x74: {  	[sflag:s21] =	ssyncset.done $0x0  }
0x75: {  	[sflag:s21] =	ssyncadd.s32 $0xFFFFC000  }
.LBB2_4:
0x76: {  	s12 =	sand.u32 $0x1C00, s11  }
0x77: {  	s13 =	sand.u32 $0x300, s11;
	s12 =	sadd.s32 s9, s12  }
0x78: {  	s12 =	sor.u32 s12, s13  }
0x79: {  	s12 =	sor.u32 $0x80, s12  }
0x7a: {  	s12 =	sshrl.u32 s12, $0x3  }
0x7b: {  	s13 =	sadd.s32 s1, s12  }
0x7c: {  	[tilespmem:s3], [sflag:$0x4] =	stream.linear.gather [hbm4b:s13+s3], $0x80, $0x38;
	[tilespmem:$0x1BC00] =	vst v63  }
0x7d: {  	_ =	swait.ge [sflag:s28], $0x80  }
0x7e: {  	[sflag:s28] =	ssyncset.done $0x0  }
0x7f: {  	s13 =	sadd.s32 s6, s12;
	[sflag:s28] =	ssyncadd.s32 $0xFFFFFF80  }
0x80: {  	[tilespmem:s22], [sflag:$0x4] =	stream.linear.gather [hbm4b:s13+s3], $0x80, $0x38;
	[tilespmem:$0x1BC00] =	vst v63  }
0x81: {  	_ =	swait.ge [sflag:s28], $0x80  }
0x82: {  	[sflag:s28] =	ssyncset.done $0x0  }
0x83: {  	[sflag:s28] =	ssyncadd.s32 $0xFFFFFF80  }
0x84: {  	v1 =	vld [tilespmem:$0x80]  }
0x85: {  	v2 =	vld [tilespmem:$0x0]  }
0x86: {  	v3 =	vld [tilespmem:$0x90]  }
0x87: {  	v4 =	vld [tilespmem:$0x10]  }
0x88: {  	v5 =	vld [tilespmem:$0xA0]  }
0x89: {  	v6 =	vld [tilespmem:$0x20]  }
0x8a: {  	v7 =	vld [tilespmem:$0xB0]  }
0x8b: {  	v8 =	vld [tilespmem:$0x30]  }
0x8c: {  	v9 =	vld [tilespmem:$0xC0]  }
0x8d: {  	v10 =	vld [tilespmem:$0x40]  }
0x8e: {  	v11 =	vld [tilespmem:$0xD0];
	v1 =	vand.u32 $0x7, v1  }
0x8f: {  	v12 =	vld [tilespmem:$0xE0];
	v3 =	vand.u32 $0x7, v3;
	v1 =	vmul.u32 $0x2710, v1  }
0x90: {  	v13 =	vld [tilespmem:$0xF0];
	v5 =	vand.u32 $0x7, v5;
	v3 =	vmul.u32 $0x2710, v3  }
0x91: {  	v57 =	vld [tilespmem:$0x50];
	v56 =	vand.u32 $0x7, v7;
	v1 =	vadd.s32 v2, v1;
	v2 =	vmul.u32 $0x2710, v5  }
0x92: {  	v59 =	vld [tilespmem:$0x60];
	v58 =	vand.u32 $0x7, v9;
	[tilespmem:$0x280] =	vst v1;
	v1 =	vadd.s32 v4, v3;
	v3 =	vmul.u32 $0x2710, v56  }
0x93: {  	v61 =	vld [tilespmem:$0x70];
	v60 =	vand.u32 $0x7, v11;
	[tilespmem:$0x290] =	vst v1;
	v1 =	vadd.s32 v6, v2;
	v2 =	vmul.u32 $0x2710, v58  }
0x94: {  	v62 =	vand.u32 $0x7, v12;
	[tilespmem:$0x2A0] =	vst v1;
	v1 =	vadd.s32 v8, v3;
	v3 =	vmul.u32 $0x2710, v60  }
0x95: {  	v63 =	vand.u32 $0x7, v13;
	[tilespmem:$0x2B0] =	vst v1;
	v1 =	vadd.s32 v10, v2;
	v2 =	vmul.u32 $0x2710, v62  }
0x96: {  	[tilespmem:$0x2C0] =	vst v1;
	v1 =	vadd.s32 v57, v3;
	v3 =	vmul.u32 $0x2710, v63  }
0x97: {  	[tilespmem:$0x2D0] =	vst v1;
	v1 =	vadd.s32 v59, v2  }
0x98: {  	[tilespmem:$0x2E0] =	vst v1;
	v1 =	vadd.s32 v61, v3  }
0x99: {  	s12 =	sadd.s32 s5, s12;
	[tilespmem:$0x2F0] =	vst v1  }
0x9a: {  	[tilespmem:s29], [sflag:$0x4] =	stream.linear.gather [hbm4b:s12+s3], $0x80, $0x38;
	[tilespmem:$0x1BC00] =	vst v63  }
0x9b: {  	_ =	swait.ge [sflag:s28], $0x80  }
0x9c: {  	[sflag:s28] =	ssyncset.done $0x0  }
0x9d: {  	[sflag:s28] =	ssyncadd.s32 $0xFFFFFF80  }
0x9e: {  	[tilespmem:s31], [sflag:$0x2] =	stream.indirect.gather [hbm4b:s7+s22], $0x80, s30, s22, $0xb8;
	[tilespmem:$0x1BC00] =	vst v63  }
0x9f: {  	_ =	swait.ge [sflag:s0], $0x4000  }
0xa0: {  	p1 =	seq.s32 s11, $0x1300;
	[sflag:s0] =	ssyncset.done $0x0  }
.Ltmp5:
0xa1: {  	[sflag:s0] =	ssyncadd.s32 $0xFFFFC000;
	(pc) =	sbr.rel @p1 .LBB2_6-.Ltmp5, $4  }
0xa2: {  	[spmem:s2] =	stream.indirect.scatter.add.f32 [tilespmem:s20], [sflag:$0x4], $0x80, s23, s22, $0xb8;
	[tilespmem:$0x1BC00] =	vst v63  }
0xa3: {  	_ =	swait.ge [sflag:s28], $0x4000  }
0xa4: {  	[sflag:s28] =	ssyncset.done $0x0  }
0xa5: {  	[sflag:s28] =	ssyncadd.s32 $0xFFFFC000  }
0xa6: {  	s12 =	sadd.s32 $0x100, s11  }
0xa7: {  	s13 =	sand.u32 $0x3C00, s12  }
0xa8: {  	s12 =	sand.u32 $0x300, s12;
	s13 =	sadd.s32 s9, s13  }
0xa9: {  	s12 =	sor.u32 s12, s13  }
0xaa: {  	s12 =	sshrl.u32 s12, $0x3  }
0xab: {  	s13 =	sadd.s32 s1, s12  }
0xac: {  	[tilespmem:s3], [sflag:$0x4] =	stream.linear.gather [hbm4b:s13+s3], $0x80, $0x38;
	[tilespmem:$0x1BC00] =	vst v63  }
0xad: {  	_ =	swait.ge [sflag:s28], $0x80  }
0xae: {  	[sflag:s28] =	ssyncset.done $0x0  }
0xaf: {  	s13 =	sadd.s32 s6, s12;
	[sflag:s28] =	ssyncadd.s32 $0xFFFFFF80  }
0xb0: {  	[tilespmem:s22], [sflag:$0x4] =	stream.linear.gather [hbm4b:s13+s3], $0x80, $0x38;
	[tilespmem:$0x1BC00] =	vst v63  }
0xb1: {  	_ =	swait.ge [sflag:s28], $0x80  }
0xb2: {  	[sflag:s28] =	ssyncset.done $0x0  }
0xb3: {  	[sflag:s28] =	ssyncadd.s32 $0xFFFFFF80  }
0xb4: {  	v1 =	vld [tilespmem:$0x80]  }
0xb5: {  	v2 =	vld [tilespmem:$0x0]  }
0xb6: {  	v3 =	vld [tilespmem:$0x90]  }
0xb7: {  	v4 =	vld [tilespmem:$0x10]  }
0xb8: {  	v5 =	vld [tilespmem:$0xA0]  }
0xb9: {  	v6 =	vld [tilespmem:$0x20]  }
0xba: {  	v7 =	vld [tilespmem:$0xB0]  }
0xbb: {  	v8 =	vld [tilespmem:$0x30]  }
0xbc: {  	v9 =	vld [tilespmem:$0xC0]  }
0xbd: {  	v10 =	vld [tilespmem:$0x40]  }
0xbe: {  	v11 =	vld [tilespmem:$0xD0];
	v1 =	vand.u32 $0x7, v1  }
0xbf: {  	v12 =	vld [tilespmem:$0xE0];
	v3 =	vand.u32 $0x7, v3;
	v1 =	vmul.u32 $0x2710, v1  }
0xc0: {  	v13 =	vld [tilespmem:$0xF0];
	v5 =	vand.u32 $0x7, v5;
	v3 =	vmul.u32 $0x2710, v3  }
0xc1: {  	v57 =	vld [tilespmem:$0x50];
	v56 =	vand.u32 $0x7, v7;
	v1 =	vadd.s32 v2, v1;
	v2 =	vmul.u32 $0x2710, v5  }
0xc2: {  	v59 =	vld [tilespmem:$0x60];
	v58 =	vand.u32 $0x7, v9;
	[tilespmem:$0x200] =	vst v1;
	v1 =	vadd.s32 v4, v3;
	v3 =	vmul.u32 $0x2710, v56  }
0xc3: {  	v61 =	vld [tilespmem:$0x70];
	v60 =	vand.u32 $0x7, v11;
	[tilespmem:$0x210] =	vst v1;
	v1 =	vadd.s32 v6, v2;
	v2 =	vmul.u32 $0x2710, v58  }
0xc4: {  	v62 =	vand.u32 $0x7, v12;
	[tilespmem:$0x220] =	vst v1;
	v1 =	vadd.s32 v8, v3;
	v3 =	vmul.u32 $0x2710, v60  }
0xc5: {  	v63 =	vand.u32 $0x7, v13;
	[tilespmem:$0x230] =	vst v1;
	v1 =	vadd.s32 v10, v2;
	v2 =	vmul.u32 $0x2710, v62  }
0xc6: {  	[tilespmem:$0x240] =	vst v1;
	v1 =	vadd.s32 v57, v3;
	v3 =	vmul.u32 $0x2710, v63  }
0xc7: {  	[tilespmem:$0x250] =	vst v1;
	v1 =	vadd.s32 v59, v2  }
0xc8: {  	[tilespmem:$0x260] =	vst v1;
	v1 =	vadd.s32 v61, v3  }
0xc9: {  	s12 =	sadd.s32 s5, s12;
	[tilespmem:$0x270] =	vst v1  }
0xca: {  	[tilespmem:s23], [sflag:$0x4] =	stream.linear.gather [hbm4b:s12+s3], $0x80, $0x38;
	[tilespmem:$0x1BC00] =	vst v63  }
.Ltmp6:
0xcb: {  	_ = 	snop;
	(pc) =	sbr.rel .LBB2_6-.Ltmp6, $4  }
0xcc: {  	_ =	swait.ge [sflag:s28], $0x80  }
0xcd: {  	[sflag:s28] =	ssyncset.done $0x0  }
0xce: {  	[sflag:s28] =	ssyncadd.s32 $0xFFFFFF80  }
0xcf: {  	[tilespmem:s20], [sflag:$0x1] =	stream.indirect.gather [hbm4b:s7+s22], $0x80, s26, s22, $0xb8;
	[tilespmem:$0x1BC00] =	vst v63  }
.LBB2_8:
0xd0: {  	_ =	sfence.sel $0x180000  }
0xd1: {  	[bflag:$0x0] =	sbarrier.arrive $0xFFFF  }
0xd2: {  	_ =	strace $0x9000004D  }
0xd3: {  	s0 =	stileid.u32;
	[bflag:$0x2] =	sbarrier.arrive $0xFFFF  }
0xd4: {  	p0 =	sne.s32 s0, $0x0;
	s0 =	rddreg [dreg:$0x3]  }
0xd5: {  	s0 =	sadd.s32 @!p0 $0x100000, s0  }
0xd6: {  	[sflag:s0] =	ssyncadd.tile.s32 @!p0 $0x1;
	_ =	shalt  }
.Lfunc_end2:
_tile_overlayer_lowered:
.L_overlay_start_2:
0xd7: {  	(tag) =	ssettag $0x2  }
0xd8: {  	s0 =	rddreg [dreg:$0x0];
	s2 =	stileid.u32  }
0xd9: {  	s1 =	rddreg [dreg:$0x1];
	p0 =	sne.s32 s2, $0x0  }
0xda: {  	s3 =	rddreg [dreg:$0x2];
	[bflag:$0x3] =	sbarrier.arrive $0xFFFF;
	s2 =	simm.s32 @!p0 $0x1C03  }
0xdb: {  	[timem:s3], [sflag:s2] =	dma.local @!p0 [hbm:s0], s1  }
0xdc: {  	s0 =	simm.s32 @!p0 $0x3  }
0xdd: {  	_ =	swait.ge @!p0 [sflag:s0], s1  }
0xde: {  	s1 =	ssub.s32 @!p0 $0x0, s1;
	[sflag:s0] =	ssyncset.done @!p0 $0x0  }
0xdf: {  	[sflag:s0] =	ssyncadd.s32 @!p0 s1  }
0xe0: {  	[bflag:$0x3] =	sbarrier.arrive $0xFFFF  }
0xe1: {  	_ =	shalt  }

// kernel: kernel.9.cloned.1.call-start
scs
__scs_entry_jumppad:
0x0: {  	(pc) =	sbr.rel $0x88, $3  }
0x1: {  	(tag) =	ssettag $0x0;
	lr =	simm.s32 $0x1  }
0x2: {  	[smem:$0x3F96] =	sst lr;
	_ =	strace $0xD0000000  }
0x3: {  	_ = 	snop  }
0x4: {  	_ = 	snop  }
0x5: {  	_ = 	snop  }
0x6: {  	_ = 	snop  }
0x7: {  	_ = 	snop  }
__scs_overlays_trampoline_lowered:
0x8: {  	[smem:$0x3FA5] =	sst s0  }
0x9: {  	[smem:$0x3FA6] =	sst s1  }
0xa: {  	[smem:$0x3FA7] =	sst s2  }
0xb: {  	[smem:$0x3FA8] =	sst s3  }
0xc: {  	[smem:$0x3FA9] =	sst s4  }
0xd: {  	[smem:$0x3FAA] =	sst s5  }
0xe: {  	[smem:$0x3FAB] =	sst s6  }
0xf: {  	[smem:$0x3FAC] =	sst s7  }
0x10: {  	[smem:$0x3FAD] =	sst s8  }
0x11: {  	[smem:$0x3FAE] =	sst s9;
	s0 =	simm.s32 @!p0 $0x0  }
0x12: {  	s1 =	sld [smem:$0x3F94];
	s0 =	simm.s32 @p0 $0x1  }
0x13: {  	[smem:$0x3FAF] =	sst s0;
	s0 =	simm.s32 @!p1 $0x0  }
0x14: {  	s2 =	sld [smem:$0x3F93];
	s0 =	simm.s32 @p1 $0x1  }
0x15: {  	[smem:$0x3FB0] =	sst s0;
	s0 =	simm.s32 @!p2 $0x0  }
0x16: {  	s3 =	sld [smem:$0x3FDB];
	s0 =	simm.s32 @p2 $0x1  }
0x17: {  	s4 =	simm.s32 $0x1BF5;
	[smem:$0x3FB2] =	sst s0  }
0x18: {  	s0 =	sld [smem:$0x3F95];
	_ =	swait.ge [sflag:s4], $0x0  }
0x19: {  	s7 =	sld [smem:$0x3F96]  }
0x1a: {  	s8 =	sadd.s32 $0xFFFFE003, lr  }
0x1b: {  	s9 =	sadd.s32 $0xFFFFFEF7, lr;
	s5 =	simm.s32 $0xFFFFFFFF;
	p2 =	slt.u32 s8, $0xFFFFF086  }
0x1c: {  	p1 =	slt.u32 s9, $0xF7A;
	s5 =	simm.s32 @!p2 $0x0  }
0x1d: {  	s5 =	simm.s32 @p1 $0x1;
	p0 =	seq.s32 s7, s2  }
0x1e: {  	s7 =	smul.u32 @!p0 $0xF7A, s2;
	p2 =	seq.s32 @!p0 s5, $0x0  }
0x1f: {  	s9 =	smul.u32 $0xF7A, s1;
	s8 =	simm.s32 @!p0 $0x1BF5;
	p2 =	por !p2, p0  }
0x20: {  	[sflag:s8] =	ssyncset.s32 @!p0 $0xFFFFF086;
	s6 =	sadd.s32 @!p0 s3, s7;
	s7 =	simm.s32 @!p0 $0x108  }
0x21: {  	s3 =	sadd.s32 s3, s9;
	s6 =	sadd.s32 @!p0 $0x88, s6;
	s7 =	simm.s32 @p2 $0x1082  }
0x22: {  	[simem:s7], [sflag:s8] =	dma.local @!p0 [hbm:s6], $0xF7A  }
0x23: {  	s9 =	sor.u32 $0xD0000000, s2;
	s6 =	simm.s32 $0x108;
	_ =	swait.ge @!p0 [sflag:s8], $0x0  }
0x24: {  	s3 =	sadd.s32 $0x88, s3;
	s6 =	simm.s32 @!p1 $0x1082;
	[sflag:s4] =	ssyncset.s32 $0xFFFFF086  }
0x25: {  	[simem:s6], [sflag:s4] =	dma.local [hbm:s3], $0xF7A  }
0x26: {  	[smem:$0x3F96] =	sst s1;
	(tag) =	ssettag s2;
	_ =	strace s9  }
0x27: {  	s1 =	sld [smem:$0x3FA6]  }
0x28: {  	s2 =	sld [smem:$0x3FA7]  }
0x29: {  	s4 =	sld [smem:$0x3FA9]  }
0x2a: {  	p0 =	seq.s32 s5, $0x0;
	s5 =	sld [smem:$0x3FAA]  }
0x2b: {  	s6 =	sld [smem:$0x3FAB]  }
0x2c: {  	s7 =	sld [smem:$0x3FAC]  }
0x2d: {  	s3 =	simm.s32 $0x108;
	s8 =	sld [smem:$0x3FAD]  }
0x2e: {  	s3 =	simm.s32 @!p0 $0x1082;
	s9 =	sld [smem:$0x3FAE]  }
0x2f: {  	lr =	sadd.s32 s0, s3;
	s0 =	sld [smem:$0x3FA5]  }
0x30: {  	s3 =	sld [smem:$0x3FA8]  }
0x31: {  	[smem:$0x3FB1] =	sst s10  }
0x32: {  	s10 =	sld [smem:$0x3FAF];
	_ =	sdelay $0x3  }
0x33: {  	p0 =	seq.s32 s10, $0x1;
	s10 =	sld [smem:$0x3FB1];
	_ =	sdelay $0x3  }
0x34: {  	[smem:$0x3FB1] =	sst s10  }
0x35: {  	s10 =	sld [smem:$0x3FB0];
	_ =	sdelay $0x3  }
0x36: {  	p1 =	seq.s32 s10, $0x1;
	s10 =	sld [smem:$0x3FB1];
	_ =	sdelay $0x3  }
0x37: {  	[smem:$0x3FB1] =	sst s10  }
0x38: {  	s10 =	sld [smem:$0x3FB2]  }
0x39: {  	_ = 	snop;
	(pc) =	sbr.ind lr, $3  }
0x3a: {  	_ = 	snop  }
0x3b: {  	_ = 	snop  }
0x3c: {  	p2 =	seq.s32 s10, $0x1;
	s10 =	sld [smem:$0x3FB1]  }
0x3d: {  	_ =	shalt  }
0x3e: {  	_ =	shalt  }
0x3f: {  	_ =	shalt  }
0x40: {  	_ =	shalt  }
0x41: {  	_ =	shalt  }
0x42: {  	_ =	shalt  }
0x43: {  	_ =	shalt  }
0x44: {  	_ =	shalt  }
0x45: {  	_ =	shalt  }
0x46: {  	_ =	shalt  }
0x47: {  	_ =	shalt  }
0x48: {  	_ =	shalt  }
0x49: {  	_ =	shalt  }
0x4a: {  	_ =	shalt  }
0x4b: {  	_ =	shalt  }
0x4c: {  	_ =	shalt  }
0x4d: {  	_ =	shalt  }
0x4e: {  	_ =	shalt  }
0x4f: {  	_ =	shalt  }
0x50: {  	_ =	shalt  }
0x51: {  	_ =	shalt  }
0x52: {  	_ =	shalt  }
0x53: {  	_ =	shalt  }
0x54: {  	_ =	shalt  }
0x55: {  	_ =	shalt  }
0x56: {  	_ =	shalt  }
0x57: {  	_ =	shalt  }
0x58: {  	_ =	shalt  }
0x59: {  	_ =	shalt  }
0x5a: {  	_ =	shalt  }
0x5b: {  	_ =	shalt  }
0x5c: {  	_ =	shalt  }
0x5d: {  	_ =	shalt  }
0x5e: {  	_ =	shalt  }
0x5f: {  	_ =	shalt  }
0x60: {  	_ =	shalt  }
0x61: {  	_ =	shalt  }
0x62: {  	_ =	shalt  }
0x63: {  	_ =	shalt  }
0x64: {  	_ =	shalt  }
0x65: {  	_ =	shalt  }
0x66: {  	_ =	shalt  }
0x67: {  	_ =	shalt  }
0x68: {  	_ =	shalt  }
0x69: {  	_ =	shalt  }
0x6a: {  	_ =	shalt  }
0x6b: {  	_ =	shalt  }
0x6c: {  	_ =	shalt  }
0x6d: {  	_ =	shalt  }
0x6e: {  	_ =	shalt  }
0x6f: {  	_ =	shalt  }
0x70: {  	_ =	shalt  }
0x71: {  	_ =	shalt  }
0x72: {  	_ =	shalt  }
0x73: {  	_ =	shalt  }
0x74: {  	_ =	shalt  }
0x75: {  	_ =	shalt  }
0x76: {  	_ =	shalt  }
0x77: {  	_ =	shalt  }
0x78: {  	_ =	shalt  }
0x79: {  	_ =	shalt  }
0x7a: {  	_ =	shalt  }
0x7b: {  	_ =	shalt  }
0x7c: {  	_ =	shalt  }
0x7d: {  	_ =	shalt  }
0x7e: {  	_ =	shalt  }
0x7f: {  	_ =	shalt  }
0x80: {  	_ =	shalt  }
0x81: {  	_ =	shalt  }
0x82: {  	_ =	shalt  }
0x83: {  	_ =	shalt  }
0x84: {  	_ =	shalt  }
0x85: {  	_ =	shalt  }
0x86: {  	_ =	shalt  }
0x87: {  	_ =	shalt  }
.Lfunc_end0:
.L_simem_size_0:
called_computation_lowered:
.L_overlay_start_0:
0x88: {  	s2 =	sld [smem:$0x3FD9]  }
0x89: {  	s3 =	sld [smem:$0x3FFE];
	_ =	sdelay $0x1  }
0x8a: {  	s1 =	srdreg.scid  }
0x8b: {  	s0 =	sand.u32 $0x1, s1  }
0x8c: {  	s16 =	sshll.u32 s0, $0xA;
	s2 =	sadd.s32 s3, s2  }
0x8d: {  	s2 =	sadd.s32 s2, s16  }
0x8e: {  	[smem:$0x3FBD] =	sst s2  }
0x8f: {  	_ = 	snop  }
0x90: {  	(tm) =	ssettm $0x1  }
0x91: {  	s17 =	sld [smem:$0x3FFB];
	_ =	sdelay $0x3  }
0x92: {  	_ =	strace s17  }
0x93: {  	s2 =	sld [smem:$0x3FFC];
	_ =	sdelay $0x3  }
0x94: {  	_ =	strace s2  }
0x95: {  	s2 =	sld [smem:$0x3FFD];
	_ =	sdelay $0x3  }
0x96: {  	_ =	strace s2  }
0x97: {  	_ =	strace $0x8FFFFFFF  }
0x98: {  	s18 =	sld [smem:$0x3FDB];
	_ =	sdelay $0x1  }
0x99: {  	s19 =	simm.s32 $_scs_section_size  }
0x9a: {  	s4 =	simm.s32 $_size__tile_overlayer_lowered;
	s5 =	simm.s32 $_tile_overlayer_lowered  }
0x9b: {  	s22 =	simm.s32 $0x1BFF;
	s21 =	sshll.u32 s5, $0x1;
	s2 =	sadd.s32 s19, s18  }
0x9c: {  	s6 =	simm.s32 $0x0;
	s20 =	sshll.u32 s4, $0x1;
	s4 =	sadd.s32 s21, s2  }
0x9d: {  	[timem:s6], [sflag:s22] =	dma.local [hbm:s4], s20  }
0x9e: {  	_ =	swait.ge [sflag:s22], s20  }
0x9f: {  	s3 =	ssub.s32 $0x0, s20;
	[sflag:s22] =	ssyncset.done $0x0  }
0xa0: {  	[sflag:s22] =	ssyncadd.s32 s3;
	_ =	sdelay $0x1  }
0xa1: {  	s23 =	simm.s32 $0x1B8B  }
0xa2: {  	_ =	swait.ge [sflag:s23], $0x1  }
0xa3: {  	[sflag:s23] =	ssyncset.done $0x0  }
0xa4: {  	s25 =	simm.s32 $0x1B8E;
	s24 =	sld [smem:$0x3FFE];
	[sflag:s23] =	ssyncadd.s32 $0xFFFFFFFF  }
0xa5: {  	s26 =	simm.s32 $execute0_lowered;
	[smem:$0x3FD2] =	sst s25  }
0xa6: {  	s4 =	sshll.u32 s26, $0x1;
	_ =	strace $0x80000046;
	[dreg:$0x1] =	wrdreg $0xFFFFFFFF  }
0xa7: {  	s28 =	simm.s32 $_size_execute0_lowered;
	s2 =	sadd.s32 s2, s4;
	[dreg:$0x0] =	wrdreg $0x0  }
0xa8: {  	s4 =	sshll.u32 s28, $0x1;
	[dreg:$0x2] =	wrdreg s2  }
0xa9: {  	[dreg:$0x3] =	wrdreg s4  }
0xaa: {  	[dreg:$0x4] =	wrdreg $0xC0  }
0xab: {  	_ =	task [dreg:s6], $0x5FFFF  }
0xac: {  	[dreg:$0x1] =	wrdreg $0xFFFFFFFF  }
0xad: {  	[dreg:$0x0] =	wrdreg $0x60  }
0xae: {  	[dreg:$0x2] =	wrdreg s24  }
0xaf: {  	[dreg:$0x3] =	wrdreg $0x83000  }
0xb0: {  	[dreg:$0x4] =	wrdreg $0x9  }
0xb1: {  	_ =	task.clear_ibuf [dreg:s6], $0x5FFFF;
	_ =	strace $0x90000046  }
0xb2: {  	s29 =	simm.s32 $0x9;
	_ =	strace $0x80000048  }
0xb3: {  	_ =	swait.ge [sflag:s29], $0x1  }
0xb4: {  	[sflag:s29] =	ssyncadd.s32 $0xFFFFFFFF  }
0xb5: {  	_ =	strace $0x90000048  }
0xb6: {  	_ =	sfence  }
0xb7: {  	s30 =	sld [smem:$0x0];
	_ =	sdelay $0x2  }
0xb8: {  	s31 =	sshll.u32 s1, $0xD;
	s1 =	sshrl.u32 s1, $0x2  }
0xb9: {  	s3 =	sand.u32 $0x4000, s31;
	s1 =	sadd.s32 s1, s30  }
0xba: {  	s0 =	sor.u32 s3, s0;
	s1 =	sshll.u32 s1, $0x11  }
0xbb: {  	s0 =	sor.u32 s1, s0  }
0xbc: {  	s0 =	sadd.s32 $0x8F2B, s0  }
0xbd: {  	[sflag:s0] =	ssyncadd.remote.s32 $0x1  }
0xbe: {  	_ =	sfence.sel $0xFFFF  }
0xbf: {  	[dreg:$0x0] =	wrdreg $0xFFFFFFFF;
	(pc) =	sbr.abs _section_cstart, $3  }
0xc0: {  	[dreg:$0x1] =	wrdreg $0xFFFFFFFF  }
0xc1: {  	_ =	task.clear_ibuf [dreg:s6], $0x2FFFF;
	_ =	strace $0x9FFFFFFF  }
0xc2: {  	(tm) =	ssettm $0x7FFFFFFF  }
0xc3: {  	_ =	shalt  }
tec
execute0_lowered:
.L_overlay_start_1:
0x0: {  	(tag) =	ssettag $0x1  }
0x1: {  	s0 =	rddreg [dreg:$0x0]  }
0x2: {  	s1 =	rddreg [dreg:$0x1]  }
0x3: {  	s2 =	simm.s32 $0x0;
	s13 =	stileid.u32;
	s3 =	srdreg.scid  }
0x4: {  	s28 =	simm.s32 $0x180;
	s29 =	simm.s32 $0x280;
	s30 =	simm.s32 $0x4300  }
0x5: {  	s31 =	simm.s32 $0x1;
	[smem:$0x7FF] =	sst s2;
	s8 =	smul.u32 $0x4E400, s13  }
0x6: {  	s4 =	sadd.s32 $0xCE00, s0;
	s5 =	sadd.s32 $0x11E00, s0;
	s9 =	smul.u32 $0x2800, s13  }
0x7: {  	s6 =	sadd.s32 $0x16E00, s0;
	s7 =	sadd.s32 $0x1BE00, s0;
	s16 =	smul.u32 $0x13800, s13  }
0x8: {  	s0 =	sadd.s32 $0x2DB000, s0;
	s3 =	sand.u32 $0x1, s3;
	s18 =	smul.u32 $0x4E000, s13  }
0x9: {  	p0 =	sne.s32 s13, $0xF;
	_ =	strace $0x80000047;
	s11 =	smul.u32 $0x13880, s3  }
0xa: {  	s10 =	ssub.s32 $0x2, s3;
	s3 =	smul.u32 $0x138800, s3;
	s8 =	sshrl.u32 s8, $0x2  }
0xb: {  	s12 =	sshrl.u32 s10, $0x1;
	s21 =	sshrl.u32 s9, $0x3;
	s25 =	sshrl.u32 s18, $0x2  }
0xc: {  	s8 =	sadd.s32 s8, s1;
	s10 =	ssub.s32 s10, s12;
	s23 =	sadd.s32 s4, s21  }
0xd: {  	s15 =	sadd.s32 s6, s21;
	s17 =	sadd.s32 s16, s3;
	s16 =	sadd.s32 s5, s21  }
0xe: {  	s3 =	sshrl.u32 s3, $0x3;
	s26 =	sadd.s32 s25, s1;
	s21 =	simm.s32 $0x3  }
0xf: {  	s25 =	simm.s32 $0x200;
	s19 =	sadd.s32 $0x4000, s8;
	[dreg:$0x7] =	wrdreg s23  }
0x10: {  	s20 =	sadd.s32 $0x8000, s8;
	s14 =	sadd.s32 $0xC000, s8;
	[dreg:$0x3] =	wrdreg s19  }
0x11: {  	s22 =	sadd.s32 $0x10000, s8;
	s24 =	sshrl.u32 s17, $0x3;
	[dreg:$0x4] =	wrdreg s20  }
.Ltmp0:
0x12: {  	s23 =	sshrl.u32 s26, $0x3;
	[dreg:$0x5] =	wrdreg s14;
	(pc) =	sbr.rel .LBB2_1-.Ltmp0, $4  }
0x13: {  	s26 =	simm.s32 $0x4;
	[dreg:$0x6] =	wrdreg s22;
	s17 =	sadd.s32 s0, s24  }
0x14: {  	s0 =	sadd.s32 s0, s3;
	s19 =	smax.u32 s10, $0x1;
	s20 =	simm.s32 $0x300  }
0x15: {  	s22 =	simm.s32 $0x80;
	s18 =	sadd.s32 $0x27000, s0;
	s0 =	sadd.s32 $0x138000, s1  }
0x16: {  	v1 =	vimm.f32 $0.0e+00;
	v0 =	vmov s11;
	s3 =	simm.s32 $0x0;
	s24 =	sshrl.u32 @!p0 s0, $0x3;
	s0 =	simm.s32 $0x100  }
.LBB2_9:
0x17: {  	s10 =	stileid.u32  }
0x18: {  	s10 =	sshll.u32 s10, $0x6  }
0x19: {  	[bflag:$0x0] =	sbarrier.arrive $0xFFFF;
	s10 =	sor.u32 $0x1C03, s10  }
0x1a: {  	[hbm:s17], [sflag:s10] =	dma.local [spmem:s23], $0x2700  }
0x1b: {  	_ =	swait.ge [sflag:s21], $0x2700  }
0x1c: {  	s3 =	sadd.s32 $0x1, s3;
	[sflag:s21] =	ssyncset.done $0x0  }
0x1d: {  	p1 =	sne.s32 s3, s19;
	[sflag:s21] =	ssyncadd.s32 $0xFFFFD900  }
0x1e: {  	[hbm:s18], [sflag:s10] =	dma.local @!p0 [spmem:s24], $0x100  }
.Ltmp1:
0x1f: {  	_ = 	snop;
	(pc) =	sbr.rel @!p1 .LBB2_10-.Ltmp1, $4  }
0x20: {  	s10 =	simm.s32 @!p0 $0x3  }
0x21: {  	_ =	swait.ge @!p0 [sflag:s10], $0x100  }
0x22: {  	[sflag:s10] =	ssyncset.done @!p0 $0x0  }
0x23: {  	[sflag:s10] =	ssyncadd.s32 @!p0 $0xFFFFFF00  }
.LBB2_1:
0x24: {  	s10 =	simm.s32 $0x0;
	s11 =	simm.s32 $0x200  }
.LBB2_2:
0x25: {  	p1 =	sne.s32 s11, $0xFE00;
	[tilespmem:s10+$0x370] =	vst v1  }
0x26: {  	[tilespmem:s10+$0x300] =	vst v1  }
0x27: {  	[tilespmem:s10+$0x310] =	vst v1  }
.Ltmp2:
0x28: {  	[tilespmem:s10+$0x320] =	vst v1;
	(pc) =	sbr.rel @p1 .LBB2_2-.Ltmp2, $4  }
0x29: {  	[tilespmem:s10+$0x330] =	vst v1  }
0x2a: {  	[tilespmem:s10+$0x340] =	vst v1  }
0x2b: {  	[tilespmem:s10+$0x350] =	vst v1  }
0x2c: {  	[tilespmem:s10+$0x360] =	vst v1;
	s10 =	sshra.s32 s11, $0x2;
	s11 =	sadd.s32 $0x200, s11  }
0x2d: {  	[tilespmem:s10+$0x370] =	vst v1  }
0x2e: {  	[tilespmem:s10+$0x300] =	vst v1  }
0x2f: {  	[tilespmem:s10+$0x310] =	vst v1  }
0x30: {  	[tilespmem:s10+$0x320] =	vst v1  }
0x31: {  	[tilespmem:s10+$0x330] =	vst v1  }
0x32: {  	[tilespmem:s10+$0x340] =	vst v1  }
0x33: {  	[tilespmem:s10+$0x350] =	vst v1  }
0x34: {  	[tilespmem:s10+$0x360] =	vst v1  }
0x35: {  	[spmem:s8] =	stream.linear.scatter [tilespmem:s20], [sflag:$0x3], $0x4000, $0x38;
	[tilespmem:$0x1BC00] =	vst v63  }
0x36: {  	_ =	swait.ge [sflag:s21], $0x4000  }
0x37: {  	[sflag:s21] =	ssyncset.done $0x0  }
0x38: {  	s14 =	rddreg [dreg:$0x3];
	[sflag:s21] =	ssyncadd.s32 $0xFFFFC000  }
0x39: {  	[spmem:s14] =	stream.linear.scatter [tilespmem:s20], [sflag:$0x3], $0x4000, $0x38;
	[tilespmem:$0x1BC00] =	vst v63  }
0x3a: {  	_ =	swait.ge [sflag:s21], $0x4000  }
0x3b: {  	[sflag:s21] =	ssyncset.done $0x0  }
0x3c: {  	s11 =	rddreg [dreg:$0x4];
	[sflag:s21] =	ssyncadd.s32 $0xFFFFC000  }
0x3d: {  	[spmem:s11] =	stream.linear.scatter [tilespmem:s20], [sflag:$0x3], $0x4000, $0x38;
	[tilespmem:$0x1BC00] =	vst v63  }
0x3e: {  	_ =	swait.ge [sflag:s21], $0x4000  }
0x3f: {  	[sflag:s21] =	ssyncset.done $0x0  }
0x40: {  	s12 =	rddreg [dreg:$0x5];
	[sflag:s21] =	ssyncadd.s32 $0xFFFFC000  }
0x41: {  	[spmem:s12] =	stream.linear.scatter [tilespmem:s20], [sflag:$0x3], $0x4000, $0x38;
	[tilespmem:$0x1BC00] =	vst v63  }
0x42: {  	_ =	swait.ge [sflag:s21], $0x4000  }
0x43: {  	[sflag:s21] =	ssyncset.done $0x0  }
0x44: {  	s13 =	rddreg [dreg:$0x6];
	[sflag:s21] =	ssyncadd.s32 $0xFFFFC000  }
0x45: {  	[spmem:s13] =	stream.linear.scatter [tilespmem:s20], [sflag:$0x3], $0x3900, $0x38;
	[tilespmem:$0x1BC00] =	vst v63  }
0x46: {  	_ =	swait.ge [sflag:s21], $0x3900  }
0x47: {  	[sflag:s21] =	ssyncset.done $0x0  }
0x48: {  	[sflag:s21] =	ssyncadd.s32 $0xFFFFC700  }
0x49: {  	[bflag:$0x0] =	sbarrier.arrive $0xFFFF  }
0x4a: {  	s14 =	rddreg [dreg:$0x7]  }
0x4b: {  	[tilespmem:s2], [sflag:$0x3] =	stream.linear.gather [hbm4b:s14+s2], $0x80, $0x38;
	[tilespmem:$0x1BC00] =	vst v63  }
0x4c: {  	_ =	swait.ge [sflag:s21], $0x80  }
0x4d: {  	[sflag:s21] =	ssyncset.done $0x0  }
0x4e: {  	[sflag:s21] =	ssyncadd.s32 $0xFFFFFF80  }
0x4f: {  	[tilespmem:s22], [sflag:$0x3] =	stream.linear.gather [hbm4b:s15+s2], $0x80, $0x38;
	[tilespmem:$0x1BC00] =	vst v63  }
0x50: {  	_ =	swait.ge [sflag:s21], $0x80  }
0x51: {  	[sflag:s21] =	ssyncset.done $0x0  }
0x52: {  	[sflag:s21] =	ssyncadd.s32 $0xFFFFFF80  }
0x53: {  	v2 =	vld [tilespmem:$0x80]  }
0x54: {  	v3 =	vld [tilespmem:$0x0]  }
0x55: {  	v4 =	vld [tilespmem:$0x90]  }
0x56: {  	v6 =	vld [tilespmem:$0xA0]  }
0x57: {  	v7 =	vld [tilespmem:$0x20]  }
0x58: {  	v8 =	vld [tilespmem:$0xB0]  }
0x59: {  	v9 =	vld [tilespmem:$0x30]  }
0x5a: {  	v10 =	vld [tilespmem:$0xC0]  }
0x5b: {  	v11 =	vld [tilespmem:$0x40]  }
0x5c: {  	v5 =	vld [tilespmem:$0x10]  }
0x5d: {  	v12 =	vld [tilespmem:$0xD0];
	v2 =	vand.u32 $0x7, v2;
	v4 =	vand.u32 $0x7, v4  }
0x5e: {  	v51 =	vld [tilespmem:$0xE0];
	v3 =	vadd.s32 v0, v3;
	v50 =	vand.u32 $0x7, v6;
	v53 =	vand.u32 $0x7, v8  }
0x5f: {  	v54 =	vld [tilespmem:$0xF0];
	v7 =	vadd.s32 v0, v7;
	v10 =	vand.u32 $0x7, v10;
	v2 =	vmul.u32 $0x2710, v2  }
0x60: {  	v13 =	vld [tilespmem:$0x50];
	v55 =	vadd.s32 v0, v9;
	v58 =	vadd.s32 v0, v11;
	v4 =	vmul.u32 $0x2710, v4  }
0x61: {  	v14 =	vld [tilespmem:$0x60];
	v52 =	vmul.u32 $0x2710, v50;
	v2 =	vadd.s32 v2, v3;
	v3 =	vadd.s32 v0, v5  }
0x62: {  	v57 =	vld [tilespmem:$0x70];
	v59 =	vand.u32 $0x7, v12;
	v5 =	vmul.u32 $0x2710, v53;
	v3 =	vadd.s32 v4, v3;
	[tilespmem:$0x200] =	vst v2  }
0x63: {  	v61 =	vand.u32 $0x7, v51;
	v56 =	vmul.u32 $0x2710, v10;
	v2 =	vadd.s32 v52, v7;
	[tilespmem:$0x210] =	vst v3  }
0x64: {  	v62 =	vand.u32 $0x7, v54;
	v60 =	vmul.u32 $0x2710, v59;
	v3 =	vadd.s32 v5, v55;
	[tilespmem:$0x220] =	vst v2  }
0x65: {  	v2 =	vadd.s32 v56, v58;
	v5 =	vmul.u32 $0x2710, v61;
	[tilespmem:$0x230] =	vst v3;
	v3 =	vadd.s32 v0, v13  }
0x66: {  	v63 =	vmul.u32 $0x2710, v62;
	[tilespmem:$0x240] =	vst v2;
	v2 =	vadd.s32 v60, v3;
	v3 =	vadd.s32 v0, v14  }
0x67: {  	[tilespmem:$0x250] =	vst v2;
	v2 =	vadd.s32 v5, v3;
	v3 =	vadd.s32 v0, v57  }
0x68: {  	[tilespmem:$0x260] =	vst v2;
	v2 =	vadd.s32 v63, v3  }
0x69: {  	s10 =	simm.s32 $0x100;
	[tilespmem:$0x270] =	vst v2  }
0x6a: {  	[tilespmem:s10], [sflag:$0x3] =	stream.linear.gather [hbm4b:s16+s2], $0x80, $0x38;
	[tilespmem:$0x1BC00] =	vst v63  }
.Ltmp3:
0x6b: {  	_ = 	snop;
	(pc) =	sbr.rel .LBB2_4-.Ltmp3, $4  }
0x6c: {  	_ =	swait.ge [sflag:s21], $0x80  }
0x6d: {  	[sflag:s21] =	ssyncset.done $0x0  }
0x6e: {  	s11 =	simm.s32 $0x1;
	[sflag:s21] =	ssyncadd.s32 $0xFFFFFF80  }
0x6f: {  	[tilespmem:s20], [sflag:$0x1] =	stream.indirect.gather [hbm4b:s7+s22], $0x80, s25, s22, $0xb8;
	[tilespmem:$0x1BC00] =	vst v63  }
.LBB2_8:
0x70: {  	s12 =	simm.s32 @!p1 $0x2  }
0x71: {  	s13 =	simm.s32 @!p1 $0x180;
	_ =	swait.ge @!p1 [sflag:s12], $0x4000  }
0x72: {  	s14 =	simm.s32 @!p1 $0x4300;
	s10 =	sadd.s32 $0x100, s10;
	[sflag:s12] =	ssyncset.done @!p1 $0x0  }
0x73: {  	p2 =	sne.s32 s10, $0x2900;
	[sflag:s12] =	ssyncadd.s32 @!p1 $0xFFFFC000;
	s12 =	simm.s32 @!p1 $0x80  }
0x74: {  	[spmem:s1] =	stream.indirect.scatter.add.f32 @!p1 [tilespmem:s14], [sflag:$0x3], $0x80, s13, s12, $0xb8;
	[tilespmem:$0x1BC00] =	vst v63  }
.Ltmp4:
0x75: {  	_ = 	snop;
	(pc) =	sbr.rel @!p2 .LBB2_9-.Ltmp4, $4  }
0x76: {  	s12 =	simm.s32 @!p1 $0x3  }
0x77: {  	_ =	swait.ge @!p1 [sflag:s12], $0x4000  }
0x78: {  	[sflag:s12] =	ssyncset.done @!p1 $0x0  }
0x79: {  	s11 =	sadd.s32 $0x2, s11;
	[sflag:s12] =	ssyncadd.s32 @!p1 $0xFFFFC000  }
.LBB2_4:
0x7a: {  	p1 =	sgt.u32 s11, $0x4E  }
.Ltmp5:
0x7b: {  	_ = 	snop;
	(pc) =	sbr.rel @p1 .LBB2_6-.Ltmp5, $1  }
0x7c: {  	_ =	sdelay $0x3  }
0x7d: {  	s12 =	sadd.s32 $0xFFFFFF00, s10  }
0x7e: {  	s13 =	sadd.s32 $0xFFFFFF80, s10;
	s12 =	sand.u32 $0x3C00, s12  }
0x7f: {  	s13 =	sand.u32 $0x380, s13;
	s12 =	sadd.s32 s9, s12  }
0x80: {  	s12 =	sor.u32 s12, s13  }
0x81: {  	s12 =	sshrl.u32 s12, $0x3  }
0x82: {  	s14 =	sadd.s32 s4, s12  }
0x83: {  	[tilespmem:s2], [sflag:$0x4] =	stream.linear.gather [hbm4b:s14+s2], $0x80, $0x38;
	[tilespmem:$0x1BC00] =	vst v63  }
0x84: {  	_ =	swait.ge [sflag:s26], $0x80  }
0x85: {  	[sflag:s26] =	ssyncset.done $0x0  }
0x86: {  	s14 =	sadd.s32 s6, s12;
	[sflag:s26] =	ssyncadd.s32 $0xFFFFFF80  }
0x87: {  	[tilespmem:s22], [sflag:$0x4] =	stream.linear.gather [hbm4b:s14+s2], $0x80, $0x38;
	[tilespmem:$0x1BC00] =	vst v63  }
0x88: {  	_ =	swait.ge [sflag:s26], $0x80  }
0x89: {  	[sflag:s26] =	ssyncset.done $0x0  }
0x8a: {  	[sflag:s26] =	ssyncadd.s32 $0xFFFFFF80  }
0x8b: {  	v2 =	vld [tilespmem:$0x80]  }
0x8c: {  	v3 =	vld [tilespmem:$0x0]  }
0x8d: {  	v4 =	vld [tilespmem:$0x90]  }
0x8e: {  	v6 =	vld [tilespmem:$0xA0]  }
0x8f: {  	v7 =	vld [tilespmem:$0x20]  }
0x90: {  	v8 =	vld [tilespmem:$0xB0]  }
0x91: {  	v9 =	vld [tilespmem:$0x30]  }
0x92: {  	v10 =	vld [tilespmem:$0xC0]  }
0x93: {  	v11 =	vld [tilespmem:$0x40]  }
0x94: {  	v5 =	vld [tilespmem:$0x10]  }
0x95: {  	v12 =	vld [tilespmem:$0xD0];
	v2 =	vand.u32 $0x7, v2;
	v4 =	vand.u32 $0x7, v4  }
0x96: {  	v51 =	vld [tilespmem:$0xE0];
	v3 =	vadd.s32 v0, v3;
	v50 =	vand.u32 $0x7, v6;
	v53 =	vand.u32 $0x7, v8  }
0x97: {  	v54 =	vld [tilespmem:$0xF0];
	v7 =	vadd.s32 v0, v7;
	v10 =	vand.u32 $0x7, v10;
	v2 =	vmul.u32 $0x2710, v2  }
0x98: {  	v13 =	vld [tilespmem:$0x50];
	v55 =	vadd.s32 v0, v9;
	v58 =	vadd.s32 v0, v11;
	v4 =	vmul.u32 $0x2710, v4  }
0x99: {  	v14 =	vld [tilespmem:$0x60];
	v52 =	vmul.u32 $0x2710, v50;
	v2 =	vadd.s32 v2, v3;
	v3 =	vadd.s32 v0, v5  }
0x9a: {  	v57 =	vld [tilespmem:$0x70];
	v59 =	vand.u32 $0x7, v12;
	v5 =	vmul.u32 $0x2710, v53;
	v3 =	vadd.s32 v4, v3;
	[tilespmem:$0x280] =	vst v2  }
0x9b: {  	v61 =	vand.u32 $0x7, v51;
	v56 =	vmul.u32 $0x2710, v10;
	v2 =	vadd.s32 v52, v7;
	[tilespmem:$0x290] =	vst v3  }
0x9c: {  	v62 =	vand.u32 $0x7, v54;
	v60 =	vmul.u32 $0x2710, v59;
	v3 =	vadd.s32 v5, v55;
	[tilespmem:$0x2A0] =	vst v2  }
0x9d: {  	v2 =	vadd.s32 v56, v58;
	v5 =	vmul.u32 $0x2710, v61;
	[tilespmem:$0x2B0] =	vst v3;
	v3 =	vadd.s32 v0, v13  }
0x9e: {  	v63 =	vmul.u32 $0x2710, v62;
	[tilespmem:$0x2C0] =	vst v2;
	v2 =	vadd.s32 v60, v3;
	v3 =	vadd.s32 v0, v14  }
0x9f: {  	[tilespmem:$0x2D0] =	vst v2;
	v2 =	vadd.s32 v5, v3;
	v3 =	vadd.s32 v0, v57  }
0xa0: {  	[tilespmem:$0x2E0] =	vst v2;
	v2 =	vadd.s32 v63, v3  }
0xa1: {  	s12 =	sadd.s32 s5, s12;
	[tilespmem:$0x2F0] =	vst v2  }
0xa2: {  	[tilespmem:s28], [sflag:$0x4] =	stream.linear.gather [hbm4b:s12+s2], $0x80, $0x38;
	[tilespmem:$0x1BC00] =	vst v63  }
0xa3: {  	_ =	swait.ge [sflag:s26], $0x80  }
0xa4: {  	[sflag:s26] =	ssyncset.done $0x0  }
0xa5: {  	[sflag:s26] =	ssyncadd.s32 $0xFFFFFF80  }
0xa6: {  	[tilespmem:s30], [sflag:$0x2] =	stream.indirect.gather [hbm4b:s7+s22], $0x80, s29, s22, $0xb8;
	[tilespmem:$0x1BC00] =	vst v63  }
.LBB2_6:
0xa7: {  	_ =	swait.ge [sflag:s31], $0x4000  }
0xa8: {  	p2 =	seq.s32 s11, $0x4F;
	[sflag:s31] =	ssyncset.done $0x0  }
.Ltmp6:
0xa9: {  	[sflag:s31] =	ssyncadd.s32 $0xFFFFC000;
	(pc) =	sbr.rel @p2 .LBB2_8-.Ltmp6, $4  }
0xaa: {  	[spmem:s1] =	stream.indirect.scatter.add.f32 [tilespmem:s20], [sflag:$0x4], $0x80, s0, s22, $0xb8;
	[tilespmem:$0x1BC00] =	vst v63  }
0xab: {  	_ =	swait.ge [sflag:s26], $0x4000  }
0xac: {  	[sflag:s26] =	ssyncset.done $0x0  }
0xad: {  	[sflag:s26] =	ssyncadd.s32 $0xFFFFC000  }
0xae: {  	s12 =	sand.u32 $0x7C00, s10  }
0xaf: {  	s13 =	sand.u32 $0x300, s10;
	s12 =	sadd.s32 s9, s12  }
0xb0: {  	s12 =	sor.u32 s13, s12  }
0xb1: {  	s12 =	sshrl.u32 s12, $0x3  }
0xb2: {  	s14 =	sadd.s32 s4, s12  }
0xb3: {  	[tilespmem:s2], [sflag:$0x4] =	stream.linear.gather [hbm4b:s14+s2], $0x80, $0x38;
	[tilespmem:$0x1BC00] =	vst v63  }
0xb4: {  	_ =	swait.ge [sflag:s26], $0x80  }
0xb5: {  	[sflag:s26] =	ssyncset.done $0x0  }
0xb6: {  	s14 =	sadd.s32 s6, s12;
	[sflag:s26] =	ssyncadd.s32 $0xFFFFFF80  }
0xb7: {  	[tilespmem:s22], [sflag:$0x4] =	stream.linear.gather [hbm4b:s14+s2], $0x80, $0x38;
	[tilespmem:$0x1BC00] =	vst v63  }
0xb8: {  	_ =	swait.ge [sflag:s26], $0x80  }
0xb9: {  	[sflag:s26] =	ssyncset.done $0x0  }
0xba: {  	[sflag:s26] =	ssyncadd.s32 $0xFFFFFF80  }
0xbb: {  	v2 =	vld [tilespmem:$0x80]  }
0xbc: {  	v3 =	vld [tilespmem:$0x0]  }
0xbd: {  	v4 =	vld [tilespmem:$0x90]  }
0xbe: {  	v6 =	vld [tilespmem:$0xA0]  }
0xbf: {  	v7 =	vld [tilespmem:$0x20]  }
0xc0: {  	v8 =	vld [tilespmem:$0xB0]  }
0xc1: {  	v9 =	vld [tilespmem:$0x30]  }
0xc2: {  	v10 =	vld [tilespmem:$0xC0]  }
0xc3: {  	v11 =	vld [tilespmem:$0x40]  }
0xc4: {  	v5 =	vld [tilespmem:$0x10]  }
0xc5: {  	v12 =	vld [tilespmem:$0xD0];
	v2 =	vand.u32 $0x7, v2;
	v4 =	vand.u32 $0x7, v4  }
0xc6: {  	v51 =	vld [tilespmem:$0xE0];
	v3 =	vadd.s32 v0, v3;
	v50 =	vand.u32 $0x7, v6;
	v53 =	vand.u32 $0x7, v8  }
0xc7: {  	v54 =	vld [tilespmem:$0xF0];
	v7 =	vadd.s32 v0, v7;
	v10 =	vand.u32 $0x7, v10;
	v2 =	vmul.u32 $0x2710, v2  }
0xc8: {  	v13 =	vld [tilespmem:$0x50];
	v55 =	vadd.s32 v0, v9;
	v58 =	vadd.s32 v0, v11;
	v4 =	vmul.u32 $0x2710, v4  }
0xc9: {  	v14 =	vld [tilespmem:$0x60];
	v52 =	vmul.u32 $0x2710, v50;
	v2 =	vadd.s32 v2, v3;
	v3 =	vadd.s32 v0, v5  }
0xca: {  	v57 =	vld [tilespmem:$0x70];
	v59 =	vand.u32 $0x7, v12;
	v5 =	vmul.u32 $0x2710, v53;
	v3 =	vadd.s32 v4, v3;
	[tilespmem:$0x200] =	vst v2  }
0xcb: {  	v61 =	vand.u32 $0x7, v51;
	v56 =	vmul.u32 $0x2710, v10;
	v2 =	vadd.s32 v52, v7;
	[tilespmem:$0x210] =	vst v3  }
0xcc: {  	v62 =	vand.u32 $0x7, v54;
	v60 =	vmul.u32 $0x2710, v59;
	v3 =	vadd.s32 v5, v55;
	[tilespmem:$0x220] =	vst v2  }
0xcd: {  	v2 =	vadd.s32 v56, v58;
	v5 =	vmul.u32 $0x2710, v61;
	[tilespmem:$0x230] =	vst v3;
	v3 =	vadd.s32 v0, v13  }
0xce: {  	v63 =	vmul.u32 $0x2710, v62;
	[tilespmem:$0x240] =	vst v2;
	v2 =	vadd.s32 v60, v3;
	v3 =	vadd.s32 v0, v14  }
0xcf: {  	[tilespmem:$0x250] =	vst v2;
	v2 =	vadd.s32 v5, v3;
	v3 =	vadd.s32 v0, v57  }
0xd0: {  	[tilespmem:$0x260] =	vst v2;
	v2 =	vadd.s32 v63, v3  }
0xd1: {  	s12 =	sadd.s32 s5, s12;
	[tilespmem:$0x270] =	vst v2  }
0xd2: {  	[tilespmem:s0], [sflag:$0x4] =	stream.linear.gather [hbm4b:s12+s2], $0x80, $0x38;
	[tilespmem:$0x1BC00] =	vst v63  }
.Ltmp7:
0xd3: {  	_ = 	snop;
	(pc) =	sbr.rel .LBB2_8-.Ltmp7, $4  }
0xd4: {  	_ =	swait.ge [sflag:s26], $0x80  }
0xd5: {  	[sflag:s26] =	ssyncset.done $0x0  }
0xd6: {  	[sflag:s26] =	ssyncadd.s32 $0xFFFFFF80  }
0xd7: {  	[tilespmem:s20], [sflag:$0x1] =	stream.indirect.gather [hbm4b:s7+s22], $0x80, s25, s22, $0xb8;
	[tilespmem:$0x1BC00] =	vst v63  }
.LBB2_10:
0xd8: {  	_ =	sfence.sel $0x180000  }
0xd9: {  	[bflag:$0x0] =	sbarrier.arrive $0xFFFF  }
0xda: {  	_ =	strace $0x90000047  }
0xdb: {  	s0 =	stileid.u32;
	[bflag:$0x2] =	sbarrier.arrive $0xFFFF  }
0xdc: {  	p0 =	sne.s32 s0, $0x0;
	s0 =	rddreg [dreg:$0x2]  }
0xdd: {  	s0 =	sadd.s32 @!p0 $0x100000, s0  }
0xde: {  	[sflag:s0] =	ssyncadd.tile.s32 @!p0 $0x1;
	_ =	shalt  }
.Lfunc_end2:
_tile_overlayer_lowered:
.L_overlay_start_2:
0xdf: {  	(tag) =	ssettag $0x2  }
0xe0: {  	s0 =	rddreg [dreg:$0x0];
	s2 =	stileid.u32  }
0xe1: {  	s1 =	rddreg [dreg:$0x1];
	p0 =	sne.s32 s2, $0x0  }
0xe2: {  	s3 =	rddreg [dreg:$0x2];
	[bflag:$0x3] =	sbarrier.arrive $0xFFFF;
	s2 =	simm.s32 @!p0 $0x1C03  }
0xe3: {  	[timem:s3], [sflag:s2] =	dma.local @!p0 [hbm:s0], s1  }
0xe4: {  	s0 =	simm.s32 @!p0 $0x3  }
0xe5: {  	_ =	swait.ge @!p0 [sflag:s0], s1  }
0xe6: {  	s1 =	ssub.s32 @!p0 $0x0, s1;
	[sflag:s0] =	ssyncset.done @!p0 $0x0  }
0xe7: {  	[sflag:s0] =	ssyncadd.s32 @!p0 s1  }
0xe8: {  	[bflag:$0x3] =	sbarrier.arrive $0xFFFF  }
0xe9: {  	_ =	shalt  }

</sc_bundles>
